<compile_context>
chip_gen: v7x
topology: tpu7x:2x2x1
jax: 0.10.2.dev20260603
libtpu: 0.0.44.dev20260713+nightly
codegen_flags: <defaults>
</compile_context>

<pallas_src>
import jax
import jax.numpy as jnp
from jax import lax
from jax.experimental import pallas as pl
from jax.experimental.pallas import tpu as pltpu
from jax.experimental.pallas import tpu_sc as plsc

_NUM_CLASSES = 21
_THRESHOLD = 0.5
_NEGPOS_RATIO = 3
_VAR0, _VAR1 = 0.1, 0.2
_B, _P, _NOBJ = 32, 24532, 32
_PPAD = 24576
_PB = 2048
_NCH = _PPAD // _PB

_i32 = jnp.int32
_f32 = jnp.float32


def _stage1_body(tgt_ref, tgtT_ref, pr_ref, locT_ref,
                 conft_ref, ll_ref, npos_ref,
                 bto_s, bti_s):
    f32 = jnp.float32
    t = tgt_ref[0]
    t5 = tgtT_ref[0]
    tx1, ty1 = t[:, 0:1], t[:, 1:2]
    tx2, ty2 = t[:, 2:3], t[:, 3:4]
    lab = t[:, 4:5]
    area_t = (tx2 - tx1) * (ty2 - ty1)
    jcol = jax.lax.broadcasted_iota(jnp.int32, (_NOBJ, 1), 0).astype(f32)

    runmax = jnp.full((_NOBJ, 1), -jnp.inf, f32)
    runidx = jnp.zeros((_NOBJ, 1), f32)

    for c in range(_NCH):
        sl = pl.ds(c * _PB, _PB)
        cx, cy = pr_ref[0:1, sl], pr_ref[1:2, sl]
        w, h = pr_ref[2:3, sl], pr_ref[3:4, sl]
        px1, py1 = cx - w * 0.5, cy - h * 0.5
        px2, py2 = w + w * 0.5, h + h * 0.5
        area_p = (px2 - px1) * (py2 - py1)
        ix = jnp.maximum(jnp.minimum(tx2, px2) - jnp.maximum(tx1, px1), 0.0)
        iy = jnp.maximum(jnp.minimum(ty2, py2) - jnp.maximum(ty1, py1), 0.0)
        inter = ix * iy
        ov = inter / (area_t + area_p - inter)
        ov = jnp.where(ov != ov, jnp.inf, ov)
        bto_c = jnp.max(ov, axis=0, keepdims=True)
        bti_c = jnp.min(jnp.where(ov == bto_c, jcol, 99.0), axis=0, keepdims=True)
        bto_s[:, sl] = bto_c
        bti_s[:, sl] = bti_c
        gidx = jax.lax.broadcasted_iota(jnp.int32, (1, _PB), 1).astype(f32) + float(c * _PB)
        rm_c = jnp.max(ov, axis=1, keepdims=True)
        ri_c = jnp.min(jnp.where(ov == rm_c, gidx, 1e9), axis=1, keepdims=True)
        upd = rm_c > runmax
        runmax = jnp.where(upd, rm_c, runmax)
        runidx = jnp.where(upd, ri_c, runidx)

    bpi = runidx

    ll = jnp.zeros((), f32)
    np_ = jnp.zeros((), f32)

    for c in range(_NCH):
        sl = pl.ds(c * _PB, _PB)
        gidx = jax.lax.broadcasted_iota(jnp.int32, (1, _PB), 1).astype(f32) + float(c * _PB)
        bto = bto_s[:, sl]
        bti = bti_s[:, sl]
        hit = gidx == bpi
        forcej = jnp.max(jnp.where(hit, jcol, -1.0), axis=0, keepdims=True)
        forced = forcej >= 0.0
        bto = jnp.where(forced, 2.0, bto)
        bti = jnp.where(forced, forcej, bti)
        selm = (bti == jcol).astype(f32)
        coords = jax.lax.dot_general(t5, selm, (((1,), (0,)), ((), ())),
                                     preferred_element_type=f32)
        mx1, my1 = coords[0:1, :], coords[1:2, :]
        mx2, my2 = coords[2:3, :], coords[3:4, :]
        labm = coords[4:5, :]
        conf = jnp.where(bto < _THRESHOLD, 0.0, labm + 1.0)
        pos = conf > 0.0
        posf = pos.astype(f32)
        cx, cy = pr_ref[0:1, sl], pr_ref[1:2, sl]
        w, h = pr_ref[2:3, sl], pr_ref[3:4, sl]
        g0 = (mx1 + mx2 * 0.5 - cx) / (_VAR0 * w)
        g1 = (my1 + my2 * 0.5 - cy) / (_VAR0 * h)
        g2 = jnp.log((mx2 - mx1) / w) / _VAR1
        g3 = jnp.log((my2 - my1) / h) / _VAR1
        loct = jnp.concatenate([g0, g1, g2, g3], axis=0)
        locd = locT_ref[0, :, sl]
        ad = jnp.abs(locd - loct)
        sl1 = jnp.where(ad < 1.0, 0.5 * ad * ad, ad - 0.5)
        ll = ll + jnp.sum(sl1 * posf)
        np_ = np_ + jnp.sum(posf)
        conft_ref[0, :, sl] = conf

    ll_ref[...] = ll.reshape(1, 1, 1)
    npos_ref[...] = np_.reshape(1, 1, 1)


def _stage1b_body(confT_ref, conft_ref, mined_ref, spos_ref):
    f32 = jnp.float32
    sp = jnp.zeros((), f32)
    clsio = jax.lax.broadcasted_iota(jnp.int32, (_NUM_CLASSES, 1), 0).astype(f32)
    for c in range(_NCH):
        sl = pl.ds(c * _PB, _PB)
        gidx = jax.lax.broadcasted_iota(jnp.int32, (1, _PB), 1).astype(f32) + float(c * _PB)
        conf = conft_ref[0, :, sl]
        pos = conf > 0.0
        x = confT_ref[0, :, sl]
        m = jnp.max(x, axis=0, keepdims=True)
        s = jnp.sum(jnp.exp(x - m), axis=0, keepdims=True)
        lse = jnp.log(s) + m
        tgt = jnp.sum(jnp.where(clsio == conf, x, 0.0), axis=0, keepdims=True)
        ce = lse - tgt
        mined = jnp.where(pos, 0.0, ce)
        mined = jnp.where(gidx < float(_P), mined, 0.0)
        mined_ref[0, :, sl] = mined
        sp = sp + jnp.sum(jnp.where(pos, ce, 0.0))

    spos_ref[...] = sp.reshape(1, 1, 1)



_NV = _PPAD // 16
_BASE1, _BASE2, _BASE3 = 0, 2048, 4096
_HTOT = 4608


def _scsum(v):
    return lax.reduce_sum(v, (0,))


def _lane_extract(vec, lane):
    io = lax.broadcasted_iota(_i32, (16,), 0)
    return _scsum(jnp.where(io == lane, vec, jnp.zeros_like(vec)))


def _locate(hist_v, base, nbuckets, rank):
    nv = nbuckets // 16

    def body(i, carry):
        found, beta, rankrem, acc = carry
        vi = nv - 1 - i
        h = hist_v[pl.ds(base + vi * 16, 16)]
        s = lax.rev(lax.cumsum(lax.rev(h, (0,)), axis=0), (0,))
        suff = s + acc
        m = suff >= rank
        t = _scsum(jnp.where(m, jnp.ones((16,), _i32), jnp.zeros((16,), _i32)))
        hit = jnp.logical_and(found == 0, t > 0)
        lane = t - 1
        sl = _lane_extract(s, lane)
        hl = _lane_extract(h, lane)
        beta_new = vi * 16 + lane
        rr_new = rank - (acc + sl - hl)
        found = jnp.where(hit, 1, found)
        beta = jnp.where(hit, beta_new, beta)
        rankrem = jnp.where(hit, rr_new, rankrem)
        acc = acc + _scsum(h)
        return found, beta, rankrem, acc

    z = jnp.zeros((), _i32)
    found, beta, rankrem, acc = lax.fori_loop(0, nv, body, (z, z, z, z))
    return beta, rankrem


def _sc_topk_body(mined_hbm, npos_hbm, out_hbm, mined_v, npos_v, hist_v, outbuf_v):
    wid = lax.axis_index("s") * 2 + lax.axis_index("c")
    pltpu.sync_copy(mined_hbm.at[wid], mined_v)
    pltpu.sync_copy(npos_hbm, npos_v)

    lane = jnp.mod(wid, 16)
    half = wid // 16
    va = npos_v[pl.ds(0, 16)]
    vb = npos_v[pl.ds(16, 16)]
    hsel = jnp.full((16,), half, _i32) == 0
    nv16 = jnp.where(hsel, va, vb)
    npf = _scsum(jnp.where(lax.broadcasted_iota(_i32, (16,), 0) == lane,
                           nv16, jnp.zeros((16,), _f32)))
    k = jnp.minimum(_NEGPOS_RATIO * npf.astype(_i32), _P - 1)

    def zbody(i, c):
        hist_v[pl.ds(i * 16, 16)] = jnp.zeros((16,), _i32)
        return c

    lax.fori_loop(0, _HTOT // 16, zbody, 0)

    ones = jnp.ones((16,), _i32)

    def p1(i, c):
        v = mined_v[pl.ds(i * 16, 16)]
        b = lax.shift_right_logical(plsc.bitcast(v, _i32), 20)
        plsc.addupdate_scatter(hist_v, [b + _BASE1], ones)
        return c

    lax.fori_loop(0, _NV, p1, 0)
    b1, r2 = _locate(hist_v, _BASE1, 2048, k)

    def p2(i, c):
        v = mined_v[pl.ds(i * 16, 16)]
        bits = plsc.bitcast(v, _i32)
        pre = lax.shift_right_logical(bits, 20)
        b = jnp.bitwise_and(lax.shift_right_logical(bits, 9), 0x7FF)
        plsc.addupdate_scatter(hist_v, [b + _BASE2], ones, mask=pre == b1)
        return c

    lax.fori_loop(0, _NV, p2, 0)
    b2, r3 = _locate(hist_v, _BASE2, 2048, r2)

    pre22 = jnp.bitwise_or(lax.shift_left(b1, 11), b2)

    def p3(i, c):
        v = mined_v[pl.ds(i * 16, 16)]
        bits = plsc.bitcast(v, _i32)
        pre = lax.shift_right_logical(bits, 9)
        b = jnp.bitwise_and(bits, 0x1FF)
        plsc.addupdate_scatter(hist_v, [b + _BASE3], ones, mask=pre == pre22)
        return c

    lax.fori_loop(0, _NV, p3, 0)
    b3, _r4 = _locate(hist_v, _BASE3, 512, r3)

    tau_bits = jnp.bitwise_or(lax.shift_left(b1, 20),
                              jnp.bitwise_or(lax.shift_left(b2, 9), b3))

    def p4(i, carry):
        cs, ss = carry
        v = mined_v[pl.ds(i * 16, 16)]
        bits = plsc.bitcast(v, _i32)
        m = bits > tau_bits
        cs = cs + jnp.where(m, ones, jnp.zeros((16,), _i32))
        ss = ss + jnp.where(m, v, jnp.zeros((16,), _f32))
        return cs, ss

    cs, ss = lax.fori_loop(0, _NV, p4,
                           (jnp.zeros((16,), _i32), jnp.zeros((16,), _f32)))
    cgt = _scsum(cs)
    sgt = _scsum(ss)
    tau_v = plsc.bitcast(jnp.full((16,), tau_bits, _i32), _f32)
    res = jnp.full((16,), sgt, _f32) + \
        jnp.full((16,), (k - cgt).astype(_f32), _f32) * tau_v
    outbuf_v[...] = res
    pltpu.sync_copy(outbuf_v, out_hbm.at[wid])


def _sc_topk(mined, npos):
    mesh = plsc.VectorSubcoreMesh(core_axis_name="c", subcore_axis_name="s",
                                  num_cores=2, num_subcores=16)
    return pl.kernel(
        _sc_topk_body,
        out_type=jax.ShapeDtypeStruct((_B, 16), _f32),
        mesh=mesh,
        compiler_params=pltpu.CompilerParams(needs_layout_passes=False),
        scratch_types=[
            pltpu.VMEM((_PPAD,), _f32),
            pltpu.VMEM((_B,), _f32),
            pltpu.VMEM((_HTOT,), _i32),
            pltpu.VMEM((16,), _f32),
        ],
    )(mined, npos)


def _stage3_body(ll_ref, npos_ref, spos_ref, sneg_ref, outl_ref, outc_ref):
    n = jnp.sum(npos_ref[...])
    sneg = sneg_ref[...][:, 0:1]
    outl_ref[...] = (jnp.sum(ll_ref[...]) / n).reshape(1, 1)
    outc_ref[...] = ((jnp.sum(spos_ref[...]) + jnp.sum(sneg)) / n).reshape(1, 1)


def kernel(loc_data, conf_data, priors, targets):
    pad = _PPAD - _P
    pad_pr = jnp.tile(jnp.array([[5.0, 5.0, 0.001, 0.001]], jnp.float32), (pad, 1))
    priorsT = jnp.concatenate([priors, pad_pr], axis=0).T
    locT = jnp.pad(loc_data, ((0, 0), (0, pad), (0, 0))).transpose(0, 2, 1)
    confT = jnp.pad(conf_data, ((0, 0), (0, pad), (0, 0))).transpose(0, 2, 1)

    conft, ll, npos = pl.pallas_call(
        _stage1_body,
        grid=(_B,),
        in_specs=[
            pl.BlockSpec((1, _NOBJ, 5), lambda b: (b, 0, 0)),
            pl.BlockSpec((1, 5, _NOBJ), lambda b: (b, 0, 0)),
            pl.BlockSpec((4, _PPAD), lambda b: (0, 0)),
            pl.BlockSpec((1, 4, _PPAD), lambda b: (b, 0, 0)),
        ],
        out_specs=[
            pl.BlockSpec((1, 1, _PPAD), lambda b: (b, 0, 0)),
            pl.BlockSpec((1, 1, 1), lambda b: (b, 0, 0)),
            pl.BlockSpec((1, 1, 1), lambda b: (b, 0, 0)),
        ],
        out_shape=[
            jax.ShapeDtypeStruct((_B, 1, _PPAD), jnp.float32),
            jax.ShapeDtypeStruct((_B, 1, 1), jnp.float32),
            jax.ShapeDtypeStruct((_B, 1, 1), jnp.float32),
        ],
        scratch_shapes=[
            pltpu.VMEM((1, _PPAD), jnp.float32),
            pltpu.VMEM((1, _PPAD), jnp.float32),
        ],
    )(targets, targets.transpose(0, 2, 1), priorsT, locT)

    mined, spos = pl.pallas_call(
        _stage1b_body,
        grid=(_B,),
        in_specs=[
            pl.BlockSpec((1, _NUM_CLASSES, _PPAD), lambda b: (b, 0, 0)),
            pl.BlockSpec((1, 1, _PPAD), lambda b: (b, 0, 0)),
        ],
        out_specs=[
            pl.BlockSpec((1, 1, _PPAD), lambda b: (b, 0, 0)),
            pl.BlockSpec((1, 1, 1), lambda b: (b, 0, 0)),
        ],
        out_shape=[
            jax.ShapeDtypeStruct((_B, 1, _PPAD), jnp.float32),
            jax.ShapeDtypeStruct((_B, 1, 1), jnp.float32),
        ],
    )(confT, conft)

    sneg = _sc_topk(mined.reshape(_B, _PPAD), npos.reshape(_B))

    outl, outc = pl.pallas_call(
        _stage3_body,
        out_shape=[
            jax.ShapeDtypeStruct((1, 1), jnp.float32),
            jax.ShapeDtypeStruct((1, 1), jnp.float32),
        ],
    )(ll, npos, spos, sneg)
    return outl[0, 0], outc[0, 0]

# --- scband reference (transcript-rebuilt; emitter-appended) ---
"""Pipeline reference for scband-multi-box-loss-64424509440031 (READ-ONLY COPY).

The authoritative reference and input builder live on the scoring server;
editing this copy changes nothing except your own understanding.
"""

import jax, jax.numpy as jnp
import numpy as np

NUM_CLASSES = 21
THRESHOLD = 0.5
NEGPOS_RATIO = 3
VAR0, VAR1 = 0.1, 0.2
B, P, NOBJ = 32, 24532, 32


def point_form_box(boxes):
    # Faithful to source (including the boxes[:, 2:] + boxes[:, 2:] / 2 quirk)
    return jnp.concatenate([boxes[:, :2] - boxes[:, 2:] / 2,
                            boxes[:, 2:] + boxes[:, 2:] / 2], axis=1)


def intersect(box_a, box_b):
    min_xy = jnp.maximum(box_a[:, None, :2], box_b[None, :, :2])
    max_xy = jnp.minimum(box_a[:, None, 2:], box_b[None, :, 2:])
    inter = jnp.clip(max_xy - min_xy, 0.0)
    return inter[:, :, 0] * inter[:, :, 1]


def jaccard(box_a, box_b):
    inter = intersect(box_a, box_b)
    area_a = ((box_a[:, 2] - box_a[:, 0]) * (box_a[:, 3] - box_a[:, 1]))[:, None]
    area_b = ((box_b[:, 2] - box_b[:, 0]) * (box_b[:, 3] - box_b[:, 1]))[None, :]
    union = area_a + area_b - inter
    return inter / union


def encode(matched, priors):
    g_cxcy = (matched[:, :2] + matched[:, 2:] / 2 - priors[:, :2]) / (VAR0 * priors[:, 2:])
    g_wh = jnp.log((matched[:, 2:] - matched[:, :2]) / priors[:, 2:]) / VAR1
    return jnp.concatenate([g_cxcy, g_wh], axis=1)


def match_one(truths, labels, priors):
    overlaps = jaccard(truths, point_form_box(priors))  # [NOBJ, P]
    best_prior_idx = jnp.argmax(overlaps, axis=1)       # [NOBJ]
    best_truth_overlap = jnp.max(overlaps, axis=0)      # [P]
    best_truth_idx = jnp.argmax(overlaps, axis=0)       # [P]
    best_truth_overlap = best_truth_overlap.at[best_prior_idx].set(2.0)
    best_truth_idx = best_truth_idx.at[best_prior_idx].set(jnp.arange(truths.shape[0]))
    matches = truths[best_truth_idx]                    # [P, 4]
    conf = labels[best_truth_idx].astype(jnp.int32) + 1
    conf = jnp.where(best_truth_overlap < THRESHOLD, 0, conf)
    loc = encode(matches, priors)
    return loc, conf


def multibox_loss(loc_data, conf_data, priors, targets):
    num = loc_data.shape[0]
    # match() operates on .data in torch -> detached
    truths = jax.lax.stop_gradient(targets[:, :, :4])
    labels = jax.lax.stop_gradient(targets[:, :, 4])
    sg_priors = jax.lax.stop_gradient(priors)
    loc_t, conf_t = jax.vmap(lambda t, l: match_one(t, l, sg_priors))(truths, labels)
    pos = conf_t > 0                                    # [B, P]
    # localization loss: smooth L1 over positives, sum reduction
    diff = loc_data - loc_t
    ad = jnp.abs(diff)
    sl1 = jnp.where(ad < 1.0, 0.5 * ad * ad, ad - 0.5)
    loss_l = jnp.sum(sl1 * pos[..., None].astype(sl1.dtype))
    # hard-negative mining score: log_sum_exp with global max (as in source)
    batch_conf = conf_data.reshape(-1, NUM_CLASSES)
    x_max = jnp.max(jax.lax.stop_gradient(batch_conf))
    lse = jnp.log(jnp.sum(jnp.exp(batch_conf - x_max), axis=1)) + x_max
    gathered = jnp.take_along_axis(batch_conf, conf_t.reshape(-1, 1), axis=1)[:, 0]
    loss_c_mine = (lse - gathered).reshape(num, -1)
    loss_c_mine = jnp.where(pos, 0.0, loss_c_mine)
    loss_idx = jnp.argsort(-loss_c_mine, axis=1)
    idx_rank = jnp.argsort(loss_idx, axis=1)
    num_pos = jnp.sum(pos.astype(jnp.int32), axis=1, keepdims=True)
    num_neg = jnp.minimum(NEGPOS_RATIO * num_pos, pos.shape[1] - 1)
    neg = idx_rank < num_neg
    # final confidence loss: CE (sum) over positives + mined negatives
    sel = (pos | neg).astype(conf_data.dtype)
    logz = jax.nn.logsumexp(conf_data, axis=2)
    tgt_logit = jnp.take_along_axis(conf_data, conf_t[..., None], axis=2)[..., 0]
    ce = logz - tgt_logit
    loss_c = jnp.sum(ce * sel)
    N = jnp.sum(num_pos).astype(loss_l.dtype)
    return loss_l / N, loss_c / N


def setup_inputs(seed: int = 0):
    key = jax.random.key(seed)
    k1, k2, k3, k4, k5, k6, k7 = jax.random.split(key, 7)
    loc_data = jax.random.normal(k1, (B, P, 4), dtype=jnp.float32)
    conf_data = jax.random.normal(k2, (B, P, NUM_CLASSES), dtype=jnp.float32)
    # priors in center-offset form: cx,cy in [0.05,0.95], w,h in [0.02,0.30] (positive for log)
    cxy = jax.random.uniform(k3, (P, 2), minval=0.05, maxval=0.95)
    wh = jax.random.uniform(k4, (P, 2), minval=0.02, maxval=0.30)
    priors = jnp.concatenate([cxy, wh], axis=1).astype(jnp.float32)
    # GT boxes in point form with strictly positive extents; last column is label in [0, 19]
    mins = jax.random.uniform(k5, (B, NOBJ, 2), minval=0.0, maxval=0.6)
    sizes = jax.random.uniform(k6, (B, NOBJ, 2), minval=0.05, maxval=0.35)
    maxs = mins + sizes
    labels = jax.random.randint(k7, (B, NOBJ, 1), 0, NUM_CLASSES - 1).astype(jnp.float32)
    targets = jnp.concatenate([mins, maxs, labels], axis=2).astype(jnp.float32)
    return {"loc_data": loc_data, "conf_data": conf_data, "priors": priors, "targets": targets}


def reference(loc_data, conf_data, priors, targets):
    return multibox_loss(loc_data, conf_data, priors, targets)

if __name__ == "__main__":
    import jax
    _d = setup_inputs()
    print(jax.jit(kernel)(*tuple(_d.values())))

</pallas_src>

<mosaic_0001>
#map = affine_map<(d0, d1) -> (0, 0)>
#map1 = affine_map<(d0, d1) -> (0)>
module attributes {stable_mosaic.version = 14 : i64} {
  func.func @_sc_topk_body(%arg0: i32, %arg1: i32, %arg2: memref<32x24576xf32, #tpu.memory_space<hbm>>, %arg3: memref<32xf32, #tpu.memory_space<hbm>>, %arg4: memref<32x16xf32, #tpu.memory_space<hbm>>, %arg5: memref<24576xf32, #tpu.memory_space<vmem>>, %arg6: memref<32xf32, #tpu.memory_space<vmem>>, %arg7: memref<4608xi32, #tpu.memory_space<vmem>>, %arg8: memref<16xf32, #tpu.memory_space<vmem>>) attributes {dimension_semantics = [#tpu.dimension_semantics<core_parallel>, #tpu.dimension_semantics<subcore_parallel>], iteration_bounds = array<i64: 2, 16>, scalar_prefetch = 0 : i64, scratch_operands = 4 : i64, tpu.core_type = #tpu.core_type<sc_vector_subcore>, window_params = [{transform_indices = #map}, {transform_indices = #map1}, {transform_indices = #map}]} {
    %mul3A = arith.constant 2 : i32
    %mul3A_0 = arith.muli %arg1, %mul3A : i32
    %add3A = arith.addi %mul3A_0, %arg0 : i32
    "tpu.region"() ({
      %run_scoped3A = tpu.sem_alloc : memref<!tpu.dma_semaphore, #tpu.memory_space<semaphore_mem>>
      %dma_start3A = arith.constant 0 : i32
      %dma_start3A_137 = tpu.memref_slice %arg2[%add3A, %dma_start3A] : memref<32x24576xf32, #tpu.memory_space<hbm>> -> memref<1x24576xf32, #tpu.memory_space<hbm>>
      %dma_start3A_138 = tpu.memref_squeeze %dma_start3A_137 : memref<1x24576xf32, #tpu.memory_space<hbm>> -> memref<24576xf32, #tpu.memory_space<hbm>>
      %dma_start3A_139 = arith.constant 0 : i32
      %dma_start3A_140 = tpu.memref_slice %arg2[%add3A, %dma_start3A_139] : memref<32x24576xf32, #tpu.memory_space<hbm>> -> memref<1x24576xf32, #tpu.memory_space<hbm>>
      %dma_start3A_141 = tpu.memref_squeeze %dma_start3A_140 : memref<1x24576xf32, #tpu.memory_space<hbm>> -> memref<24576xf32, #tpu.memory_space<hbm>>
      tpu.enqueue_dma source(%dma_start3A_141 : memref<24576xf32, #tpu.memory_space<hbm>>) target(%arg5 : memref<24576xf32, #tpu.memory_space<vmem>>) target_semaphore(%run_scoped3A : memref<!tpu.dma_semaphore, #tpu.memory_space<semaphore_mem>>)
      %dma_wait3A = arith.constant 0 : i32
      %dma_wait3A_142 = tpu.memref_slice %arg2[%add3A, %dma_wait3A] : memref<32x24576xf32, #tpu.memory_space<hbm>> -> memref<1x24576xf32, #tpu.memory_space<hbm>>
      %dma_wait3A_143 = tpu.memref_squeeze %dma_wait3A_142 : memref<1x24576xf32, #tpu.memory_space<hbm>> -> memref<24576xf32, #tpu.memory_space<hbm>>
      %dma_wait3A_144 = arith.constant 0 : i32
      %dma_wait3A_145 = tpu.memref_slice %arg2[%add3A, %dma_wait3A_144] : memref<32x24576xf32, #tpu.memory_space<hbm>> -> memref<1x24576xf32, #tpu.memory_space<hbm>>
      %dma_wait3A_146 = tpu.memref_squeeze %dma_wait3A_145 : memref<1x24576xf32, #tpu.memory_space<hbm>> -> memref<24576xf32, #tpu.memory_space<hbm>>
      tpu.wait_dma2 semaphore(%run_scoped3A : memref<!tpu.dma_semaphore, #tpu.memory_space<semaphore_mem>>) src(%dma_wait3A_146 : memref<24576xf32, #tpu.memory_space<hbm>>) dst(%arg5 : memref<24576xf32, #tpu.memory_space<vmem>>)
      tpu.yield
    }) : () -> ()
    "tpu.region"() ({
      %run_scoped3A = tpu.sem_alloc : memref<!tpu.dma_semaphore, #tpu.memory_space<semaphore_mem>>
      tpu.enqueue_dma source(%arg3 : memref<32xf32, #tpu.memory_space<hbm>>) target(%arg6 : memref<32xf32, #tpu.memory_space<vmem>>) target_semaphore(%run_scoped3A : memref<!tpu.dma_semaphore, #tpu.memory_space<semaphore_mem>>)
      tpu.wait_dma2 semaphore(%run_scoped3A : memref<!tpu.dma_semaphore, #tpu.memory_space<semaphore_mem>>) src(%arg3 : memref<32xf32, #tpu.memory_space<hbm>>) dst(%arg6 : memref<32xf32, #tpu.memory_space<vmem>>)
      tpu.yield
    }) : () -> ()
    %jit3A = arith.constant 16 : i32
    %eq3A = arith.constant 0 : i32
    %eq3A_1 = arith.cmpi eq, %jit3A, %eq3A : i32
    %jit3A_2 = arith.constant 1 : i32
    %select_n3A = arith.select %eq3A_1, %jit3A_2, %jit3A : i32
    %rem3A = arith.remsi %add3A, %select_n3A : i32
    %ne3A = arith.constant 0 : i32
    %ne3A_3 = arith.cmpi ne, %rem3A, %ne3A : i32
    %lt3A = arith.constant 0 : i32
    %lt3A_4 = arith.cmpi slt, %rem3A, %lt3A : i32
    %lt3A_5 = arith.constant 0 : i32
    %lt3A_6 = arith.cmpi slt, %select_n3A, %lt3A_5 : i32
    %ne3A_7 = arith.xori %lt3A_4, %lt3A_6 : i1
    %and3A = arith.andi %ne3A_7, %ne3A_3 : i1
    %add3A_8 = arith.addi %rem3A, %select_n3A : i32
    %select_n3A_9 = arith.select %and3A, %add3A_8, %rem3A : i32
    %jit3A_10 = arith.constant 16 : i32
    %div3A = arith.divsi %add3A, %jit3A_10 : i32
    %sign3A = arith.constant 0 : i32
    %sign3A_11 = arith.cmpi sgt, %add3A, %sign3A : i32
    %sign3A_12 = arith.extui %sign3A_11 : i1 to i32
    %sign3A_13 = arith.constant 0 : i32
    %sign3A_14 = arith.cmpi slt, %add3A, %sign3A_13 : i32
    %sign3A_15 = arith.extui %sign3A_14 : i1 to i32
    %sign3A_16 = arith.subi %sign3A_12, %sign3A_15 : i32
    %sign3A_17 = arith.constant 0 : i32
    %sign3A_18 = arith.cmpi sgt, %jit3A_10, %sign3A_17 : i32
    %sign3A_19 = arith.extui %sign3A_18 : i1 to i32
    %sign3A_20 = arith.constant 0 : i32
    %sign3A_21 = arith.cmpi slt, %jit3A_10, %sign3A_20 : i32
    %sign3A_22 = arith.extui %sign3A_21 : i1 to i32
    %sign3A_23 = arith.subi %sign3A_19, %sign3A_22 : i32
    %ne3A_24 = arith.cmpi ne, %sign3A_16, %sign3A_23 : i32
    %rem3A_25 = arith.remsi %add3A, %jit3A_10 : i32
    %ne3A_26 = arith.constant 0 : i32
    %ne3A_27 = arith.cmpi ne, %rem3A_25, %ne3A_26 : i32
    %and3A_28 = arith.andi %ne3A_24, %ne3A_27 : i1
    %sub3A = arith.constant 1 : i32
    %sub3A_29 = arith.subi %div3A, %sub3A : i32
    %select_n3A_30 = arith.select %and3A_28, %sub3A_29, %div3A : i32
    %get3A = arith.constant 0 : index
    %get3A_31 = tpu.vector_load %arg6[%get3A] {strides = array<i32>} : memref<32xf32, #tpu.memory_space<vmem>>, vector<16xf32>,
    %get3A_32 = arith.constant 16 : index
    %get3A_33 = tpu.vector_load %arg6[%get3A_32] {strides = array<i32>} : memref<32xf32, #tpu.memory_space<vmem>>, vector<16xf32>,
    %broadcast_in_dim3A = vector.broadcast %select_n3A_30 : i32 to vector<16xi32>
    %eq3A_34 = arith.constant 0 : i32
    %eq3A_35 = vector.broadcast %eq3A_34 : i32 to vector<16xi32>
    %eq3A_36 = arith.cmpi eq, %broadcast_in_dim3A, %eq3A_35 : vector<16xi32>
    %select_n3A_37 = arith.select %eq3A_36, %get3A_31, %get3A_33 : vector<16xi1>, vector<16xf32>
    %iota3A = tpu.iota {dimensions = array<i32: 0>} : vector<16xi32>
    %eq3A_38 = vector.broadcast %select_n3A_9 : i32 to vector<16xi32>
    %eq3A_39 = arith.cmpi eq, %iota3A, %eq3A_38 : vector<16xi32>
    %broadcast_in_dim3A_40 = arith.constant 0.000000e+00 : f32
    %broadcast_in_dim3A_41 = vector.broadcast %broadcast_in_dim3A_40 : f32 to vector<16xf32>
    %select_n3A_42 = arith.select %eq3A_39, %select_n3A_37, %broadcast_in_dim3A_41 : vector<16xi1>, vector<16xf32>
    %reduce_sum3A = arith.constant true
    %reduce_sum3A_43 = vector.broadcast %reduce_sum3A : i1 to vector<16xi1>
    %reduce_sum3A_44 = tpu.scan <sum>, %select_n3A_42 masked %reduce_sum3A_43 : vector<16xf32>, vector<16xi1> -> vector<16xf32>
    %reduce_sum3A_45 = vector.extract %reduce_sum3A_44[15] : f32 from vector<16xf32>
    %convert_element_type3A = arith.fptosi %reduce_sum3A_45 : f32 to i32
    %mul3A_46 = arith.constant 3 : i32
    %mul3A_47 = arith.muli %mul3A_46, %convert_element_type3A : i32
    %min3A = arith.constant 24531 : i32
    %min3A_48 = arith.minsi %mul3A_47, %min3A : i32
    %scan3A = arith.constant 0 : i32
    %scan3A_49 = arith.constant 0 : i32
    %scan3A_50 = arith.constant 288 : i32
    %scan3A_51 = arith.addi %scan3A_49, %scan3A_50 : i32
    %scan3A_52 = arith.constant 1 : i32
    scf.for %scan3A_137 = %scan3A_49 to %scan3A_51 step %scan3A_52  : i32 {
      %broadcast_in_dim3A_138 = arith.constant 0 : i32
      %broadcast_in_dim3A_139 = vector.broadcast %broadcast_in_dim3A_138 : i32 to vector<16xi32>
      %mul3A_140 = arith.constant 16 : i32
      %mul3A_141 = arith.muli %scan3A_137, %mul3A_140 : i32
      %swap3A_142 = arith.index_cast %mul3A_141 : i32 to index
      %swap3A_143 = tpu.vector_load %arg7[%swap3A_142] {strides = array<i32>} : memref<4608xi32, #tpu.memory_space<vmem>>, vector<16xi32>,
      tpu.vector_store %arg7[%swap3A_142], %broadcast_in_dim3A_139 {strides = array<i32>} : memref<4608xi32, #tpu.memory_space<vmem>>, vector<16xi32>,
    }
    %scan3A_53 = arith.constant 288 : i32
    %broadcast_in_dim3A_54 = arith.constant 1 : i32
    %broadcast_in_dim3A_55 = vector.broadcast %broadcast_in_dim3A_54 : i32 to vector<16xi32>
    %scan3A_56 = arith.constant 0 : i32
    %scan3A_57 = arith.constant 0 : i32
    %scan3A_58 = arith.constant 1536 : i32
    %scan3A_59 = arith.addi %scan3A_57, %scan3A_58 : i32
    %scan3A_60 = arith.constant 1 : i32
    scf.for %scan3A_137 = %scan3A_57 to %scan3A_59 step %scan3A_60  : i32 {
      %mul3A_138 = arith.constant 16 : i32
      %mul3A_139 = arith.muli %scan3A_137, %mul3A_138 : i32
      %get3A_140 = arith.index_cast %mul3A_139 : i32 to index
      %get3A_141 = tpu.vector_load %arg5[%get3A_140] {strides = array<i32>} : memref<24576xf32, #tpu.memory_space<vmem>>, vector<16xf32>,
      %bitcast3A_142 = vector.bitcast %get3A_141 : vector<16xf32> to vector<16xi32>
      %shift_right_logical3A = arith.constant 20 : i32
      %shift_right_logical3A_143 = vector.broadcast %shift_right_logical3A : i32 to vector<16xi32>
      %shift_right_logical3A_144 = arith.shrui %bitcast3A_142, %shift_right_logical3A_143 : vector<16xi32>
      %add3A_145 = arith.constant 0 : i32
      %add3A_146 = vector.broadcast %add3A_145 : i32 to vector<16xi32>
      %add3A_147 = arith.addi %shift_right_logical3A_144, %add3A_146 : vector<16xi32>
      tpu.vector_store_idx %arg7[%add3A_147], %broadcast_in_dim3A_55 {add = true} : memref<4608xi32, #tpu.memory_space<vmem>>[vector<16xi32>], vector<16xi32>,
    }
    %scan3A_61 = arith.constant 1536 : i32
    %scan3A_62 = arith.constant 0 : i32
    %scan3A_63 = arith.constant 0 : i32
    %scan3A_64 = arith.constant 0 : i32
    %scan3A_65 = arith.constant 0 : i32
    %scan3A_66 = arith.constant 0 : i32
    %scan3A_67 = arith.constant 128 : i32
    %scan3A_68 = arith.addi %scan3A_66, %scan3A_67 : i32
    %scan3A_69 = arith.constant 1 : i32
    %scan3A_70:4 = scf.for %scan3A_137 = %scan3A_66 to %scan3A_68 step %scan3A_69 iter_args(%scan3A_138 = %scan3A_62, %scan3A_139 = %scan3A_63, %scan3A_140 = %scan3A_64, %scan3A_141 = %scan3A_65) -> (i32, i32, i32, i32)  : i32 {
      %sub3A_142 = arith.constant 127 : i32
      %sub3A_143 = arith.subi %sub3A_142, %scan3A_137 : i32
      %mul3A_144 = arith.constant 16 : i32
      %mul3A_145 = arith.muli %sub3A_143, %mul3A_144 : i32
      %add3A_146 = arith.constant 0 : i32
      %add3A_147 = arith.addi %add3A_146, %mul3A_145 : i32
      %get3A_148 = arith.index_cast %add3A_147 : i32 to index
      %get3A_149 = tpu.vector_load %arg7[%get3A_148] {strides = array<i32>} : memref<4608xi32, #tpu.memory_space<vmem>>, vector<16xi32>,
      %rev3A = arith.constant 15 : i32
      %rev3A_150 = vector.broadcast %rev3A : i32 to vector<16xi32>
      %rev3A_151 = tpu.iota {dimensions = array<i32: 0>} : vector<16xi32>
      %rev3A_152 = arith.subi %rev3A_150, %rev3A_151 : vector<16xi32>
      %rev3A_153 = tpu.dynamic_gather %get3A_149[%rev3A_152] in [0] : vector<16xi32>, vector<16xi32> -> vector<16xi32>
      %cumsum3A = arith.constant true
      %cumsum3A_154 = vector.broadcast %cumsum3A : i1 to vector<16xi1>
      %cumsum3A_155 = tpu.scan <sum>, %rev3A_153 masked %cumsum3A_154 : vector<16xi32>, vector<16xi1> -> vector<16xi32>
      %rev3A_156 = arith.constant 15 : i32
      %rev3A_157 = vector.broadcast %rev3A_156 : i32 to vector<16xi32>
      %rev3A_158 = tpu.iota {dimensions = array<i32: 0>} : vector<16xi32>
      %rev3A_159 = arith.subi %rev3A_157, %rev3A_158 : vector<16xi32>
      %rev3A_160 = tpu.dynamic_gather %cumsum3A_155[%rev3A_159] in [0] : vector<16xi32>, vector<16xi32> -> vector<16xi32>
      %add3A_161 = vector.broadcast %scan3A_141 : i32 to vector<16xi32>
      %add3A_162 = arith.addi %rev3A_160, %add3A_161 : vector<16xi32>
      %ge3A = vector.broadcast %min3A_48 : i32 to vector<16xi32>
      %ge3A_163 = arith.cmpi sge, %add3A_162, %ge3A : vector<16xi32>
      %broadcast_in_dim3A_164 = arith.constant 1 : i32
      %broadcast_in_dim3A_165 = vector.broadcast %broadcast_in_dim3A_164 : i32 to vector<16xi32>
      %broadcast_in_dim3A_166 = arith.constant 0 : i32
      %broadcast_in_dim3A_167 = vector.broadcast %broadcast_in_dim3A_166 : i32 to vector<16xi32>
      %select_n3A_168 = arith.select %ge3A_163, %broadcast_in_dim3A_165, %broadcast_in_dim3A_167 : vector<16xi1>, vector<16xi32>
      %reduce_sum3A_169 = arith.constant true
      %reduce_sum3A_170 = vector.broadcast %reduce_sum3A_169 : i1 to vector<16xi1>
      %reduce_sum3A_171 = tpu.scan <sum>, %select_n3A_168 masked %reduce_sum3A_170 : vector<16xi32>, vector<16xi1> -> vector<16xi32>
      %reduce_sum3A_172 = vector.extract %reduce_sum3A_171[15] : i32 from vector<16xi32>
      %eq3A_173 = arith.constant 0 : i32
      %eq3A_174 = arith.cmpi eq, %scan3A_138, %eq3A_173 : i32
      %gt3A = arith.constant 0 : i32
      %gt3A_175 = arith.cmpi sgt, %reduce_sum3A_172, %gt3A : i32
      %and3A_176 = arith.andi %eq3A_174, %gt3A_175 : i1
      %sub3A_177 = arith.constant 1 : i32
      %sub3A_178 = arith.subi %reduce_sum3A_172, %sub3A_177 : i32
      %iota3A_179 = tpu.iota {dimensions = array<i32: 0>} : vector<16xi32>
      %eq3A_180 = vector.broadcast %sub3A_178 : i32 to vector<16xi32>
      %eq3A_181 = arith.cmpi eq, %iota3A_179, %eq3A_180 : vector<16xi32>
      %broadcast_in_dim3A_182 = arith.constant 0 : i32
      %broadcast_in_dim3A_183 = vector.broadcast %broadcast_in_dim3A_182 : i32 to vector<16xi32>
      %select_n3A_184 = arith.select %eq3A_181, %rev3A_160, %broadcast_in_dim3A_183 : vector<16xi1>, vector<16xi32>
      %reduce_sum3A_185 = arith.constant true
      %reduce_sum3A_186 = vector.broadcast %reduce_sum3A_185 : i1 to vector<16xi1>
      %reduce_sum3A_187 = tpu.scan <sum>, %select_n3A_184 masked %reduce_sum3A_186 : vector<16xi32>, vector<16xi1> -> vector<16xi32>
      %reduce_sum3A_188 = vector.extract %reduce_sum3A_187[15] : i32 from vector<16xi32>
      %iota3A_189 = tpu.iota {dimensions = array<i32: 0>} : vector<16xi32>
      %eq3A_190 = vector.broadcast %sub3A_178 : i32 to vector<16xi32>
      %eq3A_191 = arith.cmpi eq, %iota3A_189, %eq3A_190 : vector<16xi32>
      %broadcast_in_dim3A_192 = arith.constant 0 : i32
      %broadcast_in_dim3A_193 = vector.broadcast %broadcast_in_dim3A_192 : i32 to vector<16xi32>
      %select_n3A_194 = arith.select %eq3A_191, %get3A_149, %broadcast_in_dim3A_193 : vector<16xi1>, vector<16xi32>
      %reduce_sum3A_195 = arith.constant true
      %reduce_sum3A_196 = vector.broadcast %reduce_sum3A_195 : i1 to vector<16xi1>
      %reduce_sum3A_197 = tpu.scan <sum>, %select_n3A_194 masked %reduce_sum3A_196 : vector<16xi32>, vector<16xi1> -> vector<16xi32>
      %reduce_sum3A_198 = vector.extract %reduce_sum3A_197[15] : i32 from vector<16xi32>
      %mul3A_199 = arith.constant 16 : i32
      %mul3A_200 = arith.muli %sub3A_143, %mul3A_199 : i32
      %add3A_201 = arith.addi %mul3A_200, %sub3A_178 : i32
      %add3A_202 = arith.addi %scan3A_141, %reduce_sum3A_188 : i32
      %sub3A_203 = arith.subi %add3A_202, %reduce_sum3A_198 : i32
      %sub3A_204 = arith.subi %min3A_48, %sub3A_203 : i32
      %jit3A_205 = arith.constant 1 : i32
      %select_n3A_206 = arith.select %and3A_176, %jit3A_205, %scan3A_138 : i32
      %select_n3A_207 = arith.select %and3A_176, %add3A_201, %scan3A_139 : i32
      %select_n3A_208 = arith.select %and3A_176, %sub3A_204, %scan3A_140 : i32
      %reduce_sum3A_209 = arith.constant true
      %reduce_sum3A_210 = vector.broadcast %reduce_sum3A_209 : i1 to vector<16xi1>
      %reduce_sum3A_211 = tpu.scan <sum>, %get3A_149 masked %reduce_sum3A_210 : vector<16xi32>, vector<16xi1> -> vector<16xi32>
      %reduce_sum3A_212 = vector.extract %reduce_sum3A_211[15] : i32 from vector<16xi32>
      %add3A_213 = arith.addi %scan3A_141, %reduce_sum3A_212 : i32
      scf.yield %select_n3A_206, %select_n3A_207, %select_n3A_208, %add3A_213 : i32, i32, i32, i32
    }
    %scan3A_71 = arith.constant 128 : i32
    %scan3A_72 = arith.constant 0 : i32
    %scan3A_73 = arith.constant 0 : i32
    %scan3A_74 = arith.constant 1536 : i32
    %scan3A_75 = arith.addi %scan3A_73, %scan3A_74 : i32
    %scan3A_76 = arith.constant 1 : i32
    scf.for %scan3A_137 = %scan3A_73 to %scan3A_75 step %scan3A_76  : i32 {
      %mul3A_138 = arith.constant 16 : i32
      %mul3A_139 = arith.muli %scan3A_137, %mul3A_138 : i32
      %get3A_140 = arith.index_cast %mul3A_139 : i32 to index
      %get3A_141 = tpu.vector_load %arg5[%get3A_140] {strides = array<i32>} : memref<24576xf32, #tpu.memory_space<vmem>>, vector<16xf32>,
      %bitcast3A_142 = vector.bitcast %get3A_141 : vector<16xf32> to vector<16xi32>
      %shift_right_logical3A = arith.constant 20 : i32
      %shift_right_logical3A_143 = vector.broadcast %shift_right_logical3A : i32 to vector<16xi32>
      %shift_right_logical3A_144 = arith.shrui %bitcast3A_142, %shift_right_logical3A_143 : vector<16xi32>
      %shift_right_logical3A_145 = arith.constant 9 : i32
      %shift_right_logical3A_146 = vector.broadcast %shift_right_logical3A_145 : i32 to vector<16xi32>
      %shift_right_logical3A_147 = arith.shrui %bitcast3A_142, %shift_right_logical3A_146 : vector<16xi32>
      %and3A_148 = arith.constant 2047 : i32
      %and3A_149 = vector.broadcast %and3A_148 : i32 to vector<16xi32>
      %and3A_150 = arith.andi %shift_right_logical3A_147, %and3A_149 : vector<16xi32>
      %add3A_151 = arith.constant 2048 : i32
      %add3A_152 = vector.broadcast %add3A_151 : i32 to vector<16xi32>
      %add3A_153 = arith.addi %and3A_150, %add3A_152 : vector<16xi32>
      %eq3A_154 = vector.broadcast %scan3A_70#1 : i32 to vector<16xi32>
      %eq3A_155 = arith.cmpi eq, %shift_right_logical3A_144, %eq3A_154 : vector<16xi32>
      tpu.vector_store_idx %arg7[%add3A_153], %broadcast_in_dim3A_55 masked %eq3A_155 {add = true} : memref<4608xi32, #tpu.memory_space<vmem>>[vector<16xi32>], vector<16xi32>, vector<16xi1>
    }
    %scan3A_77 = arith.constant 1536 : i32
    %scan3A_78 = arith.constant 0 : i32
    %scan3A_79 = arith.constant 0 : i32
    %scan3A_80 = arith.constant 0 : i32
    %scan3A_81 = arith.constant 0 : i32
    %scan3A_82 = arith.constant 0 : i32
    %scan3A_83 = arith.constant 128 : i32
    %scan3A_84 = arith.addi %scan3A_82, %scan3A_83 : i32
    %scan3A_85 = arith.constant 1 : i32
    %scan3A_86:4 = scf.for %scan3A_137 = %scan3A_82 to %scan3A_84 step %scan3A_85 iter_args(%scan3A_138 = %scan3A_78, %scan3A_139 = %scan3A_79, %scan3A_140 = %scan3A_80, %scan3A_141 = %scan3A_81) -> (i32, i32, i32, i32)  : i32 {
      %sub3A_142 = arith.constant 127 : i32
      %sub3A_143 = arith.subi %sub3A_142, %scan3A_137 : i32
      %mul3A_144 = arith.constant 16 : i32
      %mul3A_145 = arith.muli %sub3A_143, %mul3A_144 : i32
      %add3A_146 = arith.constant 2048 : i32
      %add3A_147 = arith.addi %add3A_146, %mul3A_145 : i32
      %get3A_148 = arith.index_cast %add3A_147 : i32 to index
      %get3A_149 = tpu.vector_load %arg7[%get3A_148] {strides = array<i32>} : memref<4608xi32, #tpu.memory_space<vmem>>, vector<16xi32>,
      %rev3A = arith.constant 15 : i32
      %rev3A_150 = vector.broadcast %rev3A : i32 to vector<16xi32>
      %rev3A_151 = tpu.iota {dimensions = array<i32: 0>} : vector<16xi32>
      %rev3A_152 = arith.subi %rev3A_150, %rev3A_151 : vector<16xi32>
      %rev3A_153 = tpu.dynamic_gather %get3A_149[%rev3A_152] in [0] : vector<16xi32>, vector<16xi32> -> vector<16xi32>
      %cumsum3A = arith.constant true
      %cumsum3A_154 = vector.broadcast %cumsum3A : i1 to vector<16xi1>
      %cumsum3A_155 = tpu.scan <sum>, %rev3A_153 masked %cumsum3A_154 : vector<16xi32>, vector<16xi1> -> vector<16xi32>
      %rev3A_156 = arith.constant 15 : i32
      %rev3A_157 = vector.broadcast %rev3A_156 : i32 to vector<16xi32>
      %rev3A_158 = tpu.iota {dimensions = array<i32: 0>} : vector<16xi32>
      %rev3A_159 = arith.subi %rev3A_157, %rev3A_158 : vector<16xi32>
      %rev3A_160 = tpu.dynamic_gather %cumsum3A_155[%rev3A_159] in [0] : vector<16xi32>, vector<16xi32> -> vector<16xi32>
      %add3A_161 = vector.broadcast %scan3A_141 : i32 to vector<16xi32>
      %add3A_162 = arith.addi %rev3A_160, %add3A_161 : vector<16xi32>
      %ge3A = vector.broadcast %scan3A_70#2 : i32 to vector<16xi32>
      %ge3A_163 = arith.cmpi sge, %add3A_162, %ge3A : vector<16xi32>
      %broadcast_in_dim3A_164 = arith.constant 1 : i32
      %broadcast_in_dim3A_165 = vector.broadcast %broadcast_in_dim3A_164 : i32 to vector<16xi32>
      %broadcast_in_dim3A_166 = arith.constant 0 : i32
      %broadcast_in_dim3A_167 = vector.broadcast %broadcast_in_dim3A_166 : i32 to vector<16xi32>
      %select_n3A_168 = arith.select %ge3A_163, %broadcast_in_dim3A_165, %broadcast_in_dim3A_167 : vector<16xi1>, vector<16xi32>
      %reduce_sum3A_169 = arith.constant true
      %reduce_sum3A_170 = vector.broadcast %reduce_sum3A_169 : i1 to vector<16xi1>
      %reduce_sum3A_171 = tpu.scan <sum>, %select_n3A_168 masked %reduce_sum3A_170 : vector<16xi32>, vector<16xi1> -> vector<16xi32>
      %reduce_sum3A_172 = vector.extract %reduce_sum3A_171[15] : i32 from vector<16xi32>
      %eq3A_173 = arith.constant 0 : i32
      %eq3A_174 = arith.cmpi eq, %scan3A_138, %eq3A_173 : i32
      %gt3A = arith.constant 0 : i32
      %gt3A_175 = arith.cmpi sgt, %reduce_sum3A_172, %gt3A : i32
      %and3A_176 = arith.andi %eq3A_174, %gt3A_175 : i1
      %sub3A_177 = arith.constant 1 : i32
      %sub3A_178 = arith.subi %reduce_sum3A_172, %sub3A_177 : i32
      %iota3A_179 = tpu.iota {dimensions = array<i32: 0>} : vector<16xi32>
      %eq3A_180 = vector.broadcast %sub3A_178 : i32 to vector<16xi32>
      %eq3A_181 = arith.cmpi eq, %iota3A_179, %eq3A_180 : vector<16xi32>
      %broadcast_in_dim3A_182 = arith.constant 0 : i32
      %broadcast_in_dim3A_183 = vector.broadcast %broadcast_in_dim3A_182 : i32 to vector<16xi32>
      %select_n3A_184 = arith.select %eq3A_181, %rev3A_160, %broadcast_in_dim3A_183 : vector<16xi1>, vector<16xi32>
      %reduce_sum3A_185 = arith.constant true
      %reduce_sum3A_186 = vector.broadcast %reduce_sum3A_185 : i1 to vector<16xi1>
      %reduce_sum3A_187 = tpu.scan <sum>, %select_n3A_184 masked %reduce_sum3A_186 : vector<16xi32>, vector<16xi1> -> vector<16xi32>
      %reduce_sum3A_188 = vector.extract %reduce_sum3A_187[15] : i32 from vector<16xi32>
      %iota3A_189 = tpu.iota {dimensions = array<i32: 0>} : vector<16xi32>
      %eq3A_190 = vector.broadcast %sub3A_178 : i32 to vector<16xi32>
      %eq3A_191 = arith.cmpi eq, %iota3A_189, %eq3A_190 : vector<16xi32>
      %broadcast_in_dim3A_192 = arith.constant 0 : i32
      %broadcast_in_dim3A_193 = vector.broadcast %broadcast_in_dim3A_192 : i32 to vector<16xi32>
      %select_n3A_194 = arith.select %eq3A_191, %get3A_149, %broadcast_in_dim3A_193 : vector<16xi1>, vector<16xi32>
      %reduce_sum3A_195 = arith.constant true
      %reduce_sum3A_196 = vector.broadcast %reduce_sum3A_195 : i1 to vector<16xi1>
      %reduce_sum3A_197 = tpu.scan <sum>, %select_n3A_194 masked %reduce_sum3A_196 : vector<16xi32>, vector<16xi1> -> vector<16xi32>
      %reduce_sum3A_198 = vector.extract %reduce_sum3A_197[15] : i32 from vector<16xi32>
      %mul3A_199 = arith.constant 16 : i32
      %mul3A_200 = arith.muli %sub3A_143, %mul3A_199 : i32
      %add3A_201 = arith.addi %mul3A_200, %sub3A_178 : i32
      %add3A_202 = arith.addi %scan3A_141, %reduce_sum3A_188 : i32
      %sub3A_203 = arith.subi %add3A_202, %reduce_sum3A_198 : i32
      %sub3A_204 = arith.subi %scan3A_70#2, %sub3A_203 : i32
      %jit3A_205 = arith.constant 1 : i32
      %select_n3A_206 = arith.select %and3A_176, %jit3A_205, %scan3A_138 : i32
      %select_n3A_207 = arith.select %and3A_176, %add3A_201, %scan3A_139 : i32
      %select_n3A_208 = arith.select %and3A_176, %sub3A_204, %scan3A_140 : i32
      %reduce_sum3A_209 = arith.constant true
      %reduce_sum3A_210 = vector.broadcast %reduce_sum3A_209 : i1 to vector<16xi1>
      %reduce_sum3A_211 = tpu.scan <sum>, %get3A_149 masked %reduce_sum3A_210 : vector<16xi32>, vector<16xi1> -> vector<16xi32>
      %reduce_sum3A_212 = vector.extract %reduce_sum3A_211[15] : i32 from vector<16xi32>
      %add3A_213 = arith.addi %scan3A_141, %reduce_sum3A_212 : i32
      scf.yield %select_n3A_206, %select_n3A_207, %select_n3A_208, %add3A_213 : i32, i32, i32, i32
    }
    %scan3A_87 = arith.constant 128 : i32
    %shift_left3A = arith.constant 11 : i32
    %shift_left3A_88 = arith.shli %scan3A_70#1, %shift_left3A : i32
    %or3A = arith.ori %shift_left3A_88, %scan3A_86#1 : i32
    %scan3A_89 = arith.constant 0 : i32
    %scan3A_90 = arith.constant 0 : i32
    %scan3A_91 = arith.constant 1536 : i32
    %scan3A_92 = arith.addi %scan3A_90, %scan3A_91 : i32
    %scan3A_93 = arith.constant 1 : i32
    scf.for %scan3A_137 = %scan3A_90 to %scan3A_92 step %scan3A_93  : i32 {
      %mul3A_138 = arith.constant 16 : i32
      %mul3A_139 = arith.muli %scan3A_137, %mul3A_138 : i32
      %get3A_140 = arith.index_cast %mul3A_139 : i32 to index
      %get3A_141 = tpu.vector_load %arg5[%get3A_140] {strides = array<i32>} : memref<24576xf32, #tpu.memory_space<vmem>>, vector<16xf32>,
      %bitcast3A_142 = vector.bitcast %get3A_141 : vector<16xf32> to vector<16xi32>
      %shift_right_logical3A = arith.constant 9 : i32
      %shift_right_logical3A_143 = vector.broadcast %shift_right_logical3A : i32 to vector<16xi32>
      %shift_right_logical3A_144 = arith.shrui %bitcast3A_142, %shift_right_logical3A_143 : vector<16xi32>
      %and3A_145 = arith.constant 511 : i32
      %and3A_146 = vector.broadcast %and3A_145 : i32 to vector<16xi32>
      %and3A_147 = arith.andi %bitcast3A_142, %and3A_146 : vector<16xi32>
      %add3A_148 = arith.constant 4096 : i32
      %add3A_149 = vector.broadcast %add3A_148 : i32 to vector<16xi32>
      %add3A_150 = arith.addi %and3A_147, %add3A_149 : vector<16xi32>
      %eq3A_151 = vector.broadcast %or3A : i32 to vector<16xi32>
      %eq3A_152 = arith.cmpi eq, %shift_right_logical3A_144, %eq3A_151 : vector<16xi32>
      tpu.vector_store_idx %arg7[%add3A_150], %broadcast_in_dim3A_55 masked %eq3A_152 {add = true} : memref<4608xi32, #tpu.memory_space<vmem>>[vector<16xi32>], vector<16xi32>, vector<16xi1>
    }
    %scan3A_94 = arith.constant 1536 : i32
    %scan3A_95 = arith.constant 0 : i32
    %scan3A_96 = arith.constant 0 : i32
    %scan3A_97 = arith.constant 0 : i32
    %scan3A_98 = arith.constant 0 : i32
    %scan3A_99 = arith.constant 0 : i32
    %scan3A_100 = arith.constant 32 : i32
    %scan3A_101 = arith.addi %scan3A_99, %scan3A_100 : i32
    %scan3A_102 = arith.constant 1 : i32
    %scan3A_103:4 = scf.for %scan3A_137 = %scan3A_99 to %scan3A_101 step %scan3A_102 iter_args(%scan3A_138 = %scan3A_95, %scan3A_139 = %scan3A_96, %scan3A_140 = %scan3A_97, %scan3A_141 = %scan3A_98) -> (i32, i32, i32, i32)  : i32 {
      %sub3A_142 = arith.constant 31 : i32
      %sub3A_143 = arith.subi %sub3A_142, %scan3A_137 : i32
      %mul3A_144 = arith.constant 16 : i32
      %mul3A_145 = arith.muli %sub3A_143, %mul3A_144 : i32
      %add3A_146 = arith.constant 4096 : i32
      %add3A_147 = arith.addi %add3A_146, %mul3A_145 : i32
      %get3A_148 = arith.index_cast %add3A_147 : i32 to index
      %get3A_149 = tpu.vector_load %arg7[%get3A_148] {strides = array<i32>} : memref<4608xi32, #tpu.memory_space<vmem>>, vector<16xi32>,
      %rev3A = arith.constant 15 : i32
      %rev3A_150 = vector.broadcast %rev3A : i32 to vector<16xi32>
      %rev3A_151 = tpu.iota {dimensions = array<i32: 0>} : vector<16xi32>
      %rev3A_152 = arith.subi %rev3A_150, %rev3A_151 : vector<16xi32>
      %rev3A_153 = tpu.dynamic_gather %get3A_149[%rev3A_152] in [0] : vector<16xi32>, vector<16xi32> -> vector<16xi32>
      %cumsum3A = arith.constant true
      %cumsum3A_154 = vector.broadcast %cumsum3A : i1 to vector<16xi1>
      %cumsum3A_155 = tpu.scan <sum>, %rev3A_153 masked %cumsum3A_154 : vector<16xi32>, vector<16xi1> -> vector<16xi32>
      %rev3A_156 = arith.constant 15 : i32
      %rev3A_157 = vector.broadcast %rev3A_156 : i32 to vector<16xi32>
      %rev3A_158 = tpu.iota {dimensions = array<i32: 0>} : vector<16xi32>
      %rev3A_159 = arith.subi %rev3A_157, %rev3A_158 : vector<16xi32>
      %rev3A_160 = tpu.dynamic_gather %cumsum3A_155[%rev3A_159] in [0] : vector<16xi32>, vector<16xi32> -> vector<16xi32>
      %add3A_161 = vector.broadcast %scan3A_141 : i32 to vector<16xi32>
      %add3A_162 = arith.addi %rev3A_160, %add3A_161 : vector<16xi32>
      %ge3A = vector.broadcast %scan3A_86#2 : i32 to vector<16xi32>
      %ge3A_163 = arith.cmpi sge, %add3A_162, %ge3A : vector<16xi32>
      %broadcast_in_dim3A_164 = arith.constant 1 : i32
      %broadcast_in_dim3A_165 = vector.broadcast %broadcast_in_dim3A_164 : i32 to vector<16xi32>
      %broadcast_in_dim3A_166 = arith.constant 0 : i32
      %broadcast_in_dim3A_167 = vector.broadcast %broadcast_in_dim3A_166 : i32 to vector<16xi32>
      %select_n3A_168 = arith.select %ge3A_163, %broadcast_in_dim3A_165, %broadcast_in_dim3A_167 : vector<16xi1>, vector<16xi32>
      %reduce_sum3A_169 = arith.constant true
      %reduce_sum3A_170 = vector.broadcast %reduce_sum3A_169 : i1 to vector<16xi1>
      %reduce_sum3A_171 = tpu.scan <sum>, %select_n3A_168 masked %reduce_sum3A_170 : vector<16xi32>, vector<16xi1> -> vector<16xi32>
      %reduce_sum3A_172 = vector.extract %reduce_sum3A_171[15] : i32 from vector<16xi32>
      %eq3A_173 = arith.constant 0 : i32
      %eq3A_174 = arith.cmpi eq, %scan3A_138, %eq3A_173 : i32
      %gt3A = arith.constant 0 : i32
      %gt3A_175 = arith.cmpi sgt, %reduce_sum3A_172, %gt3A : i32
      %and3A_176 = arith.andi %eq3A_174, %gt3A_175 : i1
      %sub3A_177 = arith.constant 1 : i32
      %sub3A_178 = arith.subi %reduce_sum3A_172, %sub3A_177 : i32
      %iota3A_179 = tpu.iota {dimensions = array<i32: 0>} : vector<16xi32>
      %eq3A_180 = vector.broadcast %sub3A_178 : i32 to vector<16xi32>
      %eq3A_181 = arith.cmpi eq, %iota3A_179, %eq3A_180 : vector<16xi32>
      %broadcast_in_dim3A_182 = arith.constant 0 : i32
      %broadcast_in_dim3A_183 = vector.broadcast %broadcast_in_dim3A_182 : i32 to vector<16xi32>
      %select_n3A_184 = arith.select %eq3A_181, %rev3A_160, %broadcast_in_dim3A_183 : vector<16xi1>, vector<16xi32>
      %reduce_sum3A_185 = arith.constant true
      %reduce_sum3A_186 = vector.broadcast %reduce_sum3A_185 : i1 to vector<16xi1>
      %reduce_sum3A_187 = tpu.scan <sum>, %select_n3A_184 masked %reduce_sum3A_186 : vector<16xi32>, vector<16xi1> -> vector<16xi32>
      %reduce_sum3A_188 = vector.extract %reduce_sum3A_187[15] : i32 from vector<16xi32>
      %iota3A_189 = tpu.iota {dimensions = array<i32: 0>} : vector<16xi32>
      %eq3A_190 = vector.broadcast %sub3A_178 : i32 to vector<16xi32>
      %eq3A_191 = arith.cmpi eq, %iota3A_189, %eq3A_190 : vector<16xi32>
      %broadcast_in_dim3A_192 = arith.constant 0 : i32
      %broadcast_in_dim3A_193 = vector.broadcast %broadcast_in_dim3A_192 : i32 to vector<16xi32>
      %select_n3A_194 = arith.select %eq3A_191, %get3A_149, %broadcast_in_dim3A_193 : vector<16xi1>, vector<16xi32>
      %reduce_sum3A_195 = arith.constant true
      %reduce_sum3A_196 = vector.broadcast %reduce_sum3A_195 : i1 to vector<16xi1>
      %reduce_sum3A_197 = tpu.scan <sum>, %select_n3A_194 masked %reduce_sum3A_196 : vector<16xi32>, vector<16xi1> -> vector<16xi32>
      %reduce_sum3A_198 = vector.extract %reduce_sum3A_197[15] : i32 from vector<16xi32>
      %mul3A_199 = arith.constant 16 : i32
      %mul3A_200 = arith.muli %sub3A_143, %mul3A_199 : i32
      %add3A_201 = arith.addi %mul3A_200, %sub3A_178 : i32
      %add3A_202 = arith.addi %scan3A_141, %reduce_sum3A_188 : i32
      %sub3A_203 = arith.subi %add3A_202, %reduce_sum3A_198 : i32
      %sub3A_204 = arith.subi %scan3A_86#2, %sub3A_203 : i32
      %jit3A_205 = arith.constant 1 : i32
      %select_n3A_206 = arith.select %and3A_176, %jit3A_205, %scan3A_138 : i32
      %select_n3A_207 = arith.select %and3A_176, %add3A_201, %scan3A_139 : i32
      %select_n3A_208 = arith.select %and3A_176, %sub3A_204, %scan3A_140 : i32
      %reduce_sum3A_209 = arith.constant true
      %reduce_sum3A_210 = vector.broadcast %reduce_sum3A_209 : i1 to vector<16xi1>
      %reduce_sum3A_211 = tpu.scan <sum>, %get3A_149 masked %reduce_sum3A_210 : vector<16xi32>, vector<16xi1> -> vector<16xi32>
      %reduce_sum3A_212 = vector.extract %reduce_sum3A_211[15] : i32 from vector<16xi32>
      %add3A_213 = arith.addi %scan3A_141, %reduce_sum3A_212 : i32
      scf.yield %select_n3A_206, %select_n3A_207, %select_n3A_208, %add3A_213 : i32, i32, i32, i32
    }
    %scan3A_104 = arith.constant 32 : i32
    %shift_left3A_105 = arith.constant 20 : i32
    %shift_left3A_106 = arith.shli %scan3A_70#1, %shift_left3A_105 : i32
    %shift_left3A_107 = arith.constant 9 : i32
    %shift_left3A_108 = arith.shli %scan3A_86#1, %shift_left3A_107 : i32
    %or3A_109 = arith.ori %shift_left3A_108, %scan3A_103#1 : i32
    %or3A_110 = arith.ori %shift_left3A_106, %or3A_109 : i32
    %broadcast_in_dim3A_111 = arith.constant 0 : i32
    %broadcast_in_dim3A_112 = vector.broadcast %broadcast_in_dim3A_111 : i32 to vector<16xi32>
    %broadcast_in_dim3A_113 = arith.constant 0.000000e+00 : f32
    %broadcast_in_dim3A_114 = vector.broadcast %broadcast_in_dim3A_113 : f32 to vector<16xf32>
    %scan3A_115 = arith.constant 0 : i32
    %scan3A_116 = arith.constant 1536 : i32
    %scan3A_117 = arith.addi %scan3A_115, %scan3A_116 : i32
    %scan3A_118 = arith.constant 1 : i32
    %scan3A_119:2 = scf.for %scan3A_137 = %scan3A_115 to %scan3A_117 step %scan3A_118 iter_args(%scan3A_138 = %broadcast_in_dim3A_112, %scan3A_139 = %broadcast_in_dim3A_114) -> (vector<16xi32>, vector<16xf32>)  : i32 {
      %mul3A_140 = arith.constant 16 : i32
      %mul3A_141 = arith.muli %scan3A_137, %mul3A_140 : i32
      %get3A_142 = arith.index_cast %mul3A_141 : i32 to index
      %get3A_143 = tpu.vector_load %arg5[%get3A_142] {strides = array<i32>} : memref<24576xf32, #tpu.memory_space<vmem>>, vector<16xf32>,
      %bitcast3A_144 = vector.bitcast %get3A_143 : vector<16xf32> to vector<16xi32>
      %gt3A = vector.broadcast %or3A_110 : i32 to vector<16xi32>
      %gt3A_145 = arith.cmpi sgt, %bitcast3A_144, %gt3A : vector<16xi32>
      %broadcast_in_dim3A_146 = arith.constant 0 : i32
      %broadcast_in_dim3A_147 = vector.broadcast %broadcast_in_dim3A_146 : i32 to vector<16xi32>
      %select_n3A_148 = arith.select %gt3A_145, %broadcast_in_dim3A_55, %broadcast_in_dim3A_147 : vector<16xi1>, vector<16xi32>
      %add3A_149 = arith.addi %scan3A_138, %select_n3A_148 : vector<16xi32>
      %broadcast_in_dim3A_150 = arith.constant 0.000000e+00 : f32
      %broadcast_in_dim3A_151 = vector.broadcast %broadcast_in_dim3A_150 : f32 to vector<16xf32>
      %select_n3A_152 = arith.select %gt3A_145, %get3A_143, %broadcast_in_dim3A_151 : vector<16xi1>, vector<16xf32>
      %add3A_153 = arith.addf %scan3A_139, %select_n3A_152 : vector<16xf32>
      scf.yield %add3A_149, %add3A_153 : vector<16xi32>, vector<16xf32>
    }
    %scan3A_120 = arith.constant 1536 : i32
    %reduce_sum3A_121 = arith.constant true
    %reduce_sum3A_122 = vector.broadcast %reduce_sum3A_121 : i1 to vector<16xi1>
    %reduce_sum3A_123 = tpu.scan <sum>, %scan3A_119#0 masked %reduce_sum3A_122 : vector<16xi32>, vector<16xi1> -> vector<16xi32>
    %reduce_sum3A_124 = vector.extract %reduce_sum3A_123[15] : i32 from vector<16xi32>
    %reduce_sum3A_125 = arith.constant true
    %reduce_sum3A_126 = vector.broadcast %reduce_sum3A_125 : i1 to vector<16xi1>
    %reduce_sum3A_127 = tpu.scan <sum>, %scan3A_119#1 masked %reduce_sum3A_126 : vector<16xf32>, vector<16xi1> -> vector<16xf32>
    %reduce_sum3A_128 = vector.extract %reduce_sum3A_127[15] : f32 from vector<16xf32>
    %broadcast_in_dim3A_129 = vector.broadcast %or3A_110 : i32 to vector<16xi32>
    %bitcast3A = vector.bitcast %broadcast_in_dim3A_129 : vector<16xi32> to vector<16xf32>
    %broadcast_in_dim3A_130 = vector.broadcast %reduce_sum3A_128 : f32 to vector<16xf32>
    %sub3A_131 = arith.subi %min3A_48, %reduce_sum3A_124 : i32
    %convert_element_type3A_132 = arith.sitofp %sub3A_131 : i32 to f32
    %broadcast_in_dim3A_133 = vector.broadcast %convert_element_type3A_132 : f32 to vector<16xf32>
    %mul3A_134 = arith.mulf %broadcast_in_dim3A_133, %bitcast3A : vector<16xf32>
    %add3A_135 = arith.addf %broadcast_in_dim3A_130, %mul3A_134 : vector<16xf32>
    %swap3A = arith.constant 0 : index
    %swap3A_136 = tpu.vector_load %arg8[%swap3A] {strides = array<i32>} : memref<16xf32, #tpu.memory_space<vmem>>, vector<16xf32>,
    tpu.vector_store %arg8[%swap3A], %add3A_135 {strides = array<i32>} : memref<16xf32, #tpu.memory_space<vmem>>, vector<16xf32>,
    "tpu.region"() ({
      %run_scoped3A = tpu.sem_alloc : memref<!tpu.dma_semaphore, #tpu.memory_space<semaphore_mem>>
      %dma_start3A = arith.constant 0 : i32
      %dma_start3A_137 = tpu.memref_slice %arg4[%add3A, %dma_start3A] : memref<32x16xf32, #tpu.memory_space<hbm>> -> memref<1x16xf32, #tpu.memory_space<hbm>>
      %dma_start3A_138 = tpu.memref_squeeze %dma_start3A_137 : memref<1x16xf32, #tpu.memory_space<hbm>> -> memref<16xf32, #tpu.memory_space<hbm>>
      %dma_start3A_139 = arith.constant 0 : i32
      %dma_start3A_140 = tpu.memref_slice %arg4[%add3A, %dma_start3A_139] : memref<32x16xf32, #tpu.memory_space<hbm>> -> memref<1x16xf32, #tpu.memory_space<hbm>>
      %dma_start3A_141 = tpu.memref_squeeze %dma_start3A_140 : memref<1x16xf32, #tpu.memory_space<hbm>> -> memref<16xf32, #tpu.memory_space<hbm>>
      tpu.enqueue_dma source(%arg8 : memref<16xf32, #tpu.memory_space<vmem>>) target(%dma_start3A_141 : memref<16xf32, #tpu.memory_space<hbm>>) target_semaphore(%run_scoped3A : memref<!tpu.dma_semaphore, #tpu.memory_space<semaphore_mem>>)
      %dma_wait3A = arith.constant 0 : i32
      %dma_wait3A_142 = tpu.memref_slice %arg4[%add3A, %dma_wait3A] : memref<32x16xf32, #tpu.memory_space<hbm>> -> memref<1x16xf32, #tpu.memory_space<hbm>>
      %dma_wait3A_143 = tpu.memref_squeeze %dma_wait3A_142 : memref<1x16xf32, #tpu.memory_space<hbm>> -> memref<16xf32, #tpu.memory_space<hbm>>
      %dma_wait3A_144 = arith.constant 0 : i32
      %dma_wait3A_145 = tpu.memref_slice %arg4[%add3A, %dma_wait3A_144] : memref<32x16xf32, #tpu.memory_space<hbm>> -> memref<1x16xf32, #tpu.memory_space<hbm>>
      %dma_wait3A_146 = tpu.memref_squeeze %dma_wait3A_145 : memref<1x16xf32, #tpu.memory_space<hbm>> -> memref<16xf32, #tpu.memory_space<hbm>>
      tpu.wait_dma2 semaphore(%run_scoped3A : memref<!tpu.dma_semaphore, #tpu.memory_space<semaphore_mem>>) src(%arg8 : memref<16xf32, #tpu.memory_space<vmem>>) dst(%dma_wait3A_146 : memref<16xf32, #tpu.memory_space<hbm>>)
      tpu.yield
    }) : () -> ()
    return
  }
}

module attributes {stable_mosaic.version = 14 : i64} {
  func.func @_stage1_body(%arg0: i32, %arg1: memref<1x32x5xf32, #tpu.memory_space<vmem>>, %arg2: memref<1x5x32xf32, #tpu.memory_space<vmem>>, %arg3: memref<4x24576xf32, #tpu.memory_space<vmem>>, %arg4: memref<1x4x24576xf32, #tpu.memory_space<vmem>>, %arg5: memref<1x1x24576xf32, #tpu.memory_space<vmem>>, %arg6: memref<1x1x1xf32, #tpu.memory_space<vmem>>, %arg7: memref<1x1x1xf32, #tpu.memory_space<vmem>>, %arg8: memref<1x24576xf32, #tpu.memory_space<vmem>>, %arg9: memref<1x24576xf32, #tpu.memory_space<vmem>>) attributes {dimension_semantics = [#tpu.dimension_semantics<arbitrary>], iteration_bounds = array<i64: 32>, scalar_prefetch = 0 : i64, scratch_operands = 2 : i64, tpu.core_type = #tpu.core_type<tc>, window_params = [{transform_indices = @transform_0, window_bounds = array<i64: 1, 32, 5>}, {transform_indices = @transform_1, window_bounds = array<i64: 1, 5, 32>}, {pipeline_mode = #tpu.pipeline_mode<synchronous>, transform_indices = @transform_2, window_bounds = array<i64: 4, 24576>}, {transform_indices = @transform_3, window_bounds = array<i64: 1, 4, 24576>}, {transform_indices = @transform_4, window_bounds = array<i64: 1, 1, 24576>}, {transform_indices = @transform_5, window_bounds = array<i64: 1, 1, 1>}, {transform_indices = @transform_6, window_bounds = array<i64: 1, 1, 1>}]} {
    %get3A = arith.constant 0 : index
    %get3A_0 = arith.constant 0 : index
    %get3A_1 = arith.constant 0 : index
    %get3A_2 = vector.load %arg1[%get3A, %get3A_0, %get3A_1] : memref<1x32x5xf32, #tpu.memory_space<vmem>>, vector<1x32x5xf32>
    %get3A_3 = vector.shape_cast %get3A_2 : vector<1x32x5xf32> to vector<32x5xf32>
    %get3A_4 = arith.constant 0 : index
    %get3A_5 = arith.constant 0 : index
    %get3A_6 = arith.constant 0 : index
    %get3A_7 = vector.load %arg2[%get3A_4, %get3A_5, %get3A_6] : memref<1x5x32xf32, #tpu.memory_space<vmem>>, vector<1x5x32xf32>
    %get3A_8 = vector.shape_cast %get3A_7 : vector<1x5x32xf32> to vector<5x32xf32>
    %slice3A = vector.extract_strided_slice %get3A_3 {offsets = [0, 0], sizes = [32, 1], strides = [1, 1]} : vector<32x5xf32> to vector<32x1xf32>
    %slice3A_9 = vector.extract_strided_slice %get3A_3 {offsets = [0, 1], sizes = [32, 1], strides = [1, 1]} : vector<32x5xf32> to vector<32x1xf32>
    %slice3A_10 = vector.extract_strided_slice %get3A_3 {offsets = [0, 2], sizes = [32, 1], strides = [1, 1]} : vector<32x5xf32> to vector<32x1xf32>
    %slice3A_11 = vector.extract_strided_slice %get3A_3 {offsets = [0, 3], sizes = [32, 1], strides = [1, 1]} : vector<32x5xf32> to vector<32x1xf32>
    %sub3A = arith.subf %slice3A_10, %slice3A : vector<32x1xf32>
    %sub3A_12 = arith.subf %slice3A_11, %slice3A_9 : vector<32x1xf32>
    %mul3A = arith.mulf %sub3A, %sub3A_12 : vector<32x1xf32>
    %iota3A = tpu.iota {dimensions = array<i32: 0>} : vector<32x1xi32>
    %convert_element_type3A = arith.sitofp %iota3A : vector<32x1xi32> to vector<32x1xf32>
    %broadcast_in_dim3A = arith.constant 0xFF800000 : f32
    %broadcast_in_dim3A_13 = vector.broadcast %broadcast_in_dim3A : f32 to vector<32x1xf32>
    %broadcast_in_dim3A_14 = arith.constant 0.000000e+00 : f32
    %broadcast_in_dim3A_15 = vector.broadcast %broadcast_in_dim3A_14 : f32 to vector<32x1xf32>
    %get3A_16 = arith.constant 0 : index
    %get3A_17 = arith.constant 0 : index
    %get3A_18 = vector.load %arg3[%get3A_16, %get3A_17] : memref<4x24576xf32, #tpu.memory_space<vmem>>, vector<1x2048xf32>
    %get3A_19 = arith.constant 1 : index
    %get3A_20 = arith.constant 0 : index
    %get3A_21 = vector.load %arg3[%get3A_19, %get3A_20] : memref<4x24576xf32, #tpu.memory_space<vmem>>, vector<1x2048xf32>
    %get3A_22 = arith.constant 2 : index
    %get3A_23 = arith.constant 0 : index
    %get3A_24 = vector.load %arg3[%get3A_22, %get3A_23] : memref<4x24576xf32, #tpu.memory_space<vmem>>, vector<1x2048xf32>
    %get3A_25 = arith.constant 3 : index
    %get3A_26 = arith.constant 0 : index
    %get3A_27 = vector.load %arg3[%get3A_25, %get3A_26] : memref<4x24576xf32, #tpu.memory_space<vmem>>, vector<1x2048xf32>
    %mul3A_28 = arith.constant 5.000000e-01 : f32
    %mul3A_29 = vector.broadcast %mul3A_28 : f32 to vector<1x2048xf32>
    %mul3A_30 = arith.mulf %get3A_24, %mul3A_29 : vector<1x2048xf32>
    %sub3A_31 = arith.subf %get3A_18, %mul3A_30 : vector<1x2048xf32>
    %mul3A_32 = arith.constant 5.000000e-01 : f32
    %mul3A_33 = vector.broadcast %mul3A_32 : f32 to vector<1x2048xf32>
    %mul3A_34 = arith.mulf %get3A_27, %mul3A_33 : vector<1x2048xf32>
    %sub3A_35 = arith.subf %get3A_21, %mul3A_34 : vector<1x2048xf32>
    %mul3A_36 = arith.constant 5.000000e-01 : f32
    %mul3A_37 = vector.broadcast %mul3A_36 : f32 to vector<1x2048xf32>
    %mul3A_38 = arith.mulf %get3A_24, %mul3A_37 : vector<1x2048xf32>
    %add3A = arith.addf %get3A_24, %mul3A_38 : vector<1x2048xf32>
    %mul3A_39 = arith.constant 5.000000e-01 : f32
    %mul3A_40 = vector.broadcast %mul3A_39 : f32 to vector<1x2048xf32>
    %mul3A_41 = arith.mulf %get3A_27, %mul3A_40 : vector<1x2048xf32>
    %add3A_42 = arith.addf %get3A_27, %mul3A_41 : vector<1x2048xf32>
    %sub3A_43 = arith.subf %add3A, %sub3A_31 : vector<1x2048xf32>
    %sub3A_44 = arith.subf %add3A_42, %sub3A_35 : vector<1x2048xf32>
    %mul3A_45 = arith.mulf %sub3A_43, %sub3A_44 : vector<1x2048xf32>
    %min3A = vector.broadcast %slice3A_10 : vector<32x1xf32> to vector<32x2048xf32>
    %min3A_46 = vector.broadcast %add3A : vector<1x2048xf32> to vector<32x2048xf32>
    %min3A_47 = arith.minimumf %min3A, %min3A_46 : vector<32x2048xf32>
    %max3A = vector.broadcast %slice3A : vector<32x1xf32> to vector<32x2048xf32>
    %max3A_48 = vector.broadcast %sub3A_31 : vector<1x2048xf32> to vector<32x2048xf32>
    %max3A_49 = arith.maximumf %max3A, %max3A_48 : vector<32x2048xf32>
    %sub3A_50 = arith.subf %min3A_47, %max3A_49 : vector<32x2048xf32>
    %max3A_51 = arith.constant 0.000000e+00 : f32
    %max3A_52 = vector.broadcast %max3A_51 : f32 to vector<32x2048xf32>
    %max3A_53 = arith.maximumf %sub3A_50, %max3A_52 : vector<32x2048xf32>
    %min3A_54 = vector.broadcast %slice3A_11 : vector<32x1xf32> to vector<32x2048xf32>
    %min3A_55 = vector.broadcast %add3A_42 : vector<1x2048xf32> to vector<32x2048xf32>
    %min3A_56 = arith.minimumf %min3A_54, %min3A_55 : vector<32x2048xf32>
    %max3A_57 = vector.broadcast %slice3A_9 : vector<32x1xf32> to vector<32x2048xf32>
    %max3A_58 = vector.broadcast %sub3A_35 : vector<1x2048xf32> to vector<32x2048xf32>
    %max3A_59 = arith.maximumf %max3A_57, %max3A_58 : vector<32x2048xf32>
    %sub3A_60 = arith.subf %min3A_56, %max3A_59 : vector<32x2048xf32>
    %max3A_61 = arith.constant 0.000000e+00 : f32
    %max3A_62 = vector.broadcast %max3A_61 : f32 to vector<32x2048xf32>
    %max3A_63 = arith.maximumf %sub3A_60, %max3A_62 : vector<32x2048xf32>
    %mul3A_64 = arith.mulf %max3A_53, %max3A_63 : vector<32x2048xf32>
    %add3A_65 = vector.broadcast %mul3A : vector<32x1xf32> to vector<32x2048xf32>
    %add3A_66 = vector.broadcast %mul3A_45 : vector<1x2048xf32> to vector<32x2048xf32>
    %add3A_67 = arith.addf %add3A_65, %add3A_66 : vector<32x2048xf32>
    %sub3A_68 = arith.subf %add3A_67, %mul3A_64 : vector<32x2048xf32>
    %div3A = arith.divf %mul3A_64, %sub3A_68 : vector<32x2048xf32>
    %ne3A = arith.cmpf one, %div3A, %div3A : vector<32x2048xf32>
    %jit3A = arith.constant 0x7F800000 : f32
    %broadcast_in_dim3A_69 = vector.broadcast %jit3A : f32 to vector<32x2048xf32>
    %select_n3A = arith.select %ne3A, %broadcast_in_dim3A_69, %div3A : vector<32x2048xi1>, vector<32x2048xf32>
    %reduce_max3A = arith.constant dense<0xFF800000> : vector<2048xf32>
    %reduce_max3A_70 = vector.multi_reduction <maximumf>, %select_n3A, %reduce_max3A [0] : vector<32x2048xf32> to vector<2048xf32>
    %broadcast_in_dim3A_71 = vector.shape_cast %reduce_max3A_70 : vector<2048xf32> to vector<1x2048xf32>
    %eq3A = vector.broadcast %broadcast_in_dim3A_71 : vector<1x2048xf32> to vector<32x2048xf32>
    %eq3A_72 = arith.cmpf oeq, %select_n3A, %eq3A : vector<32x2048xf32>
    %jit3A_73 = arith.constant 9.900000e+01 : f32
    %broadcast_in_dim3A_74 = vector.shape_cast %convert_element_type3A : vector<32x1xf32> to vector<32x1xf32>
    %broadcast_in_dim3A_75 = vector.broadcast %broadcast_in_dim3A_74 : vector<32x1xf32> to vector<32x2048xf32>
    %broadcast_in_dim3A_76 = vector.broadcast %jit3A_73 : f32 to vector<32x2048xf32>
    %select_n3A_77 = arith.select %eq3A_72, %broadcast_in_dim3A_75, %broadcast_in_dim3A_76 : vector<32x2048xi1>, vector<32x2048xf32>
    %reduce_min3A = arith.constant dense<0x7F800000> : vector<2048xf32>
    %reduce_min3A_78 = vector.multi_reduction <minimumf>, %select_n3A_77, %reduce_min3A [0] : vector<32x2048xf32> to vector<2048xf32>
    %broadcast_in_dim3A_79 = vector.shape_cast %reduce_min3A_78 : vector<2048xf32> to vector<1x2048xf32>
    %swap3A = arith.constant 0 : index
    %swap3A_80 = arith.constant 0 : index
    %swap3A_81 = vector.load %arg8[%swap3A, %swap3A_80] : memref<1x24576xf32, #tpu.memory_space<vmem>>, vector<1x2048xf32>
    tpu.vector_store %arg8[%swap3A, %swap3A_80], %broadcast_in_dim3A_71 {strides = array<i32>} : memref<1x24576xf32, #tpu.memory_space<vmem>>, vector<1x2048xf32>,
    %swap3A_82 = arith.constant 0 : index
    %swap3A_83 = arith.constant 0 : index
    %swap3A_84 = vector.load %arg9[%swap3A_82, %swap3A_83] : memref<1x24576xf32, #tpu.memory_space<vmem>>, vector<1x2048xf32>
    tpu.vector_store %arg9[%swap3A_82, %swap3A_83], %broadcast_in_dim3A_79 {strides = array<i32>} : memref<1x24576xf32, #tpu.memory_space<vmem>>, vector<1x2048xf32>,
    %iota3A_85 = tpu.iota {dimensions = array<i32: 1>} : vector<1x2048xi32>
    %convert_element_type3A_86 = arith.sitofp %iota3A_85 : vector<1x2048xi32> to vector<1x2048xf32>
    %add3A_87 = arith.constant 0.000000e+00 : f32
    %add3A_88 = vector.broadcast %add3A_87 : f32 to vector<1x2048xf32>
    %add3A_89 = arith.addf %convert_element_type3A_86, %add3A_88 : vector<1x2048xf32>
    %reduce_max3A_90 = arith.constant dense<0xFF800000> : vector<32xf32>
    %reduce_max3A_91 = vector.multi_reduction <maximumf>, %select_n3A, %reduce_max3A_90 [1] : vector<32x2048xf32> to vector<32xf32>
    %broadcast_in_dim3A_92 = vector.shape_cast %reduce_max3A_91 : vector<32xf32> to vector<32x1xf32>
    %eq3A_93 = vector.broadcast %broadcast_in_dim3A_92 : vector<32x1xf32> to vector<32x2048xf32>
    %eq3A_94 = arith.cmpf oeq, %select_n3A, %eq3A_93 : vector<32x2048xf32>
    %jit3A_95 = arith.constant 1.000000e+09 : f32
    %broadcast_in_dim3A_96 = vector.shape_cast %add3A_89 : vector<1x2048xf32> to vector<1x2048xf32>
    %broadcast_in_dim3A_97 = vector.broadcast %broadcast_in_dim3A_96 : vector<1x2048xf32> to vector<32x2048xf32>
    %broadcast_in_dim3A_98 = vector.broadcast %jit3A_95 : f32 to vector<32x2048xf32>
    %select_n3A_99 = arith.select %eq3A_94, %broadcast_in_dim3A_97, %broadcast_in_dim3A_98 : vector<32x2048xi1>, vector<32x2048xf32>
    %reduce_min3A_100 = arith.constant dense<0x7F800000> : vector<32xf32>
    %reduce_min3A_101 = vector.multi_reduction <minimumf>, %select_n3A_99, %reduce_min3A_100 [1] : vector<32x2048xf32> to vector<32xf32>
    %broadcast_in_dim3A_102 = vector.shape_cast %reduce_min3A_101 : vector<32xf32> to vector<32x1xf32>
    %gt3A = arith.cmpf ogt, %broadcast_in_dim3A_92, %broadcast_in_dim3A_13 : vector<32x1xf32>
    %select_n3A_103 = arith.select %gt3A, %broadcast_in_dim3A_92, %broadcast_in_dim3A_13 : vector<32x1xi1>, vector<32x1xf32>
    %select_n3A_104 = arith.select %gt3A, %broadcast_in_dim3A_102, %broadcast_in_dim3A_15 : vector<32x1xi1>, vector<32x1xf32>
    %get3A_105 = arith.constant 0 : index
    %get3A_106 = arith.constant 2048 : index
    %get3A_107 = vector.load %arg3[%get3A_105, %get3A_106] : memref<4x24576xf32, #tpu.memory_space<vmem>>, vector<1x2048xf32>
    %get3A_108 = arith.constant 1 : index
    %get3A_109 = arith.constant 2048 : index
    %get3A_110 = vector.load %arg3[%get3A_108, %get3A_109] : memref<4x24576xf32, #tpu.memory_space<vmem>>, vector<1x2048xf32>
    %get3A_111 = arith.constant 2 : index
    %get3A_112 = arith.constant 2048 : index
    %get3A_113 = vector.load %arg3[%get3A_111, %get3A_112] : memref<4x24576xf32, #tpu.memory_space<vmem>>, vector<1x2048xf32>
    %get3A_114 = arith.constant 3 : index
    %get3A_115 = arith.constant 2048 : index
    %get3A_116 = vector.load %arg3[%get3A_114, %get3A_115] : memref<4x24576xf32, #tpu.memory_space<vmem>>, vector<1x2048xf32>
    %mul3A_117 = arith.constant 5.000000e-01 : f32
    %mul3A_118 = vector.broadcast %mul3A_117 : f32 to vector<1x2048xf32>
    %mul3A_119 = arith.mulf %get3A_113, %mul3A_118 : vector<1x2048xf32>
    %sub3A_120 = arith.subf %get3A_107, %mul3A_119 : vector<1x2048xf32>
    %mul3A_121 = arith.constant 5.000000e-01 : f32
    %mul3A_122 = vector.broadcast %mul3A_121 : f32 to vector<1x2048xf32>
    %mul3A_123 = arith.mulf %get3A_116, %mul3A_122 : vector<1x2048xf32>
    %sub3A_124 = arith.subf %get3A_110, %mul3A_123 : vector<1x2048xf32>
    %mul3A_125 = arith.constant 5.000000e-01 : f32
    %mul3A_126 = vector.broadcast %mul3A_125 : f32 to vector<1x2048xf32>
    %mul3A_127 = arith.mulf %get3A_113, %mul3A_126 : vector<1x2048xf32>
    %add3A_128 = arith.addf %get3A_113, %mul3A_127 : vector<1x2048xf32>
    %mul3A_129 = arith.constant 5.000000e-01 : f32
    %mul3A_130 = vector.broadcast %mul3A_129 : f32 to vector<1x2048xf32>
    %mul3A_131 = arith.mulf %get3A_116, %mul3A_130 : vector<1x2048xf32>
    %add3A_132 = arith.addf %get3A_116, %mul3A_131 : vector<1x2048xf32>
    %sub3A_133 = arith.subf %add3A_128, %sub3A_120 : vector<1x2048xf32>
    %sub3A_134 = arith.subf %add3A_132, %sub3A_124 : vector<1x2048xf32>
    %mul3A_135 = arith.mulf %sub3A_133, %sub3A_134 : vector<1x2048xf32>
    %min3A_136 = vector.broadcast %slice3A_10 : vector<32x1xf32> to vector<32x2048xf32>
    %min3A_137 = vector.broadcast %add3A_128 : vector<1x2048xf32> to vector<32x2048xf32>
    %min3A_138 = arith.minimumf %min3A_136, %min3A_137 : vector<32x2048xf32>
    %max3A_139 = vector.broadcast %slice3A : vector<32x1xf32> to vector<32x2048xf32>
    %max3A_140 = vector.broadcast %sub3A_120 : vector<1x2048xf32> to vector<32x2048xf32>
    %max3A_141 = arith.maximumf %max3A_139, %max3A_140 : vector<32x2048xf32>
    %sub3A_142 = arith.subf %min3A_138, %max3A_141 : vector<32x2048xf32>
    %max3A_143 = arith.constant 0.000000e+00 : f32
    %max3A_144 = vector.broadcast %max3A_143 : f32 to vector<32x2048xf32>
    %max3A_145 = arith.maximumf %sub3A_142, %max3A_144 : vector<32x2048xf32>
    %min3A_146 = vector.broadcast %slice3A_11 : vector<32x1xf32> to vector<32x2048xf32>
    %min3A_147 = vector.broadcast %add3A_132 : vector<1x2048xf32> to vector<32x2048xf32>
    %min3A_148 = arith.minimumf %min3A_146, %min3A_147 : vector<32x2048xf32>
    %max3A_149 = vector.broadcast %slice3A_9 : vector<32x1xf32> to vector<32x2048xf32>
    %max3A_150 = vector.broadcast %sub3A_124 : vector<1x2048xf32> to vector<32x2048xf32>
    %max3A_151 = arith.maximumf %max3A_149, %max3A_150 : vector<32x2048xf32>
    %sub3A_152 = arith.subf %min3A_148, %max3A_151 : vector<32x2048xf32>
    %max3A_153 = arith.constant 0.000000e+00 : f32
    %max3A_154 = vector.broadcast %max3A_153 : f32 to vector<32x2048xf32>
    %max3A_155 = arith.maximumf %sub3A_152, %max3A_154 : vector<32x2048xf32>
    %mul3A_156 = arith.mulf %max3A_145, %max3A_155 : vector<32x2048xf32>
    %add3A_157 = vector.broadcast %mul3A : vector<32x1xf32> to vector<32x2048xf32>
    %add3A_158 = vector.broadcast %mul3A_135 : vector<1x2048xf32> to vector<32x2048xf32>
    %add3A_159 = arith.addf %add3A_157, %add3A_158 : vector<32x2048xf32>
    %sub3A_160 = arith.subf %add3A_159, %mul3A_156 : vector<32x2048xf32>
    %div3A_161 = arith.divf %mul3A_156, %sub3A_160 : vector<32x2048xf32>
    %ne3A_162 = arith.cmpf one, %div3A_161, %div3A_161 : vector<32x2048xf32>
    %jit3A_163 = arith.constant 0x7F800000 : f32
    %broadcast_in_dim3A_164 = vector.broadcast %jit3A_163 : f32 to vector<32x2048xf32>
    %select_n3A_165 = arith.select %ne3A_162, %broadcast_in_dim3A_164, %div3A_161 : vector<32x2048xi1>, vector<32x2048xf32>
    %reduce_max3A_166 = arith.constant dense<0xFF800000> : vector<2048xf32>
    %reduce_max3A_167 = vector.multi_reduction <maximumf>, %select_n3A_165, %reduce_max3A_166 [0] : vector<32x2048xf32> to vector<2048xf32>
    %broadcast_in_dim3A_168 = vector.shape_cast %reduce_max3A_167 : vector<2048xf32> to vector<1x2048xf32>
    %eq3A_169 = vector.broadcast %broadcast_in_dim3A_168 : vector<1x2048xf32> to vector<32x2048xf32>
    %eq3A_170 = arith.cmpf oeq, %select_n3A_165, %eq3A_169 : vector<32x2048xf32>
    %jit3A_171 = arith.constant 9.900000e+01 : f32
    %broadcast_in_dim3A_172 = vector.shape_cast %convert_element_type3A : vector<32x1xf32> to vector<32x1xf32>
    %broadcast_in_dim3A_173 = vector.broadcast %broadcast_in_dim3A_172 : vector<32x1xf32> to vector<32x2048xf32>
    %broadcast_in_dim3A_174 = vector.broadcast %jit3A_171 : f32 to vector<32x2048xf32>
    %select_n3A_175 = arith.select %eq3A_170, %broadcast_in_dim3A_173, %broadcast_in_dim3A_174 : vector<32x2048xi1>, vector<32x2048xf32>
    %reduce_min3A_176 = arith.constant dense<0x7F800000> : vector<2048xf32>
    %reduce_min3A_177 = vector.multi_reduction <minimumf>, %select_n3A_175, %reduce_min3A_176 [0] : vector<32x2048xf32> to vector<2048xf32>
    %broadcast_in_dim3A_178 = vector.shape_cast %reduce_min3A_177 : vector<2048xf32> to vector<1x2048xf32>
    %swap3A_179 = arith.constant 0 : index
    %swap3A_180 = arith.constant 2048 : index
    %swap3A_181 = vector.load %arg8[%swap3A_179, %swap3A_180] : memref<1x24576xf32, #tpu.memory_space<vmem>>, vector<1x2048xf32>
    tpu.vector_store %arg8[%swap3A_179, %swap3A_180], %broadcast_in_dim3A_168 {strides = array<i32>} : memref<1x24576xf32, #tpu.memory_space<vmem>>, vector<1x2048xf32>,
    %swap3A_182 = arith.constant 0 : index
    %swap3A_183 = arith.constant 2048 : index
    %swap3A_184 = vector.load %arg9[%swap3A_182, %swap3A_183] : memref<1x24576xf32, #tpu.memory_space<vmem>>, vector<1x2048xf32>
    tpu.vector_store %arg9[%swap3A_182, %swap3A_183], %broadcast_in_dim3A_178 {strides = array<i32>} : memref<1x24576xf32, #tpu.memory_space<vmem>>, vector<1x2048xf32>,
    %iota3A_185 = tpu.iota {dimensions = array<i32: 1>} : vector<1x2048xi32>
    %convert_element_type3A_186 = arith.sitofp %iota3A_185 : vector<1x2048xi32> to vector<1x2048xf32>
    %add3A_187 = arith.constant 2.048000e+03 : f32
    %add3A_188 = vector.broadcast %add3A_187 : f32 to vector<1x2048xf32>
    %add3A_189 = arith.addf %convert_element_type3A_186, %add3A_188 : vector<1x2048xf32>
    %reduce_max3A_190 = arith.constant dense<0xFF800000> : vector<32xf32>
    %reduce_max3A_191 = vector.multi_reduction <maximumf>, %select_n3A_165, %reduce_max3A_190 [1] : vector<32x2048xf32> to vector<32xf32>
    %broadcast_in_dim3A_192 = vector.shape_cast %reduce_max3A_191 : vector<32xf32> to vector<32x1xf32>
    %eq3A_193 = vector.broadcast %broadcast_in_dim3A_192 : vector<32x1xf32> to vector<32x2048xf32>
    %eq3A_194 = arith.cmpf oeq, %select_n3A_165, %eq3A_193 : vector<32x2048xf32>
    %jit3A_195 = arith.constant 1.000000e+09 : f32
    %broadcast_in_dim3A_196 = vector.shape_cast %add3A_189 : vector<1x2048xf32> to vector<1x2048xf32>
    %broadcast_in_dim3A_197 = vector.broadcast %broadcast_in_dim3A_196 : vector<1x2048xf32> to vector<32x2048xf32>
    %broadcast_in_dim3A_198 = vector.broadcast %jit3A_195 : f32 to vector<32x2048xf32>
    %select_n3A_199 = arith.select %eq3A_194, %broadcast_in_dim3A_197, %broadcast_in_dim3A_198 : vector<32x2048xi1>, vector<32x2048xf32>
    %reduce_min3A_200 = arith.constant dense<0x7F800000> : vector<32xf32>
    %reduce_min3A_201 = vector.multi_reduction <minimumf>, %select_n3A_199, %reduce_min3A_200 [1] : vector<32x2048xf32> to vector<32xf32>
    %broadcast_in_dim3A_202 = vector.shape_cast %reduce_min3A_201 : vector<32xf32> to vector<32x1xf32>
    %gt3A_203 = arith.cmpf ogt, %broadcast_in_dim3A_192, %select_n3A_103 : vector<32x1xf32>
    %select_n3A_204 = arith.select %gt3A_203, %broadcast_in_dim3A_192, %select_n3A_103 : vector<32x1xi1>, vector<32x1xf32>
    %select_n3A_205 = arith.select %gt3A_203, %broadcast_in_dim3A_202, %select_n3A_104 : vector<32x1xi1>, vector<32x1xf32>
    %get3A_206 = arith.constant 0 : index
    %get3A_207 = arith.constant 4096 : index
    %get3A_208 = vector.load %arg3[%get3A_206, %get3A_207] : memref<4x24576xf32, #tpu.memory_space<vmem>>, vector<1x2048xf32>
    %get3A_209 = arith.constant 1 : index
    %get3A_210 = arith.constant 4096 : index
    %get3A_211 = vector.load %arg3[%get3A_209, %get3A_210] : memref<4x24576xf32, #tpu.memory_space<vmem>>, vector<1x2048xf32>
    %get3A_212 = arith.constant 2 : index
    %get3A_213 = arith.constant 4096 : index
    %get3A_214 = vector.load %arg3[%get3A_212, %get3A_213] : memref<4x24576xf32, #tpu.memory_space<vmem>>, vector<1x2048xf32>
    %get3A_215 = arith.constant 3 : index
    %get3A_216 = arith.constant 4096 : index
    %get3A_217 = vector.load %arg3[%get3A_215, %get3A_216] : memref<4x24576xf32, #tpu.memory_space<vmem>>, vector<1x2048xf32>
    %mul3A_218 = arith.constant 5.000000e-01 : f32
    %mul3A_219 = vector.broadcast %mul3A_218 : f32 to vector<1x2048xf32>
    %mul3A_220 = arith.mulf %get3A_214, %mul3A_219 : vector<1x2048xf32>
    %sub3A_221 = arith.subf %get3A_208, %mul3A_220 : vector<1x2048xf32>
    %mul3A_222 = arith.constant 5.000000e-01 : f32
    %mul3A_223 = vector.broadcast %mul3A_222 : f32 to vector<1x2048xf32>
    %mul3A_224 = arith.mulf %get3A_217, %mul3A_223 : vector<1x2048xf32>
    %sub3A_225 = arith.subf %get3A_211, %mul3A_224 : vector<1x2048xf32>
    %mul3A_226 = arith.constant 5.000000e-01 : f32
    %mul3A_227 = vector.broadcast %mul3A_226 : f32 to vector<1x2048xf32>
    %mul3A_228 = arith.mulf %get3A_214, %mul3A_227 : vector<1x2048xf32>
    %add3A_229 = arith.addf %get3A_214, %mul3A_228 : vector<1x2048xf32>
    %mul3A_230 = arith.constant 5.000000e-01 : f32
    %mul3A_231 = vector.broadcast %mul3A_230 : f32 to vector<1x2048xf32>
    %mul3A_232 = arith.mulf %get3A_217, %mul3A_231 : vector<1x2048xf32>
    %add3A_233 = arith.addf %get3A_217, %mul3A_232 : vector<1x2048xf32>
    %sub3A_234 = arith.subf %add3A_229, %sub3A_221 : vector<1x2048xf32>
    %sub3A_235 = arith.subf %add3A_233, %sub3A_225 : vector<1x2048xf32>
    %mul3A_236 = arith.mulf %sub3A_234, %sub3A_235 : vector<1x2048xf32>
    %min3A_237 = vector.broadcast %slice3A_10 : vector<32x1xf32> to vector<32x2048xf32>
    %min3A_238 = vector.broadcast %add3A_229 : vector<1x2048xf32> to vector<32x2048xf32>
    %min3A_239 = arith.minimumf %min3A_237, %min3A_238 : vector<32x2048xf32>
    %max3A_240 = vector.broadcast %slice3A : vector<32x1xf32> to vector<32x2048xf32>
    %max3A_241 = vector.broadcast %sub3A_221 : vector<1x2048xf32> to vector<32x2048xf32>
    %max3A_242 = arith.maximumf %max3A_240, %max3A_241 : vector<32x2048xf32>
    %sub3A_243 = arith.subf %min3A_239, %max3A_242 : vector<32x2048xf32>
    %max3A_244 = arith.constant 0.000000e+00 : f32
    %max3A_245 = vector.broadcast %max3A_244 : f32 to vector<32x2048xf32>
    %max3A_246 = arith.maximumf %sub3A_243, %max3A_245 : vector<32x2048xf32>
    %min3A_247 = vector.broadcast %slice3A_11 : vector<32x1xf32> to vector<32x2048xf32>
    %min3A_248 = vector.broadcast %add3A_233 : vector<1x2048xf32> to vector<32x2048xf32>
    %min3A_249 = arith.minimumf %min3A_247, %min3A_248 : vector<32x2048xf32>
    %max3A_250 = vector.broadcast %slice3A_9 : vector<32x1xf32> to vector<32x2048xf32>
    %max3A_251 = vector.broadcast %sub3A_225 : vector<1x2048xf32> to vector<32x2048xf32>
    %max3A_252 = arith.maximumf %max3A_250, %max3A_251 : vector<32x2048xf32>
    %sub3A_253 = arith.subf %min3A_249, %max3A_252 : vector<32x2048xf32>
    %max3A_254 = arith.constant 0.000000e+00 : f32
    %max3A_255 = vector.broadcast %max3A_254 : f32 to vector<32x2048xf32>
    %max3A_256 = arith.maximumf %sub3A_253, %max3A_255 : vector<32x2048xf32>
    %mul3A_257 = arith.mulf %max3A_246, %max3A_256 : vector<32x2048xf32>
    %add3A_258 = vector.broadcast %mul3A : vector<32x1xf32> to vector<32x2048xf32>
    %add3A_259 = vector.broadcast %mul3A_236 : vector<1x2048xf32> to vector<32x2048xf32>
    %add3A_260 = arith.addf %add3A_258, %add3A_259 : vector<32x2048xf32>
    %sub3A_261 = arith.subf %add3A_260, %mul3A_257 : vector<32x2048xf32>
    %div3A_262 = arith.divf %mul3A_257, %sub3A_261 : vector<32x2048xf32>
    %ne3A_263 = arith.cmpf one, %div3A_262, %div3A_262 : vector<32x2048xf32>
    %jit3A_264 = arith.constant 0x7F800000 : f32
    %broadcast_in_dim3A_265 = vector.broadcast %jit3A_264 : f32 to vector<32x2048xf32>
    %select_n3A_266 = arith.select %ne3A_263, %broadcast_in_dim3A_265, %div3A_262 : vector<32x2048xi1>, vector<32x2048xf32>
    %reduce_max3A_267 = arith.constant dense<0xFF800000> : vector<2048xf32>
    %reduce_max3A_268 = vector.multi_reduction <maximumf>, %select_n3A_266, %reduce_max3A_267 [0] : vector<32x2048xf32> to vector<2048xf32>
    %broadcast_in_dim3A_269 = vector.shape_cast %reduce_max3A_268 : vector<2048xf32> to vector<1x2048xf32>
    %eq3A_270 = vector.broadcast %broadcast_in_dim3A_269 : vector<1x2048xf32> to vector<32x2048xf32>
    %eq3A_271 = arith.cmpf oeq, %select_n3A_266, %eq3A_270 : vector<32x2048xf32>
    %jit3A_272 = arith.constant 9.900000e+01 : f32
    %broadcast_in_dim3A_273 = vector.shape_cast %convert_element_type3A : vector<32x1xf32> to vector<32x1xf32>
    %broadcast_in_dim3A_274 = vector.broadcast %broadcast_in_dim3A_273 : vector<32x1xf32> to vector<32x2048xf32>
    %broadcast_in_dim3A_275 = vector.broadcast %jit3A_272 : f32 to vector<32x2048xf32>
    %select_n3A_276 = arith.select %eq3A_271, %broadcast_in_dim3A_274, %broadcast_in_dim3A_275 : vector<32x2048xi1>, vector<32x2048xf32>
    %reduce_min3A_277 = arith.constant dense<0x7F800000> : vector<2048xf32>
    %reduce_min3A_278 = vector.multi_reduction <minimumf>, %select_n3A_276, %reduce_min3A_277 [0] : vector<32x2048xf32> to vector<2048xf32>
    %broadcast_in_dim3A_279 = vector.shape_cast %reduce_min3A_278 : vector<2048xf32> to vector<1x2048xf32>
    %swap3A_280 = arith.constant 0 : index
    %swap3A_281 = arith.constant 4096 : index
    %swap3A_282 = vector.load %arg8[%swap3A_280, %swap3A_281] : memref<1x24576xf32, #tpu.memory_space<vmem>>, vector<1x2048xf32>
    tpu.vector_store %arg8[%swap3A_280, %swap3A_281], %broadcast_in_dim3A_269 {strides = array<i32>} : memref<1x24576xf32, #tpu.memory_space<vmem>>, vector<1x2048xf32>,
    %swap3A_283 = arith.constant 0 : index
    %swap3A_284 = arith.constant 4096 : index
    %swap3A_285 = vector.load %arg9[%swap3A_283, %swap3A_284] : memref<1x24576xf32, #tpu.memory_space<vmem>>, vector<1x2048xf32>
    tpu.vector_store %arg9[%swap3A_283, %swap3A_284], %broadcast_in_dim3A_279 {strides = array<i32>} : memref<1x24576xf32, #tpu.memory_space<vmem>>, vector<1x2048xf32>,
    %iota3A_286 = tpu.iota {dimensions = array<i32: 1>} : vector<1x2048xi32>
    %convert_element_type3A_287 = arith.sitofp %iota3A_286 : vector<1x2048xi32> to vector<1x2048xf32>
    %add3A_288 = arith.constant 4.096000e+03 : f32
    %add3A_289 = vector.broadcast %add3A_288 : f32 to vector<1x2048xf32>
    %add3A_290 = arith.addf %convert_element_type3A_287, %add3A_289 : vector<1x2048xf32>
    %reduce_max3A_291 = arith.constant dense<0xFF800000> : vector<32xf32>
    %reduce_max3A_292 = vector.multi_reduction <maximumf>, %select_n3A_266, %reduce_max3A_291 [1] : vector<32x2048xf32> to vector<32xf32>
    %broadcast_in_dim3A_293 = vector.shape_cast %reduce_max3A_292 : vector<32xf32> to vector<32x1xf32>
    %eq3A_294 = vector.broadcast %broadcast_in_dim3A_293 : vector<32x1xf32> to vector<32x2048xf32>
    %eq3A_295 = arith.cmpf oeq, %select_n3A_266, %eq3A_294 : vector<32x2048xf32>
    %jit3A_296 = arith.constant 1.000000e+09 : f32
    %broadcast_in_dim3A_297 = vector.shape_cast %add3A_290 : vector<1x2048xf32> to vector<1x2048xf32>
    %broadcast_in_dim3A_298 = vector.broadcast %broadcast_in_dim3A_297 : vector<1x2048xf32> to vector<32x2048xf32>
    %broadcast_in_dim3A_299 = vector.broadcast %jit3A_296 : f32 to vector<32x2048xf32>
    %select_n3A_300 = arith.select %eq3A_295, %broadcast_in_dim3A_298, %broadcast_in_dim3A_299 : vector<32x2048xi1>, vector<32x2048xf32>
    %reduce_min3A_301 = arith.constant dense<0x7F800000> : vector<32xf32>
    %reduce_min3A_302 = vector.multi_reduction <minimumf>, %select_n3A_300, %reduce_min3A_301 [1] : vector<32x2048xf32> to vector<32xf32>
    %broadcast_in_dim3A_303 = vector.shape_cast %reduce_min3A_302 : vector<32xf32> to vector<32x1xf32>
    %gt3A_304 = arith.cmpf ogt, %broadcast_in_dim3A_293, %select_n3A_204 : vector<32x1xf32>
    %select_n3A_305 = arith.select %gt3A_304, %broadcast_in_dim3A_293, %select_n3A_204 : vector<32x1xi1>, vector<32x1xf32>
    %select_n3A_306 = arith.select %gt3A_304, %broadcast_in_dim3A_303, %select_n3A_205 : vector<32x1xi1>, vector<32x1xf32>
    %get3A_307 = arith.constant 0 : index
    %get3A_308 = arith.constant 6144 : index
    %get3A_309 = vector.load %arg3[%get3A_307, %get3A_308] : memref<4x24576xf32, #tpu.memory_space<vmem>>, vector<1x2048xf32>
    %get3A_310 = arith.constant 1 : index
    %get3A_311 = arith.constant 6144 : index
    %get3A_312 = vector.load %arg3[%get3A_310, %get3A_311] : memref<4x24576xf32, #tpu.memory_space<vmem>>, vector<1x2048xf32>
    %get3A_313 = arith.constant 2 : index
    %get3A_314 = arith.constant 6144 : index
    %get3A_315 = vector.load %arg3[%get3A_313, %get3A_314] : memref<4x24576xf32, #tpu.memory_space<vmem>>, vector<1x2048xf32>
    %get3A_316 = arith.constant 3 : index
    %get3A_317 = arith.constant 6144 : index
    %get3A_318 = vector.load %arg3[%get3A_316, %get3A_317] : memref<4x24576xf32, #tpu.memory_space<vmem>>, vector<1x2048xf32>
    %mul3A_319 = arith.constant 5.000000e-01 : f32
    %mul3A_320 = vector.broadcast %mul3A_319 : f32 to vector<1x2048xf32>
    %mul3A_321 = arith.mulf %get3A_315, %mul3A_320 : vector<1x2048xf32>
    %sub3A_322 = arith.subf %get3A_309, %mul3A_321 : vector<1x2048xf32>
    %mul3A_323 = arith.constant 5.000000e-01 : f32
    %mul3A_324 = vector.broadcast %mul3A_323 : f32 to vector<1x2048xf32>
    %mul3A_325 = arith.mulf %get3A_318, %mul3A_324 : vector<1x2048xf32>
    %sub3A_326 = arith.subf %get3A_312, %mul3A_325 : vector<1x2048xf32>
    %mul3A_327 = arith.constant 5.000000e-01 : f32
    %mul3A_328 = vector.broadcast %mul3A_327 : f32 to vector<1x2048xf32>
    %mul3A_329 = arith.mulf %get3A_315, %mul3A_328 : vector<1x2048xf32>
    %add3A_330 = arith.addf %get3A_315, %mul3A_329 : vector<1x2048xf32>
    %mul3A_331 = arith.constant 5.000000e-01 : f32
    %mul3A_332 = vector.broadcast %mul3A_331 : f32 to vector<1x2048xf32>
    %mul3A_333 = arith.mulf %get3A_318, %mul3A_332 : vector<1x2048xf32>
    %add3A_334 = arith.addf %get3A_318, %mul3A_333 : vector<1x2048xf32>
    %sub3A_335 = arith.subf %add3A_330, %sub3A_322 : vector<1x2048xf32>
    %sub3A_336 = arith.subf %add3A_334, %sub3A_326 : vector<1x2048xf32>
    %mul3A_337 = arith.mulf %sub3A_335, %sub3A_336 : vector<1x2048xf32>
    %min3A_338 = vector.broadcast %slice3A_10 : vector<32x1xf32> to vector<32x2048xf32>
    %min3A_339 = vector.broadcast %add3A_330 : vector<1x2048xf32> to vector<32x2048xf32>
    %min3A_340 = arith.minimumf %min3A_338, %min3A_339 : vector<32x2048xf32>
    %max3A_341 = vector.broadcast %slice3A : vector<32x1xf32> to vector<32x2048xf32>
    %max3A_342 = vector.broadcast %sub3A_322 : vector<1x2048xf32> to vector<32x2048xf32>
    %max3A_343 = arith.maximumf %max3A_341, %max3A_342 : vector<32x2048xf32>
    %sub3A_344 = arith.subf %min3A_340, %max3A_343 : vector<32x2048xf32>
    %max3A_345 = arith.constant 0.000000e+00 : f32
    %max3A_346 = vector.broadcast %max3A_345 : f32 to vector<32x2048xf32>
    %max3A_347 = arith.maximumf %sub3A_344, %max3A_346 : vector<32x2048xf32>
    %min3A_348 = vector.broadcast %slice3A_11 : vector<32x1xf32> to vector<32x2048xf32>
    %min3A_349 = vector.broadcast %add3A_334 : vector<1x2048xf32> to vector<32x2048xf32>
    %min3A_350 = arith.minimumf %min3A_348, %min3A_349 : vector<32x2048xf32>
    %max3A_351 = vector.broadcast %slice3A_9 : vector<32x1xf32> to vector<32x2048xf32>
    %max3A_352 = vector.broadcast %sub3A_326 : vector<1x2048xf32> to vector<32x2048xf32>
    %max3A_353 = arith.maximumf %max3A_351, %max3A_352 : vector<32x2048xf32>
    %sub3A_354 = arith.subf %min3A_350, %max3A_353 : vector<32x2048xf32>
    %max3A_355 = arith.constant 0.000000e+00 : f32
    %max3A_356 = vector.broadcast %max3A_355 : f32 to vector<32x2048xf32>
    %max3A_357 = arith.maximumf %sub3A_354, %max3A_356 : vector<32x2048xf32>
    %mul3A_358 = arith.mulf %max3A_347, %max3A_357 : vector<32x2048xf32>
    %add3A_359 = vector.broadcast %mul3A : vector<32x1xf32> to vector<32x2048xf32>
    %add3A_360 = vector.broadcast %mul3A_337 : vector<1x2048xf32> to vector<32x2048xf32>
    %add3A_361 = arith.addf %add3A_359, %add3A_360 : vector<32x2048xf32>
    %sub3A_362 = arith.subf %add3A_361, %mul3A_358 : vector<32x2048xf32>
    %div3A_363 = arith.divf %mul3A_358, %sub3A_362 : vector<32x2048xf32>
    %ne3A_364 = arith.cmpf one, %div3A_363, %div3A_363 : vector<32x2048xf32>
    %jit3A_365 = arith.constant 0x7F800000 : f32
    %broadcast_in_dim3A_366 = vector.broadcast %jit3A_365 : f32 to vector<32x2048xf32>
    %select_n3A_367 = arith.select %ne3A_364, %broadcast_in_dim3A_366, %div3A_363 : vector<32x2048xi1>, vector<32x2048xf32>
    %reduce_max3A_368 = arith.constant dense<0xFF800000> : vector<2048xf32>
    %reduce_max3A_369 = vector.multi_reduction <maximumf>, %select_n3A_367, %reduce_max3A_368 [0] : vector<32x2048xf32> to vector<2048xf32>
    %broadcast_in_dim3A_370 = vector.shape_cast %reduce_max3A_369 : vector<2048xf32> to vector<1x2048xf32>
    %eq3A_371 = vector.broadcast %broadcast_in_dim3A_370 : vector<1x2048xf32> to vector<32x2048xf32>
    %eq3A_372 = arith.cmpf oeq, %select_n3A_367, %eq3A_371 : vector<32x2048xf32>
    %jit3A_373 = arith.constant 9.900000e+01 : f32
    %broadcast_in_dim3A_374 = vector.shape_cast %convert_element_type3A : vector<32x1xf32> to vector<32x1xf32>
    %broadcast_in_dim3A_375 = vector.broadcast %broadcast_in_dim3A_374 : vector<32x1xf32> to vector<32x2048xf32>
    %broadcast_in_dim3A_376 = vector.broadcast %jit3A_373 : f32 to vector<32x2048xf32>
    %select_n3A_377 = arith.select %eq3A_372, %broadcast_in_dim3A_375, %broadcast_in_dim3A_376 : vector<32x2048xi1>, vector<32x2048xf32>
    %reduce_min3A_378 = arith.constant dense<0x7F800000> : vector<2048xf32>
    %reduce_min3A_379 = vector.multi_reduction <minimumf>, %select_n3A_377, %reduce_min3A_378 [0] : vector<32x2048xf32> to vector<2048xf32>
    %broadcast_in_dim3A_380 = vector.shape_cast %reduce_min3A_379 : vector<2048xf32> to vector<1x2048xf32>
    %swap3A_381 = arith.constant 0 : index
    %swap3A_382 = arith.constant 6144 : index
    %swap3A_383 = vector.load %arg8[%swap3A_381, %swap3A_382] : memref<1x24576xf32, #tpu.memory_space<vmem>>, vector<1x2048xf32>
    tpu.vector_store %arg8[%swap3A_381, %swap3A_382], %broadcast_in_dim3A_370 {strides = array<i32>} : memref<1x24576xf32, #tpu.memory_space<vmem>>, vector<1x2048xf32>,
    %swap3A_384 = arith.constant 0 : index
    %swap3A_385 = arith.constant 6144 : index
    %swap3A_386 = vector.load %arg9[%swap3A_384, %swap3A_385] : memref<1x24576xf32, #tpu.memory_space<vmem>>, vector<1x2048xf32>
    tpu.vector_store %arg9[%swap3A_384, %swap3A_385], %broadcast_in_dim3A_380 {strides = array<i32>} : memref<1x24576xf32, #tpu.memory_space<vmem>>, vector<1x2048xf32>,
    %iota3A_387 = tpu.iota {dimensions = array<i32: 1>} : vector<1x2048xi32>
    %convert_element_type3A_388 = arith.sitofp %iota3A_387 : vector<1x2048xi32> to vector<1x2048xf32>
    %add3A_389 = arith.constant 6.144000e+03 : f32
    %add3A_390 = vector.broadcast %add3A_389 : f32 to vector<1x2048xf32>
    %add3A_391 = arith.addf %convert_element_type3A_388, %add3A_390 : vector<1x2048xf32>
    %reduce_max3A_392 = arith.constant dense<0xFF800000> : vector<32xf32>
    %reduce_max3A_393 = vector.multi_reduction <maximumf>, %select_n3A_367, %reduce_max3A_392 [1] : vector<32x2048xf32> to vector<32xf32>
    %broadcast_in_dim3A_394 = vector.shape_cast %reduce_max3A_393 : vector<32xf32> to vector<32x1xf32>
    %eq3A_395 = vector.broadcast %broadcast_in_dim3A_394 : vector<32x1xf32> to vector<32x2048xf32>
    %eq3A_396 = arith.cmpf oeq, %select_n3A_367, %eq3A_395 : vector<32x2048xf32>
    %jit3A_397 = arith.constant 1.000000e+09 : f32
    %broadcast_in_dim3A_398 = vector.shape_cast %add3A_391 : vector<1x2048xf32> to vector<1x2048xf32>
    %broadcast_in_dim3A_399 = vector.broadcast %broadcast_in_dim3A_398 : vector<1x2048xf32> to vector<32x2048xf32>
    %broadcast_in_dim3A_400 = vector.broadcast %jit3A_397 : f32 to vector<32x2048xf32>
    %select_n3A_401 = arith.select %eq3A_396, %broadcast_in_dim3A_399, %broadcast_in_dim3A_400 : vector<32x2048xi1>, vector<32x2048xf32>
    %reduce_min3A_402 = arith.constant dense<0x7F800000> : vector<32xf32>
    %reduce_min3A_403 = vector.multi_reduction <minimumf>, %select_n3A_401, %reduce_min3A_402 [1] : vector<32x2048xf32> to vector<32xf32>
    %broadcast_in_dim3A_404 = vector.shape_cast %reduce_min3A_403 : vector<32xf32> to vector<32x1xf32>
    %gt3A_405 = arith.cmpf ogt, %broadcast_in_dim3A_394, %select_n3A_305 : vector<32x1xf32>
    %select_n3A_406 = arith.select %gt3A_405, %broadcast_in_dim3A_394, %select_n3A_305 : vector<32x1xi1>, vector<32x1xf32>
    %select_n3A_407 = arith.select %gt3A_405, %broadcast_in_dim3A_404, %select_n3A_306 : vector<32x1xi1>, vector<32x1xf32>
    %get3A_408 = arith.constant 0 : index
    %get3A_409 = arith.constant 8192 : index
    %get3A_410 = vector.load %arg3[%get3A_408, %get3A_409] : memref<4x24576xf32, #tpu.memory_space<vmem>>, vector<1x2048xf32>
    %get3A_411 = arith.constant 1 : index
    %get3A_412 = arith.constant 8192 : index
    %get3A_413 = vector.load %arg3[%get3A_411, %get3A_412] : memref<4x24576xf32, #tpu.memory_space<vmem>>, vector<1x2048xf32>
    %get3A_414 = arith.constant 2 : index
    %get3A_415 = arith.constant 8192 : index
    %get3A_416 = vector.load %arg3[%get3A_414, %get3A_415] : memref<4x24576xf32, #tpu.memory_space<vmem>>, vector<1x2048xf32>
    %get3A_417 = arith.constant 3 : index
    %get3A_418 = arith.constant 8192 : index
    %get3A_419 = vector.load %arg3[%get3A_417, %get3A_418] : memref<4x24576xf32, #tpu.memory_space<vmem>>, vector<1x2048xf32>
    %mul3A_420 = arith.constant 5.000000e-01 : f32
    %mul3A_421 = vector.broadcast %mul3A_420 : f32 to vector<1x2048xf32>
    %mul3A_422 = arith.mulf %get3A_416, %mul3A_421 : vector<1x2048xf32>
    %sub3A_423 = arith.subf %get3A_410, %mul3A_422 : vector<1x2048xf32>
    %mul3A_424 = arith.constant 5.000000e-01 : f32
    %mul3A_425 = vector.broadcast %mul3A_424 : f32 to vector<1x2048xf32>
    %mul3A_426 = arith.mulf %get3A_419, %mul3A_425 : vector<1x2048xf32>
    %sub3A_427 = arith.subf %get3A_413, %mul3A_426 : vector<1x2048xf32>
    %mul3A_428 = arith.constant 5.000000e-01 : f32
    %mul3A_429 = vector.broadcast %mul3A_428 : f32 to vector<1x2048xf32>
    %mul3A_430 = arith.mulf %get3A_416, %mul3A_429 : vector<1x2048xf32>
    %add3A_431 = arith.addf %get3A_416, %mul3A_430 : vector<1x2048xf32>
    %mul3A_432 = arith.constant 5.000000e-01 : f32
    %mul3A_433 = vector.broadcast %mul3A_432 : f32 to vector<1x2048xf32>
    %mul3A_434 = arith.mulf %get3A_419, %mul3A_433 : vector<1x2048xf32>
    %add3A_435 = arith.addf %get3A_419, %mul3A_434 : vector<1x2048xf32>
    %sub3A_436 = arith.subf %add3A_431, %sub3A_423 : vector<1x2048xf32>
    %sub3A_437 = arith.subf %add3A_435, %sub3A_427 : vector<1x2048xf32>
    %mul3A_438 = arith.mulf %sub3A_436, %sub3A_437 : vector<1x2048xf32>
    %min3A_439 = vector.broadcast %slice3A_10 : vector<32x1xf32> to vector<32x2048xf32>
    %min3A_440 = vector.broadcast %add3A_431 : vector<1x2048xf32> to vector<32x2048xf32>
    %min3A_441 = arith.minimumf %min3A_439, %min3A_440 : vector<32x2048xf32>
    %max3A_442 = vector.broadcast %slice3A : vector<32x1xf32> to vector<32x2048xf32>
    %max3A_443 = vector.broadcast %sub3A_423 : vector<1x2048xf32> to vector<32x2048xf32>
    %max3A_444 = arith.maximumf %max3A_442, %max3A_443 : vector<32x2048xf32>
    %sub3A_445 = arith.subf %min3A_441, %max3A_444 : vector<32x2048xf32>
    %max3A_446 = arith.constant 0.000000e+00 : f32
    %max3A_447 = vector.broadcast %max3A_446 : f32 to vector<32x2048xf32>
    %max3A_448 = arith.maximumf %sub3A_445, %max3A_447 : vector<32x2048xf32>
    %min3A_449 = vector.broadcast %slice3A_11 : vector<32x1xf32> to vector<32x2048xf32>
    %min3A_450 = vector.broadcast %add3A_435 : vector<1x2048xf32> to vector<32x2048xf32>
    %min3A_451 = arith.minimumf %min3A_449, %min3A_450 : vector<32x2048xf32>
    %max3A_452 = vector.broadcast %slice3A_9 : vector<32x1xf32> to vector<32x2048xf32>
    %max3A_453 = vector.broadcast %sub3A_427 : vector<1x2048xf32> to vector<32x2048xf32>
    %max3A_454 = arith.maximumf %max3A_452, %max3A_453 : vector<32x2048xf32>
    %sub3A_455 = arith.subf %min3A_451, %max3A_454 : vector<32x2048xf32>
    %max3A_456 = arith.constant 0.000000e+00 : f32
    %max3A_457 = vector.broadcast %max3A_456 : f32 to vector<32x2048xf32>
    %max3A_458 = arith.maximumf %sub3A_455, %max3A_457 : vector<32x2048xf32>
    %mul3A_459 = arith.mulf %max3A_448, %max3A_458 : vector<32x2048xf32>
    %add3A_460 = vector.broadcast %mul3A : vector<32x1xf32> to vector<32x2048xf32>
    %add3A_461 = vector.broadcast %mul3A_438 : vector<1x2048xf32> to vector<32x2048xf32>
    %add3A_462 = arith.addf %add3A_460, %add3A_461 : vector<32x2048xf32>
    %sub3A_463 = arith.subf %add3A_462, %mul3A_459 : vector<32x2048xf32>
    %div3A_464 = arith.divf %mul3A_459, %sub3A_463 : vector<32x2048xf32>
    %ne3A_465 = arith.cmpf one, %div3A_464, %div3A_464 : vector<32x2048xf32>
    %jit3A_466 = arith.constant 0x7F800000 : f32
    %broadcast_in_dim3A_467 = vector.broadcast %jit3A_466 : f32 to vector<32x2048xf32>
    %select_n3A_468 = arith.select %ne3A_465, %broadcast_in_dim3A_467, %div3A_464 : vector<32x2048xi1>, vector<32x2048xf32>
    %reduce_max3A_469 = arith.constant dense<0xFF800000> : vector<2048xf32>
    %reduce_max3A_470 = vector.multi_reduction <maximumf>, %select_n3A_468, %reduce_max3A_469 [0] : vector<32x2048xf32> to vector<2048xf32>
    %broadcast_in_dim3A_471 = vector.shape_cast %reduce_max3A_470 : vector<2048xf32> to vector<1x2048xf32>
    %eq3A_472 = vector.broadcast %broadcast_in_dim3A_471 : vector<1x2048xf32> to vector<32x2048xf32>
    %eq3A_473 = arith.cmpf oeq, %select_n3A_468, %eq3A_472 : vector<32x2048xf32>
    %jit3A_474 = arith.constant 9.900000e+01 : f32
    %broadcast_in_dim3A_475 = vector.shape_cast %convert_element_type3A : vector<32x1xf32> to vector<32x1xf32>
    %broadcast_in_dim3A_476 = vector.broadcast %broadcast_in_dim3A_475 : vector<32x1xf32> to vector<32x2048xf32>
    %broadcast_in_dim3A_477 = vector.broadcast %jit3A_474 : f32 to vector<32x2048xf32>
    %select_n3A_478 = arith.select %eq3A_473, %broadcast_in_dim3A_476, %broadcast_in_dim3A_477 : vector<32x2048xi1>, vector<32x2048xf32>
    %reduce_min3A_479 = arith.constant dense<0x7F800000> : vector<2048xf32>
    %reduce_min3A_480 = vector.multi_reduction <minimumf>, %select_n3A_478, %reduce_min3A_479 [0] : vector<32x2048xf32> to vector<2048xf32>
    %broadcast_in_dim3A_481 = vector.shape_cast %reduce_min3A_480 : vector<2048xf32> to vector<1x2048xf32>
    %swap3A_482 = arith.constant 0 : index
    %swap3A_483 = arith.constant 8192 : index
    %swap3A_484 = vector.load %arg8[%swap3A_482, %swap3A_483] : memref<1x24576xf32, #tpu.memory_space<vmem>>, vector<1x2048xf32>
    tpu.vector_store %arg8[%swap3A_482, %swap3A_483], %broadcast_in_dim3A_471 {strides = array<i32>} : memref<1x24576xf32, #tpu.memory_space<vmem>>, vector<1x2048xf32>,
    %swap3A_485 = arith.constant 0 : index
    %swap3A_486 = arith.constant 8192 : index
    %swap3A_487 = vector.load %arg9[%swap3A_485, %swap3A_486] : memref<1x24576xf32, #tpu.memory_space<vmem>>, vector<1x2048xf32>
    tpu.vector_store %arg9[%swap3A_485, %swap3A_486], %broadcast_in_dim3A_481 {strides = array<i32>} : memref<1x24576xf32, #tpu.memory_space<vmem>>, vector<1x2048xf32>,
    %iota3A_488 = tpu.iota {dimensions = array<i32: 1>} : vector<1x2048xi32>
    %convert_element_type3A_489 = arith.sitofp %iota3A_488 : vector<1x2048xi32> to vector<1x2048xf32>
    %add3A_490 = arith.constant 8.192000e+03 : f32
    %add3A_491 = vector.broadcast %add3A_490 : f32 to vector<1x2048xf32>
    %add3A_492 = arith.addf %convert_element_type3A_489, %add3A_491 : vector<1x2048xf32>
    %reduce_max3A_493 = arith.constant dense<0xFF800000> : vector<32xf32>
    %reduce_max3A_494 = vector.multi_reduction <maximumf>, %select_n3A_468, %reduce_max3A_493 [1] : vector<32x2048xf32> to vector<32xf32>
    %broadcast_in_dim3A_495 = vector.shape_cast %reduce_max3A_494 : vector<32xf32> to vector<32x1xf32>
    %eq3A_496 = vector.broadcast %broadcast_in_dim3A_495 : vector<32x1xf32> to vector<32x2048xf32>
    %eq3A_497 = arith.cmpf oeq, %select_n3A_468, %eq3A_496 : vector<32x2048xf32>
    %jit3A_498 = arith.constant 1.000000e+09 : f32
    %broadcast_in_dim3A_499 = vector.shape_cast %add3A_492 : vector<1x2048xf32> to vector<1x2048xf32>
    %broadcast_in_dim3A_500 = vector.broadcast %broadcast_in_dim3A_499 : vector<1x2048xf32> to vector<32x2048xf32>
    %broadcast_in_dim3A_501 = vector.broadcast %jit3A_498 : f32 to vector<32x2048xf32>
    %select_n3A_502 = arith.select %eq3A_497, %broadcast_in_dim3A_500, %broadcast_in_dim3A_501 : vector<32x2048xi1>, vector<32x2048xf32>
    %reduce_min3A_503 = arith.constant dense<0x7F800000> : vector<32xf32>
    %reduce_min3A_504 = vector.multi_reduction <minimumf>, %select_n3A_502, %reduce_min3A_503 [1] : vector<32x2048xf32> to vector<32xf32>
    %broadcast_in_dim3A_505 = vector.shape_cast %reduce_min3A_504 : vector<32xf32> to vector<32x1xf32>
    %gt3A_506 = arith.cmpf ogt, %broadcast_in_dim3A_495, %select_n3A_406 : vector<32x1xf32>
    %select_n3A_507 = arith.select %gt3A_506, %broadcast_in_dim3A_495, %select_n3A_406 : vector<32x1xi1>, vector<32x1xf32>
    %select_n3A_508 = arith.select %gt3A_506, %broadcast_in_dim3A_505, %select_n3A_407 : vector<32x1xi1>, vector<32x1xf32>
    %get3A_509 = arith.constant 0 : index
    %get3A_510 = arith.constant 10240 : index
    %get3A_511 = vector.load %arg3[%get3A_509, %get3A_510] : memref<4x24576xf32, #tpu.memory_space<vmem>>, vector<1x2048xf32>
    %get3A_512 = arith.constant 1 : index
    %get3A_513 = arith.constant 10240 : index
    %get3A_514 = vector.load %arg3[%get3A_512, %get3A_513] : memref<4x24576xf32, #tpu.memory_space<vmem>>, vector<1x2048xf32>
    %get3A_515 = arith.constant 2 : index
    %get3A_516 = arith.constant 10240 : index
    %get3A_517 = vector.load %arg3[%get3A_515, %get3A_516] : memref<4x24576xf32, #tpu.memory_space<vmem>>, vector<1x2048xf32>
    %get3A_518 = arith.constant 3 : index
    %get3A_519 = arith.constant 10240 : index
    %get3A_520 = vector.load %arg3[%get3A_518, %get3A_519] : memref<4x24576xf32, #tpu.memory_space<vmem>>, vector<1x2048xf32>
    %mul3A_521 = arith.constant 5.000000e-01 : f32
    %mul3A_522 = vector.broadcast %mul3A_521 : f32 to vector<1x2048xf32>
    %mul3A_523 = arith.mulf %get3A_517, %mul3A_522 : vector<1x2048xf32>
    %sub3A_524 = arith.subf %get3A_511, %mul3A_523 : vector<1x2048xf32>
    %mul3A_525 = arith.constant 5.000000e-01 : f32
    %mul3A_526 = vector.broadcast %mul3A_525 : f32 to vector<1x2048xf32>
    %mul3A_527 = arith.mulf %get3A_520, %mul3A_526 : vector<1x2048xf32>
    %sub3A_528 = arith.subf %get3A_514, %mul3A_527 : vector<1x2048xf32>
    %mul3A_529 = arith.constant 5.000000e-01 : f32
    %mul3A_530 = vector.broadcast %mul3A_529 : f32 to vector<1x2048xf32>
    %mul3A_531 = arith.mulf %get3A_517, %mul3A_530 : vector<1x2048xf32>
    %add3A_532 = arith.addf %get3A_517, %mul3A_531 : vector<1x2048xf32>
    %mul3A_533 = arith.constant 5.000000e-01 : f32
    %mul3A_534 = vector.broadcast %mul3A_533 : f32 to vector<1x2048xf32>
    %mul3A_535 = arith.mulf %get3A_520, %mul3A_534 : vector<1x2048xf32>
    %add3A_536 = arith.addf %get3A_520, %mul3A_535 : vector<1x2048xf32>
    %sub3A_537 = arith.subf %add3A_532, %sub3A_524 : vector<1x2048xf32>
    %sub3A_538 = arith.subf %add3A_536, %sub3A_528 : vector<1x2048xf32>
    %mul3A_539 = arith.mulf %sub3A_537, %sub3A_538 : vector<1x2048xf32>
    %min3A_540 = vector.broadcast %slice3A_10 : vector<32x1xf32> to vector<32x2048xf32>
    %min3A_541 = vector.broadcast %add3A_532 : vector<1x2048xf32> to vector<32x2048xf32>
    %min3A_542 = arith.minimumf %min3A_540, %min3A_541 : vector<32x2048xf32>
    %max3A_543 = vector.broadcast %slice3A : vector<32x1xf32> to vector<32x2048xf32>
    %max3A_544 = vector.broadcast %sub3A_524 : vector<1x2048xf32> to vector<32x2048xf32>
    %max3A_545 = arith.maximumf %max3A_543, %max3A_544 : vector<32x2048xf32>
    %sub3A_546 = arith.subf %min3A_542, %max3A_545 : vector<32x2048xf32>
    %max3A_547 = arith.constant 0.000000e+00 : f32
    %max3A_548 = vector.broadcast %max3A_547 : f32 to vector<32x2048xf32>
    %max3A_549 = arith.maximumf %sub3A_546, %max3A_548 : vector<32x2048xf32>
    %min3A_550 = vector.broadcast %slice3A_11 : vector<32x1xf32> to vector<32x2048xf32>
    %min3A_551 = vector.broadcast %add3A_536 : vector<1x2048xf32> to vector<32x2048xf32>
    %min3A_552 = arith.minimumf %min3A_550, %min3A_551 : vector<32x2048xf32>
    %max3A_553 = vector.broadcast %slice3A_9 : vector<32x1xf32> to vector<32x2048xf32>
    %max3A_554 = vector.broadcast %sub3A_528 : vector<1x2048xf32> to vector<32x2048xf32>
    %max3A_555 = arith.maximumf %max3A_553, %max3A_554 : vector<32x2048xf32>
    %sub3A_556 = arith.subf %min3A_552, %max3A_555 : vector<32x2048xf32>
    %max3A_557 = arith.constant 0.000000e+00 : f32
    %max3A_558 = vector.broadcast %max3A_557 : f32 to vector<32x2048xf32>
    %max3A_559 = arith.maximumf %sub3A_556, %max3A_558 : vector<32x2048xf32>
    %mul3A_560 = arith.mulf %max3A_549, %max3A_559 : vector<32x2048xf32>
    %add3A_561 = vector.broadcast %mul3A : vector<32x1xf32> to vector<32x2048xf32>
    %add3A_562 = vector.broadcast %mul3A_539 : vector<1x2048xf32> to vector<32x2048xf32>
    %add3A_563 = arith.addf %add3A_561, %add3A_562 : vector<32x2048xf32>
    %sub3A_564 = arith.subf %add3A_563, %mul3A_560 : vector<32x2048xf32>
    %div3A_565 = arith.divf %mul3A_560, %sub3A_564 : vector<32x2048xf32>
    %ne3A_566 = arith.cmpf one, %div3A_565, %div3A_565 : vector<32x2048xf32>
    %jit3A_567 = arith.constant 0x7F800000 : f32
    %broadcast_in_dim3A_568 = vector.broadcast %jit3A_567 : f32 to vector<32x2048xf32>
    %select_n3A_569 = arith.select %ne3A_566, %broadcast_in_dim3A_568, %div3A_565 : vector<32x2048xi1>, vector<32x2048xf32>
    %reduce_max3A_570 = arith.constant dense<0xFF800000> : vector<2048xf32>
    %reduce_max3A_571 = vector.multi_reduction <maximumf>, %select_n3A_569, %reduce_max3A_570 [0] : vector<32x2048xf32> to vector<2048xf32>
    %broadcast_in_dim3A_572 = vector.shape_cast %reduce_max3A_571 : vector<2048xf32> to vector<1x2048xf32>
    %eq3A_573 = vector.broadcast %broadcast_in_dim3A_572 : vector<1x2048xf32> to vector<32x2048xf32>
    %eq3A_574 = arith.cmpf oeq, %select_n3A_569, %eq3A_573 : vector<32x2048xf32>
    %jit3A_575 = arith.constant 9.900000e+01 : f32
    %broadcast_in_dim3A_576 = vector.shape_cast %convert_element_type3A : vector<32x1xf32> to vector<32x1xf32>
    %broadcast_in_dim3A_577 = vector.broadcast %broadcast_in_dim3A_576 : vector<32x1xf32> to vector<32x2048xf32>
    %broadcast_in_dim3A_578 = vector.broadcast %jit3A_575 : f32 to vector<32x2048xf32>
    %select_n3A_579 = arith.select %eq3A_574, %broadcast_in_dim3A_577, %broadcast_in_dim3A_578 : vector<32x2048xi1>, vector<32x2048xf32>
    %reduce_min3A_580 = arith.constant dense<0x7F800000> : vector<2048xf32>
    %reduce_min3A_581 = vector.multi_reduction <minimumf>, %select_n3A_579, %reduce_min3A_580 [0] : vector<32x2048xf32> to vector<2048xf32>
    %broadcast_in_dim3A_582 = vector.shape_cast %reduce_min3A_581 : vector<2048xf32> to vector<1x2048xf32>
    %swap3A_583 = arith.constant 0 : index
    %swap3A_584 = arith.constant 10240 : index
    %swap3A_585 = vector.load %arg8[%swap3A_583, %swap3A_584] : memref<1x24576xf32, #tpu.memory_space<vmem>>, vector<1x2048xf32>
    tpu.vector_store %arg8[%swap3A_583, %swap3A_584], %broadcast_in_dim3A_572 {strides = array<i32>} : memref<1x24576xf32, #tpu.memory_space<vmem>>, vector<1x2048xf32>,
    %swap3A_586 = arith.constant 0 : index
    %swap3A_587 = arith.constant 10240 : index
    %swap3A_588 = vector.load %arg9[%swap3A_586, %swap3A_587] : memref<1x24576xf32, #tpu.memory_space<vmem>>, vector<1x2048xf32>
    tpu.vector_store %arg9[%swap3A_586, %swap3A_587], %broadcast_in_dim3A_582 {strides = array<i32>} : memref<1x24576xf32, #tpu.memory_space<vmem>>, vector<1x2048xf32>,
    %iota3A_589 = tpu.iota {dimensions = array<i32: 1>} : vector<1x2048xi32>
    %convert_element_type3A_590 = arith.sitofp %iota3A_589 : vector<1x2048xi32> to vector<1x2048xf32>
    %add3A_591 = arith.constant 1.024000e+04 : f32
    %add3A_592 = vector.broadcast %add3A_591 : f32 to vector<1x2048xf32>
    %add3A_593 = arith.addf %convert_element_type3A_590, %add3A_592 : vector<1x2048xf32>
    %reduce_max3A_594 = arith.constant dense<0xFF800000> : vector<32xf32>
    %reduce_max3A_595 = vector.multi_reduction <maximumf>, %select_n3A_569, %reduce_max3A_594 [1] : vector<32x2048xf32> to vector<32xf32>
    %broadcast_in_dim3A_596 = vector.shape_cast %reduce_max3A_595 : vector<32xf32> to vector<32x1xf32>
    %eq3A_597 = vector.broadcast %broadcast_in_dim3A_596 : vector<32x1xf32> to vector<32x2048xf32>
    %eq3A_598 = arith.cmpf oeq, %select_n3A_569, %eq3A_597 : vector<32x2048xf32>
    %jit3A_599 = arith.constant 1.000000e+09 : f32
    %broadcast_in_dim3A_600 = vector.shape_cast %add3A_593 : vector<1x2048xf32> to vector<1x2048xf32>
    %broadcast_in_dim3A_601 = vector.broadcast %broadcast_in_dim3A_600 : vector<1x2048xf32> to vector<32x2048xf32>
    %broadcast_in_dim3A_602 = vector.broadcast %jit3A_599 : f32 to vector<32x2048xf32>
    %select_n3A_603 = arith.select %eq3A_598, %broadcast_in_dim3A_601, %broadcast_in_dim3A_602 : vector<32x2048xi1>, vector<32x2048xf32>
    %reduce_min3A_604 = arith.constant dense<0x7F800000> : vector<32xf32>
    %reduce_min3A_605 = vector.multi_reduction <minimumf>, %select_n3A_603, %reduce_min3A_604 [1] : vector<32x2048xf32> to vector<32xf32>
    %broadcast_in_dim3A_606 = vector.shape_cast %reduce_min3A_605 : vector<32xf32> to vector<32x1xf32>
    %gt3A_607 = arith.cmpf ogt, %broadcast_in_dim3A_596, %select_n3A_507 : vector<32x1xf32>
    %select_n3A_608 = arith.select %gt3A_607, %broadcast_in_dim3A_596, %select_n3A_507 : vector<32x1xi1>, vector<32x1xf32>
    %select_n3A_609 = arith.select %gt3A_607, %broadcast_in_dim3A_606, %select_n3A_508 : vector<32x1xi1>, vector<32x1xf32>
    %get3A_610 = arith.constant 0 : index
    %get3A_611 = arith.constant 12288 : index
    %get3A_612 = vector.load %arg3[%get3A_610, %get3A_611] : memref<4x24576xf32, #tpu.memory_space<vmem>>, vector<1x2048xf32>
    %get3A_613 = arith.constant 1 : index
    %get3A_614 = arith.constant 12288 : index
    %get3A_615 = vector.load %arg3[%get3A_613, %get3A_614] : memref<4x24576xf32, #tpu.memory_space<vmem>>, vector<1x2048xf32>
    %get3A_616 = arith.constant 2 : index
    %get3A_617 = arith.constant 12288 : index
    %get3A_618 = vector.load %arg3[%get3A_616, %get3A_617] : memref<4x24576xf32, #tpu.memory_space<vmem>>, vector<1x2048xf32>
    %get3A_619 = arith.constant 3 : index
    %get3A_620 = arith.constant 12288 : index
    %get3A_621 = vector.load %arg3[%get3A_619, %get3A_620] : memref<4x24576xf32, #tpu.memory_space<vmem>>, vector<1x2048xf32>
    %mul3A_622 = arith.constant 5.000000e-01 : f32
    %mul3A_623 = vector.broadcast %mul3A_622 : f32 to vector<1x2048xf32>
    %mul3A_624 = arith.mulf %get3A_618, %mul3A_623 : vector<1x2048xf32>
    %sub3A_625 = arith.subf %get3A_612, %mul3A_624 : vector<1x2048xf32>
    %mul3A_626 = arith.constant 5.000000e-01 : f32
    %mul3A_627 = vector.broadcast %mul3A_626 : f32 to vector<1x2048xf32>
    %mul3A_628 = arith.mulf %get3A_621, %mul3A_627 : vector<1x2048xf32>
    %sub3A_629 = arith.subf %get3A_615, %mul3A_628 : vector<1x2048xf32>
    %mul3A_630 = arith.constant 5.000000e-01 : f32
    %mul3A_631 = vector.broadcast %mul3A_630 : f32 to vector<1x2048xf32>
    %mul3A_632 = arith.mulf %get3A_618, %mul3A_631 : vector<1x2048xf32>
    %add3A_633 = arith.addf %get3A_618, %mul3A_632 : vector<1x2048xf32>
    %mul3A_634 = arith.constant 5.000000e-01 : f32
    %mul3A_635 = vector.broadcast %mul3A_634 : f32 to vector<1x2048xf32>
    %mul3A_636 = arith.mulf %get3A_621, %mul3A_635 : vector<1x2048xf32>
    %add3A_637 = arith.addf %get3A_621, %mul3A_636 : vector<1x2048xf32>
    %sub3A_638 = arith.subf %add3A_633, %sub3A_625 : vector<1x2048xf32>
    %sub3A_639 = arith.subf %add3A_637, %sub3A_629 : vector<1x2048xf32>
    %mul3A_640 = arith.mulf %sub3A_638, %sub3A_639 : vector<1x2048xf32>
    %min3A_641 = vector.broadcast %slice3A_10 : vector<32x1xf32> to vector<32x2048xf32>
    %min3A_642 = vector.broadcast %add3A_633 : vector<1x2048xf32> to vector<32x2048xf32>
    %min3A_643 = arith.minimumf %min3A_641, %min3A_642 : vector<32x2048xf32>
    %max3A_644 = vector.broadcast %slice3A : vector<32x1xf32> to vector<32x2048xf32>
    %max3A_645 = vector.broadcast %sub3A_625 : vector<1x2048xf32> to vector<32x2048xf32>
    %max3A_646 = arith.maximumf %max3A_644, %max3A_645 : vector<32x2048xf32>
    %sub3A_647 = arith.subf %min3A_643, %max3A_646 : vector<32x2048xf32>
    %max3A_648 = arith.constant 0.000000e+00 : f32
    %max3A_649 = vector.broadcast %max3A_648 : f32 to vector<32x2048xf32>
    %max3A_650 = arith.maximumf %sub3A_647, %max3A_649 : vector<32x2048xf32>
    %min3A_651 = vector.broadcast %slice3A_11 : vector<32x1xf32> to vector<32x2048xf32>
    %min3A_652 = vector.broadcast %add3A_637 : vector<1x2048xf32> to vector<32x2048xf32>
    %min3A_653 = arith.minimumf %min3A_651, %min3A_652 : vector<32x2048xf32>
    %max3A_654 = vector.broadcast %slice3A_9 : vector<32x1xf32> to vector<32x2048xf32>
    %max3A_655 = vector.broadcast %sub3A_629 : vector<1x2048xf32> to vector<32x2048xf32>
    %max3A_656 = arith.maximumf %max3A_654, %max3A_655 : vector<32x2048xf32>
    %sub3A_657 = arith.subf %min3A_653, %max3A_656 : vector<32x2048xf32>
    %max3A_658 = arith.constant 0.000000e+00 : f32
    %max3A_659 = vector.broadcast %max3A_658 : f32 to vector<32x2048xf32>
    %max3A_660 = arith.maximumf %sub3A_657, %max3A_659 : vector<32x2048xf32>
    %mul3A_661 = arith.mulf %max3A_650, %max3A_660 : vector<32x2048xf32>
    %add3A_662 = vector.broadcast %mul3A : vector<32x1xf32> to vector<32x2048xf32>
    %add3A_663 = vector.broadcast %mul3A_640 : vector<1x2048xf32> to vector<32x2048xf32>
    %add3A_664 = arith.addf %add3A_662, %add3A_663 : vector<32x2048xf32>
    %sub3A_665 = arith.subf %add3A_664, %mul3A_661 : vector<32x2048xf32>
    %div3A_666 = arith.divf %mul3A_661, %sub3A_665 : vector<32x2048xf32>
    %ne3A_667 = arith.cmpf one, %div3A_666, %div3A_666 : vector<32x2048xf32>
    %jit3A_668 = arith.constant 0x7F800000 : f32
    %broadcast_in_dim3A_669 = vector.broadcast %jit3A_668 : f32 to vector<32x2048xf32>
    %select_n3A_670 = arith.select %ne3A_667, %broadcast_in_dim3A_669, %div3A_666 : vector<32x2048xi1>, vector<32x2048xf32>
    %reduce_max3A_671 = arith.constant dense<0xFF800000> : vector<2048xf32>
    %reduce_max3A_672 = vector.multi_reduction <maximumf>, %select_n3A_670, %reduce_max3A_671 [0] : vector<32x2048xf32> to vector<2048xf32>
    %broadcast_in_dim3A_673 = vector.shape_cast %reduce_max3A_672 : vector<2048xf32> to vector<1x2048xf32>
    %eq3A_674 = vector.broadcast %broadcast_in_dim3A_673 : vector<1x2048xf32> to vector<32x2048xf32>
    %eq3A_675 = arith.cmpf oeq, %select_n3A_670, %eq3A_674 : vector<32x2048xf32>
    %jit3A_676 = arith.constant 9.900000e+01 : f32
    %broadcast_in_dim3A_677 = vector.shape_cast %convert_element_type3A : vector<32x1xf32> to vector<32x1xf32>
    %broadcast_in_dim3A_678 = vector.broadcast %broadcast_in_dim3A_677 : vector<32x1xf32> to vector<32x2048xf32>
    %broadcast_in_dim3A_679 = vector.broadcast %jit3A_676 : f32 to vector<32x2048xf32>
    %select_n3A_680 = arith.select %eq3A_675, %broadcast_in_dim3A_678, %broadcast_in_dim3A_679 : vector<32x2048xi1>, vector<32x2048xf32>
    %reduce_min3A_681 = arith.constant dense<0x7F800000> : vector<2048xf32>
    %reduce_min3A_682 = vector.multi_reduction <minimumf>, %select_n3A_680, %reduce_min3A_681 [0] : vector<32x2048xf32> to vector<2048xf32>
    %broadcast_in_dim3A_683 = vector.shape_cast %reduce_min3A_682 : vector<2048xf32> to vector<1x2048xf32>
    %swap3A_684 = arith.constant 0 : index
    %swap3A_685 = arith.constant 12288 : index
    %swap3A_686 = vector.load %arg8[%swap3A_684, %swap3A_685] : memref<1x24576xf32, #tpu.memory_space<vmem>>, vector<1x2048xf32>
    tpu.vector_store %arg8[%swap3A_684, %swap3A_685], %broadcast_in_dim3A_673 {strides = array<i32>} : memref<1x24576xf32, #tpu.memory_space<vmem>>, vector<1x2048xf32>,
    %swap3A_687 = arith.constant 0 : index
    %swap3A_688 = arith.constant 12288 : index
    %swap3A_689 = vector.load %arg9[%swap3A_687, %swap3A_688] : memref<1x24576xf32, #tpu.memory_space<vmem>>, vector<1x2048xf32>
    tpu.vector_store %arg9[%swap3A_687, %swap3A_688], %broadcast_in_dim3A_683 {strides = array<i32>} : memref<1x24576xf32, #tpu.memory_space<vmem>>, vector<1x2048xf32>,
    %iota3A_690 = tpu.iota {dimensions = array<i32: 1>} : vector<1x2048xi32>
    %convert_element_type3A_691 = arith.sitofp %iota3A_690 : vector<1x2048xi32> to vector<1x2048xf32>
    %add3A_692 = arith.constant 1.228800e+04 : f32
    %add3A_693 = vector.broadcast %add3A_692 : f32 to vector<1x2048xf32>
    %add3A_694 = arith.addf %convert_element_type3A_691, %add3A_693 : vector<1x2048xf32>
    %reduce_max3A_695 = arith.constant dense<0xFF800000> : vector<32xf32>
    %reduce_max3A_696 = vector.multi_reduction <maximumf>, %select_n3A_670, %reduce_max3A_695 [1] : vector<32x2048xf32> to vector<32xf32>
    %broadcast_in_dim3A_697 = vector.shape_cast %reduce_max3A_696 : vector<32xf32> to vector<32x1xf32>
    %eq3A_698 = vector.broadcast %broadcast_in_dim3A_697 : vector<32x1xf32> to vector<32x2048xf32>
    %eq3A_699 = arith.cmpf oeq, %select_n3A_670, %eq3A_698 : vector<32x2048xf32>
    %jit3A_700 = arith.constant 1.000000e+09 : f32
    %broadcast_in_dim3A_701 = vector.shape_cast %add3A_694 : vector<1x2048xf32> to vector<1x2048xf32>
    %broadcast_in_dim3A_702 = vector.broadcast %broadcast_in_dim3A_701 : vector<1x2048xf32> to vector<32x2048xf32>
    %broadcast_in_dim3A_703 = vector.broadcast %jit3A_700 : f32 to vector<32x2048xf32>
    %select_n3A_704 = arith.select %eq3A_699, %broadcast_in_dim3A_702, %broadcast_in_dim3A_703 : vector<32x2048xi1>, vector<32x2048xf32>
    %reduce_min3A_705 = arith.constant dense<0x7F800000> : vector<32xf32>
    %reduce_min3A_706 = vector.multi_reduction <minimumf>, %select_n3A_704, %reduce_min3A_705 [1] : vector<32x2048xf32> to vector<32xf32>
    %broadcast_in_dim3A_707 = vector.shape_cast %reduce_min3A_706 : vector<32xf32> to vector<32x1xf32>
    %gt3A_708 = arith.cmpf ogt, %broadcast_in_dim3A_697, %select_n3A_608 : vector<32x1xf32>
    %select_n3A_709 = arith.select %gt3A_708, %broadcast_in_dim3A_697, %select_n3A_608 : vector<32x1xi1>, vector<32x1xf32>
    %select_n3A_710 = arith.select %gt3A_708, %broadcast_in_dim3A_707, %select_n3A_609 : vector<32x1xi1>, vector<32x1xf32>
    %get3A_711 = arith.constant 0 : index
    %get3A_712 = arith.constant 14336 : index
    %get3A_713 = vector.load %arg3[%get3A_711, %get3A_712] : memref<4x24576xf32, #tpu.memory_space<vmem>>, vector<1x2048xf32>
    %get3A_714 = arith.constant 1 : index
    %get3A_715 = arith.constant 14336 : index
    %get3A_716 = vector.load %arg3[%get3A_714, %get3A_715] : memref<4x24576xf32, #tpu.memory_space<vmem>>, vector<1x2048xf32>
    %get3A_717 = arith.constant 2 : index
    %get3A_718 = arith.constant 14336 : index
    %get3A_719 = vector.load %arg3[%get3A_717, %get3A_718] : memref<4x24576xf32, #tpu.memory_space<vmem>>, vector<1x2048xf32>
    %get3A_720 = arith.constant 3 : index
    %get3A_721 = arith.constant 14336 : index
    %get3A_722 = vector.load %arg3[%get3A_720, %get3A_721] : memref<4x24576xf32, #tpu.memory_space<vmem>>, vector<1x2048xf32>
    %mul3A_723 = arith.constant 5.000000e-01 : f32
    %mul3A_724 = vector.broadcast %mul3A_723 : f32 to vector<1x2048xf32>
    %mul3A_725 = arith.mulf %get3A_719, %mul3A_724 : vector<1x2048xf32>
    %sub3A_726 = arith.subf %get3A_713, %mul3A_725 : vector<1x2048xf32>
    %mul3A_727 = arith.constant 5.000000e-01 : f32
    %mul3A_728 = vector.broadcast %mul3A_727 : f32 to vector<1x2048xf32>
    %mul3A_729 = arith.mulf %get3A_722, %mul3A_728 : vector<1x2048xf32>
    %sub3A_730 = arith.subf %get3A_716, %mul3A_729 : vector<1x2048xf32>
    %mul3A_731 = arith.constant 5.000000e-01 : f32
    %mul3A_732 = vector.broadcast %mul3A_731 : f32 to vector<1x2048xf32>
    %mul3A_733 = arith.mulf %get3A_719, %mul3A_732 : vector<1x2048xf32>
    %add3A_734 = arith.addf %get3A_719, %mul3A_733 : vector<1x2048xf32>
    %mul3A_735 = arith.constant 5.000000e-01 : f32
    %mul3A_736 = vector.broadcast %mul3A_735 : f32 to vector<1x2048xf32>
    %mul3A_737 = arith.mulf %get3A_722, %mul3A_736 : vector<1x2048xf32>
    %add3A_738 = arith.addf %get3A_722, %mul3A_737 : vector<1x2048xf32>
    %sub3A_739 = arith.subf %add3A_734, %sub3A_726 : vector<1x2048xf32>
    %sub3A_740 = arith.subf %add3A_738, %sub3A_730 : vector<1x2048xf32>
    %mul3A_741 = arith.mulf %sub3A_739, %sub3A_740 : vector<1x2048xf32>
    %min3A_742 = vector.broadcast %slice3A_10 : vector<32x1xf32> to vector<32x2048xf32>
    %min3A_743 = vector.broadcast %add3A_734 : vector<1x2048xf32> to vector<32x2048xf32>
    %min3A_744 = arith.minimumf %min3A_742, %min3A_743 : vector<32x2048xf32>
    %max3A_745 = vector.broadcast %slice3A : vector<32x1xf32> to vector<32x2048xf32>
    %max3A_746 = vector.broadcast %sub3A_726 : vector<1x2048xf32> to vector<32x2048xf32>
    %max3A_747 = arith.maximumf %max3A_745, %max3A_746 : vector<32x2048xf32>
    %sub3A_748 = arith.subf %min3A_744, %max3A_747 : vector<32x2048xf32>
    %max3A_749 = arith.constant 0.000000e+00 : f32
    %max3A_750 = vector.broadcast %max3A_749 : f32 to vector<32x2048xf32>
    %max3A_751 = arith.maximumf %sub3A_748, %max3A_750 : vector<32x2048xf32>
    %min3A_752 = vector.broadcast %slice3A_11 : vector<32x1xf32> to vector<32x2048xf32>
    %min3A_753 = vector.broadcast %add3A_738 : vector<1x2048xf32> to vector<32x2048xf32>
    %min3A_754 = arith.minimumf %min3A_752, %min3A_753 : vector<32x2048xf32>
    %max3A_755 = vector.broadcast %slice3A_9 : vector<32x1xf32> to vector<32x2048xf32>
    %max3A_756 = vector.broadcast %sub3A_730 : vector<1x2048xf32> to vector<32x2048xf32>
    %max3A_757 = arith.maximumf %max3A_755, %max3A_756 : vector<32x2048xf32>
    %sub3A_758 = arith.subf %min3A_754, %max3A_757 : vector<32x2048xf32>
    %max3A_759 = arith.constant 0.000000e+00 : f32
    %max3A_760 = vector.broadcast %max3A_759 : f32 to vector<32x2048xf32>
    %max3A_761 = arith.maximumf %sub3A_758, %max3A_760 : vector<32x2048xf32>
    %mul3A_762 = arith.mulf %max3A_751, %max3A_761 : vector<32x2048xf32>
    %add3A_763 = vector.broadcast %mul3A : vector<32x1xf32> to vector<32x2048xf32>
    %add3A_764 = vector.broadcast %mul3A_741 : vector<1x2048xf32> to vector<32x2048xf32>
    %add3A_765 = arith.addf %add3A_763, %add3A_764 : vector<32x2048xf32>
    %sub3A_766 = arith.subf %add3A_765, %mul3A_762 : vector<32x2048xf32>
    %div3A_767 = arith.divf %mul3A_762, %sub3A_766 : vector<32x2048xf32>
    %ne3A_768 = arith.cmpf one, %div3A_767, %div3A_767 : vector<32x2048xf32>
    %jit3A_769 = arith.constant 0x7F800000 : f32
    %broadcast_in_dim3A_770 = vector.broadcast %jit3A_769 : f32 to vector<32x2048xf32>
    %select_n3A_771 = arith.select %ne3A_768, %broadcast_in_dim3A_770, %div3A_767 : vector<32x2048xi1>, vector<32x2048xf32>
    %reduce_max3A_772 = arith.constant dense<0xFF800000> : vector<2048xf32>
    %reduce_max3A_773 = vector.multi_reduction <maximumf>, %select_n3A_771, %reduce_max3A_772 [0] : vector<32x2048xf32> to vector<2048xf32>
    %broadcast_in_dim3A_774 = vector.shape_cast %reduce_max3A_773 : vector<2048xf32> to vector<1x2048xf32>
    %eq3A_775 = vector.broadcast %broadcast_in_dim3A_774 : vector<1x2048xf32> to vector<32x2048xf32>
    %eq3A_776 = arith.cmpf oeq, %select_n3A_771, %eq3A_775 : vector<32x2048xf32>
    %jit3A_777 = arith.constant 9.900000e+01 : f32
    %broadcast_in_dim3A_778 = vector.shape_cast %convert_element_type3A : vector<32x1xf32> to vector<32x1xf32>
    %broadcast_in_dim3A_779 = vector.broadcast %broadcast_in_dim3A_778 : vector<32x1xf32> to vector<32x2048xf32>
    %broadcast_in_dim3A_780 = vector.broadcast %jit3A_777 : f32 to vector<32x2048xf32>
    %select_n3A_781 = arith.select %eq3A_776, %broadcast_in_dim3A_779, %broadcast_in_dim3A_780 : vector<32x2048xi1>, vector<32x2048xf32>
    %reduce_min3A_782 = arith.constant dense<0x7F800000> : vector<2048xf32>
    %reduce_min3A_783 = vector.multi_reduction <minimumf>, %select_n3A_781, %reduce_min3A_782 [0] : vector<32x2048xf32> to vector<2048xf32>
    %broadcast_in_dim3A_784 = vector.shape_cast %reduce_min3A_783 : vector<2048xf32> to vector<1x2048xf32>
    %swap3A_785 = arith.constant 0 : index
    %swap3A_786 = arith.constant 14336 : index
    %swap3A_787 = vector.load %arg8[%swap3A_785, %swap3A_786] : memref<1x24576xf32, #tpu.memory_space<vmem>>, vector<1x2048xf32>
    tpu.vector_store %arg8[%swap3A_785, %swap3A_786], %broadcast_in_dim3A_774 {strides = array<i32>} : memref<1x24576xf32, #tpu.memory_space<vmem>>, vector<1x2048xf32>,
    %swap3A_788 = arith.constant 0 : index
    %swap3A_789 = arith.constant 14336 : index
    %swap3A_790 = vector.load %arg9[%swap3A_788, %swap3A_789] : memref<1x24576xf32, #tpu.memory_space<vmem>>, vector<1x2048xf32>
    tpu.vector_store %arg9[%swap3A_788, %swap3A_789], %broadcast_in_dim3A_784 {strides = array<i32>} : memref<1x24576xf32, #tpu.memory_space<vmem>>, vector<1x2048xf32>,
    %iota3A_791 = tpu.iota {dimensions = array<i32: 1>} : vector<1x2048xi32>
    %convert_element_type3A_792 = arith.sitofp %iota3A_791 : vector<1x2048xi32> to vector<1x2048xf32>
    %add3A_793 = arith.constant 1.433600e+04 : f32
    %add3A_794 = vector.broadcast %add3A_793 : f32 to vector<1x2048xf32>
    %add3A_795 = arith.addf %convert_element_type3A_792, %add3A_794 : vector<1x2048xf32>
    %reduce_max3A_796 = arith.constant dense<0xFF800000> : vector<32xf32>
    %reduce_max3A_797 = vector.multi_reduction <maximumf>, %select_n3A_771, %reduce_max3A_796 [1] : vector<32x2048xf32> to vector<32xf32>
    %broadcast_in_dim3A_798 = vector.shape_cast %reduce_max3A_797 : vector<32xf32> to vector<32x1xf32>
    %eq3A_799 = vector.broadcast %broadcast_in_dim3A_798 : vector<32x1xf32> to vector<32x2048xf32>
    %eq3A_800 = arith.cmpf oeq, %select_n3A_771, %eq3A_799 : vector<32x2048xf32>
    %jit3A_801 = arith.constant 1.000000e+09 : f32
    %broadcast_in_dim3A_802 = vector.shape_cast %add3A_795 : vector<1x2048xf32> to vector<1x2048xf32>
    %broadcast_in_dim3A_803 = vector.broadcast %broadcast_in_dim3A_802 : vector<1x2048xf32> to vector<32x2048xf32>
    %broadcast_in_dim3A_804 = vector.broadcast %jit3A_801 : f32 to vector<32x2048xf32>
    %select_n3A_805 = arith.select %eq3A_800, %broadcast_in_dim3A_803, %broadcast_in_dim3A_804 : vector<32x2048xi1>, vector<32x2048xf32>
    %reduce_min3A_806 = arith.constant dense<0x7F800000> : vector<32xf32>
    %reduce_min3A_807 = vector.multi_reduction <minimumf>, %select_n3A_805, %reduce_min3A_806 [1] : vector<32x2048xf32> to vector<32xf32>
    %broadcast_in_dim3A_808 = vector.shape_cast %reduce_min3A_807 : vector<32xf32> to vector<32x1xf32>
    %gt3A_809 = arith.cmpf ogt, %broadcast_in_dim3A_798, %select_n3A_709 : vector<32x1xf32>
    %select_n3A_810 = arith.select %gt3A_809, %broadcast_in_dim3A_798, %select_n3A_709 : vector<32x1xi1>, vector<32x1xf32>
    %select_n3A_811 = arith.select %gt3A_809, %broadcast_in_dim3A_808, %select_n3A_710 : vector<32x1xi1>, vector<32x1xf32>
    %get3A_812 = arith.constant 0 : index
    %get3A_813 = arith.constant 16384 : index
    %get3A_814 = vector.load %arg3[%get3A_812, %get3A_813] : memref<4x24576xf32, #tpu.memory_space<vmem>>, vector<1x2048xf32>
    %get3A_815 = arith.constant 1 : index
    %get3A_816 = arith.constant 16384 : index
    %get3A_817 = vector.load %arg3[%get3A_815, %get3A_816] : memref<4x24576xf32, #tpu.memory_space<vmem>>, vector<1x2048xf32>
    %get3A_818 = arith.constant 2 : index
    %get3A_819 = arith.constant 16384 : index
    %get3A_820 = vector.load %arg3[%get3A_818, %get3A_819] : memref<4x24576xf32, #tpu.memory_space<vmem>>, vector<1x2048xf32>
    %get3A_821 = arith.constant 3 : index
    %get3A_822 = arith.constant 16384 : index
    %get3A_823 = vector.load %arg3[%get3A_821, %get3A_822] : memref<4x24576xf32, #tpu.memory_space<vmem>>, vector<1x2048xf32>
    %mul3A_824 = arith.constant 5.000000e-01 : f32
    %mul3A_825 = vector.broadcast %mul3A_824 : f32 to vector<1x2048xf32>
    %mul3A_826 = arith.mulf %get3A_820, %mul3A_825 : vector<1x2048xf32>
    %sub3A_827 = arith.subf %get3A_814, %mul3A_826 : vector<1x2048xf32>
    %mul3A_828 = arith.constant 5.000000e-01 : f32
    %mul3A_829 = vector.broadcast %mul3A_828 : f32 to vector<1x2048xf32>
    %mul3A_830 = arith.mulf %get3A_823, %mul3A_829 : vector<1x2048xf32>
    %sub3A_831 = arith.subf %get3A_817, %mul3A_830 : vector<1x2048xf32>
    %mul3A_832 = arith.constant 5.000000e-01 : f32
    %mul3A_833 = vector.broadcast %mul3A_832 : f32 to vector<1x2048xf32>
    %mul3A_834 = arith.mulf %get3A_820, %mul3A_833 : vector<1x2048xf32>
    %add3A_835 = arith.addf %get3A_820, %mul3A_834 : vector<1x2048xf32>
    %mul3A_836 = arith.constant 5.000000e-01 : f32
    %mul3A_837 = vector.broadcast %mul3A_836 : f32 to vector<1x2048xf32>
    %mul3A_838 = arith.mulf %get3A_823, %mul3A_837 : vector<1x2048xf32>
    %add3A_839 = arith.addf %get3A_823, %mul3A_838 : vector<1x2048xf32>
    %sub3A_840 = arith.subf %add3A_835, %sub3A_827 : vector<1x2048xf32>
    %sub3A_841 = arith.subf %add3A_839, %sub3A_831 : vector<1x2048xf32>
    %mul3A_842 = arith.mulf %sub3A_840, %sub3A_841 : vector<1x2048xf32>
    %min3A_843 = vector.broadcast %slice3A_10 : vector<32x1xf32> to vector<32x2048xf32>
    %min3A_844 = vector.broadcast %add3A_835 : vector<1x2048xf32> to vector<32x2048xf32>
    %min3A_845 = arith.minimumf %min3A_843, %min3A_844 : vector<32x2048xf32>
    %max3A_846 = vector.broadcast %slice3A : vector<32x1xf32> to vector<32x2048xf32>
    %max3A_847 = vector.broadcast %sub3A_827 : vector<1x2048xf32> to vector<32x2048xf32>
    %max3A_848 = arith.maximumf %max3A_846, %max3A_847 : vector<32x2048xf32>
    %sub3A_849 = arith.subf %min3A_845, %max3A_848 : vector<32x2048xf32>
    %max3A_850 = arith.constant 0.000000e+00 : f32
    %max3A_851 = vector.broadcast %max3A_850 : f32 to vector<32x2048xf32>
    %max3A_852 = arith.maximumf %sub3A_849, %max3A_851 : vector<32x2048xf32>
    %min3A_853 = vector.broadcast %slice3A_11 : vector<32x1xf32> to vector<32x2048xf32>
    %min3A_854 = vector.broadcast %add3A_839 : vector<1x2048xf32> to vector<32x2048xf32>
    %min3A_855 = arith.minimumf %min3A_853, %min3A_854 : vector<32x2048xf32>
    %max3A_856 = vector.broadcast %slice3A_9 : vector<32x1xf32> to vector<32x2048xf32>
    %max3A_857 = vector.broadcast %sub3A_831 : vector<1x2048xf32> to vector<32x2048xf32>
    %max3A_858 = arith.maximumf %max3A_856, %max3A_857 : vector<32x2048xf32>
    %sub3A_859 = arith.subf %min3A_855, %max3A_858 : vector<32x2048xf32>
    %max3A_860 = arith.constant 0.000000e+00 : f32
    %max3A_861 = vector.broadcast %max3A_860 : f32 to vector<32x2048xf32>
    %max3A_862 = arith.maximumf %sub3A_859, %max3A_861 : vector<32x2048xf32>
    %mul3A_863 = arith.mulf %max3A_852, %max3A_862 : vector<32x2048xf32>
    %add3A_864 = vector.broadcast %mul3A : vector<32x1xf32> to vector<32x2048xf32>
    %add3A_865 = vector.broadcast %mul3A_842 : vector<1x2048xf32> to vector<32x2048xf32>
    %add3A_866 = arith.addf %add3A_864, %add3A_865 : vector<32x2048xf32>
    %sub3A_867 = arith.subf %add3A_866, %mul3A_863 : vector<32x2048xf32>
    %div3A_868 = arith.divf %mul3A_863, %sub3A_867 : vector<32x2048xf32>
    %ne3A_869 = arith.cmpf one, %div3A_868, %div3A_868 : vector<32x2048xf32>
    %jit3A_870 = arith.constant 0x7F800000 : f32
    %broadcast_in_dim3A_871 = vector.broadcast %jit3A_870 : f32 to vector<32x2048xf32>
    %select_n3A_872 = arith.select %ne3A_869, %broadcast_in_dim3A_871, %div3A_868 : vector<32x2048xi1>, vector<32x2048xf32>
    %reduce_max3A_873 = arith.constant dense<0xFF800000> : vector<2048xf32>
    %reduce_max3A_874 = vector.multi_reduction <maximumf>, %select_n3A_872, %reduce_max3A_873 [0] : vector<32x2048xf32> to vector<2048xf32>
    %broadcast_in_dim3A_875 = vector.shape_cast %reduce_max3A_874 : vector<2048xf32> to vector<1x2048xf32>
    %eq3A_876 = vector.broadcast %broadcast_in_dim3A_875 : vector<1x2048xf32> to vector<32x2048xf32>
    %eq3A_877 = arith.cmpf oeq, %select_n3A_872, %eq3A_876 : vector<32x2048xf32>
    %jit3A_878 = arith.constant 9.900000e+01 : f32
    %broadcast_in_dim3A_879 = vector.shape_cast %convert_element_type3A : vector<32x1xf32> to vector<32x1xf32>
    %broadcast_in_dim3A_880 = vector.broadcast %broadcast_in_dim3A_879 : vector<32x1xf32> to vector<32x2048xf32>
    %broadcast_in_dim3A_881 = vector.broadcast %jit3A_878 : f32 to vector<32x2048xf32>
    %select_n3A_882 = arith.select %eq3A_877, %broadcast_in_dim3A_880, %broadcast_in_dim3A_881 : vector<32x2048xi1>, vector<32x2048xf32>
    %reduce_min3A_883 = arith.constant dense<0x7F800000> : vector<2048xf32>
    %reduce_min3A_884 = vector.multi_reduction <minimumf>, %select_n3A_882, %reduce_min3A_883 [0] : vector<32x2048xf32> to vector<2048xf32>
    %broadcast_in_dim3A_885 = vector.shape_cast %reduce_min3A_884 : vector<2048xf32> to vector<1x2048xf32>
    %swap3A_886 = arith.constant 0 : index
    %swap3A_887 = arith.constant 16384 : index
    %swap3A_888 = vector.load %arg8[%swap3A_886, %swap3A_887] : memref<1x24576xf32, #tpu.memory_space<vmem>>, vector<1x2048xf32>
    tpu.vector_store %arg8[%swap3A_886, %swap3A_887], %broadcast_in_dim3A_875 {strides = array<i32>} : memref<1x24576xf32, #tpu.memory_space<vmem>>, vector<1x2048xf32>,
    %swap3A_889 = arith.constant 0 : index
    %swap3A_890 = arith.constant 16384 : index
    %swap3A_891 = vector.load %arg9[%swap3A_889, %swap3A_890] : memref<1x24576xf32, #tpu.memory_space<vmem>>, vector<1x2048xf32>
    tpu.vector_store %arg9[%swap3A_889, %swap3A_890], %broadcast_in_dim3A_885 {strides = array<i32>} : memref<1x24576xf32, #tpu.memory_space<vmem>>, vector<1x2048xf32>,
    %iota3A_892 = tpu.iota {dimensions = array<i32: 1>} : vector<1x2048xi32>
    %convert_element_type3A_893 = arith.sitofp %iota3A_892 : vector<1x2048xi32> to vector<1x2048xf32>
    %add3A_894 = arith.constant 1.638400e+04 : f32
    %add3A_895 = vector.broadcast %add3A_894 : f32 to vector<1x2048xf32>
    %add3A_896 = arith.addf %convert_element_type3A_893, %add3A_895 : vector<1x2048xf32>
    %reduce_max3A_897 = arith.constant dense<0xFF800000> : vector<32xf32>
    %reduce_max3A_898 = vector.multi_reduction <maximumf>, %select_n3A_872, %reduce_max3A_897 [1] : vector<32x2048xf32> to vector<32xf32>
    %broadcast_in_dim3A_899 = vector.shape_cast %reduce_max3A_898 : vector<32xf32> to vector<32x1xf32>
    %eq3A_900 = vector.broadcast %broadcast_in_dim3A_899 : vector<32x1xf32> to vector<32x2048xf32>
    %eq3A_901 = arith.cmpf oeq, %select_n3A_872, %eq3A_900 : vector<32x2048xf32>
    %jit3A_902 = arith.constant 1.000000e+09 : f32
    %broadcast_in_dim3A_903 = vector.shape_cast %add3A_896 : vector<1x2048xf32> to vector<1x2048xf32>
    %broadcast_in_dim3A_904 = vector.broadcast %broadcast_in_dim3A_903 : vector<1x2048xf32> to vector<32x2048xf32>
    %broadcast_in_dim3A_905 = vector.broadcast %jit3A_902 : f32 to vector<32x2048xf32>
    %select_n3A_906 = arith.select %eq3A_901, %broadcast_in_dim3A_904, %broadcast_in_dim3A_905 : vector<32x2048xi1>, vector<32x2048xf32>
    %reduce_min3A_907 = arith.constant dense<0x7F800000> : vector<32xf32>
    %reduce_min3A_908 = vector.multi_reduction <minimumf>, %select_n3A_906, %reduce_min3A_907 [1] : vector<32x2048xf32> to vector<32xf32>
    %broadcast_in_dim3A_909 = vector.shape_cast %reduce_min3A_908 : vector<32xf32> to vector<32x1xf32>
    %gt3A_910 = arith.cmpf ogt, %broadcast_in_dim3A_899, %select_n3A_810 : vector<32x1xf32>
    %select_n3A_911 = arith.select %gt3A_910, %broadcast_in_dim3A_899, %select_n3A_810 : vector<32x1xi1>, vector<32x1xf32>
    %select_n3A_912 = arith.select %gt3A_910, %broadcast_in_dim3A_909, %select_n3A_811 : vector<32x1xi1>, vector<32x1xf32>
    %get3A_913 = arith.constant 0 : index
    %get3A_914 = arith.constant 18432 : index
    %get3A_915 = vector.load %arg3[%get3A_913, %get3A_914] : memref<4x24576xf32, #tpu.memory_space<vmem>>, vector<1x2048xf32>
    %get3A_916 = arith.constant 1 : index
    %get3A_917 = arith.constant 18432 : index
    %get3A_918 = vector.load %arg3[%get3A_916, %get3A_917] : memref<4x24576xf32, #tpu.memory_space<vmem>>, vector<1x2048xf32>
    %get3A_919 = arith.constant 2 : index
    %get3A_920 = arith.constant 18432 : index
    %get3A_921 = vector.load %arg3[%get3A_919, %get3A_920] : memref<4x24576xf32, #tpu.memory_space<vmem>>, vector<1x2048xf32>
    %get3A_922 = arith.constant 3 : index
    %get3A_923 = arith.constant 18432 : index
    %get3A_924 = vector.load %arg3[%get3A_922, %get3A_923] : memref<4x24576xf32, #tpu.memory_space<vmem>>, vector<1x2048xf32>
    %mul3A_925 = arith.constant 5.000000e-01 : f32
    %mul3A_926 = vector.broadcast %mul3A_925 : f32 to vector<1x2048xf32>
    %mul3A_927 = arith.mulf %get3A_921, %mul3A_926 : vector<1x2048xf32>
    %sub3A_928 = arith.subf %get3A_915, %mul3A_927 : vector<1x2048xf32>
    %mul3A_929 = arith.constant 5.000000e-01 : f32
    %mul3A_930 = vector.broadcast %mul3A_929 : f32 to vector<1x2048xf32>
    %mul3A_931 = arith.mulf %get3A_924, %mul3A_930 : vector<1x2048xf32>
    %sub3A_932 = arith.subf %get3A_918, %mul3A_931 : vector<1x2048xf32>
    %mul3A_933 = arith.constant 5.000000e-01 : f32
    %mul3A_934 = vector.broadcast %mul3A_933 : f32 to vector<1x2048xf32>
    %mul3A_935 = arith.mulf %get3A_921, %mul3A_934 : vector<1x2048xf32>
    %add3A_936 = arith.addf %get3A_921, %mul3A_935 : vector<1x2048xf32>
    %mul3A_937 = arith.constant 5.000000e-01 : f32
    %mul3A_938 = vector.broadcast %mul3A_937 : f32 to vector<1x2048xf32>
    %mul3A_939 = arith.mulf %get3A_924, %mul3A_938 : vector<1x2048xf32>
    %add3A_940 = arith.addf %get3A_924, %mul3A_939 : vector<1x2048xf32>
    %sub3A_941 = arith.subf %add3A_936, %sub3A_928 : vector<1x2048xf32>
    %sub3A_942 = arith.subf %add3A_940, %sub3A_932 : vector<1x2048xf32>
    %mul3A_943 = arith.mulf %sub3A_941, %sub3A_942 : vector<1x2048xf32>
    %min3A_944 = vector.broadcast %slice3A_10 : vector<32x1xf32> to vector<32x2048xf32>
    %min3A_945 = vector.broadcast %add3A_936 : vector<1x2048xf32> to vector<32x2048xf32>
    %min3A_946 = arith.minimumf %min3A_944, %min3A_945 : vector<32x2048xf32>
    %max3A_947 = vector.broadcast %slice3A : vector<32x1xf32> to vector<32x2048xf32>
    %max3A_948 = vector.broadcast %sub3A_928 : vector<1x2048xf32> to vector<32x2048xf32>
    %max3A_949 = arith.maximumf %max3A_947, %max3A_948 : vector<32x2048xf32>
    %sub3A_950 = arith.subf %min3A_946, %max3A_949 : vector<32x2048xf32>
    %max3A_951 = arith.constant 0.000000e+00 : f32
    %max3A_952 = vector.broadcast %max3A_951 : f32 to vector<32x2048xf32>
    %max3A_953 = arith.maximumf %sub3A_950, %max3A_952 : vector<32x2048xf32>
    %min3A_954 = vector.broadcast %slice3A_11 : vector<32x1xf32> to vector<32x2048xf32>
    %min3A_955 = vector.broadcast %add3A_940 : vector<1x2048xf32> to vector<32x2048xf32>
    %min3A_956 = arith.minimumf %min3A_954, %min3A_955 : vector<32x2048xf32>
    %max3A_957 = vector.broadcast %slice3A_9 : vector<32x1xf32> to vector<32x2048xf32>
    %max3A_958 = vector.broadcast %sub3A_932 : vector<1x2048xf32> to vector<32x2048xf32>
    %max3A_959 = arith.maximumf %max3A_957, %max3A_958 : vector<32x2048xf32>
    %sub3A_960 = arith.subf %min3A_956, %max3A_959 : vector<32x2048xf32>
    %max3A_961 = arith.constant 0.000000e+00 : f32
    %max3A_962 = vector.broadcast %max3A_961 : f32 to vector<32x2048xf32>
    %max3A_963 = arith.maximumf %sub3A_960, %max3A_962 : vector<32x2048xf32>
    %mul3A_964 = arith.mulf %max3A_953, %max3A_963 : vector<32x2048xf32>
    %add3A_965 = vector.broadcast %mul3A : vector<32x1xf32> to vector<32x2048xf32>
    %add3A_966 = vector.broadcast %mul3A_943 : vector<1x2048xf32> to vector<32x2048xf32>
    %add3A_967 = arith.addf %add3A_965, %add3A_966 : vector<32x2048xf32>
    %sub3A_968 = arith.subf %add3A_967, %mul3A_964 : vector<32x2048xf32>
    %div3A_969 = arith.divf %mul3A_964, %sub3A_968 : vector<32x2048xf32>
    %ne3A_970 = arith.cmpf one, %div3A_969, %div3A_969 : vector<32x2048xf32>
    %jit3A_971 = arith.constant 0x7F800000 : f32
    %broadcast_in_dim3A_972 = vector.broadcast %jit3A_971 : f32 to vector<32x2048xf32>
    %select_n3A_973 = arith.select %ne3A_970, %broadcast_in_dim3A_972, %div3A_969 : vector<32x2048xi1>, vector<32x2048xf32>
    %reduce_max3A_974 = arith.constant dense<0xFF800000> : vector<2048xf32>
    %reduce_max3A_975 = vector.multi_reduction <maximumf>, %select_n3A_973, %reduce_max3A_974 [0] : vector<32x2048xf32> to vector<2048xf32>
    %broadcast_in_dim3A_976 = vector.shape_cast %reduce_max3A_975 : vector<2048xf32> to vector<1x2048xf32>
    %eq3A_977 = vector.broadcast %broadcast_in_dim3A_976 : vector<1x2048xf32> to vector<32x2048xf32>
    %eq3A_978 = arith.cmpf oeq, %select_n3A_973, %eq3A_977 : vector<32x2048xf32>
    %jit3A_979 = arith.constant 9.900000e+01 : f32
    %broadcast_in_dim3A_980 = vector.shape_cast %convert_element_type3A : vector<32x1xf32> to vector<32x1xf32>
    %broadcast_in_dim3A_981 = vector.broadcast %broadcast_in_dim3A_980 : vector<32x1xf32> to vector<32x2048xf32>
    %broadcast_in_dim3A_982 = vector.broadcast %jit3A_979 : f32 to vector<32x2048xf32>
    %select_n3A_983 = arith.select %eq3A_978, %broadcast_in_dim3A_981, %broadcast_in_dim3A_982 : vector<32x2048xi1>, vector<32x2048xf32>
    %reduce_min3A_984 = arith.constant dense<0x7F800000> : vector<2048xf32>
    %reduce_min3A_985 = vector.multi_reduction <minimumf>, %select_n3A_983, %reduce_min3A_984 [0] : vector<32x2048xf32> to vector<2048xf32>
    %broadcast_in_dim3A_986 = vector.shape_cast %reduce_min3A_985 : vector<2048xf32> to vector<1x2048xf32>
    %swap3A_987 = arith.constant 0 : index
    %swap3A_988 = arith.constant 18432 : index
    %swap3A_989 = vector.load %arg8[%swap3A_987, %swap3A_988] : memref<1x24576xf32, #tpu.memory_space<vmem>>, vector<1x2048xf32>
    tpu.vector_store %arg8[%swap3A_987, %swap3A_988], %broadcast_in_dim3A_976 {strides = array<i32>} : memref<1x24576xf32, #tpu.memory_space<vmem>>, vector<1x2048xf32>,
    %swap3A_990 = arith.constant 0 : index
    %swap3A_991 = arith.constant 18432 : index
    %swap3A_992 = vector.load %arg9[%swap3A_990, %swap3A_991] : memref<1x24576xf32, #tpu.memory_space<vmem>>, vector<1x2048xf32>
    tpu.vector_store %arg9[%swap3A_990, %swap3A_991], %broadcast_in_dim3A_986 {strides = array<i32>} : memref<1x24576xf32, #tpu.memory_space<vmem>>, vector<1x2048xf32>,
    %iota3A_993 = tpu.iota {dimensions = array<i32: 1>} : vector<1x2048xi32>
    %convert_element_type3A_994 = arith.sitofp %iota3A_993 : vector<1x2048xi32> to vector<1x2048xf32>
    %add3A_995 = arith.constant 1.843200e+04 : f32
    %add3A_996 = vector.broadcast %add3A_995 : f32 to vector<1x2048xf32>
    %add3A_997 = arith.addf %convert_element_type3A_994, %add3A_996 : vector<1x2048xf32>
    %reduce_max3A_998 = arith.constant dense<0xFF800000> : vector<32xf32>
    %reduce_max3A_999 = vector.multi_reduction <maximumf>, %select_n3A_973, %reduce_max3A_998 [1] : vector<32x2048xf32> to vector<32xf32>
    %broadcast_in_dim3A_1000 = vector.shape_cast %reduce_max3A_999 : vector<32xf32> to vector<32x1xf32>
    %eq3A_1001 = vector.broadcast %broadcast_in_dim3A_1000 : vector<32x1xf32> to vector<32x2048xf32>
    %eq3A_1002 = arith.cmpf oeq, %select_n3A_973, %eq3A_1001 : vector<32x2048xf32>
    %jit3A_1003 = arith.constant 1.000000e+09 : f32
    %broadcast_in_dim3A_1004 = vector.shape_cast %add3A_997 : vector<1x2048xf32> to vector<1x2048xf32>
    %broadcast_in_dim3A_1005 = vector.broadcast %broadcast_in_dim3A_1004 : vector<1x2048xf32> to vector<32x2048xf32>
    %broadcast_in_dim3A_1006 = vector.broadcast %jit3A_1003 : f32 to vector<32x2048xf32>
    %select_n3A_1007 = arith.select %eq3A_1002, %broadcast_in_dim3A_1005, %broadcast_in_dim3A_1006 : vector<32x2048xi1>, vector<32x2048xf32>
    %reduce_min3A_1008 = arith.constant dense<0x7F800000> : vector<32xf32>
    %reduce_min3A_1009 = vector.multi_reduction <minimumf>, %select_n3A_1007, %reduce_min3A_1008 [1] : vector<32x2048xf32> to vector<32xf32>
    %broadcast_in_dim3A_1010 = vector.shape_cast %reduce_min3A_1009 : vector<32xf32> to vector<32x1xf32>
    %gt3A_1011 = arith.cmpf ogt, %broadcast_in_dim3A_1000, %select_n3A_911 : vector<32x1xf32>
    %select_n3A_1012 = arith.select %gt3A_1011, %broadcast_in_dim3A_1000, %select_n3A_911 : vector<32x1xi1>, vector<32x1xf32>
    %select_n3A_1013 = arith.select %gt3A_1011, %broadcast_in_dim3A_1010, %select_n3A_912 : vector<32x1xi1>, vector<32x1xf32>
    %get3A_1014 = arith.constant 0 : index
    %get3A_1015 = arith.constant 20480 : index
    %get3A_1016 = vector.load %arg3[%get3A_1014, %get3A_1015] : memref<4x24576xf32, #tpu.memory_space<vmem>>, vector<1x2048xf32>
    %get3A_1017 = arith.constant 1 : index
    %get3A_1018 = arith.constant 20480 : index
    %get3A_1019 = vector.load %arg3[%get3A_1017, %get3A_1018] : memref<4x24576xf32, #tpu.memory_space<vmem>>, vector<1x2048xf32>
    %get3A_1020 = arith.constant 2 : index
    %get3A_1021 = arith.constant 20480 : index
    %get3A_1022 = vector.load %arg3[%get3A_1020, %get3A_1021] : memref<4x24576xf32, #tpu.memory_space<vmem>>, vector<1x2048xf32>
    %get3A_1023 = arith.constant 3 : index
    %get3A_1024 = arith.constant 20480 : index
    %get3A_1025 = vector.load %arg3[%get3A_1023, %get3A_1024] : memref<4x24576xf32, #tpu.memory_space<vmem>>, vector<1x2048xf32>
    %mul3A_1026 = arith.constant 5.000000e-01 : f32
    %mul3A_1027 = vector.broadcast %mul3A_1026 : f32 to vector<1x2048xf32>
    %mul3A_1028 = arith.mulf %get3A_1022, %mul3A_1027 : vector<1x2048xf32>
    %sub3A_1029 = arith.subf %get3A_1016, %mul3A_1028 : vector<1x2048xf32>
    %mul3A_1030 = arith.constant 5.000000e-01 : f32
    %mul3A_1031 = vector.broadcast %mul3A_1030 : f32 to vector<1x2048xf32>
    %mul3A_1032 = arith.mulf %get3A_1025, %mul3A_1031 : vector<1x2048xf32>
    %sub3A_1033 = arith.subf %get3A_1019, %mul3A_1032 : vector<1x2048xf32>
    %mul3A_1034 = arith.constant 5.000000e-01 : f32
    %mul3A_1035 = vector.broadcast %mul3A_1034 : f32 to vector<1x2048xf32>
    %mul3A_1036 = arith.mulf %get3A_1022, %mul3A_1035 : vector<1x2048xf32>
    %add3A_1037 = arith.addf %get3A_1022, %mul3A_1036 : vector<1x2048xf32>
    %mul3A_1038 = arith.constant 5.000000e-01 : f32
    %mul3A_1039 = vector.broadcast %mul3A_1038 : f32 to vector<1x2048xf32>
    %mul3A_1040 = arith.mulf %get3A_1025, %mul3A_1039 : vector<1x2048xf32>
    %add3A_1041 = arith.addf %get3A_1025, %mul3A_1040 : vector<1x2048xf32>
    %sub3A_1042 = arith.subf %add3A_1037, %sub3A_1029 : vector<1x2048xf32>
    %sub3A_1043 = arith.subf %add3A_1041, %sub3A_1033 : vector<1x2048xf32>
    %mul3A_1044 = arith.mulf %sub3A_1042, %sub3A_1043 : vector<1x2048xf32>
    %min3A_1045 = vector.broadcast %slice3A_10 : vector<32x1xf32> to vector<32x2048xf32>
    %min3A_1046 = vector.broadcast %add3A_1037 : vector<1x2048xf32> to vector<32x2048xf32>
    %min3A_1047 = arith.minimumf %min3A_1045, %min3A_1046 : vector<32x2048xf32>
    %max3A_1048 = vector.broadcast %slice3A : vector<32x1xf32> to vector<32x2048xf32>
    %max3A_1049 = vector.broadcast %sub3A_1029 : vector<1x2048xf32> to vector<32x2048xf32>
    %max3A_1050 = arith.maximumf %max3A_1048, %max3A_1049 : vector<32x2048xf32>
    %sub3A_1051 = arith.subf %min3A_1047, %max3A_1050 : vector<32x2048xf32>
    %max3A_1052 = arith.constant 0.000000e+00 : f32
    %max3A_1053 = vector.broadcast %max3A_1052 : f32 to vector<32x2048xf32>
    %max3A_1054 = arith.maximumf %sub3A_1051, %max3A_1053 : vector<32x2048xf32>
    %min3A_1055 = vector.broadcast %slice3A_11 : vector<32x1xf32> to vector<32x2048xf32>
    %min3A_1056 = vector.broadcast %add3A_1041 : vector<1x2048xf32> to vector<32x2048xf32>
    %min3A_1057 = arith.minimumf %min3A_1055, %min3A_1056 : vector<32x2048xf32>
    %max3A_1058 = vector.broadcast %slice3A_9 : vector<32x1xf32> to vector<32x2048xf32>
    %max3A_1059 = vector.broadcast %sub3A_1033 : vector<1x2048xf32> to vector<32x2048xf32>
    %max3A_1060 = arith.maximumf %max3A_1058, %max3A_1059 : vector<32x2048xf32>
    %sub3A_1061 = arith.subf %min3A_1057, %max3A_1060 : vector<32x2048xf32>
    %max3A_1062 = arith.constant 0.000000e+00 : f32
    %max3A_1063 = vector.broadcast %max3A_1062 : f32 to vector<32x2048xf32>
    %max3A_1064 = arith.maximumf %sub3A_1061, %max3A_1063 : vector<32x2048xf32>
    %mul3A_1065 = arith.mulf %max3A_1054, %max3A_1064 : vector<32x2048xf32>
    %add3A_1066 = vector.broadcast %mul3A : vector<32x1xf32> to vector<32x2048xf32>
    %add3A_1067 = vector.broadcast %mul3A_1044 : vector<1x2048xf32> to vector<32x2048xf32>
    %add3A_1068 = arith.addf %add3A_1066, %add3A_1067 : vector<32x2048xf32>
    %sub3A_1069 = arith.subf %add3A_1068, %mul3A_1065 : vector<32x2048xf32>
    %div3A_1070 = arith.divf %mul3A_1065, %sub3A_1069 : vector<32x2048xf32>
    %ne3A_1071 = arith.cmpf one, %div3A_1070, %div3A_1070 : vector<32x2048xf32>
    %jit3A_1072 = arith.constant 0x7F800000 : f32
    %broadcast_in_dim3A_1073 = vector.broadcast %jit3A_1072 : f32 to vector<32x2048xf32>
    %select_n3A_1074 = arith.select %ne3A_1071, %broadcast_in_dim3A_1073, %div3A_1070 : vector<32x2048xi1>, vector<32x2048xf32>
    %reduce_max3A_1075 = arith.constant dense<0xFF800000> : vector<2048xf32>
    %reduce_max3A_1076 = vector.multi_reduction <maximumf>, %select_n3A_1074, %reduce_max3A_1075 [0] : vector<32x2048xf32> to vector<2048xf32>
    %broadcast_in_dim3A_1077 = vector.shape_cast %reduce_max3A_1076 : vector<2048xf32> to vector<1x2048xf32>
    %eq3A_1078 = vector.broadcast %broadcast_in_dim3A_1077 : vector<1x2048xf32> to vector<32x2048xf32>
    %eq3A_1079 = arith.cmpf oeq, %select_n3A_1074, %eq3A_1078 : vector<32x2048xf32>
    %jit3A_1080 = arith.constant 9.900000e+01 : f32
    %broadcast_in_dim3A_1081 = vector.shape_cast %convert_element_type3A : vector<32x1xf32> to vector<32x1xf32>
    %broadcast_in_dim3A_1082 = vector.broadcast %broadcast_in_dim3A_1081 : vector<32x1xf32> to vector<32x2048xf32>
    %broadcast_in_dim3A_1083 = vector.broadcast %jit3A_1080 : f32 to vector<32x2048xf32>
    %select_n3A_1084 = arith.select %eq3A_1079, %broadcast_in_dim3A_1082, %broadcast_in_dim3A_1083 : vector<32x2048xi1>, vector<32x2048xf32>
    %reduce_min3A_1085 = arith.constant dense<0x7F800000> : vector<2048xf32>
    %reduce_min3A_1086 = vector.multi_reduction <minimumf>, %select_n3A_1084, %reduce_min3A_1085 [0] : vector<32x2048xf32> to vector<2048xf32>
    %broadcast_in_dim3A_1087 = vector.shape_cast %reduce_min3A_1086 : vector<2048xf32> to vector<1x2048xf32>
    %swap3A_1088 = arith.constant 0 : index
    %swap3A_1089 = arith.constant 20480 : index
    %swap3A_1090 = vector.load %arg8[%swap3A_1088, %swap3A_1089] : memref<1x24576xf32, #tpu.memory_space<vmem>>, vector<1x2048xf32>
    tpu.vector_store %arg8[%swap3A_1088, %swap3A_1089], %broadcast_in_dim3A_1077 {strides = array<i32>} : memref<1x24576xf32, #tpu.memory_space<vmem>>, vector<1x2048xf32>,
    %swap3A_1091 = arith.constant 0 : index
    %swap3A_1092 = arith.constant 20480 : index
    %swap3A_1093 = vector.load %arg9[%swap3A_1091, %swap3A_1092] : memref<1x24576xf32, #tpu.memory_space<vmem>>, vector<1x2048xf32>
    tpu.vector_store %arg9[%swap3A_1091, %swap3A_1092], %broadcast_in_dim3A_1087 {strides = array<i32>} : memref<1x24576xf32, #tpu.memory_space<vmem>>, vector<1x2048xf32>,
    %iota3A_1094 = tpu.iota {dimensions = array<i32: 1>} : vector<1x2048xi32>
    %convert_element_type3A_1095 = arith.sitofp %iota3A_1094 : vector<1x2048xi32> to vector<1x2048xf32>
    %add3A_1096 = arith.constant 2.048000e+04 : f32
    %add3A_1097 = vector.broadcast %add3A_1096 : f32 to vector<1x2048xf32>
    %add3A_1098 = arith.addf %convert_element_type3A_1095, %add3A_1097 : vector<1x2048xf32>
    %reduce_max3A_1099 = arith.constant dense<0xFF800000> : vector<32xf32>
    %reduce_max3A_1100 = vector.multi_reduction <maximumf>, %select_n3A_1074, %reduce_max3A_1099 [1] : vector<32x2048xf32> to vector<32xf32>
    %broadcast_in_dim3A_1101 = vector.shape_cast %reduce_max3A_1100 : vector<32xf32> to vector<32x1xf32>
    %eq3A_1102 = vector.broadcast %broadcast_in_dim3A_1101 : vector<32x1xf32> to vector<32x2048xf32>
    %eq3A_1103 = arith.cmpf oeq, %select_n3A_1074, %eq3A_1102 : vector<32x2048xf32>
    %jit3A_1104 = arith.constant 1.000000e+09 : f32
    %broadcast_in_dim3A_1105 = vector.shape_cast %add3A_1098 : vector<1x2048xf32> to vector<1x2048xf32>
    %broadcast_in_dim3A_1106 = vector.broadcast %broadcast_in_dim3A_1105 : vector<1x2048xf32> to vector<32x2048xf32>
    %broadcast_in_dim3A_1107 = vector.broadcast %jit3A_1104 : f32 to vector<32x2048xf32>
    %select_n3A_1108 = arith.select %eq3A_1103, %broadcast_in_dim3A_1106, %broadcast_in_dim3A_1107 : vector<32x2048xi1>, vector<32x2048xf32>
    %reduce_min3A_1109 = arith.constant dense<0x7F800000> : vector<32xf32>
    %reduce_min3A_1110 = vector.multi_reduction <minimumf>, %select_n3A_1108, %reduce_min3A_1109 [1] : vector<32x2048xf32> to vector<32xf32>
    %broadcast_in_dim3A_1111 = vector.shape_cast %reduce_min3A_1110 : vector<32xf32> to vector<32x1xf32>
    %gt3A_1112 = arith.cmpf ogt, %broadcast_in_dim3A_1101, %select_n3A_1012 : vector<32x1xf32>
    %select_n3A_1113 = arith.select %gt3A_1112, %broadcast_in_dim3A_1101, %select_n3A_1012 : vector<32x1xi1>, vector<32x1xf32>
    %select_n3A_1114 = arith.select %gt3A_1112, %broadcast_in_dim3A_1111, %select_n3A_1013 : vector<32x1xi1>, vector<32x1xf32>
    %get3A_1115 = arith.constant 0 : index
    %get3A_1116 = arith.constant 22528 : index
    %get3A_1117 = vector.load %arg3[%get3A_1115, %get3A_1116] : memref<4x24576xf32, #tpu.memory_space<vmem>>, vector<1x2048xf32>
    %get3A_1118 = arith.constant 1 : index
    %get3A_1119 = arith.constant 22528 : index
    %get3A_1120 = vector.load %arg3[%get3A_1118, %get3A_1119] : memref<4x24576xf32, #tpu.memory_space<vmem>>, vector<1x2048xf32>
    %get3A_1121 = arith.constant 2 : index
    %get3A_1122 = arith.constant 22528 : index
    %get3A_1123 = vector.load %arg3[%get3A_1121, %get3A_1122] : memref<4x24576xf32, #tpu.memory_space<vmem>>, vector<1x2048xf32>
    %get3A_1124 = arith.constant 3 : index
    %get3A_1125 = arith.constant 22528 : index
    %get3A_1126 = vector.load %arg3[%get3A_1124, %get3A_1125] : memref<4x24576xf32, #tpu.memory_space<vmem>>, vector<1x2048xf32>
    %mul3A_1127 = arith.constant 5.000000e-01 : f32
    %mul3A_1128 = vector.broadcast %mul3A_1127 : f32 to vector<1x2048xf32>
    %mul3A_1129 = arith.mulf %get3A_1123, %mul3A_1128 : vector<1x2048xf32>
    %sub3A_1130 = arith.subf %get3A_1117, %mul3A_1129 : vector<1x2048xf32>
    %mul3A_1131 = arith.constant 5.000000e-01 : f32
    %mul3A_1132 = vector.broadcast %mul3A_1131 : f32 to vector<1x2048xf32>
    %mul3A_1133 = arith.mulf %get3A_1126, %mul3A_1132 : vector<1x2048xf32>
    %sub3A_1134 = arith.subf %get3A_1120, %mul3A_1133 : vector<1x2048xf32>
    %mul3A_1135 = arith.constant 5.000000e-01 : f32
    %mul3A_1136 = vector.broadcast %mul3A_1135 : f32 to vector<1x2048xf32>
    %mul3A_1137 = arith.mulf %get3A_1123, %mul3A_1136 : vector<1x2048xf32>
    %add3A_1138 = arith.addf %get3A_1123, %mul3A_1137 : vector<1x2048xf32>
    %mul3A_1139 = arith.constant 5.000000e-01 : f32
    %mul3A_1140 = vector.broadcast %mul3A_1139 : f32 to vector<1x2048xf32>
    %mul3A_1141 = arith.mulf %get3A_1126, %mul3A_1140 : vector<1x2048xf32>
    %add3A_1142 = arith.addf %get3A_1126, %mul3A_1141 : vector<1x2048xf32>
    %sub3A_1143 = arith.subf %add3A_1138, %sub3A_1130 : vector<1x2048xf32>
    %sub3A_1144 = arith.subf %add3A_1142, %sub3A_1134 : vector<1x2048xf32>
    %mul3A_1145 = arith.mulf %sub3A_1143, %sub3A_1144 : vector<1x2048xf32>
    %min3A_1146 = vector.broadcast %slice3A_10 : vector<32x1xf32> to vector<32x2048xf32>
    %min3A_1147 = vector.broadcast %add3A_1138 : vector<1x2048xf32> to vector<32x2048xf32>
    %min3A_1148 = arith.minimumf %min3A_1146, %min3A_1147 : vector<32x2048xf32>
    %max3A_1149 = vector.broadcast %slice3A : vector<32x1xf32> to vector<32x2048xf32>
    %max3A_1150 = vector.broadcast %sub3A_1130 : vector<1x2048xf32> to vector<32x2048xf32>
    %max3A_1151 = arith.maximumf %max3A_1149, %max3A_1150 : vector<32x2048xf32>
    %sub3A_1152 = arith.subf %min3A_1148, %max3A_1151 : vector<32x2048xf32>
    %max3A_1153 = arith.constant 0.000000e+00 : f32
    %max3A_1154 = vector.broadcast %max3A_1153 : f32 to vector<32x2048xf32>
    %max3A_1155 = arith.maximumf %sub3A_1152, %max3A_1154 : vector<32x2048xf32>
    %min3A_1156 = vector.broadcast %slice3A_11 : vector<32x1xf32> to vector<32x2048xf32>
    %min3A_1157 = vector.broadcast %add3A_1142 : vector<1x2048xf32> to vector<32x2048xf32>
    %min3A_1158 = arith.minimumf %min3A_1156, %min3A_1157 : vector<32x2048xf32>
    %max3A_1159 = vector.broadcast %slice3A_9 : vector<32x1xf32> to vector<32x2048xf32>
    %max3A_1160 = vector.broadcast %sub3A_1134 : vector<1x2048xf32> to vector<32x2048xf32>
    %max3A_1161 = arith.maximumf %max3A_1159, %max3A_1160 : vector<32x2048xf32>
    %sub3A_1162 = arith.subf %min3A_1158, %max3A_1161 : vector<32x2048xf32>
    %max3A_1163 = arith.constant 0.000000e+00 : f32
    %max3A_1164 = vector.broadcast %max3A_1163 : f32 to vector<32x2048xf32>
    %max3A_1165 = arith.maximumf %sub3A_1162, %max3A_1164 : vector<32x2048xf32>
    %mul3A_1166 = arith.mulf %max3A_1155, %max3A_1165 : vector<32x2048xf32>
    %add3A_1167 = vector.broadcast %mul3A : vector<32x1xf32> to vector<32x2048xf32>
    %add3A_1168 = vector.broadcast %mul3A_1145 : vector<1x2048xf32> to vector<32x2048xf32>
    %add3A_1169 = arith.addf %add3A_1167, %add3A_1168 : vector<32x2048xf32>
    %sub3A_1170 = arith.subf %add3A_1169, %mul3A_1166 : vector<32x2048xf32>
    %div3A_1171 = arith.divf %mul3A_1166, %sub3A_1170 : vector<32x2048xf32>
    %ne3A_1172 = arith.cmpf one, %div3A_1171, %div3A_1171 : vector<32x2048xf32>
    %jit3A_1173 = arith.constant 0x7F800000 : f32
    %broadcast_in_dim3A_1174 = vector.broadcast %jit3A_1173 : f32 to vector<32x2048xf32>
    %select_n3A_1175 = arith.select %ne3A_1172, %broadcast_in_dim3A_1174, %div3A_1171 : vector<32x2048xi1>, vector<32x2048xf32>
    %reduce_max3A_1176 = arith.constant dense<0xFF800000> : vector<2048xf32>
    %reduce_max3A_1177 = vector.multi_reduction <maximumf>, %select_n3A_1175, %reduce_max3A_1176 [0] : vector<32x2048xf32> to vector<2048xf32>
    %broadcast_in_dim3A_1178 = vector.shape_cast %reduce_max3A_1177 : vector<2048xf32> to vector<1x2048xf32>
    %eq3A_1179 = vector.broadcast %broadcast_in_dim3A_1178 : vector<1x2048xf32> to vector<32x2048xf32>
    %eq3A_1180 = arith.cmpf oeq, %select_n3A_1175, %eq3A_1179 : vector<32x2048xf32>
    %jit3A_1181 = arith.constant 9.900000e+01 : f32
    %broadcast_in_dim3A_1182 = vector.shape_cast %convert_element_type3A : vector<32x1xf32> to vector<32x1xf32>
    %broadcast_in_dim3A_1183 = vector.broadcast %broadcast_in_dim3A_1182 : vector<32x1xf32> to vector<32x2048xf32>
    %broadcast_in_dim3A_1184 = vector.broadcast %jit3A_1181 : f32 to vector<32x2048xf32>
    %select_n3A_1185 = arith.select %eq3A_1180, %broadcast_in_dim3A_1183, %broadcast_in_dim3A_1184 : vector<32x2048xi1>, vector<32x2048xf32>
    %reduce_min3A_1186 = arith.constant dense<0x7F800000> : vector<2048xf32>
    %reduce_min3A_1187 = vector.multi_reduction <minimumf>, %select_n3A_1185, %reduce_min3A_1186 [0] : vector<32x2048xf32> to vector<2048xf32>
    %broadcast_in_dim3A_1188 = vector.shape_cast %reduce_min3A_1187 : vector<2048xf32> to vector<1x2048xf32>
    %swap3A_1189 = arith.constant 0 : index
    %swap3A_1190 = arith.constant 22528 : index
    %swap3A_1191 = vector.load %arg8[%swap3A_1189, %swap3A_1190] : memref<1x24576xf32, #tpu.memory_space<vmem>>, vector<1x2048xf32>
    tpu.vector_store %arg8[%swap3A_1189, %swap3A_1190], %broadcast_in_dim3A_1178 {strides = array<i32>} : memref<1x24576xf32, #tpu.memory_space<vmem>>, vector<1x2048xf32>,
    %swap3A_1192 = arith.constant 0 : index
    %swap3A_1193 = arith.constant 22528 : index
    %swap3A_1194 = vector.load %arg9[%swap3A_1192, %swap3A_1193] : memref<1x24576xf32, #tpu.memory_space<vmem>>, vector<1x2048xf32>
    tpu.vector_store %arg9[%swap3A_1192, %swap3A_1193], %broadcast_in_dim3A_1188 {strides = array<i32>} : memref<1x24576xf32, #tpu.memory_space<vmem>>, vector<1x2048xf32>,
    %iota3A_1195 = tpu.iota {dimensions = array<i32: 1>} : vector<1x2048xi32>
    %convert_element_type3A_1196 = arith.sitofp %iota3A_1195 : vector<1x2048xi32> to vector<1x2048xf32>
    %add3A_1197 = arith.constant 2.252800e+04 : f32
    %add3A_1198 = vector.broadcast %add3A_1197 : f32 to vector<1x2048xf32>
    %add3A_1199 = arith.addf %convert_element_type3A_1196, %add3A_1198 : vector<1x2048xf32>
    %reduce_max3A_1200 = arith.constant dense<0xFF800000> : vector<32xf32>
    %reduce_max3A_1201 = vector.multi_reduction <maximumf>, %select_n3A_1175, %reduce_max3A_1200 [1] : vector<32x2048xf32> to vector<32xf32>
    %broadcast_in_dim3A_1202 = vector.shape_cast %reduce_max3A_1201 : vector<32xf32> to vector<32x1xf32>
    %eq3A_1203 = vector.broadcast %broadcast_in_dim3A_1202 : vector<32x1xf32> to vector<32x2048xf32>
    %eq3A_1204 = arith.cmpf oeq, %select_n3A_1175, %eq3A_1203 : vector<32x2048xf32>
    %jit3A_1205 = arith.constant 1.000000e+09 : f32
    %broadcast_in_dim3A_1206 = vector.shape_cast %add3A_1199 : vector<1x2048xf32> to vector<1x2048xf32>
    %broadcast_in_dim3A_1207 = vector.broadcast %broadcast_in_dim3A_1206 : vector<1x2048xf32> to vector<32x2048xf32>
    %broadcast_in_dim3A_1208 = vector.broadcast %jit3A_1205 : f32 to vector<32x2048xf32>
    %select_n3A_1209 = arith.select %eq3A_1204, %broadcast_in_dim3A_1207, %broadcast_in_dim3A_1208 : vector<32x2048xi1>, vector<32x2048xf32>
    %reduce_min3A_1210 = arith.constant dense<0x7F800000> : vector<32xf32>
    %reduce_min3A_1211 = vector.multi_reduction <minimumf>, %select_n3A_1209, %reduce_min3A_1210 [1] : vector<32x2048xf32> to vector<32xf32>
    %broadcast_in_dim3A_1212 = vector.shape_cast %reduce_min3A_1211 : vector<32xf32> to vector<32x1xf32>
    %gt3A_1213 = arith.cmpf ogt, %broadcast_in_dim3A_1202, %select_n3A_1113 : vector<32x1xf32>
    %select_n3A_1214 = arith.select %gt3A_1213, %broadcast_in_dim3A_1212, %select_n3A_1114 : vector<32x1xi1>, vector<32x1xf32>
    %iota3A_1215 = tpu.iota {dimensions = array<i32: 1>} : vector<1x2048xi32>
    %convert_element_type3A_1216 = arith.sitofp %iota3A_1215 : vector<1x2048xi32> to vector<1x2048xf32>
    %add3A_1217 = arith.constant 0.000000e+00 : f32
    %add3A_1218 = vector.broadcast %add3A_1217 : f32 to vector<1x2048xf32>
    %add3A_1219 = arith.addf %convert_element_type3A_1216, %add3A_1218 : vector<1x2048xf32>
    %get3A_1220 = arith.constant 0 : index
    %get3A_1221 = arith.constant 0 : index
    %get3A_1222 = vector.load %arg8[%get3A_1220, %get3A_1221] : memref<1x24576xf32, #tpu.memory_space<vmem>>, vector<1x2048xf32>
    %get3A_1223 = arith.constant 0 : index
    %get3A_1224 = arith.constant 0 : index
    %get3A_1225 = vector.load %arg9[%get3A_1223, %get3A_1224] : memref<1x24576xf32, #tpu.memory_space<vmem>>, vector<1x2048xf32>
    %eq3A_1226 = vector.broadcast %add3A_1219 : vector<1x2048xf32> to vector<32x2048xf32>
    %eq3A_1227 = vector.broadcast %select_n3A_1214 : vector<32x1xf32> to vector<32x2048xf32>
    %eq3A_1228 = arith.cmpf oeq, %eq3A_1226, %eq3A_1227 : vector<32x2048xf32>
    %jit3A_1229 = arith.constant -1.000000e+00 : f32
    %broadcast_in_dim3A_1230 = vector.shape_cast %convert_element_type3A : vector<32x1xf32> to vector<32x1xf32>
    %broadcast_in_dim3A_1231 = vector.broadcast %broadcast_in_dim3A_1230 : vector<32x1xf32> to vector<32x2048xf32>
    %broadcast_in_dim3A_1232 = vector.broadcast %jit3A_1229 : f32 to vector<32x2048xf32>
    %select_n3A_1233 = arith.select %eq3A_1228, %broadcast_in_dim3A_1231, %broadcast_in_dim3A_1232 : vector<32x2048xi1>, vector<32x2048xf32>
    %reduce_max3A_1234 = arith.constant dense<0xFF800000> : vector<2048xf32>
    %reduce_max3A_1235 = vector.multi_reduction <maximumf>, %select_n3A_1233, %reduce_max3A_1234 [0] : vector<32x2048xf32> to vector<2048xf32>
    %broadcast_in_dim3A_1236 = vector.shape_cast %reduce_max3A_1235 : vector<2048xf32> to vector<1x2048xf32>
    %ge3A = arith.constant 0.000000e+00 : f32
    %ge3A_1237 = vector.broadcast %ge3A : f32 to vector<1x2048xf32>
    %ge3A_1238 = arith.cmpf oge, %broadcast_in_dim3A_1236, %ge3A_1237 : vector<1x2048xf32>
    %jit3A_1239 = arith.constant 2.000000e+00 : f32
    %broadcast_in_dim3A_1240 = vector.broadcast %jit3A_1239 : f32 to vector<1x2048xf32>
    %select_n3A_1241 = arith.select %ge3A_1238, %broadcast_in_dim3A_1240, %get3A_1222 : vector<1x2048xi1>, vector<1x2048xf32>
    %select_n3A_1242 = arith.select %ge3A_1238, %broadcast_in_dim3A_1236, %get3A_1225 : vector<1x2048xi1>, vector<1x2048xf32>
    %eq3A_1243 = vector.broadcast %select_n3A_1242 : vector<1x2048xf32> to vector<32x2048xf32>
    %eq3A_1244 = vector.broadcast %convert_element_type3A : vector<32x1xf32> to vector<32x2048xf32>
    %eq3A_1245 = arith.cmpf oeq, %eq3A_1243, %eq3A_1244 : vector<32x2048xf32>
    %convert_element_type3A_1246 = arith.extui %eq3A_1245 : vector<32x2048xi1> to vector<32x2048xi32>
    %convert_element_type3A_1247 = arith.sitofp %convert_element_type3A_1246 : vector<32x2048xi32> to vector<32x2048xf32>
    %dot_general3A = arith.constant dense<0.000000e+00> : vector<5x2048xf32>
    %dot_general3A_1248 = tpu.matmul %get3A_8, %convert_element_type3A_1247, %dot_general3A {dimension_numbers = #tpu.dot_dimension_numbers<[1], [0], [0], [1], [0, 0, 1, 1], [], []>, transpose_lhs_hint = false} : vector<5x32xf32>, vector<32x2048xf32>, vector<5x2048xf32> -> vector<5x2048xf32>
    %slice3A_1249 = vector.extract_strided_slice %dot_general3A_1248 {offsets = [0, 0], sizes = [1, 2048], strides = [1, 1]} : vector<5x2048xf32> to vector<1x2048xf32>
    %slice3A_1250 = vector.extract_strided_slice %dot_general3A_1248 {offsets = [1, 0], sizes = [1, 2048], strides = [1, 1]} : vector<5x2048xf32> to vector<1x2048xf32>
    %slice3A_1251 = vector.extract_strided_slice %dot_general3A_1248 {offsets = [2, 0], sizes = [1, 2048], strides = [1, 1]} : vector<5x2048xf32> to vector<1x2048xf32>
    %slice3A_1252 = vector.extract_strided_slice %dot_general3A_1248 {offsets = [3, 0], sizes = [1, 2048], strides = [1, 1]} : vector<5x2048xf32> to vector<1x2048xf32>
    %slice3A_1253 = vector.extract_strided_slice %dot_general3A_1248 {offsets = [4, 0], sizes = [1, 2048], strides = [1, 1]} : vector<5x2048xf32> to vector<1x2048xf32>
    %lt3A = arith.constant 5.000000e-01 : f32
    %lt3A_1254 = vector.broadcast %lt3A : f32 to vector<1x2048xf32>
    %lt3A_1255 = arith.cmpf olt, %select_n3A_1241, %lt3A_1254 : vector<1x2048xf32>
    %add3A_1256 = arith.constant 1.000000e+00 : f32
    %add3A_1257 = vector.broadcast %add3A_1256 : f32 to vector<1x2048xf32>
    %add3A_1258 = arith.addf %slice3A_1253, %add3A_1257 : vector<1x2048xf32>
    %jit3A_1259 = arith.constant 0.000000e+00 : f32
    %broadcast_in_dim3A_1260 = vector.broadcast %jit3A_1259 : f32 to vector<1x2048xf32>
    %select_n3A_1261 = arith.select %lt3A_1255, %broadcast_in_dim3A_1260, %add3A_1258 : vector<1x2048xi1>, vector<1x2048xf32>
    %gt3A_1262 = arith.constant 0.000000e+00 : f32
    %gt3A_1263 = vector.broadcast %gt3A_1262 : f32 to vector<1x2048xf32>
    %gt3A_1264 = arith.cmpf ogt, %select_n3A_1261, %gt3A_1263 : vector<1x2048xf32>
    %convert_element_type3A_1265 = arith.extui %gt3A_1264 : vector<1x2048xi1> to vector<1x2048xi32>
    %convert_element_type3A_1266 = arith.sitofp %convert_element_type3A_1265 : vector<1x2048xi32> to vector<1x2048xf32>
    %get3A_1267 = arith.constant 0 : index
    %get3A_1268 = arith.constant 0 : index
    %get3A_1269 = vector.load %arg3[%get3A_1267, %get3A_1268] : memref<4x24576xf32, #tpu.memory_space<vmem>>, vector<1x2048xf32>
    %get3A_1270 = arith.constant 1 : index
    %get3A_1271 = arith.constant 0 : index
    %get3A_1272 = vector.load %arg3[%get3A_1270, %get3A_1271] : memref<4x24576xf32, #tpu.memory_space<vmem>>, vector<1x2048xf32>
    %get3A_1273 = arith.constant 2 : index
    %get3A_1274 = arith.constant 0 : index
    %get3A_1275 = vector.load %arg3[%get3A_1273, %get3A_1274] : memref<4x24576xf32, #tpu.memory_space<vmem>>, vector<1x2048xf32>
    %get3A_1276 = arith.constant 3 : index
    %get3A_1277 = arith.constant 0 : index
    %get3A_1278 = vector.load %arg3[%get3A_1276, %get3A_1277] : memref<4x24576xf32, #tpu.memory_space<vmem>>, vector<1x2048xf32>
    %mul3A_1279 = arith.constant 5.000000e-01 : f32
    %mul3A_1280 = vector.broadcast %mul3A_1279 : f32 to vector<1x2048xf32>
    %mul3A_1281 = arith.mulf %slice3A_1251, %mul3A_1280 : vector<1x2048xf32>
    %add3A_1282 = arith.addf %slice3A_1249, %mul3A_1281 : vector<1x2048xf32>
    %sub3A_1283 = arith.subf %add3A_1282, %get3A_1269 : vector<1x2048xf32>
    %mul3A_1284 = arith.constant 1.000000e-01 : f32
    %mul3A_1285 = vector.broadcast %mul3A_1284 : f32 to vector<1x2048xf32>
    %mul3A_1286 = arith.mulf %mul3A_1285, %get3A_1275 : vector<1x2048xf32>
    %div3A_1287 = arith.divf %sub3A_1283, %mul3A_1286 : vector<1x2048xf32>
    %mul3A_1288 = arith.constant 5.000000e-01 : f32
    %mul3A_1289 = vector.broadcast %mul3A_1288 : f32 to vector<1x2048xf32>
    %mul3A_1290 = arith.mulf %slice3A_1252, %mul3A_1289 : vector<1x2048xf32>
    %add3A_1291 = arith.addf %slice3A_1250, %mul3A_1290 : vector<1x2048xf32>
    %sub3A_1292 = arith.subf %add3A_1291, %get3A_1272 : vector<1x2048xf32>
    %mul3A_1293 = arith.constant 1.000000e-01 : f32
    %mul3A_1294 = vector.broadcast %mul3A_1293 : f32 to vector<1x2048xf32>
    %mul3A_1295 = arith.mulf %mul3A_1294, %get3A_1278 : vector<1x2048xf32>
    %div3A_1296 = arith.divf %sub3A_1292, %mul3A_1295 : vector<1x2048xf32>
    %sub3A_1297 = arith.subf %slice3A_1251, %slice3A_1249 : vector<1x2048xf32>
    %div3A_1298 = arith.divf %sub3A_1297, %get3A_1275 : vector<1x2048xf32>
    %log3A = math.log %div3A_1298 : vector<1x2048xf32>
    %div3A_1299 = arith.constant 2.000000e-01 : f32
    %div3A_1300 = vector.broadcast %div3A_1299 : f32 to vector<1x2048xf32>
    %div3A_1301 = arith.divf %log3A, %div3A_1300 : vector<1x2048xf32>
    %sub3A_1302 = arith.subf %slice3A_1252, %slice3A_1250 : vector<1x2048xf32>
    %div3A_1303 = arith.divf %sub3A_1302, %get3A_1278 : vector<1x2048xf32>
    %log3A_1304 = math.log %div3A_1303 : vector<1x2048xf32>
    %div3A_1305 = arith.constant 2.000000e-01 : f32
    %div3A_1306 = vector.broadcast %div3A_1305 : f32 to vector<1x2048xf32>
    %div3A_1307 = arith.divf %log3A_1304, %div3A_1306 : vector<1x2048xf32>
    %concatenate3A = tpu.concatenate %div3A_1287, %div3A_1296, %div3A_1301, %div3A_1307 in 0 : vector<1x2048xf32>, vector<1x2048xf32>, vector<1x2048xf32>, vector<1x2048xf32> -> vector<4x2048xf32>
    %get3A_1308 = arith.constant 0 : index
    %get3A_1309 = arith.constant 0 : index
    %get3A_1310 = arith.constant 0 : index
    %get3A_1311 = vector.load %arg4[%get3A_1308, %get3A_1309, %get3A_1310] : memref<1x4x24576xf32, #tpu.memory_space<vmem>>, vector<1x4x2048xf32>
    %get3A_1312 = vector.shape_cast %get3A_1311 : vector<1x4x2048xf32> to vector<4x2048xf32>
    %sub3A_1313 = arith.subf %get3A_1312, %concatenate3A : vector<4x2048xf32>
    %abs3A = math.absf %sub3A_1313 : vector<4x2048xf32>
    %lt3A_1314 = arith.constant 1.000000e+00 : f32
    %lt3A_1315 = vector.broadcast %lt3A_1314 : f32 to vector<4x2048xf32>
    %lt3A_1316 = arith.cmpf olt, %abs3A, %lt3A_1315 : vector<4x2048xf32>
    %mul3A_1317 = arith.constant 5.000000e-01 : f32
    %mul3A_1318 = vector.broadcast %mul3A_1317 : f32 to vector<4x2048xf32>
    %mul3A_1319 = arith.mulf %mul3A_1318, %abs3A : vector<4x2048xf32>
    %mul3A_1320 = arith.mulf %mul3A_1319, %abs3A : vector<4x2048xf32>
    %sub3A_1321 = arith.constant 5.000000e-01 : f32
    %sub3A_1322 = vector.broadcast %sub3A_1321 : f32 to vector<4x2048xf32>
    %sub3A_1323 = arith.subf %abs3A, %sub3A_1322 : vector<4x2048xf32>
    %select_n3A_1324 = arith.select %lt3A_1316, %mul3A_1320, %sub3A_1323 : vector<4x2048xi1>, vector<4x2048xf32>
    %mul3A_1325 = vector.broadcast %convert_element_type3A_1266 : vector<1x2048xf32> to vector<4x2048xf32>
    %mul3A_1326 = arith.mulf %select_n3A_1324, %mul3A_1325 : vector<4x2048xf32>
    %reduce_sum3A = vector.shape_cast %mul3A_1326 : vector<4x2048xf32> to vector<1x4x2048xf32>
    %reduce_sum3A_1327 = arith.constant dense<0.000000e+00> : vector<1xf32>
    %reduce_sum3A_1328 = vector.multi_reduction <add>, %reduce_sum3A, %reduce_sum3A_1327 [1, 2] : vector<1x4x2048xf32> to vector<1xf32>
    %reduce_sum3A_1329 = vector.shape_cast %reduce_sum3A_1328 : vector<1xf32> to vector<1x1x1xf32>
    %reduce_sum3A_1330 = vector.extract %reduce_sum3A_1329[0, 0, 0] : f32 from vector<1x1x1xf32>
    %add3A_1331 = arith.constant 0.000000e+00 : f32
    %add3A_1332 = arith.addf %add3A_1331, %reduce_sum3A_1330 : f32
    %reduce_sum3A_1333 = vector.shape_cast %convert_element_type3A_1266 : vector<1x2048xf32> to vector<1x1x2048xf32>
    %reduce_sum3A_1334 = arith.constant dense<0.000000e+00> : vector<1xf32>
    %reduce_sum3A_1335 = vector.multi_reduction <add>, %reduce_sum3A_1333, %reduce_sum3A_1334 [1, 2] : vector<1x1x2048xf32> to vector<1xf32>
    %reduce_sum3A_1336 = vector.shape_cast %reduce_sum3A_1335 : vector<1xf32> to vector<1x1x1xf32>
    %reduce_sum3A_1337 = vector.extract %reduce_sum3A_1336[0, 0, 0] : f32 from vector<1x1x1xf32>
    %add3A_1338 = arith.constant 0.000000e+00 : f32
    %add3A_1339 = arith.addf %add3A_1338, %reduce_sum3A_1337 : f32
    %swap3A_1340 = arith.constant 0 : index
    %swap3A_1341 = arith.constant 0 : index
    %swap3A_1342 = arith.constant 0 : index
    %swap3A_1343 = vector.load %arg5[%swap3A_1340, %swap3A_1341, %swap3A_1342] : memref<1x1x24576xf32, #tpu.memory_space<vmem>>, vector<1x1x2048xf32>
    %swap3A_1344 = vector.shape_cast %swap3A_1343 : vector<1x1x2048xf32> to vector<1x2048xf32>
    %swap3A_1345 = vector.shape_cast %select_n3A_1261 : vector<1x2048xf32> to vector<1x1x2048xf32>
    tpu.vector_store %arg5[%swap3A_1340, %swap3A_1341, %swap3A_1342], %swap3A_1345 {strides = array<i32>} : memref<1x1x24576xf32, #tpu.memory_space<vmem>>, vector<1x1x2048xf32>,
    %iota3A_1346 = tpu.iota {dimensions = array<i32: 1>} : vector<1x2048xi32>
    %convert_element_type3A_1347 = arith.sitofp %iota3A_1346 : vector<1x2048xi32> to vector<1x2048xf32>
    %add3A_1348 = arith.constant 2.048000e+03 : f32
    %add3A_1349 = vector.broadcast %add3A_1348 : f32 to vector<1x2048xf32>
    %add3A_1350 = arith.addf %convert_element_type3A_1347, %add3A_1349 : vector<1x2048xf32>
    %get3A_1351 = arith.constant 0 : index
    %get3A_1352 = arith.constant 2048 : index
    %get3A_1353 = vector.load %arg8[%get3A_1351, %get3A_1352] : memref<1x24576xf32, #tpu.memory_space<vmem>>, vector<1x2048xf32>
    %get3A_1354 = arith.constant 0 : index
    %get3A_1355 = arith.constant 2048 : index
    %get3A_1356 = vector.load %arg9[%get3A_1354, %get3A_1355] : memref<1x24576xf32, #tpu.memory_space<vmem>>, vector<1x2048xf32>
    %eq3A_1357 = vector.broadcast %add3A_1350 : vector<1x2048xf32> to vector<32x2048xf32>
    %eq3A_1358 = vector.broadcast %select_n3A_1214 : vector<32x1xf32> to vector<32x2048xf32>
    %eq3A_1359 = arith.cmpf oeq, %eq3A_1357, %eq3A_1358 : vector<32x2048xf32>
    %jit3A_1360 = arith.constant -1.000000e+00 : f32
    %broadcast_in_dim3A_1361 = vector.shape_cast %convert_element_type3A : vector<32x1xf32> to vector<32x1xf32>
    %broadcast_in_dim3A_1362 = vector.broadcast %broadcast_in_dim3A_1361 : vector<32x1xf32> to vector<32x2048xf32>
    %broadcast_in_dim3A_1363 = vector.broadcast %jit3A_1360 : f32 to vector<32x2048xf32>
    %select_n3A_1364 = arith.select %eq3A_1359, %broadcast_in_dim3A_1362, %broadcast_in_dim3A_1363 : vector<32x2048xi1>, vector<32x2048xf32>
    %reduce_max3A_1365 = arith.constant dense<0xFF800000> : vector<2048xf32>
    %reduce_max3A_1366 = vector.multi_reduction <maximumf>, %select_n3A_1364, %reduce_max3A_1365 [0] : vector<32x2048xf32> to vector<2048xf32>
    %broadcast_in_dim3A_1367 = vector.shape_cast %reduce_max3A_1366 : vector<2048xf32> to vector<1x2048xf32>
    %ge3A_1368 = arith.constant 0.000000e+00 : f32
    %ge3A_1369 = vector.broadcast %ge3A_1368 : f32 to vector<1x2048xf32>
    %ge3A_1370 = arith.cmpf oge, %broadcast_in_dim3A_1367, %ge3A_1369 : vector<1x2048xf32>
    %jit3A_1371 = arith.constant 2.000000e+00 : f32
    %broadcast_in_dim3A_1372 = vector.broadcast %jit3A_1371 : f32 to vector<1x2048xf32>
    %select_n3A_1373 = arith.select %ge3A_1370, %broadcast_in_dim3A_1372, %get3A_1353 : vector<1x2048xi1>, vector<1x2048xf32>
    %select_n3A_1374 = arith.select %ge3A_1370, %broadcast_in_dim3A_1367, %get3A_1356 : vector<1x2048xi1>, vector<1x2048xf32>
    %eq3A_1375 = vector.broadcast %select_n3A_1374 : vector<1x2048xf32> to vector<32x2048xf32>
    %eq3A_1376 = vector.broadcast %convert_element_type3A : vector<32x1xf32> to vector<32x2048xf32>
    %eq3A_1377 = arith.cmpf oeq, %eq3A_1375, %eq3A_1376 : vector<32x2048xf32>
    %convert_element_type3A_1378 = arith.extui %eq3A_1377 : vector<32x2048xi1> to vector<32x2048xi32>
    %convert_element_type3A_1379 = arith.sitofp %convert_element_type3A_1378 : vector<32x2048xi32> to vector<32x2048xf32>
    %dot_general3A_1380 = arith.constant dense<0.000000e+00> : vector<5x2048xf32>
    %dot_general3A_1381 = tpu.matmul %get3A_8, %convert_element_type3A_1379, %dot_general3A_1380 {dimension_numbers = #tpu.dot_dimension_numbers<[1], [0], [0], [1], [0, 0, 1, 1], [], []>, transpose_lhs_hint = false} : vector<5x32xf32>, vector<32x2048xf32>, vector<5x2048xf32> -> vector<5x2048xf32>
    %slice3A_1382 = vector.extract_strided_slice %dot_general3A_1381 {offsets = [0, 0], sizes = [1, 2048], strides = [1, 1]} : vector<5x2048xf32> to vector<1x2048xf32>
    %slice3A_1383 = vector.extract_strided_slice %dot_general3A_1381 {offsets = [1, 0], sizes = [1, 2048], strides = [1, 1]} : vector<5x2048xf32> to vector<1x2048xf32>
    %slice3A_1384 = vector.extract_strided_slice %dot_general3A_1381 {offsets = [2, 0], sizes = [1, 2048], strides = [1, 1]} : vector<5x2048xf32> to vector<1x2048xf32>
    %slice3A_1385 = vector.extract_strided_slice %dot_general3A_1381 {offsets = [3, 0], sizes = [1, 2048], strides = [1, 1]} : vector<5x2048xf32> to vector<1x2048xf32>
    %slice3A_1386 = vector.extract_strided_slice %dot_general3A_1381 {offsets = [4, 0], sizes = [1, 2048], strides = [1, 1]} : vector<5x2048xf32> to vector<1x2048xf32>
    %lt3A_1387 = arith.constant 5.000000e-01 : f32
    %lt3A_1388 = vector.broadcast %lt3A_1387 : f32 to vector<1x2048xf32>
    %lt3A_1389 = arith.cmpf olt, %select_n3A_1373, %lt3A_1388 : vector<1x2048xf32>
    %add3A_1390 = arith.constant 1.000000e+00 : f32
    %add3A_1391 = vector.broadcast %add3A_1390 : f32 to vector<1x2048xf32>
    %add3A_1392 = arith.addf %slice3A_1386, %add3A_1391 : vector<1x2048xf32>
    %jit3A_1393 = arith.constant 0.000000e+00 : f32
    %broadcast_in_dim3A_1394 = vector.broadcast %jit3A_1393 : f32 to vector<1x2048xf32>
    %select_n3A_1395 = arith.select %lt3A_1389, %broadcast_in_dim3A_1394, %add3A_1392 : vector<1x2048xi1>, vector<1x2048xf32>
    %gt3A_1396 = arith.constant 0.000000e+00 : f32
    %gt3A_1397 = vector.broadcast %gt3A_1396 : f32 to vector<1x2048xf32>
    %gt3A_1398 = arith.cmpf ogt, %select_n3A_1395, %gt3A_1397 : vector<1x2048xf32>
    %convert_element_type3A_1399 = arith.extui %gt3A_1398 : vector<1x2048xi1> to vector<1x2048xi32>
    %convert_element_type3A_1400 = arith.sitofp %convert_element_type3A_1399 : vector<1x2048xi32> to vector<1x2048xf32>
    %get3A_1401 = arith.constant 0 : index
    %get3A_1402 = arith.constant 2048 : index
    %get3A_1403 = vector.load %arg3[%get3A_1401, %get3A_1402] : memref<4x24576xf32, #tpu.memory_space<vmem>>, vector<1x2048xf32>
    %get3A_1404 = arith.constant 1 : index
    %get3A_1405 = arith.constant 2048 : index
    %get3A_1406 = vector.load %arg3[%get3A_1404, %get3A_1405] : memref<4x24576xf32, #tpu.memory_space<vmem>>, vector<1x2048xf32>
    %get3A_1407 = arith.constant 2 : index
    %get3A_1408 = arith.constant 2048 : index
    %get3A_1409 = vector.load %arg3[%get3A_1407, %get3A_1408] : memref<4x24576xf32, #tpu.memory_space<vmem>>, vector<1x2048xf32>
    %get3A_1410 = arith.constant 3 : index
    %get3A_1411 = arith.constant 2048 : index
    %get3A_1412 = vector.load %arg3[%get3A_1410, %get3A_1411] : memref<4x24576xf32, #tpu.memory_space<vmem>>, vector<1x2048xf32>
    %mul3A_1413 = arith.constant 5.000000e-01 : f32
    %mul3A_1414 = vector.broadcast %mul3A_1413 : f32 to vector<1x2048xf32>
    %mul3A_1415 = arith.mulf %slice3A_1384, %mul3A_1414 : vector<1x2048xf32>
    %add3A_1416 = arith.addf %slice3A_1382, %mul3A_1415 : vector<1x2048xf32>
    %sub3A_1417 = arith.subf %add3A_1416, %get3A_1403 : vector<1x2048xf32>
    %mul3A_1418 = arith.constant 1.000000e-01 : f32
    %mul3A_1419 = vector.broadcast %mul3A_1418 : f32 to vector<1x2048xf32>
    %mul3A_1420 = arith.mulf %mul3A_1419, %get3A_1409 : vector<1x2048xf32>
    %div3A_1421 = arith.divf %sub3A_1417, %mul3A_1420 : vector<1x2048xf32>
    %mul3A_1422 = arith.constant 5.000000e-01 : f32
    %mul3A_1423 = vector.broadcast %mul3A_1422 : f32 to vector<1x2048xf32>
    %mul3A_1424 = arith.mulf %slice3A_1385, %mul3A_1423 : vector<1x2048xf32>
    %add3A_1425 = arith.addf %slice3A_1383, %mul3A_1424 : vector<1x2048xf32>
    %sub3A_1426 = arith.subf %add3A_1425, %get3A_1406 : vector<1x2048xf32>
    %mul3A_1427 = arith.constant 1.000000e-01 : f32
    %mul3A_1428 = vector.broadcast %mul3A_1427 : f32 to vector<1x2048xf32>
    %mul3A_1429 = arith.mulf %mul3A_1428, %get3A_1412 : vector<1x2048xf32>
    %div3A_1430 = arith.divf %sub3A_1426, %mul3A_1429 : vector<1x2048xf32>
    %sub3A_1431 = arith.subf %slice3A_1384, %slice3A_1382 : vector<1x2048xf32>
    %div3A_1432 = arith.divf %sub3A_1431, %get3A_1409 : vector<1x2048xf32>
    %log3A_1433 = math.log %div3A_1432 : vector<1x2048xf32>
    %div3A_1434 = arith.constant 2.000000e-01 : f32
    %div3A_1435 = vector.broadcast %div3A_1434 : f32 to vector<1x2048xf32>
    %div3A_1436 = arith.divf %log3A_1433, %div3A_1435 : vector<1x2048xf32>
    %sub3A_1437 = arith.subf %slice3A_1385, %slice3A_1383 : vector<1x2048xf32>
    %div3A_1438 = arith.divf %sub3A_1437, %get3A_1412 : vector<1x2048xf32>
    %log3A_1439 = math.log %div3A_1438 : vector<1x2048xf32>
    %div3A_1440 = arith.constant 2.000000e-01 : f32
    %div3A_1441 = vector.broadcast %div3A_1440 : f32 to vector<1x2048xf32>
    %div3A_1442 = arith.divf %log3A_1439, %div3A_1441 : vector<1x2048xf32>
    %concatenate3A_1443 = tpu.concatenate %div3A_1421, %div3A_1430, %div3A_1436, %div3A_1442 in 0 : vector<1x2048xf32>, vector<1x2048xf32>, vector<1x2048xf32>, vector<1x2048xf32> -> vector<4x2048xf32>
    %get3A_1444 = arith.constant 0 : index
    %get3A_1445 = arith.constant 0 : index
    %get3A_1446 = arith.constant 2048 : index
    %get3A_1447 = vector.load %arg4[%get3A_1444, %get3A_1445, %get3A_1446] : memref<1x4x24576xf32, #tpu.memory_space<vmem>>, vector<1x4x2048xf32>
    %get3A_1448 = vector.shape_cast %get3A_1447 : vector<1x4x2048xf32> to vector<4x2048xf32>
    %sub3A_1449 = arith.subf %get3A_1448, %concatenate3A_1443 : vector<4x2048xf32>
    %abs3A_1450 = math.absf %sub3A_1449 : vector<4x2048xf32>
    %lt3A_1451 = arith.constant 1.000000e+00 : f32
    %lt3A_1452 = vector.broadcast %lt3A_1451 : f32 to vector<4x2048xf32>
    %lt3A_1453 = arith.cmpf olt, %abs3A_1450, %lt3A_1452 : vector<4x2048xf32>
    %mul3A_1454 = arith.constant 5.000000e-01 : f32
    %mul3A_1455 = vector.broadcast %mul3A_1454 : f32 to vector<4x2048xf32>
    %mul3A_1456 = arith.mulf %mul3A_1455, %abs3A_1450 : vector<4x2048xf32>
    %mul3A_1457 = arith.mulf %mul3A_1456, %abs3A_1450 : vector<4x2048xf32>
    %sub3A_1458 = arith.constant 5.000000e-01 : f32
    %sub3A_1459 = vector.broadcast %sub3A_1458 : f32 to vector<4x2048xf32>
    %sub3A_1460 = arith.subf %abs3A_1450, %sub3A_1459 : vector<4x2048xf32>
    %select_n3A_1461 = arith.select %lt3A_1453, %mul3A_1457, %sub3A_1460 : vector<4x2048xi1>, vector<4x2048xf32>
    %mul3A_1462 = vector.broadcast %convert_element_type3A_1400 : vector<1x2048xf32> to vector<4x2048xf32>
    %mul3A_1463 = arith.mulf %select_n3A_1461, %mul3A_1462 : vector<4x2048xf32>
    %reduce_sum3A_1464 = vector.shape_cast %mul3A_1463 : vector<4x2048xf32> to vector<1x4x2048xf32>
    %reduce_sum3A_1465 = arith.constant dense<0.000000e+00> : vector<1xf32>
    %reduce_sum3A_1466 = vector.multi_reduction <add>, %reduce_sum3A_1464, %reduce_sum3A_1465 [1, 2] : vector<1x4x2048xf32> to vector<1xf32>
    %reduce_sum3A_1467 = vector.shape_cast %reduce_sum3A_1466 : vector<1xf32> to vector<1x1x1xf32>
    %reduce_sum3A_1468 = vector.extract %reduce_sum3A_1467[0, 0, 0] : f32 from vector<1x1x1xf32>
    %add3A_1469 = arith.addf %add3A_1332, %reduce_sum3A_1468 : f32
    %reduce_sum3A_1470 = vector.shape_cast %convert_element_type3A_1400 : vector<1x2048xf32> to vector<1x1x2048xf32>
    %reduce_sum3A_1471 = arith.constant dense<0.000000e+00> : vector<1xf32>
    %reduce_sum3A_1472 = vector.multi_reduction <add>, %reduce_sum3A_1470, %reduce_sum3A_1471 [1, 2] : vector<1x1x2048xf32> to vector<1xf32>
    %reduce_sum3A_1473 = vector.shape_cast %reduce_sum3A_1472 : vector<1xf32> to vector<1x1x1xf32>
    %reduce_sum3A_1474 = vector.extract %reduce_sum3A_1473[0, 0, 0] : f32 from vector<1x1x1xf32>
    %add3A_1475 = arith.addf %add3A_1339, %reduce_sum3A_1474 : f32
    %swap3A_1476 = arith.constant 0 : index
    %swap3A_1477 = arith.constant 0 : index
    %swap3A_1478 = arith.constant 2048 : index
    %swap3A_1479 = vector.load %arg5[%swap3A_1476, %swap3A_1477, %swap3A_1478] : memref<1x1x24576xf32, #tpu.memory_space<vmem>>, vector<1x1x2048xf32>
    %swap3A_1480 = vector.shape_cast %swap3A_1479 : vector<1x1x2048xf32> to vector<1x2048xf32>
    %swap3A_1481 = vector.shape_cast %select_n3A_1395 : vector<1x2048xf32> to vector<1x1x2048xf32>
    tpu.vector_store %arg5[%swap3A_1476, %swap3A_1477, %swap3A_1478], %swap3A_1481 {strides = array<i32>} : memref<1x1x24576xf32, #tpu.memory_space<vmem>>, vector<1x1x2048xf32>,
    %iota3A_1482 = tpu.iota {dimensions = array<i32: 1>} : vector<1x2048xi32>
    %convert_element_type3A_1483 = arith.sitofp %iota3A_1482 : vector<1x2048xi32> to vector<1x2048xf32>
    %add3A_1484 = arith.constant 4.096000e+03 : f32
    %add3A_1485 = vector.broadcast %add3A_1484 : f32 to vector<1x2048xf32>
    %add3A_1486 = arith.addf %convert_element_type3A_1483, %add3A_1485 : vector<1x2048xf32>
    %get3A_1487 = arith.constant 0 : index
    %get3A_1488 = arith.constant 4096 : index
    %get3A_1489 = vector.load %arg8[%get3A_1487, %get3A_1488] : memref<1x24576xf32, #tpu.memory_space<vmem>>, vector<1x2048xf32>
    %get3A_1490 = arith.constant 0 : index
    %get3A_1491 = arith.constant 4096 : index
    %get3A_1492 = vector.load %arg9[%get3A_1490, %get3A_1491] : memref<1x24576xf32, #tpu.memory_space<vmem>>, vector<1x2048xf32>
    %eq3A_1493 = vector.broadcast %add3A_1486 : vector<1x2048xf32> to vector<32x2048xf32>
    %eq3A_1494 = vector.broadcast %select_n3A_1214 : vector<32x1xf32> to vector<32x2048xf32>
    %eq3A_1495 = arith.cmpf oeq, %eq3A_1493, %eq3A_1494 : vector<32x2048xf32>
    %jit3A_1496 = arith.constant -1.000000e+00 : f32
    %broadcast_in_dim3A_1497 = vector.shape_cast %convert_element_type3A : vector<32x1xf32> to vector<32x1xf32>
    %broadcast_in_dim3A_1498 = vector.broadcast %broadcast_in_dim3A_1497 : vector<32x1xf32> to vector<32x2048xf32>
    %broadcast_in_dim3A_1499 = vector.broadcast %jit3A_1496 : f32 to vector<32x2048xf32>
    %select_n3A_1500 = arith.select %eq3A_1495, %broadcast_in_dim3A_1498, %broadcast_in_dim3A_1499 : vector<32x2048xi1>, vector<32x2048xf32>
    %reduce_max3A_1501 = arith.constant dense<0xFF800000> : vector<2048xf32>
    %reduce_max3A_1502 = vector.multi_reduction <maximumf>, %select_n3A_1500, %reduce_max3A_1501 [0] : vector<32x2048xf32> to vector<2048xf32>
    %broadcast_in_dim3A_1503 = vector.shape_cast %reduce_max3A_1502 : vector<2048xf32> to vector<1x2048xf32>
    %ge3A_1504 = arith.constant 0.000000e+00 : f32
    %ge3A_1505 = vector.broadcast %ge3A_1504 : f32 to vector<1x2048xf32>
    %ge3A_1506 = arith.cmpf oge, %broadcast_in_dim3A_1503, %ge3A_1505 : vector<1x2048xf32>
    %jit3A_1507 = arith.constant 2.000000e+00 : f32
    %broadcast_in_dim3A_1508 = vector.broadcast %jit3A_1507 : f32 to vector<1x2048xf32>
    %select_n3A_1509 = arith.select %ge3A_1506, %broadcast_in_dim3A_1508, %get3A_1489 : vector<1x2048xi1>, vector<1x2048xf32>
    %select_n3A_1510 = arith.select %ge3A_1506, %broadcast_in_dim3A_1503, %get3A_1492 : vector<1x2048xi1>, vector<1x2048xf32>
    %eq3A_1511 = vector.broadcast %select_n3A_1510 : vector<1x2048xf32> to vector<32x2048xf32>
    %eq3A_1512 = vector.broadcast %convert_element_type3A : vector<32x1xf32> to vector<32x2048xf32>
    %eq3A_1513 = arith.cmpf oeq, %eq3A_1511, %eq3A_1512 : vector<32x2048xf32>
    %convert_element_type3A_1514 = arith.extui %eq3A_1513 : vector<32x2048xi1> to vector<32x2048xi32>
    %convert_element_type3A_1515 = arith.sitofp %convert_element_type3A_1514 : vector<32x2048xi32> to vector<32x2048xf32>
    %dot_general3A_1516 = arith.constant dense<0.000000e+00> : vector<5x2048xf32>
    %dot_general3A_1517 = tpu.matmul %get3A_8, %convert_element_type3A_1515, %dot_general3A_1516 {dimension_numbers = #tpu.dot_dimension_numbers<[1], [0], [0], [1], [0, 0, 1, 1], [], []>, transpose_lhs_hint = false} : vector<5x32xf32>, vector<32x2048xf32>, vector<5x2048xf32> -> vector<5x2048xf32>
    %slice3A_1518 = vector.extract_strided_slice %dot_general3A_1517 {offsets = [0, 0], sizes = [1, 2048], strides = [1, 1]} : vector<5x2048xf32> to vector<1x2048xf32>
    %slice3A_1519 = vector.extract_strided_slice %dot_general3A_1517 {offsets = [1, 0], sizes = [1, 2048], strides = [1, 1]} : vector<5x2048xf32> to vector<1x2048xf32>
    %slice3A_1520 = vector.extract_strided_slice %dot_general3A_1517 {offsets = [2, 0], sizes = [1, 2048], strides = [1, 1]} : vector<5x2048xf32> to vector<1x2048xf32>
    %slice3A_1521 = vector.extract_strided_slice %dot_general3A_1517 {offsets = [3, 0], sizes = [1, 2048], strides = [1, 1]} : vector<5x2048xf32> to vector<1x2048xf32>
    %slice3A_1522 = vector.extract_strided_slice %dot_general3A_1517 {offsets = [4, 0], sizes = [1, 2048], strides = [1, 1]} : vector<5x2048xf32> to vector<1x2048xf32>
    %lt3A_1523 = arith.constant 5.000000e-01 : f32
    %lt3A_1524 = vector.broadcast %lt3A_1523 : f32 to vector<1x2048xf32>
    %lt3A_1525 = arith.cmpf olt, %select_n3A_1509, %lt3A_1524 : vector<1x2048xf32>
    %add3A_1526 = arith.constant 1.000000e+00 : f32
    %add3A_1527 = vector.broadcast %add3A_1526 : f32 to vector<1x2048xf32>
    %add3A_1528 = arith.addf %slice3A_1522, %add3A_1527 : vector<1x2048xf32>
    %jit3A_1529 = arith.constant 0.000000e+00 : f32
    %broadcast_in_dim3A_1530 = vector.broadcast %jit3A_1529 : f32 to vector<1x2048xf32>
    %select_n3A_1531 = arith.select %lt3A_1525, %broadcast_in_dim3A_1530, %add3A_1528 : vector<1x2048xi1>, vector<1x2048xf32>
    %gt3A_1532 = arith.constant 0.000000e+00 : f32
    %gt3A_1533 = vector.broadcast %gt3A_1532 : f32 to vector<1x2048xf32>
    %gt3A_1534 = arith.cmpf ogt, %select_n3A_1531, %gt3A_1533 : vector<1x2048xf32>
    %convert_element_type3A_1535 = arith.extui %gt3A_1534 : vector<1x2048xi1> to vector<1x2048xi32>
    %convert_element_type3A_1536 = arith.sitofp %convert_element_type3A_1535 : vector<1x2048xi32> to vector<1x2048xf32>
    %get3A_1537 = arith.constant 0 : index
    %get3A_1538 = arith.constant 4096 : index
    %get3A_1539 = vector.load %arg3[%get3A_1537, %get3A_1538] : memref<4x24576xf32, #tpu.memory_space<vmem>>, vector<1x2048xf32>
    %get3A_1540 = arith.constant 1 : index
    %get3A_1541 = arith.constant 4096 : index
    %get3A_1542 = vector.load %arg3[%get3A_1540, %get3A_1541] : memref<4x24576xf32, #tpu.memory_space<vmem>>, vector<1x2048xf32>
    %get3A_1543 = arith.constant 2 : index
    %get3A_1544 = arith.constant 4096 : index
    %get3A_1545 = vector.load %arg3[%get3A_1543, %get3A_1544] : memref<4x24576xf32, #tpu.memory_space<vmem>>, vector<1x2048xf32>
    %get3A_1546 = arith.constant 3 : index
    %get3A_1547 = arith.constant 4096 : index
    %get3A_1548 = vector.load %arg3[%get3A_1546, %get3A_1547] : memref<4x24576xf32, #tpu.memory_space<vmem>>, vector<1x2048xf32>
    %mul3A_1549 = arith.constant 5.000000e-01 : f32
    %mul3A_1550 = vector.broadcast %mul3A_1549 : f32 to vector<1x2048xf32>
    %mul3A_1551 = arith.mulf %slice3A_1520, %mul3A_1550 : vector<1x2048xf32>
    %add3A_1552 = arith.addf %slice3A_1518, %mul3A_1551 : vector<1x2048xf32>
    %sub3A_1553 = arith.subf %add3A_1552, %get3A_1539 : vector<1x2048xf32>
    %mul3A_1554 = arith.constant 1.000000e-01 : f32
    %mul3A_1555 = vector.broadcast %mul3A_1554 : f32 to vector<1x2048xf32>
    %mul3A_1556 = arith.mulf %mul3A_1555, %get3A_1545 : vector<1x2048xf32>
    %div3A_1557 = arith.divf %sub3A_1553, %mul3A_1556 : vector<1x2048xf32>
    %mul3A_1558 = arith.constant 5.000000e-01 : f32
    %mul3A_1559 = vector.broadcast %mul3A_1558 : f32 to vector<1x2048xf32>
    %mul3A_1560 = arith.mulf %slice3A_1521, %mul3A_1559 : vector<1x2048xf32>
    %add3A_1561 = arith.addf %slice3A_1519, %mul3A_1560 : vector<1x2048xf32>
    %sub3A_1562 = arith.subf %add3A_1561, %get3A_1542 : vector<1x2048xf32>
    %mul3A_1563 = arith.constant 1.000000e-01 : f32
    %mul3A_1564 = vector.broadcast %mul3A_1563 : f32 to vector<1x2048xf32>
    %mul3A_1565 = arith.mulf %mul3A_1564, %get3A_1548 : vector<1x2048xf32>
    %div3A_1566 = arith.divf %sub3A_1562, %mul3A_1565 : vector<1x2048xf32>
    %sub3A_1567 = arith.subf %slice3A_1520, %slice3A_1518 : vector<1x2048xf32>
    %div3A_1568 = arith.divf %sub3A_1567, %get3A_1545 : vector<1x2048xf32>
    %log3A_1569 = math.log %div3A_1568 : vector<1x2048xf32>
    %div3A_1570 = arith.constant 2.000000e-01 : f32
    %div3A_1571 = vector.broadcast %div3A_1570 : f32 to vector<1x2048xf32>
    %div3A_1572 = arith.divf %log3A_1569, %div3A_1571 : vector<1x2048xf32>
    %sub3A_1573 = arith.subf %slice3A_1521, %slice3A_1519 : vector<1x2048xf32>
    %div3A_1574 = arith.divf %sub3A_1573, %get3A_1548 : vector<1x2048xf32>
    %log3A_1575 = math.log %div3A_1574 : vector<1x2048xf32>
    %div3A_1576 = arith.constant 2.000000e-01 : f32
    %div3A_1577 = vector.broadcast %div3A_1576 : f32 to vector<1x2048xf32>
    %div3A_1578 = arith.divf %log3A_1575, %div3A_1577 : vector<1x2048xf32>
    %concatenate3A_1579 = tpu.concatenate %div3A_1557, %div3A_1566, %div3A_1572, %div3A_1578 in 0 : vector<1x2048xf32>, vector<1x2048xf32>, vector<1x2048xf32>, vector<1x2048xf32> -> vector<4x2048xf32>
    %get3A_1580 = arith.constant 0 : index
    %get3A_1581 = arith.constant 0 : index
    %get3A_1582 = arith.constant 4096 : index
    %get3A_1583 = vector.load %arg4[%get3A_1580, %get3A_1581, %get3A_1582] : memref<1x4x24576xf32, #tpu.memory_space<vmem>>, vector<1x4x2048xf32>
    %get3A_1584 = vector.shape_cast %get3A_1583 : vector<1x4x2048xf32> to vector<4x2048xf32>
    %sub3A_1585 = arith.subf %get3A_1584, %concatenate3A_1579 : vector<4x2048xf32>
    %abs3A_1586 = math.absf %sub3A_1585 : vector<4x2048xf32>
    %lt3A_1587 = arith.constant 1.000000e+00 : f32
    %lt3A_1588 = vector.broadcast %lt3A_1587 : f32 to vector<4x2048xf32>
    %lt3A_1589 = arith.cmpf olt, %abs3A_1586, %lt3A_1588 : vector<4x2048xf32>
    %mul3A_1590 = arith.constant 5.000000e-01 : f32
    %mul3A_1591 = vector.broadcast %mul3A_1590 : f32 to vector<4x2048xf32>
    %mul3A_1592 = arith.mulf %mul3A_1591, %abs3A_1586 : vector<4x2048xf32>
    %mul3A_1593 = arith.mulf %mul3A_1592, %abs3A_1586 : vector<4x2048xf32>
    %sub3A_1594 = arith.constant 5.000000e-01 : f32
    %sub3A_1595 = vector.broadcast %sub3A_1594 : f32 to vector<4x2048xf32>
    %sub3A_1596 = arith.subf %abs3A_1586, %sub3A_1595 : vector<4x2048xf32>
    %select_n3A_1597 = arith.select %lt3A_1589, %mul3A_1593, %sub3A_1596 : vector<4x2048xi1>, vector<4x2048xf32>
    %mul3A_1598 = vector.broadcast %convert_element_type3A_1536 : vector<1x2048xf32> to vector<4x2048xf32>
    %mul3A_1599 = arith.mulf %select_n3A_1597, %mul3A_1598 : vector<4x2048xf32>
    %reduce_sum3A_1600 = vector.shape_cast %mul3A_1599 : vector<4x2048xf32> to vector<1x4x2048xf32>
    %reduce_sum3A_1601 = arith.constant dense<0.000000e+00> : vector<1xf32>
    %reduce_sum3A_1602 = vector.multi_reduction <add>, %reduce_sum3A_1600, %reduce_sum3A_1601 [1, 2] : vector<1x4x2048xf32> to vector<1xf32>
    %reduce_sum3A_1603 = vector.shape_cast %reduce_sum3A_1602 : vector<1xf32> to vector<1x1x1xf32>
    %reduce_sum3A_1604 = vector.extract %reduce_sum3A_1603[0, 0, 0] : f32 from vector<1x1x1xf32>
    %add3A_1605 = arith.addf %add3A_1469, %reduce_sum3A_1604 : f32
    %reduce_sum3A_1606 = vector.shape_cast %convert_element_type3A_1536 : vector<1x2048xf32> to vector<1x1x2048xf32>
    %reduce_sum3A_1607 = arith.constant dense<0.000000e+00> : vector<1xf32>
    %reduce_sum3A_1608 = vector.multi_reduction <add>, %reduce_sum3A_1606, %reduce_sum3A_1607 [1, 2] : vector<1x1x2048xf32> to vector<1xf32>
    %reduce_sum3A_1609 = vector.shape_cast %reduce_sum3A_1608 : vector<1xf32> to vector<1x1x1xf32>
    %reduce_sum3A_1610 = vector.extract %reduce_sum3A_1609[0, 0, 0] : f32 from vector<1x1x1xf32>
    %add3A_1611 = arith.addf %add3A_1475, %reduce_sum3A_1610 : f32
    %swap3A_1612 = arith.constant 0 : index
    %swap3A_1613 = arith.constant 0 : index
    %swap3A_1614 = arith.constant 4096 : index
    %swap3A_1615 = vector.load %arg5[%swap3A_1612, %swap3A_1613, %swap3A_1614] : memref<1x1x24576xf32, #tpu.memory_space<vmem>>, vector<1x1x2048xf32>
    %swap3A_1616 = vector.shape_cast %swap3A_1615 : vector<1x1x2048xf32> to vector<1x2048xf32>
    %swap3A_1617 = vector.shape_cast %select_n3A_1531 : vector<1x2048xf32> to vector<1x1x2048xf32>
    tpu.vector_store %arg5[%swap3A_1612, %swap3A_1613, %swap3A_1614], %swap3A_1617 {strides = array<i32>} : memref<1x1x24576xf32, #tpu.memory_space<vmem>>, vector<1x1x2048xf32>,
    %iota3A_1618 = tpu.iota {dimensions = array<i32: 1>} : vector<1x2048xi32>
    %convert_element_type3A_1619 = arith.sitofp %iota3A_1618 : vector<1x2048xi32> to vector<1x2048xf32>
    %add3A_1620 = arith.constant 6.144000e+03 : f32
    %add3A_1621 = vector.broadcast %add3A_1620 : f32 to vector<1x2048xf32>
    %add3A_1622 = arith.addf %convert_element_type3A_1619, %add3A_1621 : vector<1x2048xf32>
    %get3A_1623 = arith.constant 0 : index
    %get3A_1624 = arith.constant 6144 : index
    %get3A_1625 = vector.load %arg8[%get3A_1623, %get3A_1624] : memref<1x24576xf32, #tpu.memory_space<vmem>>, vector<1x2048xf32>
    %get3A_1626 = arith.constant 0 : index
    %get3A_1627 = arith.constant 6144 : index
    %get3A_1628 = vector.load %arg9[%get3A_1626, %get3A_1627] : memref<1x24576xf32, #tpu.memory_space<vmem>>, vector<1x2048xf32>
    %eq3A_1629 = vector.broadcast %add3A_1622 : vector<1x2048xf32> to vector<32x2048xf32>
    %eq3A_1630 = vector.broadcast %select_n3A_1214 : vector<32x1xf32> to vector<32x2048xf32>
    %eq3A_1631 = arith.cmpf oeq, %eq3A_1629, %eq3A_1630 : vector<32x2048xf32>
    %jit3A_1632 = arith.constant -1.000000e+00 : f32
    %broadcast_in_dim3A_1633 = vector.shape_cast %convert_element_type3A : vector<32x1xf32> to vector<32x1xf32>
    %broadcast_in_dim3A_1634 = vector.broadcast %broadcast_in_dim3A_1633 : vector<32x1xf32> to vector<32x2048xf32>
    %broadcast_in_dim3A_1635 = vector.broadcast %jit3A_1632 : f32 to vector<32x2048xf32>
    %select_n3A_1636 = arith.select %eq3A_1631, %broadcast_in_dim3A_1634, %broadcast_in_dim3A_1635 : vector<32x2048xi1>, vector<32x2048xf32>
    %reduce_max3A_1637 = arith.constant dense<0xFF800000> : vector<2048xf32>
    %reduce_max3A_1638 = vector.multi_reduction <maximumf>, %select_n3A_1636, %reduce_max3A_1637 [0] : vector<32x2048xf32> to vector<2048xf32>
    %broadcast_in_dim3A_1639 = vector.shape_cast %reduce_max3A_1638 : vector<2048xf32> to vector<1x2048xf32>
    %ge3A_1640 = arith.constant 0.000000e+00 : f32
    %ge3A_1641 = vector.broadcast %ge3A_1640 : f32 to vector<1x2048xf32>
    %ge3A_1642 = arith.cmpf oge, %broadcast_in_dim3A_1639, %ge3A_1641 : vector<1x2048xf32>
    %jit3A_1643 = arith.constant 2.000000e+00 : f32
    %broadcast_in_dim3A_1644 = vector.broadcast %jit3A_1643 : f32 to vector<1x2048xf32>
    %select_n3A_1645 = arith.select %ge3A_1642, %broadcast_in_dim3A_1644, %get3A_1625 : vector<1x2048xi1>, vector<1x2048xf32>
    %select_n3A_1646 = arith.select %ge3A_1642, %broadcast_in_dim3A_1639, %get3A_1628 : vector<1x2048xi1>, vector<1x2048xf32>
    %eq3A_1647 = vector.broadcast %select_n3A_1646 : vector<1x2048xf32> to vector<32x2048xf32>
    %eq3A_1648 = vector.broadcast %convert_element_type3A : vector<32x1xf32> to vector<32x2048xf32>
    %eq3A_1649 = arith.cmpf oeq, %eq3A_1647, %eq3A_1648 : vector<32x2048xf32>
    %convert_element_type3A_1650 = arith.extui %eq3A_1649 : vector<32x2048xi1> to vector<32x2048xi32>
    %convert_element_type3A_1651 = arith.sitofp %convert_element_type3A_1650 : vector<32x2048xi32> to vector<32x2048xf32>
    %dot_general3A_1652 = arith.constant dense<0.000000e+00> : vector<5x2048xf32>
    %dot_general3A_1653 = tpu.matmul %get3A_8, %convert_element_type3A_1651, %dot_general3A_1652 {dimension_numbers = #tpu.dot_dimension_numbers<[1], [0], [0], [1], [0, 0, 1, 1], [], []>, transpose_lhs_hint = false} : vector<5x32xf32>, vector<32x2048xf32>, vector<5x2048xf32> -> vector<5x2048xf32>
    %slice3A_1654 = vector.extract_strided_slice %dot_general3A_1653 {offsets = [0, 0], sizes = [1, 2048], strides = [1, 1]} : vector<5x2048xf32> to vector<1x2048xf32>
    %slice3A_1655 = vector.extract_strided_slice %dot_general3A_1653 {offsets = [1, 0], sizes = [1, 2048], strides = [1, 1]} : vector<5x2048xf32> to vector<1x2048xf32>
    %slice3A_1656 = vector.extract_strided_slice %dot_general3A_1653 {offsets = [2, 0], sizes = [1, 2048], strides = [1, 1]} : vector<5x2048xf32> to vector<1x2048xf32>
    %slice3A_1657 = vector.extract_strided_slice %dot_general3A_1653 {offsets = [3, 0], sizes = [1, 2048], strides = [1, 1]} : vector<5x2048xf32> to vector<1x2048xf32>
    %slice3A_1658 = vector.extract_strided_slice %dot_general3A_1653 {offsets = [4, 0], sizes = [1, 2048], strides = [1, 1]} : vector<5x2048xf32> to vector<1x2048xf32>
    %lt3A_1659 = arith.constant 5.000000e-01 : f32
    %lt3A_1660 = vector.broadcast %lt3A_1659 : f32 to vector<1x2048xf32>
    %lt3A_1661 = arith.cmpf olt, %select_n3A_1645, %lt3A_1660 : vector<1x2048xf32>
    %add3A_1662 = arith.constant 1.000000e+00 : f32
    %add3A_1663 = vector.broadcast %add3A_1662 : f32 to vector<1x2048xf32>
    %add3A_1664 = arith.addf %slice3A_1658, %add3A_1663 : vector<1x2048xf32>
    %jit3A_1665 = arith.constant 0.000000e+00 : f32
    %broadcast_in_dim3A_1666 = vector.broadcast %jit3A_1665 : f32 to vector<1x2048xf32>
    %select_n3A_1667 = arith.select %lt3A_1661, %broadcast_in_dim3A_1666, %add3A_1664 : vector<1x2048xi1>, vector<1x2048xf32>
    %gt3A_1668 = arith.constant 0.000000e+00 : f32
    %gt3A_1669 = vector.broadcast %gt3A_1668 : f32 to vector<1x2048xf32>
    %gt3A_1670 = arith.cmpf ogt, %select_n3A_1667, %gt3A_1669 : vector<1x2048xf32>
    %convert_element_type3A_1671 = arith.extui %gt3A_1670 : vector<1x2048xi1> to vector<1x2048xi32>
    %convert_element_type3A_1672 = arith.sitofp %convert_element_type3A_1671 : vector<1x2048xi32> to vector<1x2048xf32>
    %get3A_1673 = arith.constant 0 : index
    %get3A_1674 = arith.constant 6144 : index
    %get3A_1675 = vector.load %arg3[%get3A_1673, %get3A_1674] : memref<4x24576xf32, #tpu.memory_space<vmem>>, vector<1x2048xf32>
    %get3A_1676 = arith.constant 1 : index
    %get3A_1677 = arith.constant 6144 : index
    %get3A_1678 = vector.load %arg3[%get3A_1676, %get3A_1677] : memref<4x24576xf32, #tpu.memory_space<vmem>>, vector<1x2048xf32>
    %get3A_1679 = arith.constant 2 : index
    %get3A_1680 = arith.constant 6144 : index
    %get3A_1681 = vector.load %arg3[%get3A_1679, %get3A_1680] : memref<4x24576xf32, #tpu.memory_space<vmem>>, vector<1x2048xf32>
    %get3A_1682 = arith.constant 3 : index
    %get3A_1683 = arith.constant 6144 : index
    %get3A_1684 = vector.load %arg3[%get3A_1682, %get3A_1683] : memref<4x24576xf32, #tpu.memory_space<vmem>>, vector<1x2048xf32>
    %mul3A_1685 = arith.constant 5.000000e-01 : f32
    %mul3A_1686 = vector.broadcast %mul3A_1685 : f32 to vector<1x2048xf32>
    %mul3A_1687 = arith.mulf %slice3A_1656, %mul3A_1686 : vector<1x2048xf32>
    %add3A_1688 = arith.addf %slice3A_1654, %mul3A_1687 : vector<1x2048xf32>
    %sub3A_1689 = arith.subf %add3A_1688, %get3A_1675 : vector<1x2048xf32>
    %mul3A_1690 = arith.constant 1.000000e-01 : f32
    %mul3A_1691 = vector.broadcast %mul3A_1690 : f32 to vector<1x2048xf32>
    %mul3A_1692 = arith.mulf %mul3A_1691, %get3A_1681 : vector<1x2048xf32>
    %div3A_1693 = arith.divf %sub3A_1689, %mul3A_1692 : vector<1x2048xf32>
    %mul3A_1694 = arith.constant 5.000000e-01 : f32
    %mul3A_1695 = vector.broadcast %mul3A_1694 : f32 to vector<1x2048xf32>
    %mul3A_1696 = arith.mulf %slice3A_1657, %mul3A_1695 : vector<1x2048xf32>
    %add3A_1697 = arith.addf %slice3A_1655, %mul3A_1696 : vector<1x2048xf32>
    %sub3A_1698 = arith.subf %add3A_1697, %get3A_1678 : vector<1x2048xf32>
    %mul3A_1699 = arith.constant 1.000000e-01 : f32
    %mul3A_1700 = vector.broadcast %mul3A_1699 : f32 to vector<1x2048xf32>
    %mul3A_1701 = arith.mulf %mul3A_1700, %get3A_1684 : vector<1x2048xf32>
    %div3A_1702 = arith.divf %sub3A_1698, %mul3A_1701 : vector<1x2048xf32>
    %sub3A_1703 = arith.subf %slice3A_1656, %slice3A_1654 : vector<1x2048xf32>
    %div3A_1704 = arith.divf %sub3A_1703, %get3A_1681 : vector<1x2048xf32>
    %log3A_1705 = math.log %div3A_1704 : vector<1x2048xf32>
    %div3A_1706 = arith.constant 2.000000e-01 : f32
    %div3A_1707 = vector.broadcast %div3A_1706 : f32 to vector<1x2048xf32>
    %div3A_1708 = arith.divf %log3A_1705, %div3A_1707 : vector<1x2048xf32>
    %sub3A_1709 = arith.subf %slice3A_1657, %slice3A_1655 : vector<1x2048xf32>
    %div3A_1710 = arith.divf %sub3A_1709, %get3A_1684 : vector<1x2048xf32>
    %log3A_1711 = math.log %div3A_1710 : vector<1x2048xf32>
    %div3A_1712 = arith.constant 2.000000e-01 : f32
    %div3A_1713 = vector.broadcast %div3A_1712 : f32 to vector<1x2048xf32>
    %div3A_1714 = arith.divf %log3A_1711, %div3A_1713 : vector<1x2048xf32>
    %concatenate3A_1715 = tpu.concatenate %div3A_1693, %div3A_1702, %div3A_1708, %div3A_1714 in 0 : vector<1x2048xf32>, vector<1x2048xf32>, vector<1x2048xf32>, vector<1x2048xf32> -> vector<4x2048xf32>
    %get3A_1716 = arith.constant 0 : index
    %get3A_1717 = arith.constant 0 : index
    %get3A_1718 = arith.constant 6144 : index
    %get3A_1719 = vector.load %arg4[%get3A_1716, %get3A_1717, %get3A_1718] : memref<1x4x24576xf32, #tpu.memory_space<vmem>>, vector<1x4x2048xf32>
    %get3A_1720 = vector.shape_cast %get3A_1719 : vector<1x4x2048xf32> to vector<4x2048xf32>
    %sub3A_1721 = arith.subf %get3A_1720, %concatenate3A_1715 : vector<4x2048xf32>
    %abs3A_1722 = math.absf %sub3A_1721 : vector<4x2048xf32>
    %lt3A_1723 = arith.constant 1.000000e+00 : f32
    %lt3A_1724 = vector.broadcast %lt3A_1723 : f32 to vector<4x2048xf32>
    %lt3A_1725 = arith.cmpf olt, %abs3A_1722, %lt3A_1724 : vector<4x2048xf32>
    %mul3A_1726 = arith.constant 5.000000e-01 : f32
    %mul3A_1727 = vector.broadcast %mul3A_1726 : f32 to vector<4x2048xf32>
    %mul3A_1728 = arith.mulf %mul3A_1727, %abs3A_1722 : vector<4x2048xf32>
    %mul3A_1729 = arith.mulf %mul3A_1728, %abs3A_1722 : vector<4x2048xf32>
    %sub3A_1730 = arith.constant 5.000000e-01 : f32
    %sub3A_1731 = vector.broadcast %sub3A_1730 : f32 to vector<4x2048xf32>
    %sub3A_1732 = arith.subf %abs3A_1722, %sub3A_1731 : vector<4x2048xf32>
    %select_n3A_1733 = arith.select %lt3A_1725, %mul3A_1729, %sub3A_1732 : vector<4x2048xi1>, vector<4x2048xf32>
    %mul3A_1734 = vector.broadcast %convert_element_type3A_1672 : vector<1x2048xf32> to vector<4x2048xf32>
    %mul3A_1735 = arith.mulf %select_n3A_1733, %mul3A_1734 : vector<4x2048xf32>
    %reduce_sum3A_1736 = vector.shape_cast %mul3A_1735 : vector<4x2048xf32> to vector<1x4x2048xf32>
    %reduce_sum3A_1737 = arith.constant dense<0.000000e+00> : vector<1xf32>
    %reduce_sum3A_1738 = vector.multi_reduction <add>, %reduce_sum3A_1736, %reduce_sum3A_1737 [1, 2] : vector<1x4x2048xf32> to vector<1xf32>
    %reduce_sum3A_1739 = vector.shape_cast %reduce_sum3A_1738 : vector<1xf32> to vector<1x1x1xf32>
    %reduce_sum3A_1740 = vector.extract %reduce_sum3A_1739[0, 0, 0] : f32 from vector<1x1x1xf32>
    %add3A_1741 = arith.addf %add3A_1605, %reduce_sum3A_1740 : f32
    %reduce_sum3A_1742 = vector.shape_cast %convert_element_type3A_1672 : vector<1x2048xf32> to vector<1x1x2048xf32>
    %reduce_sum3A_1743 = arith.constant dense<0.000000e+00> : vector<1xf32>
    %reduce_sum3A_1744 = vector.multi_reduction <add>, %reduce_sum3A_1742, %reduce_sum3A_1743 [1, 2] : vector<1x1x2048xf32> to vector<1xf32>
    %reduce_sum3A_1745 = vector.shape_cast %reduce_sum3A_1744 : vector<1xf32> to vector<1x1x1xf32>
    %reduce_sum3A_1746 = vector.extract %reduce_sum3A_1745[0, 0, 0] : f32 from vector<1x1x1xf32>
    %add3A_1747 = arith.addf %add3A_1611, %reduce_sum3A_1746 : f32
    %swap3A_1748 = arith.constant 0 : index
    %swap3A_1749 = arith.constant 0 : index
    %swap3A_1750 = arith.constant 6144 : index
    %swap3A_1751 = vector.load %arg5[%swap3A_1748, %swap3A_1749, %swap3A_1750] : memref<1x1x24576xf32, #tpu.memory_space<vmem>>, vector<1x1x2048xf32>
    %swap3A_1752 = vector.shape_cast %swap3A_1751 : vector<1x1x2048xf32> to vector<1x2048xf32>
    %swap3A_1753 = vector.shape_cast %select_n3A_1667 : vector<1x2048xf32> to vector<1x1x2048xf32>
    tpu.vector_store %arg5[%swap3A_1748, %swap3A_1749, %swap3A_1750], %swap3A_1753 {strides = array<i32>} : memref<1x1x24576xf32, #tpu.memory_space<vmem>>, vector<1x1x2048xf32>,
    %iota3A_1754 = tpu.iota {dimensions = array<i32: 1>} : vector<1x2048xi32>
    %convert_element_type3A_1755 = arith.sitofp %iota3A_1754 : vector<1x2048xi32> to vector<1x2048xf32>
    %add3A_1756 = arith.constant 8.192000e+03 : f32
    %add3A_1757 = vector.broadcast %add3A_1756 : f32 to vector<1x2048xf32>
    %add3A_1758 = arith.addf %convert_element_type3A_1755, %add3A_1757 : vector<1x2048xf32>
    %get3A_1759 = arith.constant 0 : index
    %get3A_1760 = arith.constant 8192 : index
    %get3A_1761 = vector.load %arg8[%get3A_1759, %get3A_1760] : memref<1x24576xf32, #tpu.memory_space<vmem>>, vector<1x2048xf32>
    %get3A_1762 = arith.constant 0 : index
    %get3A_1763 = arith.constant 8192 : index
    %get3A_1764 = vector.load %arg9[%get3A_1762, %get3A_1763] : memref<1x24576xf32, #tpu.memory_space<vmem>>, vector<1x2048xf32>
    %eq3A_1765 = vector.broadcast %add3A_1758 : vector<1x2048xf32> to vector<32x2048xf32>
    %eq3A_1766 = vector.broadcast %select_n3A_1214 : vector<32x1xf32> to vector<32x2048xf32>
    %eq3A_1767 = arith.cmpf oeq, %eq3A_1765, %eq3A_1766 : vector<32x2048xf32>
    %jit3A_1768 = arith.constant -1.000000e+00 : f32
    %broadcast_in_dim3A_1769 = vector.shape_cast %convert_element_type3A : vector<32x1xf32> to vector<32x1xf32>
    %broadcast_in_dim3A_1770 = vector.broadcast %broadcast_in_dim3A_1769 : vector<32x1xf32> to vector<32x2048xf32>
    %broadcast_in_dim3A_1771 = vector.broadcast %jit3A_1768 : f32 to vector<32x2048xf32>
    %select_n3A_1772 = arith.select %eq3A_1767, %broadcast_in_dim3A_1770, %broadcast_in_dim3A_1771 : vector<32x2048xi1>, vector<32x2048xf32>
    %reduce_max3A_1773 = arith.constant dense<0xFF800000> : vector<2048xf32>
    %reduce_max3A_1774 = vector.multi_reduction <maximumf>, %select_n3A_1772, %reduce_max3A_1773 [0] : vector<32x2048xf32> to vector<2048xf32>
    %broadcast_in_dim3A_1775 = vector.shape_cast %reduce_max3A_1774 : vector<2048xf32> to vector<1x2048xf32>
    %ge3A_1776 = arith.constant 0.000000e+00 : f32
    %ge3A_1777 = vector.broadcast %ge3A_1776 : f32 to vector<1x2048xf32>
    %ge3A_1778 = arith.cmpf oge, %broadcast_in_dim3A_1775, %ge3A_1777 : vector<1x2048xf32>
    %jit3A_1779 = arith.constant 2.000000e+00 : f32
    %broadcast_in_dim3A_1780 = vector.broadcast %jit3A_1779 : f32 to vector<1x2048xf32>
    %select_n3A_1781 = arith.select %ge3A_1778, %broadcast_in_dim3A_1780, %get3A_1761 : vector<1x2048xi1>, vector<1x2048xf32>
    %select_n3A_1782 = arith.select %ge3A_1778, %broadcast_in_dim3A_1775, %get3A_1764 : vector<1x2048xi1>, vector<1x2048xf32>
    %eq3A_1783 = vector.broadcast %select_n3A_1782 : vector<1x2048xf32> to vector<32x2048xf32>
    %eq3A_1784 = vector.broadcast %convert_element_type3A : vector<32x1xf32> to vector<32x2048xf32>
    %eq3A_1785 = arith.cmpf oeq, %eq3A_1783, %eq3A_1784 : vector<32x2048xf32>
    %convert_element_type3A_1786 = arith.extui %eq3A_1785 : vector<32x2048xi1> to vector<32x2048xi32>
    %convert_element_type3A_1787 = arith.sitofp %convert_element_type3A_1786 : vector<32x2048xi32> to vector<32x2048xf32>
    %dot_general3A_1788 = arith.constant dense<0.000000e+00> : vector<5x2048xf32>
    %dot_general3A_1789 = tpu.matmul %get3A_8, %convert_element_type3A_1787, %dot_general3A_1788 {dimension_numbers = #tpu.dot_dimension_numbers<[1], [0], [0], [1], [0, 0, 1, 1], [], []>, transpose_lhs_hint = false} : vector<5x32xf32>, vector<32x2048xf32>, vector<5x2048xf32> -> vector<5x2048xf32>
    %slice3A_1790 = vector.extract_strided_slice %dot_general3A_1789 {offsets = [0, 0], sizes = [1, 2048], strides = [1, 1]} : vector<5x2048xf32> to vector<1x2048xf32>
    %slice3A_1791 = vector.extract_strided_slice %dot_general3A_1789 {offsets = [1, 0], sizes = [1, 2048], strides = [1, 1]} : vector<5x2048xf32> to vector<1x2048xf32>
    %slice3A_1792 = vector.extract_strided_slice %dot_general3A_1789 {offsets = [2, 0], sizes = [1, 2048], strides = [1, 1]} : vector<5x2048xf32> to vector<1x2048xf32>
    %slice3A_1793 = vector.extract_strided_slice %dot_general3A_1789 {offsets = [3, 0], sizes = [1, 2048], strides = [1, 1]} : vector<5x2048xf32> to vector<1x2048xf32>
    %slice3A_1794 = vector.extract_strided_slice %dot_general3A_1789 {offsets = [4, 0], sizes = [1, 2048], strides = [1, 1]} : vector<5x2048xf32> to vector<1x2048xf32>
    %lt3A_1795 = arith.constant 5.000000e-01 : f32
    %lt3A_1796 = vector.broadcast %lt3A_1795 : f32 to vector<1x2048xf32>
    %lt3A_1797 = arith.cmpf olt, %select_n3A_1781, %lt3A_1796 : vector<1x2048xf32>
    %add3A_1798 = arith.constant 1.000000e+00 : f32
    %add3A_1799 = vector.broadcast %add3A_1798 : f32 to vector<1x2048xf32>
    %add3A_1800 = arith.addf %slice3A_1794, %add3A_1799 : vector<1x2048xf32>
    %jit3A_1801 = arith.constant 0.000000e+00 : f32
    %broadcast_in_dim3A_1802 = vector.broadcast %jit3A_1801 : f32 to vector<1x2048xf32>
    %select_n3A_1803 = arith.select %lt3A_1797, %broadcast_in_dim3A_1802, %add3A_1800 : vector<1x2048xi1>, vector<1x2048xf32>
    %gt3A_1804 = arith.constant 0.000000e+00 : f32
    %gt3A_1805 = vector.broadcast %gt3A_1804 : f32 to vector<1x2048xf32>
    %gt3A_1806 = arith.cmpf ogt, %select_n3A_1803, %gt3A_1805 : vector<1x2048xf32>
    %convert_element_type3A_1807 = arith.extui %gt3A_1806 : vector<1x2048xi1> to vector<1x2048xi32>
    %convert_element_type3A_1808 = arith.sitofp %convert_element_type3A_1807 : vector<1x2048xi32> to vector<1x2048xf32>
    %get3A_1809 = arith.constant 0 : index
    %get3A_1810 = arith.constant 8192 : index
    %get3A_1811 = vector.load %arg3[%get3A_1809, %get3A_1810] : memref<4x24576xf32, #tpu.memory_space<vmem>>, vector<1x2048xf32>
    %get3A_1812 = arith.constant 1 : index
    %get3A_1813 = arith.constant 8192 : index
    %get3A_1814 = vector.load %arg3[%get3A_1812, %get3A_1813] : memref<4x24576xf32, #tpu.memory_space<vmem>>, vector<1x2048xf32>
    %get3A_1815 = arith.constant 2 : index
    %get3A_1816 = arith.constant 8192 : index
    %get3A_1817 = vector.load %arg3[%get3A_1815, %get3A_1816] : memref<4x24576xf32, #tpu.memory_space<vmem>>, vector<1x2048xf32>
    %get3A_1818 = arith.constant 3 : index
    %get3A_1819 = arith.constant 8192 : index
    %get3A_1820 = vector.load %arg3[%get3A_1818, %get3A_1819] : memref<4x24576xf32, #tpu.memory_space<vmem>>, vector<1x2048xf32>
    %mul3A_1821 = arith.constant 5.000000e-01 : f32
    %mul3A_1822 = vector.broadcast %mul3A_1821 : f32 to vector<1x2048xf32>
    %mul3A_1823 = arith.mulf %slice3A_1792, %mul3A_1822 : vector<1x2048xf32>
    %add3A_1824 = arith.addf %slice3A_1790, %mul3A_1823 : vector<1x2048xf32>
    %sub3A_1825 = arith.subf %add3A_1824, %get3A_1811 : vector<1x2048xf32>
    %mul3A_1826 = arith.constant 1.000000e-01 : f32
    %mul3A_1827 = vector.broadcast %mul3A_1826 : f32 to vector<1x2048xf32>
    %mul3A_1828 = arith.mulf %mul3A_1827, %get3A_1817 : vector<1x2048xf32>
    %div3A_1829 = arith.divf %sub3A_1825, %mul3A_1828 : vector<1x2048xf32>
    %mul3A_1830 = arith.constant 5.000000e-01 : f32
    %mul3A_1831 = vector.broadcast %mul3A_1830 : f32 to vector<1x2048xf32>
    %mul3A_1832 = arith.mulf %slice3A_1793, %mul3A_1831 : vector<1x2048xf32>
    %add3A_1833 = arith.addf %slice3A_1791, %mul3A_1832 : vector<1x2048xf32>
    %sub3A_1834 = arith.subf %add3A_1833, %get3A_1814 : vector<1x2048xf32>
    %mul3A_1835 = arith.constant 1.000000e-01 : f32
    %mul3A_1836 = vector.broadcast %mul3A_1835 : f32 to vector<1x2048xf32>
    %mul3A_1837 = arith.mulf %mul3A_1836, %get3A_1820 : vector<1x2048xf32>
    %div3A_1838 = arith.divf %sub3A_1834, %mul3A_1837 : vector<1x2048xf32>
    %sub3A_1839 = arith.subf %slice3A_1792, %slice3A_1790 : vector<1x2048xf32>
    %div3A_1840 = arith.divf %sub3A_1839, %get3A_1817 : vector<1x2048xf32>
    %log3A_1841 = math.log %div3A_1840 : vector<1x2048xf32>
    %div3A_1842 = arith.constant 2.000000e-01 : f32
    %div3A_1843 = vector.broadcast %div3A_1842 : f32 to vector<1x2048xf32>
    %div3A_1844 = arith.divf %log3A_1841, %div3A_1843 : vector<1x2048xf32>
    %sub3A_1845 = arith.subf %slice3A_1793, %slice3A_1791 : vector<1x2048xf32>
    %div3A_1846 = arith.divf %sub3A_1845, %get3A_1820 : vector<1x2048xf32>
    %log3A_1847 = math.log %div3A_1846 : vector<1x2048xf32>
    %div3A_1848 = arith.constant 2.000000e-01 : f32
    %div3A_1849 = vector.broadcast %div3A_1848 : f32 to vector<1x2048xf32>
    %div3A_1850 = arith.divf %log3A_1847, %div3A_1849 : vector<1x2048xf32>
    %concatenate3A_1851 = tpu.concatenate %div3A_1829, %div3A_1838, %div3A_1844, %div3A_1850 in 0 : vector<1x2048xf32>, vector<1x2048xf32>, vector<1x2048xf32>, vector<1x2048xf32> -> vector<4x2048xf32>
    %get3A_1852 = arith.constant 0 : index
    %get3A_1853 = arith.constant 0 : index
    %get3A_1854 = arith.constant 8192 : index
    %get3A_1855 = vector.load %arg4[%get3A_1852, %get3A_1853, %get3A_1854] : memref<1x4x24576xf32, #tpu.memory_space<vmem>>, vector<1x4x2048xf32>
    %get3A_1856 = vector.shape_cast %get3A_1855 : vector<1x4x2048xf32> to vector<4x2048xf32>
    %sub3A_1857 = arith.subf %get3A_1856, %concatenate3A_1851 : vector<4x2048xf32>
    %abs3A_1858 = math.absf %sub3A_1857 : vector<4x2048xf32>
    %lt3A_1859 = arith.constant 1.000000e+00 : f32
    %lt3A_1860 = vector.broadcast %lt3A_1859 : f32 to vector<4x2048xf32>
    %lt3A_1861 = arith.cmpf olt, %abs3A_1858, %lt3A_1860 : vector<4x2048xf32>
    %mul3A_1862 = arith.constant 5.000000e-01 : f32
    %mul3A_1863 = vector.broadcast %mul3A_1862 : f32 to vector<4x2048xf32>
    %mul3A_1864 = arith.mulf %mul3A_1863, %abs3A_1858 : vector<4x2048xf32>
    %mul3A_1865 = arith.mulf %mul3A_1864, %abs3A_1858 : vector<4x2048xf32>
    %sub3A_1866 = arith.constant 5.000000e-01 : f32
    %sub3A_1867 = vector.broadcast %sub3A_1866 : f32 to vector<4x2048xf32>
    %sub3A_1868 = arith.subf %abs3A_1858, %sub3A_1867 : vector<4x2048xf32>
    %select_n3A_1869 = arith.select %lt3A_1861, %mul3A_1865, %sub3A_1868 : vector<4x2048xi1>, vector<4x2048xf32>
    %mul3A_1870 = vector.broadcast %convert_element_type3A_1808 : vector<1x2048xf32> to vector<4x2048xf32>
    %mul3A_1871 = arith.mulf %select_n3A_1869, %mul3A_1870 : vector<4x2048xf32>
    %reduce_sum3A_1872 = vector.shape_cast %mul3A_1871 : vector<4x2048xf32> to vector<1x4x2048xf32>
    %reduce_sum3A_1873 = arith.constant dense<0.000000e+00> : vector<1xf32>
    %reduce_sum3A_1874 = vector.multi_reduction <add>, %reduce_sum3A_1872, %reduce_sum3A_1873 [1, 2] : vector<1x4x2048xf32> to vector<1xf32>
    %reduce_sum3A_1875 = vector.shape_cast %reduce_sum3A_1874 : vector<1xf32> to vector<1x1x1xf32>
    %reduce_sum3A_1876 = vector.extract %reduce_sum3A_1875[0, 0, 0] : f32 from vector<1x1x1xf32>
    %add3A_1877 = arith.addf %add3A_1741, %reduce_sum3A_1876 : f32
    %reduce_sum3A_1878 = vector.shape_cast %convert_element_type3A_1808 : vector<1x2048xf32> to vector<1x1x2048xf32>
    %reduce_sum3A_1879 = arith.constant dense<0.000000e+00> : vector<1xf32>
    %reduce_sum3A_1880 = vector.multi_reduction <add>, %reduce_sum3A_1878, %reduce_sum3A_1879 [1, 2] : vector<1x1x2048xf32> to vector<1xf32>
    %reduce_sum3A_1881 = vector.shape_cast %reduce_sum3A_1880 : vector<1xf32> to vector<1x1x1xf32>
    %reduce_sum3A_1882 = vector.extract %reduce_sum3A_1881[0, 0, 0] : f32 from vector<1x1x1xf32>
    %add3A_1883 = arith.addf %add3A_1747, %reduce_sum3A_1882 : f32
    %swap3A_1884 = arith.constant 0 : index
    %swap3A_1885 = arith.constant 0 : index
    %swap3A_1886 = arith.constant 8192 : index
    %swap3A_1887 = vector.load %arg5[%swap3A_1884, %swap3A_1885, %swap3A_1886] : memref<1x1x24576xf32, #tpu.memory_space<vmem>>, vector<1x1x2048xf32>
    %swap3A_1888 = vector.shape_cast %swap3A_1887 : vector<1x1x2048xf32> to vector<1x2048xf32>
    %swap3A_1889 = vector.shape_cast %select_n3A_1803 : vector<1x2048xf32> to vector<1x1x2048xf32>
    tpu.vector_store %arg5[%swap3A_1884, %swap3A_1885, %swap3A_1886], %swap3A_1889 {strides = array<i32>} : memref<1x1x24576xf32, #tpu.memory_space<vmem>>, vector<1x1x2048xf32>,
    %iota3A_1890 = tpu.iota {dimensions = array<i32: 1>} : vector<1x2048xi32>
    %convert_element_type3A_1891 = arith.sitofp %iota3A_1890 : vector<1x2048xi32> to vector<1x2048xf32>
    %add3A_1892 = arith.constant 1.024000e+04 : f32
    %add3A_1893 = vector.broadcast %add3A_1892 : f32 to vector<1x2048xf32>
    %add3A_1894 = arith.addf %convert_element_type3A_1891, %add3A_1893 : vector<1x2048xf32>
    %get3A_1895 = arith.constant 0 : index
    %get3A_1896 = arith.constant 10240 : index
    %get3A_1897 = vector.load %arg8[%get3A_1895, %get3A_1896] : memref<1x24576xf32, #tpu.memory_space<vmem>>, vector<1x2048xf32>
    %get3A_1898 = arith.constant 0 : index
    %get3A_1899 = arith.constant 10240 : index
    %get3A_1900 = vector.load %arg9[%get3A_1898, %get3A_1899] : memref<1x24576xf32, #tpu.memory_space<vmem>>, vector<1x2048xf32>
    %eq3A_1901 = vector.broadcast %add3A_1894 : vector<1x2048xf32> to vector<32x2048xf32>
    %eq3A_1902 = vector.broadcast %select_n3A_1214 : vector<32x1xf32> to vector<32x2048xf32>
    %eq3A_1903 = arith.cmpf oeq, %eq3A_1901, %eq3A_1902 : vector<32x2048xf32>
    %jit3A_1904 = arith.constant -1.000000e+00 : f32
    %broadcast_in_dim3A_1905 = vector.shape_cast %convert_element_type3A : vector<32x1xf32> to vector<32x1xf32>
    %broadcast_in_dim3A_1906 = vector.broadcast %broadcast_in_dim3A_1905 : vector<32x1xf32> to vector<32x2048xf32>
    %broadcast_in_dim3A_1907 = vector.broadcast %jit3A_1904 : f32 to vector<32x2048xf32>
    %select_n3A_1908 = arith.select %eq3A_1903, %broadcast_in_dim3A_1906, %broadcast_in_dim3A_1907 : vector<32x2048xi1>, vector<32x2048xf32>
    %reduce_max3A_1909 = arith.constant dense<0xFF800000> : vector<2048xf32>
    %reduce_max3A_1910 = vector.multi_reduction <maximumf>, %select_n3A_1908, %reduce_max3A_1909 [0] : vector<32x2048xf32> to vector<2048xf32>
    %broadcast_in_dim3A_1911 = vector.shape_cast %reduce_max3A_1910 : vector<2048xf32> to vector<1x2048xf32>
    %ge3A_1912 = arith.constant 0.000000e+00 : f32
    %ge3A_1913 = vector.broadcast %ge3A_1912 : f32 to vector<1x2048xf32>
    %ge3A_1914 = arith.cmpf oge, %broadcast_in_dim3A_1911, %ge3A_1913 : vector<1x2048xf32>
    %jit3A_1915 = arith.constant 2.000000e+00 : f32
    %broadcast_in_dim3A_1916 = vector.broadcast %jit3A_1915 : f32 to vector<1x2048xf32>
    %select_n3A_1917 = arith.select %ge3A_1914, %broadcast_in_dim3A_1916, %get3A_1897 : vector<1x2048xi1>, vector<1x2048xf32>
    %select_n3A_1918 = arith.select %ge3A_1914, %broadcast_in_dim3A_1911, %get3A_1900 : vector<1x2048xi1>, vector<1x2048xf32>
    %eq3A_1919 = vector.broadcast %select_n3A_1918 : vector<1x2048xf32> to vector<32x2048xf32>
    %eq3A_1920 = vector.broadcast %convert_element_type3A : vector<32x1xf32> to vector<32x2048xf32>
    %eq3A_1921 = arith.cmpf oeq, %eq3A_1919, %eq3A_1920 : vector<32x2048xf32>
    %convert_element_type3A_1922 = arith.extui %eq3A_1921 : vector<32x2048xi1> to vector<32x2048xi32>
    %convert_element_type3A_1923 = arith.sitofp %convert_element_type3A_1922 : vector<32x2048xi32> to vector<32x2048xf32>
    %dot_general3A_1924 = arith.constant dense<0.000000e+00> : vector<5x2048xf32>
    %dot_general3A_1925 = tpu.matmul %get3A_8, %convert_element_type3A_1923, %dot_general3A_1924 {dimension_numbers = #tpu.dot_dimension_numbers<[1], [0], [0], [1], [0, 0, 1, 1], [], []>, transpose_lhs_hint = false} : vector<5x32xf32>, vector<32x2048xf32>, vector<5x2048xf32> -> vector<5x2048xf32>
    %slice3A_1926 = vector.extract_strided_slice %dot_general3A_1925 {offsets = [0, 0], sizes = [1, 2048], strides = [1, 1]} : vector<5x2048xf32> to vector<1x2048xf32>
    %slice3A_1927 = vector.extract_strided_slice %dot_general3A_1925 {offsets = [1, 0], sizes = [1, 2048], strides = [1, 1]} : vector<5x2048xf32> to vector<1x2048xf32>
    %slice3A_1928 = vector.extract_strided_slice %dot_general3A_1925 {offsets = [2, 0], sizes = [1, 2048], strides = [1, 1]} : vector<5x2048xf32> to vector<1x2048xf32>
    %slice3A_1929 = vector.extract_strided_slice %dot_general3A_1925 {offsets = [3, 0], sizes = [1, 2048], strides = [1, 1]} : vector<5x2048xf32> to vector<1x2048xf32>
    %slice3A_1930 = vector.extract_strided_slice %dot_general3A_1925 {offsets = [4, 0], sizes = [1, 2048], strides = [1, 1]} : vector<5x2048xf32> to vector<1x2048xf32>
    %lt3A_1931 = arith.constant 5.000000e-01 : f32
    %lt3A_1932 = vector.broadcast %lt3A_1931 : f32 to vector<1x2048xf32>
    %lt3A_1933 = arith.cmpf olt, %select_n3A_1917, %lt3A_1932 : vector<1x2048xf32>
    %add3A_1934 = arith.constant 1.000000e+00 : f32
    %add3A_1935 = vector.broadcast %add3A_1934 : f32 to vector<1x2048xf32>
    %add3A_1936 = arith.addf %slice3A_1930, %add3A_1935 : vector<1x2048xf32>
    %jit3A_1937 = arith.constant 0.000000e+00 : f32
    %broadcast_in_dim3A_1938 = vector.broadcast %jit3A_1937 : f32 to vector<1x2048xf32>
    %select_n3A_1939 = arith.select %lt3A_1933, %broadcast_in_dim3A_1938, %add3A_1936 : vector<1x2048xi1>, vector<1x2048xf32>
    %gt3A_1940 = arith.constant 0.000000e+00 : f32
    %gt3A_1941 = vector.broadcast %gt3A_1940 : f32 to vector<1x2048xf32>
    %gt3A_1942 = arith.cmpf ogt, %select_n3A_1939, %gt3A_1941 : vector<1x2048xf32>
    %convert_element_type3A_1943 = arith.extui %gt3A_1942 : vector<1x2048xi1> to vector<1x2048xi32>
    %convert_element_type3A_1944 = arith.sitofp %convert_element_type3A_1943 : vector<1x2048xi32> to vector<1x2048xf32>
    %get3A_1945 = arith.constant 0 : index
    %get3A_1946 = arith.constant 10240 : index
    %get3A_1947 = vector.load %arg3[%get3A_1945, %get3A_1946] : memref<4x24576xf32, #tpu.memory_space<vmem>>, vector<1x2048xf32>
    %get3A_1948 = arith.constant 1 : index
    %get3A_1949 = arith.constant 10240 : index
    %get3A_1950 = vector.load %arg3[%get3A_1948, %get3A_1949] : memref<4x24576xf32, #tpu.memory_space<vmem>>, vector<1x2048xf32>
    %get3A_1951 = arith.constant 2 : index
    %get3A_1952 = arith.constant 10240 : index
    %get3A_1953 = vector.load %arg3[%get3A_1951, %get3A_1952] : memref<4x24576xf32, #tpu.memory_space<vmem>>, vector<1x2048xf32>
    %get3A_1954 = arith.constant 3 : index
    %get3A_1955 = arith.constant 10240 : index
    %get3A_1956 = vector.load %arg3[%get3A_1954, %get3A_1955] : memref<4x24576xf32, #tpu.memory_space<vmem>>, vector<1x2048xf32>
    %mul3A_1957 = arith.constant 5.000000e-01 : f32
    %mul3A_1958 = vector.broadcast %mul3A_1957 : f32 to vector<1x2048xf32>
    %mul3A_1959 = arith.mulf %slice3A_1928, %mul3A_1958 : vector<1x2048xf32>
    %add3A_1960 = arith.addf %slice3A_1926, %mul3A_1959 : vector<1x2048xf32>
    %sub3A_1961 = arith.subf %add3A_1960, %get3A_1947 : vector<1x2048xf32>
    %mul3A_1962 = arith.constant 1.000000e-01 : f32
    %mul3A_1963 = vector.broadcast %mul3A_1962 : f32 to vector<1x2048xf32>
    %mul3A_1964 = arith.mulf %mul3A_1963, %get3A_1953 : vector<1x2048xf32>
    %div3A_1965 = arith.divf %sub3A_1961, %mul3A_1964 : vector<1x2048xf32>
    %mul3A_1966 = arith.constant 5.000000e-01 : f32
    %mul3A_1967 = vector.broadcast %mul3A_1966 : f32 to vector<1x2048xf32>
    %mul3A_1968 = arith.mulf %slice3A_1929, %mul3A_1967 : vector<1x2048xf32>
    %add3A_1969 = arith.addf %slice3A_1927, %mul3A_1968 : vector<1x2048xf32>
    %sub3A_1970 = arith.subf %add3A_1969, %get3A_1950 : vector<1x2048xf32>
    %mul3A_1971 = arith.constant 1.000000e-01 : f32
    %mul3A_1972 = vector.broadcast %mul3A_1971 : f32 to vector<1x2048xf32>
    %mul3A_1973 = arith.mulf %mul3A_1972, %get3A_1956 : vector<1x2048xf32>
    %div3A_1974 = arith.divf %sub3A_1970, %mul3A_1973 : vector<1x2048xf32>
    %sub3A_1975 = arith.subf %slice3A_1928, %slice3A_1926 : vector<1x2048xf32>
    %div3A_1976 = arith.divf %sub3A_1975, %get3A_1953 : vector<1x2048xf32>
    %log3A_1977 = math.log %div3A_1976 : vector<1x2048xf32>
    %div3A_1978 = arith.constant 2.000000e-01 : f32
    %div3A_1979 = vector.broadcast %div3A_1978 : f32 to vector<1x2048xf32>
    %div3A_1980 = arith.divf %log3A_1977, %div3A_1979 : vector<1x2048xf32>
    %sub3A_1981 = arith.subf %slice3A_1929, %slice3A_1927 : vector<1x2048xf32>
    %div3A_1982 = arith.divf %sub3A_1981, %get3A_1956 : vector<1x2048xf32>
    %log3A_1983 = math.log %div3A_1982 : vector<1x2048xf32>
    %div3A_1984 = arith.constant 2.000000e-01 : f32
    %div3A_1985 = vector.broadcast %div3A_1984 : f32 to vector<1x2048xf32>
    %div3A_1986 = arith.divf %log3A_1983, %div3A_1985 : vector<1x2048xf32>
    %concatenate3A_1987 = tpu.concatenate %div3A_1965, %div3A_1974, %div3A_1980, %div3A_1986 in 0 : vector<1x2048xf32>, vector<1x2048xf32>, vector<1x2048xf32>, vector<1x2048xf32> -> vector<4x2048xf32>
    %get3A_1988 = arith.constant 0 : index
    %get3A_1989 = arith.constant 0 : index
    %get3A_1990 = arith.constant 10240 : index
    %get3A_1991 = vector.load %arg4[%get3A_1988, %get3A_1989, %get3A_1990] : memref<1x4x24576xf32, #tpu.memory_space<vmem>>, vector<1x4x2048xf32>
    %get3A_1992 = vector.shape_cast %get3A_1991 : vector<1x4x2048xf32> to vector<4x2048xf32>
    %sub3A_1993 = arith.subf %get3A_1992, %concatenate3A_1987 : vector<4x2048xf32>
    %abs3A_1994 = math.absf %sub3A_1993 : vector<4x2048xf32>
    %lt3A_1995 = arith.constant 1.000000e+00 : f32
    %lt3A_1996 = vector.broadcast %lt3A_1995 : f32 to vector<4x2048xf32>
    %lt3A_1997 = arith.cmpf olt, %abs3A_1994, %lt3A_1996 : vector<4x2048xf32>
    %mul3A_1998 = arith.constant 5.000000e-01 : f32
    %mul3A_1999 = vector.broadcast %mul3A_1998 : f32 to vector<4x2048xf32>
    %mul3A_2000 = arith.mulf %mul3A_1999, %abs3A_1994 : vector<4x2048xf32>
    %mul3A_2001 = arith.mulf %mul3A_2000, %abs3A_1994 : vector<4x2048xf32>
    %sub3A_2002 = arith.constant 5.000000e-01 : f32
    %sub3A_2003 = vector.broadcast %sub3A_2002 : f32 to vector<4x2048xf32>
    %sub3A_2004 = arith.subf %abs3A_1994, %sub3A_2003 : vector<4x2048xf32>
    %select_n3A_2005 = arith.select %lt3A_1997, %mul3A_2001, %sub3A_2004 : vector<4x2048xi1>, vector<4x2048xf32>
    %mul3A_2006 = vector.broadcast %convert_element_type3A_1944 : vector<1x2048xf32> to vector<4x2048xf32>
    %mul3A_2007 = arith.mulf %select_n3A_2005, %mul3A_2006 : vector<4x2048xf32>
    %reduce_sum3A_2008 = vector.shape_cast %mul3A_2007 : vector<4x2048xf32> to vector<1x4x2048xf32>
    %reduce_sum3A_2009 = arith.constant dense<0.000000e+00> : vector<1xf32>
    %reduce_sum3A_2010 = vector.multi_reduction <add>, %reduce_sum3A_2008, %reduce_sum3A_2009 [1, 2] : vector<1x4x2048xf32> to vector<1xf32>
    %reduce_sum3A_2011 = vector.shape_cast %reduce_sum3A_2010 : vector<1xf32> to vector<1x1x1xf32>
    %reduce_sum3A_2012 = vector.extract %reduce_sum3A_2011[0, 0, 0] : f32 from vector<1x1x1xf32>
    %add3A_2013 = arith.addf %add3A_1877, %reduce_sum3A_2012 : f32
    %reduce_sum3A_2014 = vector.shape_cast %convert_element_type3A_1944 : vector<1x2048xf32> to vector<1x1x2048xf32>
    %reduce_sum3A_2015 = arith.constant dense<0.000000e+00> : vector<1xf32>
    %reduce_sum3A_2016 = vector.multi_reduction <add>, %reduce_sum3A_2014, %reduce_sum3A_2015 [1, 2] : vector<1x1x2048xf32> to vector<1xf32>
    %reduce_sum3A_2017 = vector.shape_cast %reduce_sum3A_2016 : vector<1xf32> to vector<1x1x1xf32>
    %reduce_sum3A_2018 = vector.extract %reduce_sum3A_2017[0, 0, 0] : f32 from vector<1x1x1xf32>
    %add3A_2019 = arith.addf %add3A_1883, %reduce_sum3A_2018 : f32
    %swap3A_2020 = arith.constant 0 : index
    %swap3A_2021 = arith.constant 0 : index
    %swap3A_2022 = arith.constant 10240 : index
    %swap3A_2023 = vector.load %arg5[%swap3A_2020, %swap3A_2021, %swap3A_2022] : memref<1x1x24576xf32, #tpu.memory_space<vmem>>, vector<1x1x2048xf32>
    %swap3A_2024 = vector.shape_cast %swap3A_2023 : vector<1x1x2048xf32> to vector<1x2048xf32>
    %swap3A_2025 = vector.shape_cast %select_n3A_1939 : vector<1x2048xf32> to vector<1x1x2048xf32>
    tpu.vector_store %arg5[%swap3A_2020, %swap3A_2021, %swap3A_2022], %swap3A_2025 {strides = array<i32>} : memref<1x1x24576xf32, #tpu.memory_space<vmem>>, vector<1x1x2048xf32>,
    %iota3A_2026 = tpu.iota {dimensions = array<i32: 1>} : vector<1x2048xi32>
    %convert_element_type3A_2027 = arith.sitofp %iota3A_2026 : vector<1x2048xi32> to vector<1x2048xf32>
    %add3A_2028 = arith.constant 1.228800e+04 : f32
    %add3A_2029 = vector.broadcast %add3A_2028 : f32 to vector<1x2048xf32>
    %add3A_2030 = arith.addf %convert_element_type3A_2027, %add3A_2029 : vector<1x2048xf32>
    %get3A_2031 = arith.constant 0 : index
    %get3A_2032 = arith.constant 12288 : index
    %get3A_2033 = vector.load %arg8[%get3A_2031, %get3A_2032] : memref<1x24576xf32, #tpu.memory_space<vmem>>, vector<1x2048xf32>
    %get3A_2034 = arith.constant 0 : index
    %get3A_2035 = arith.constant 12288 : index
    %get3A_2036 = vector.load %arg9[%get3A_2034, %get3A_2035] : memref<1x24576xf32, #tpu.memory_space<vmem>>, vector<1x2048xf32>
    %eq3A_2037 = vector.broadcast %add3A_2030 : vector<1x2048xf32> to vector<32x2048xf32>
    %eq3A_2038 = vector.broadcast %select_n3A_1214 : vector<32x1xf32> to vector<32x2048xf32>
    %eq3A_2039 = arith.cmpf oeq, %eq3A_2037, %eq3A_2038 : vector<32x2048xf32>
    %jit3A_2040 = arith.constant -1.000000e+00 : f32
    %broadcast_in_dim3A_2041 = vector.shape_cast %convert_element_type3A : vector<32x1xf32> to vector<32x1xf32>
    %broadcast_in_dim3A_2042 = vector.broadcast %broadcast_in_dim3A_2041 : vector<32x1xf32> to vector<32x2048xf32>
    %broadcast_in_dim3A_2043 = vector.broadcast %jit3A_2040 : f32 to vector<32x2048xf32>
    %select_n3A_2044 = arith.select %eq3A_2039, %broadcast_in_dim3A_2042, %broadcast_in_dim3A_2043 : vector<32x2048xi1>, vector<32x2048xf32>
    %reduce_max3A_2045 = arith.constant dense<0xFF800000> : vector<2048xf32>
    %reduce_max3A_2046 = vector.multi_reduction <maximumf>, %select_n3A_2044, %reduce_max3A_2045 [0] : vector<32x2048xf32> to vector<2048xf32>
    %broadcast_in_dim3A_2047 = vector.shape_cast %reduce_max3A_2046 : vector<2048xf32> to vector<1x2048xf32>
    %ge3A_2048 = arith.constant 0.000000e+00 : f32
    %ge3A_2049 = vector.broadcast %ge3A_2048 : f32 to vector<1x2048xf32>
    %ge3A_2050 = arith.cmpf oge, %broadcast_in_dim3A_2047, %ge3A_2049 : vector<1x2048xf32>
    %jit3A_2051 = arith.constant 2.000000e+00 : f32
    %broadcast_in_dim3A_2052 = vector.broadcast %jit3A_2051 : f32 to vector<1x2048xf32>
    %select_n3A_2053 = arith.select %ge3A_2050, %broadcast_in_dim3A_2052, %get3A_2033 : vector<1x2048xi1>, vector<1x2048xf32>
    %select_n3A_2054 = arith.select %ge3A_2050, %broadcast_in_dim3A_2047, %get3A_2036 : vector<1x2048xi1>, vector<1x2048xf32>
    %eq3A_2055 = vector.broadcast %select_n3A_2054 : vector<1x2048xf32> to vector<32x2048xf32>
    %eq3A_2056 = vector.broadcast %convert_element_type3A : vector<32x1xf32> to vector<32x2048xf32>
    %eq3A_2057 = arith.cmpf oeq, %eq3A_2055, %eq3A_2056 : vector<32x2048xf32>
    %convert_element_type3A_2058 = arith.extui %eq3A_2057 : vector<32x2048xi1> to vector<32x2048xi32>
    %convert_element_type3A_2059 = arith.sitofp %convert_element_type3A_2058 : vector<32x2048xi32> to vector<32x2048xf32>
    %dot_general3A_2060 = arith.constant dense<0.000000e+00> : vector<5x2048xf32>
    %dot_general3A_2061 = tpu.matmul %get3A_8, %convert_element_type3A_2059, %dot_general3A_2060 {dimension_numbers = #tpu.dot_dimension_numbers<[1], [0], [0], [1], [0, 0, 1, 1], [], []>, transpose_lhs_hint = false} : vector<5x32xf32>, vector<32x2048xf32>, vector<5x2048xf32> -> vector<5x2048xf32>
    %slice3A_2062 = vector.extract_strided_slice %dot_general3A_2061 {offsets = [0, 0], sizes = [1, 2048], strides = [1, 1]} : vector<5x2048xf32> to vector<1x2048xf32>
    %slice3A_2063 = vector.extract_strided_slice %dot_general3A_2061 {offsets = [1, 0], sizes = [1, 2048], strides = [1, 1]} : vector<5x2048xf32> to vector<1x2048xf32>
    %slice3A_2064 = vector.extract_strided_slice %dot_general3A_2061 {offsets = [2, 0], sizes = [1, 2048], strides = [1, 1]} : vector<5x2048xf32> to vector<1x2048xf32>
    %slice3A_2065 = vector.extract_strided_slice %dot_general3A_2061 {offsets = [3, 0], sizes = [1, 2048], strides = [1, 1]} : vector<5x2048xf32> to vector<1x2048xf32>
    %slice3A_2066 = vector.extract_strided_slice %dot_general3A_2061 {offsets = [4, 0], sizes = [1, 2048], strides = [1, 1]} : vector<5x2048xf32> to vector<1x2048xf32>
    %lt3A_2067 = arith.constant 5.000000e-01 : f32
    %lt3A_2068 = vector.broadcast %lt3A_2067 : f32 to vector<1x2048xf32>
    %lt3A_2069 = arith.cmpf olt, %select_n3A_2053, %lt3A_2068 : vector<1x2048xf32>
    %add3A_2070 = arith.constant 1.000000e+00 : f32
    %add3A_2071 = vector.broadcast %add3A_2070 : f32 to vector<1x2048xf32>
    %add3A_2072 = arith.addf %slice3A_2066, %add3A_2071 : vector<1x2048xf32>
    %jit3A_2073 = arith.constant 0.000000e+00 : f32
    %broadcast_in_dim3A_2074 = vector.broadcast %jit3A_2073 : f32 to vector<1x2048xf32>
    %select_n3A_2075 = arith.select %lt3A_2069, %broadcast_in_dim3A_2074, %add3A_2072 : vector<1x2048xi1>, vector<1x2048xf32>
    %gt3A_2076 = arith.constant 0.000000e+00 : f32
    %gt3A_2077 = vector.broadcast %gt3A_2076 : f32 to vector<1x2048xf32>
    %gt3A_2078 = arith.cmpf ogt, %select_n3A_2075, %gt3A_2077 : vector<1x2048xf32>
    %convert_element_type3A_2079 = arith.extui %gt3A_2078 : vector<1x2048xi1> to vector<1x2048xi32>
    %convert_element_type3A_2080 = arith.sitofp %convert_element_type3A_2079 : vector<1x2048xi32> to vector<1x2048xf32>
    %get3A_2081 = arith.constant 0 : index
    %get3A_2082 = arith.constant 12288 : index
    %get3A_2083 = vector.load %arg3[%get3A_2081, %get3A_2082] : memref<4x24576xf32, #tpu.memory_space<vmem>>, vector<1x2048xf32>
    %get3A_2084 = arith.constant 1 : index
    %get3A_2085 = arith.constant 12288 : index
    %get3A_2086 = vector.load %arg3[%get3A_2084, %get3A_2085] : memref<4x24576xf32, #tpu.memory_space<vmem>>, vector<1x2048xf32>
    %get3A_2087 = arith.constant 2 : index
    %get3A_2088 = arith.constant 12288 : index
    %get3A_2089 = vector.load %arg3[%get3A_2087, %get3A_2088] : memref<4x24576xf32, #tpu.memory_space<vmem>>, vector<1x2048xf32>
    %get3A_2090 = arith.constant 3 : index
    %get3A_2091 = arith.constant 12288 : index
    %get3A_2092 = vector.load %arg3[%get3A_2090, %get3A_2091] : memref<4x24576xf32, #tpu.memory_space<vmem>>, vector<1x2048xf32>
    %mul3A_2093 = arith.constant 5.000000e-01 : f32
    %mul3A_2094 = vector.broadcast %mul3A_2093 : f32 to vector<1x2048xf32>
    %mul3A_2095 = arith.mulf %slice3A_2064, %mul3A_2094 : vector<1x2048xf32>
    %add3A_2096 = arith.addf %slice3A_2062, %mul3A_2095 : vector<1x2048xf32>
    %sub3A_2097 = arith.subf %add3A_2096, %get3A_2083 : vector<1x2048xf32>
    %mul3A_2098 = arith.constant 1.000000e-01 : f32
    %mul3A_2099 = vector.broadcast %mul3A_2098 : f32 to vector<1x2048xf32>
    %mul3A_2100 = arith.mulf %mul3A_2099, %get3A_2089 : vector<1x2048xf32>
    %div3A_2101 = arith.divf %sub3A_2097, %mul3A_2100 : vector<1x2048xf32>
    %mul3A_2102 = arith.constant 5.000000e-01 : f32
    %mul3A_2103 = vector.broadcast %mul3A_2102 : f32 to vector<1x2048xf32>
    %mul3A_2104 = arith.mulf %slice3A_2065, %mul3A_2103 : vector<1x2048xf32>
    %add3A_2105 = arith.addf %slice3A_2063, %mul3A_2104 : vector<1x2048xf32>
    %sub3A_2106 = arith.subf %add3A_2105, %get3A_2086 : vector<1x2048xf32>
    %mul3A_2107 = arith.constant 1.000000e-01 : f32
    %mul3A_2108 = vector.broadcast %mul3A_2107 : f32 to vector<1x2048xf32>
    %mul3A_2109 = arith.mulf %mul3A_2108, %get3A_2092 : vector<1x2048xf32>
    %div3A_2110 = arith.divf %sub3A_2106, %mul3A_2109 : vector<1x2048xf32>
    %sub3A_2111 = arith.subf %slice3A_2064, %slice3A_2062 : vector<1x2048xf32>
    %div3A_2112 = arith.divf %sub3A_2111, %get3A_2089 : vector<1x2048xf32>
    %log3A_2113 = math.log %div3A_2112 : vector<1x2048xf32>
    %div3A_2114 = arith.constant 2.000000e-01 : f32
    %div3A_2115 = vector.broadcast %div3A_2114 : f32 to vector<1x2048xf32>
    %div3A_2116 = arith.divf %log3A_2113, %div3A_2115 : vector<1x2048xf32>
    %sub3A_2117 = arith.subf %slice3A_2065, %slice3A_2063 : vector<1x2048xf32>
    %div3A_2118 = arith.divf %sub3A_2117, %get3A_2092 : vector<1x2048xf32>
    %log3A_2119 = math.log %div3A_2118 : vector<1x2048xf32>
    %div3A_2120 = arith.constant 2.000000e-01 : f32
    %div3A_2121 = vector.broadcast %div3A_2120 : f32 to vector<1x2048xf32>
    %div3A_2122 = arith.divf %log3A_2119, %div3A_2121 : vector<1x2048xf32>
    %concatenate3A_2123 = tpu.concatenate %div3A_2101, %div3A_2110, %div3A_2116, %div3A_2122 in 0 : vector<1x2048xf32>, vector<1x2048xf32>, vector<1x2048xf32>, vector<1x2048xf32> -> vector<4x2048xf32>
    %get3A_2124 = arith.constant 0 : index
    %get3A_2125 = arith.constant 0 : index
    %get3A_2126 = arith.constant 12288 : index
    %get3A_2127 = vector.load %arg4[%get3A_2124, %get3A_2125, %get3A_2126] : memref<1x4x24576xf32, #tpu.memory_space<vmem>>, vector<1x4x2048xf32>
    %get3A_2128 = vector.shape_cast %get3A_2127 : vector<1x4x2048xf32> to vector<4x2048xf32>
    %sub3A_2129 = arith.subf %get3A_2128, %concatenate3A_2123 : vector<4x2048xf32>
    %abs3A_2130 = math.absf %sub3A_2129 : vector<4x2048xf32>
    %lt3A_2131 = arith.constant 1.000000e+00 : f32
    %lt3A_2132 = vector.broadcast %lt3A_2131 : f32 to vector<4x2048xf32>
    %lt3A_2133 = arith.cmpf olt, %abs3A_2130, %lt3A_2132 : vector<4x2048xf32>
    %mul3A_2134 = arith.constant 5.000000e-01 : f32
    %mul3A_2135 = vector.broadcast %mul3A_2134 : f32 to vector<4x2048xf32>
    %mul3A_2136 = arith.mulf %mul3A_2135, %abs3A_2130 : vector<4x2048xf32>
    %mul3A_2137 = arith.mulf %mul3A_2136, %abs3A_2130 : vector<4x2048xf32>
    %sub3A_2138 = arith.constant 5.000000e-01 : f32
    %sub3A_2139 = vector.broadcast %sub3A_2138 : f32 to vector<4x2048xf32>
    %sub3A_2140 = arith.subf %abs3A_2130, %sub3A_2139 : vector<4x2048xf32>
    %select_n3A_2141 = arith.select %lt3A_2133, %mul3A_2137, %sub3A_2140 : vector<4x2048xi1>, vector<4x2048xf32>
    %mul3A_2142 = vector.broadcast %convert_element_type3A_2080 : vector<1x2048xf32> to vector<4x2048xf32>
    %mul3A_2143 = arith.mulf %select_n3A_2141, %mul3A_2142 : vector<4x2048xf32>
    %reduce_sum3A_2144 = vector.shape_cast %mul3A_2143 : vector<4x2048xf32> to vector<1x4x2048xf32>
    %reduce_sum3A_2145 = arith.constant dense<0.000000e+00> : vector<1xf32>
    %reduce_sum3A_2146 = vector.multi_reduction <add>, %reduce_sum3A_2144, %reduce_sum3A_2145 [1, 2] : vector<1x4x2048xf32> to vector<1xf32>
    %reduce_sum3A_2147 = vector.shape_cast %reduce_sum3A_2146 : vector<1xf32> to vector<1x1x1xf32>
    %reduce_sum3A_2148 = vector.extract %reduce_sum3A_2147[0, 0, 0] : f32 from vector<1x1x1xf32>
    %add3A_2149 = arith.addf %add3A_2013, %reduce_sum3A_2148 : f32
    %reduce_sum3A_2150 = vector.shape_cast %convert_element_type3A_2080 : vector<1x2048xf32> to vector<1x1x2048xf32>
    %reduce_sum3A_2151 = arith.constant dense<0.000000e+00> : vector<1xf32>
    %reduce_sum3A_2152 = vector.multi_reduction <add>, %reduce_sum3A_2150, %reduce_sum3A_2151 [1, 2] : vector<1x1x2048xf32> to vector<1xf32>
    %reduce_sum3A_2153 = vector.shape_cast %reduce_sum3A_2152 : vector<1xf32> to vector<1x1x1xf32>
    %reduce_sum3A_2154 = vector.extract %reduce_sum3A_2153[0, 0, 0] : f32 from vector<1x1x1xf32>
    %add3A_2155 = arith.addf %add3A_2019, %reduce_sum3A_2154 : f32
    %swap3A_2156 = arith.constant 0 : index
    %swap3A_2157 = arith.constant 0 : index
    %swap3A_2158 = arith.constant 12288 : index
    %swap3A_2159 = vector.load %arg5[%swap3A_2156, %swap3A_2157, %swap3A_2158] : memref<1x1x24576xf32, #tpu.memory_space<vmem>>, vector<1x1x2048xf32>
    %swap3A_2160 = vector.shape_cast %swap3A_2159 : vector<1x1x2048xf32> to vector<1x2048xf32>
    %swap3A_2161 = vector.shape_cast %select_n3A_2075 : vector<1x2048xf32> to vector<1x1x2048xf32>
    tpu.vector_store %arg5[%swap3A_2156, %swap3A_2157, %swap3A_2158], %swap3A_2161 {strides = array<i32>} : memref<1x1x24576xf32, #tpu.memory_space<vmem>>, vector<1x1x2048xf32>,
    %iota3A_2162 = tpu.iota {dimensions = array<i32: 1>} : vector<1x2048xi32>
    %convert_element_type3A_2163 = arith.sitofp %iota3A_2162 : vector<1x2048xi32> to vector<1x2048xf32>
    %add3A_2164 = arith.constant 1.433600e+04 : f32
    %add3A_2165 = vector.broadcast %add3A_2164 : f32 to vector<1x2048xf32>
    %add3A_2166 = arith.addf %convert_element_type3A_2163, %add3A_2165 : vector<1x2048xf32>
    %get3A_2167 = arith.constant 0 : index
    %get3A_2168 = arith.constant 14336 : index
    %get3A_2169 = vector.load %arg8[%get3A_2167, %get3A_2168] : memref<1x24576xf32, #tpu.memory_space<vmem>>, vector<1x2048xf32>
    %get3A_2170 = arith.constant 0 : index
    %get3A_2171 = arith.constant 14336 : index
    %get3A_2172 = vector.load %arg9[%get3A_2170, %get3A_2171] : memref<1x24576xf32, #tpu.memory_space<vmem>>, vector<1x2048xf32>
    %eq3A_2173 = vector.broadcast %add3A_2166 : vector<1x2048xf32> to vector<32x2048xf32>
    %eq3A_2174 = vector.broadcast %select_n3A_1214 : vector<32x1xf32> to vector<32x2048xf32>
    %eq3A_2175 = arith.cmpf oeq, %eq3A_2173, %eq3A_2174 : vector<32x2048xf32>
    %jit3A_2176 = arith.constant -1.000000e+00 : f32
    %broadcast_in_dim3A_2177 = vector.shape_cast %convert_element_type3A : vector<32x1xf32> to vector<32x1xf32>
    %broadcast_in_dim3A_2178 = vector.broadcast %broadcast_in_dim3A_2177 : vector<32x1xf32> to vector<32x2048xf32>
    %broadcast_in_dim3A_2179 = vector.broadcast %jit3A_2176 : f32 to vector<32x2048xf32>
    %select_n3A_2180 = arith.select %eq3A_2175, %broadcast_in_dim3A_2178, %broadcast_in_dim3A_2179 : vector<32x2048xi1>, vector<32x2048xf32>
    %reduce_max3A_2181 = arith.constant dense<0xFF800000> : vector<2048xf32>
    %reduce_max3A_2182 = vector.multi_reduction <maximumf>, %select_n3A_2180, %reduce_max3A_2181 [0] : vector<32x2048xf32> to vector<2048xf32>
    %broadcast_in_dim3A_2183 = vector.shape_cast %reduce_max3A_2182 : vector<2048xf32> to vector<1x2048xf32>
    %ge3A_2184 = arith.constant 0.000000e+00 : f32
    %ge3A_2185 = vector.broadcast %ge3A_2184 : f32 to vector<1x2048xf32>
    %ge3A_2186 = arith.cmpf oge, %broadcast_in_dim3A_2183, %ge3A_2185 : vector<1x2048xf32>
    %jit3A_2187 = arith.constant 2.000000e+00 : f32
    %broadcast_in_dim3A_2188 = vector.broadcast %jit3A_2187 : f32 to vector<1x2048xf32>
    %select_n3A_2189 = arith.select %ge3A_2186, %broadcast_in_dim3A_2188, %get3A_2169 : vector<1x2048xi1>, vector<1x2048xf32>
    %select_n3A_2190 = arith.select %ge3A_2186, %broadcast_in_dim3A_2183, %get3A_2172 : vector<1x2048xi1>, vector<1x2048xf32>
    %eq3A_2191 = vector.broadcast %select_n3A_2190 : vector<1x2048xf32> to vector<32x2048xf32>
    %eq3A_2192 = vector.broadcast %convert_element_type3A : vector<32x1xf32> to vector<32x2048xf32>
    %eq3A_2193 = arith.cmpf oeq, %eq3A_2191, %eq3A_2192 : vector<32x2048xf32>
    %convert_element_type3A_2194 = arith.extui %eq3A_2193 : vector<32x2048xi1> to vector<32x2048xi32>
    %convert_element_type3A_2195 = arith.sitofp %convert_element_type3A_2194 : vector<32x2048xi32> to vector<32x2048xf32>
    %dot_general3A_2196 = arith.constant dense<0.000000e+00> : vector<5x2048xf32>
    %dot_general3A_2197 = tpu.matmul %get3A_8, %convert_element_type3A_2195, %dot_general3A_2196 {dimension_numbers = #tpu.dot_dimension_numbers<[1], [0], [0], [1], [0, 0, 1, 1], [], []>, transpose_lhs_hint = false} : vector<5x32xf32>, vector<32x2048xf32>, vector<5x2048xf32> -> vector<5x2048xf32>
    %slice3A_2198 = vector.extract_strided_slice %dot_general3A_2197 {offsets = [0, 0], sizes = [1, 2048], strides = [1, 1]} : vector<5x2048xf32> to vector<1x2048xf32>
    %slice3A_2199 = vector.extract_strided_slice %dot_general3A_2197 {offsets = [1, 0], sizes = [1, 2048], strides = [1, 1]} : vector<5x2048xf32> to vector<1x2048xf32>
    %slice3A_2200 = vector.extract_strided_slice %dot_general3A_2197 {offsets = [2, 0], sizes = [1, 2048], strides = [1, 1]} : vector<5x2048xf32> to vector<1x2048xf32>
    %slice3A_2201 = vector.extract_strided_slice %dot_general3A_2197 {offsets = [3, 0], sizes = [1, 2048], strides = [1, 1]} : vector<5x2048xf32> to vector<1x2048xf32>
    %slice3A_2202 = vector.extract_strided_slice %dot_general3A_2197 {offsets = [4, 0], sizes = [1, 2048], strides = [1, 1]} : vector<5x2048xf32> to vector<1x2048xf32>
    %lt3A_2203 = arith.constant 5.000000e-01 : f32
    %lt3A_2204 = vector.broadcast %lt3A_2203 : f32 to vector<1x2048xf32>
    %lt3A_2205 = arith.cmpf olt, %select_n3A_2189, %lt3A_2204 : vector<1x2048xf32>
    %add3A_2206 = arith.constant 1.000000e+00 : f32
    %add3A_2207 = vector.broadcast %add3A_2206 : f32 to vector<1x2048xf32>
    %add3A_2208 = arith.addf %slice3A_2202, %add3A_2207 : vector<1x2048xf32>
    %jit3A_2209 = arith.constant 0.000000e+00 : f32
    %broadcast_in_dim3A_2210 = vector.broadcast %jit3A_2209 : f32 to vector<1x2048xf32>
    %select_n3A_2211 = arith.select %lt3A_2205, %broadcast_in_dim3A_2210, %add3A_2208 : vector<1x2048xi1>, vector<1x2048xf32>
    %gt3A_2212 = arith.constant 0.000000e+00 : f32
    %gt3A_2213 = vector.broadcast %gt3A_2212 : f32 to vector<1x2048xf32>
    %gt3A_2214 = arith.cmpf ogt, %select_n3A_2211, %gt3A_2213 : vector<1x2048xf32>
    %convert_element_type3A_2215 = arith.extui %gt3A_2214 : vector<1x2048xi1> to vector<1x2048xi32>
    %convert_element_type3A_2216 = arith.sitofp %convert_element_type3A_2215 : vector<1x2048xi32> to vector<1x2048xf32>
    %get3A_2217 = arith.constant 0 : index
    %get3A_2218 = arith.constant 14336 : index
    %get3A_2219 = vector.load %arg3[%get3A_2217, %get3A_2218] : memref<4x24576xf32, #tpu.memory_space<vmem>>, vector<1x2048xf32>
    %get3A_2220 = arith.constant 1 : index
    %get3A_2221 = arith.constant 14336 : index
    %get3A_2222 = vector.load %arg3[%get3A_2220, %get3A_2221] : memref<4x24576xf32, #tpu.memory_space<vmem>>, vector<1x2048xf32>
    %get3A_2223 = arith.constant 2 : index
    %get3A_2224 = arith.constant 14336 : index
    %get3A_2225 = vector.load %arg3[%get3A_2223, %get3A_2224] : memref<4x24576xf32, #tpu.memory_space<vmem>>, vector<1x2048xf32>
    %get3A_2226 = arith.constant 3 : index
    %get3A_2227 = arith.constant 14336 : index
    %get3A_2228 = vector.load %arg3[%get3A_2226, %get3A_2227] : memref<4x24576xf32, #tpu.memory_space<vmem>>, vector<1x2048xf32>
    %mul3A_2229 = arith.constant 5.000000e-01 : f32
    %mul3A_2230 = vector.broadcast %mul3A_2229 : f32 to vector<1x2048xf32>
    %mul3A_2231 = arith.mulf %slice3A_2200, %mul3A_2230 : vector<1x2048xf32>
    %add3A_2232 = arith.addf %slice3A_2198, %mul3A_2231 : vector<1x2048xf32>
    %sub3A_2233 = arith.subf %add3A_2232, %get3A_2219 : vector<1x2048xf32>
    %mul3A_2234 = arith.constant 1.000000e-01 : f32
    %mul3A_2235 = vector.broadcast %mul3A_2234 : f32 to vector<1x2048xf32>
    %mul3A_2236 = arith.mulf %mul3A_2235, %get3A_2225 : vector<1x2048xf32>
    %div3A_2237 = arith.divf %sub3A_2233, %mul3A_2236 : vector<1x2048xf32>
    %mul3A_2238 = arith.constant 5.000000e-01 : f32
    %mul3A_2239 = vector.broadcast %mul3A_2238 : f32 to vector<1x2048xf32>
    %mul3A_2240 = arith.mulf %slice3A_2201, %mul3A_2239 : vector<1x2048xf32>
    %add3A_2241 = arith.addf %slice3A_2199, %mul3A_2240 : vector<1x2048xf32>
    %sub3A_2242 = arith.subf %add3A_2241, %get3A_2222 : vector<1x2048xf32>
    %mul3A_2243 = arith.constant 1.000000e-01 : f32
    %mul3A_2244 = vector.broadcast %mul3A_2243 : f32 to vector<1x2048xf32>
    %mul3A_2245 = arith.mulf %mul3A_2244, %get3A_2228 : vector<1x2048xf32>
    %div3A_2246 = arith.divf %sub3A_2242, %mul3A_2245 : vector<1x2048xf32>
    %sub3A_2247 = arith.subf %slice3A_2200, %slice3A_2198 : vector<1x2048xf32>
    %div3A_2248 = arith.divf %sub3A_2247, %get3A_2225 : vector<1x2048xf32>
    %log3A_2249 = math.log %div3A_2248 : vector<1x2048xf32>
    %div3A_2250 = arith.constant 2.000000e-01 : f32
    %div3A_2251 = vector.broadcast %div3A_2250 : f32 to vector<1x2048xf32>
    %div3A_2252 = arith.divf %log3A_2249, %div3A_2251 : vector<1x2048xf32>
    %sub3A_2253 = arith.subf %slice3A_2201, %slice3A_2199 : vector<1x2048xf32>
    %div3A_2254 = arith.divf %sub3A_2253, %get3A_2228 : vector<1x2048xf32>
    %log3A_2255 = math.log %div3A_2254 : vector<1x2048xf32>
    %div3A_2256 = arith.constant 2.000000e-01 : f32
    %div3A_2257 = vector.broadcast %div3A_2256 : f32 to vector<1x2048xf32>
    %div3A_2258 = arith.divf %log3A_2255, %div3A_2257 : vector<1x2048xf32>
    %concatenate3A_2259 = tpu.concatenate %div3A_2237, %div3A_2246, %div3A_2252, %div3A_2258 in 0 : vector<1x2048xf32>, vector<1x2048xf32>, vector<1x2048xf32>, vector<1x2048xf32> -> vector<4x2048xf32>
    %get3A_2260 = arith.constant 0 : index
    %get3A_2261 = arith.constant 0 : index
    %get3A_2262 = arith.constant 14336 : index
    %get3A_2263 = vector.load %arg4[%get3A_2260, %get3A_2261, %get3A_2262] : memref<1x4x24576xf32, #tpu.memory_space<vmem>>, vector<1x4x2048xf32>
    %get3A_2264 = vector.shape_cast %get3A_2263 : vector<1x4x2048xf32> to vector<4x2048xf32>
    %sub3A_2265 = arith.subf %get3A_2264, %concatenate3A_2259 : vector<4x2048xf32>
    %abs3A_2266 = math.absf %sub3A_2265 : vector<4x2048xf32>
    %lt3A_2267 = arith.constant 1.000000e+00 : f32
    %lt3A_2268 = vector.broadcast %lt3A_2267 : f32 to vector<4x2048xf32>
    %lt3A_2269 = arith.cmpf olt, %abs3A_2266, %lt3A_2268 : vector<4x2048xf32>
    %mul3A_2270 = arith.constant 5.000000e-01 : f32
    %mul3A_2271 = vector.broadcast %mul3A_2270 : f32 to vector<4x2048xf32>
    %mul3A_2272 = arith.mulf %mul3A_2271, %abs3A_2266 : vector<4x2048xf32>
    %mul3A_2273 = arith.mulf %mul3A_2272, %abs3A_2266 : vector<4x2048xf32>
    %sub3A_2274 = arith.constant 5.000000e-01 : f32
    %sub3A_2275 = vector.broadcast %sub3A_2274 : f32 to vector<4x2048xf32>
    %sub3A_2276 = arith.subf %abs3A_2266, %sub3A_2275 : vector<4x2048xf32>
    %select_n3A_2277 = arith.select %lt3A_2269, %mul3A_2273, %sub3A_2276 : vector<4x2048xi1>, vector<4x2048xf32>
    %mul3A_2278 = vector.broadcast %convert_element_type3A_2216 : vector<1x2048xf32> to vector<4x2048xf32>
    %mul3A_2279 = arith.mulf %select_n3A_2277, %mul3A_2278 : vector<4x2048xf32>
    %reduce_sum3A_2280 = vector.shape_cast %mul3A_2279 : vector<4x2048xf32> to vector<1x4x2048xf32>
    %reduce_sum3A_2281 = arith.constant dense<0.000000e+00> : vector<1xf32>
    %reduce_sum3A_2282 = vector.multi_reduction <add>, %reduce_sum3A_2280, %reduce_sum3A_2281 [1, 2] : vector<1x4x2048xf32> to vector<1xf32>
    %reduce_sum3A_2283 = vector.shape_cast %reduce_sum3A_2282 : vector<1xf32> to vector<1x1x1xf32>
    %reduce_sum3A_2284 = vector.extract %reduce_sum3A_2283[0, 0, 0] : f32 from vector<1x1x1xf32>
    %add3A_2285 = arith.addf %add3A_2149, %reduce_sum3A_2284 : f32
    %reduce_sum3A_2286 = vector.shape_cast %convert_element_type3A_2216 : vector<1x2048xf32> to vector<1x1x2048xf32>
    %reduce_sum3A_2287 = arith.constant dense<0.000000e+00> : vector<1xf32>
    %reduce_sum3A_2288 = vector.multi_reduction <add>, %reduce_sum3A_2286, %reduce_sum3A_2287 [1, 2] : vector<1x1x2048xf32> to vector<1xf32>
    %reduce_sum3A_2289 = vector.shape_cast %reduce_sum3A_2288 : vector<1xf32> to vector<1x1x1xf32>
    %reduce_sum3A_2290 = vector.extract %reduce_sum3A_2289[0, 0, 0] : f32 from vector<1x1x1xf32>
    %add3A_2291 = arith.addf %add3A_2155, %reduce_sum3A_2290 : f32
    %swap3A_2292 = arith.constant 0 : index
    %swap3A_2293 = arith.constant 0 : index
    %swap3A_2294 = arith.constant 14336 : index
    %swap3A_2295 = vector.load %arg5[%swap3A_2292, %swap3A_2293, %swap3A_2294] : memref<1x1x24576xf32, #tpu.memory_space<vmem>>, vector<1x1x2048xf32>
    %swap3A_2296 = vector.shape_cast %swap3A_2295 : vector<1x1x2048xf32> to vector<1x2048xf32>
    %swap3A_2297 = vector.shape_cast %select_n3A_2211 : vector<1x2048xf32> to vector<1x1x2048xf32>
    tpu.vector_store %arg5[%swap3A_2292, %swap3A_2293, %swap3A_2294], %swap3A_2297 {strides = array<i32>} : memref<1x1x24576xf32, #tpu.memory_space<vmem>>, vector<1x1x2048xf32>,
    %iota3A_2298 = tpu.iota {dimensions = array<i32: 1>} : vector<1x2048xi32>
    %convert_element_type3A_2299 = arith.sitofp %iota3A_2298 : vector<1x2048xi32> to vector<1x2048xf32>
    %add3A_2300 = arith.constant 1.638400e+04 : f32
    %add3A_2301 = vector.broadcast %add3A_2300 : f32 to vector<1x2048xf32>
    %add3A_2302 = arith.addf %convert_element_type3A_2299, %add3A_2301 : vector<1x2048xf32>
    %get3A_2303 = arith.constant 0 : index
    %get3A_2304 = arith.constant 16384 : index
    %get3A_2305 = vector.load %arg8[%get3A_2303, %get3A_2304] : memref<1x24576xf32, #tpu.memory_space<vmem>>, vector<1x2048xf32>
    %get3A_2306 = arith.constant 0 : index
    %get3A_2307 = arith.constant 16384 : index
    %get3A_2308 = vector.load %arg9[%get3A_2306, %get3A_2307] : memref<1x24576xf32, #tpu.memory_space<vmem>>, vector<1x2048xf32>
    %eq3A_2309 = vector.broadcast %add3A_2302 : vector<1x2048xf32> to vector<32x2048xf32>
    %eq3A_2310 = vector.broadcast %select_n3A_1214 : vector<32x1xf32> to vector<32x2048xf32>
    %eq3A_2311 = arith.cmpf oeq, %eq3A_2309, %eq3A_2310 : vector<32x2048xf32>
    %jit3A_2312 = arith.constant -1.000000e+00 : f32
    %broadcast_in_dim3A_2313 = vector.shape_cast %convert_element_type3A : vector<32x1xf32> to vector<32x1xf32>
    %broadcast_in_dim3A_2314 = vector.broadcast %broadcast_in_dim3A_2313 : vector<32x1xf32> to vector<32x2048xf32>
    %broadcast_in_dim3A_2315 = vector.broadcast %jit3A_2312 : f32 to vector<32x2048xf32>
    %select_n3A_2316 = arith.select %eq3A_2311, %broadcast_in_dim3A_2314, %broadcast_in_dim3A_2315 : vector<32x2048xi1>, vector<32x2048xf32>
    %reduce_max3A_2317 = arith.constant dense<0xFF800000> : vector<2048xf32>
    %reduce_max3A_2318 = vector.multi_reduction <maximumf>, %select_n3A_2316, %reduce_max3A_2317 [0] : vector<32x2048xf32> to vector<2048xf32>
    %broadcast_in_dim3A_2319 = vector.shape_cast %reduce_max3A_2318 : vector<2048xf32> to vector<1x2048xf32>
    %ge3A_2320 = arith.constant 0.000000e+00 : f32
    %ge3A_2321 = vector.broadcast %ge3A_2320 : f32 to vector<1x2048xf32>
    %ge3A_2322 = arith.cmpf oge, %broadcast_in_dim3A_2319, %ge3A_2321 : vector<1x2048xf32>
    %jit3A_2323 = arith.constant 2.000000e+00 : f32
    %broadcast_in_dim3A_2324 = vector.broadcast %jit3A_2323 : f32 to vector<1x2048xf32>
    %select_n3A_2325 = arith.select %ge3A_2322, %broadcast_in_dim3A_2324, %get3A_2305 : vector<1x2048xi1>, vector<1x2048xf32>
    %select_n3A_2326 = arith.select %ge3A_2322, %broadcast_in_dim3A_2319, %get3A_2308 : vector<1x2048xi1>, vector<1x2048xf32>
    %eq3A_2327 = vector.broadcast %select_n3A_2326 : vector<1x2048xf32> to vector<32x2048xf32>
    %eq3A_2328 = vector.broadcast %convert_element_type3A : vector<32x1xf32> to vector<32x2048xf32>
    %eq3A_2329 = arith.cmpf oeq, %eq3A_2327, %eq3A_2328 : vector<32x2048xf32>
    %convert_element_type3A_2330 = arith.extui %eq3A_2329 : vector<32x2048xi1> to vector<32x2048xi32>
    %convert_element_type3A_2331 = arith.sitofp %convert_element_type3A_2330 : vector<32x2048xi32> to vector<32x2048xf32>
    %dot_general3A_2332 = arith.constant dense<0.000000e+00> : vector<5x2048xf32>
    %dot_general3A_2333 = tpu.matmul %get3A_8, %convert_element_type3A_2331, %dot_general3A_2332 {dimension_numbers = #tpu.dot_dimension_numbers<[1], [0], [0], [1], [0, 0, 1, 1], [], []>, transpose_lhs_hint = false} : vector<5x32xf32>, vector<32x2048xf32>, vector<5x2048xf32> -> vector<5x2048xf32>
    %slice3A_2334 = vector.extract_strided_slice %dot_general3A_2333 {offsets = [0, 0], sizes = [1, 2048], strides = [1, 1]} : vector<5x2048xf32> to vector<1x2048xf32>
    %slice3A_2335 = vector.extract_strided_slice %dot_general3A_2333 {offsets = [1, 0], sizes = [1, 2048], strides = [1, 1]} : vector<5x2048xf32> to vector<1x2048xf32>
    %slice3A_2336 = vector.extract_strided_slice %dot_general3A_2333 {offsets = [2, 0], sizes = [1, 2048], strides = [1, 1]} : vector<5x2048xf32> to vector<1x2048xf32>
    %slice3A_2337 = vector.extract_strided_slice %dot_general3A_2333 {offsets = [3, 0], sizes = [1, 2048], strides = [1, 1]} : vector<5x2048xf32> to vector<1x2048xf32>
    %slice3A_2338 = vector.extract_strided_slice %dot_general3A_2333 {offsets = [4, 0], sizes = [1, 2048], strides = [1, 1]} : vector<5x2048xf32> to vector<1x2048xf32>
    %lt3A_2339 = arith.constant 5.000000e-01 : f32
    %lt3A_2340 = vector.broadcast %lt3A_2339 : f32 to vector<1x2048xf32>
    %lt3A_2341 = arith.cmpf olt, %select_n3A_2325, %lt3A_2340 : vector<1x2048xf32>
    %add3A_2342 = arith.constant 1.000000e+00 : f32
    %add3A_2343 = vector.broadcast %add3A_2342 : f32 to vector<1x2048xf32>
    %add3A_2344 = arith.addf %slice3A_2338, %add3A_2343 : vector<1x2048xf32>
    %jit3A_2345 = arith.constant 0.000000e+00 : f32
    %broadcast_in_dim3A_2346 = vector.broadcast %jit3A_2345 : f32 to vector<1x2048xf32>
    %select_n3A_2347 = arith.select %lt3A_2341, %broadcast_in_dim3A_2346, %add3A_2344 : vector<1x2048xi1>, vector<1x2048xf32>
    %gt3A_2348 = arith.constant 0.000000e+00 : f32
    %gt3A_2349 = vector.broadcast %gt3A_2348 : f32 to vector<1x2048xf32>
    %gt3A_2350 = arith.cmpf ogt, %select_n3A_2347, %gt3A_2349 : vector<1x2048xf32>
    %convert_element_type3A_2351 = arith.extui %gt3A_2350 : vector<1x2048xi1> to vector<1x2048xi32>
    %convert_element_type3A_2352 = arith.sitofp %convert_element_type3A_2351 : vector<1x2048xi32> to vector<1x2048xf32>
    %get3A_2353 = arith.constant 0 : index
    %get3A_2354 = arith.constant 16384 : index
    %get3A_2355 = vector.load %arg3[%get3A_2353, %get3A_2354] : memref<4x24576xf32, #tpu.memory_space<vmem>>, vector<1x2048xf32>
    %get3A_2356 = arith.constant 1 : index
    %get3A_2357 = arith.constant 16384 : index
    %get3A_2358 = vector.load %arg3[%get3A_2356, %get3A_2357] : memref<4x24576xf32, #tpu.memory_space<vmem>>, vector<1x2048xf32>
    %get3A_2359 = arith.constant 2 : index
    %get3A_2360 = arith.constant 16384 : index
    %get3A_2361 = vector.load %arg3[%get3A_2359, %get3A_2360] : memref<4x24576xf32, #tpu.memory_space<vmem>>, vector<1x2048xf32>
    %get3A_2362 = arith.constant 3 : index
    %get3A_2363 = arith.constant 16384 : index
    %get3A_2364 = vector.load %arg3[%get3A_2362, %get3A_2363] : memref<4x24576xf32, #tpu.memory_space<vmem>>, vector<1x2048xf32>
    %mul3A_2365 = arith.constant 5.000000e-01 : f32
    %mul3A_2366 = vector.broadcast %mul3A_2365 : f32 to vector<1x2048xf32>
    %mul3A_2367 = arith.mulf %slice3A_2336, %mul3A_2366 : vector<1x2048xf32>
    %add3A_2368 = arith.addf %slice3A_2334, %mul3A_2367 : vector<1x2048xf32>
    %sub3A_2369 = arith.subf %add3A_2368, %get3A_2355 : vector<1x2048xf32>
    %mul3A_2370 = arith.constant 1.000000e-01 : f32
    %mul3A_2371 = vector.broadcast %mul3A_2370 : f32 to vector<1x2048xf32>
    %mul3A_2372 = arith.mulf %mul3A_2371, %get3A_2361 : vector<1x2048xf32>
    %div3A_2373 = arith.divf %sub3A_2369, %mul3A_2372 : vector<1x2048xf32>
    %mul3A_2374 = arith.constant 5.000000e-01 : f32
    %mul3A_2375 = vector.broadcast %mul3A_2374 : f32 to vector<1x2048xf32>
    %mul3A_2376 = arith.mulf %slice3A_2337, %mul3A_2375 : vector<1x2048xf32>
    %add3A_2377 = arith.addf %slice3A_2335, %mul3A_2376 : vector<1x2048xf32>
    %sub3A_2378 = arith.subf %add3A_2377, %get3A_2358 : vector<1x2048xf32>
    %mul3A_2379 = arith.constant 1.000000e-01 : f32
    %mul3A_2380 = vector.broadcast %mul3A_2379 : f32 to vector<1x2048xf32>
    %mul3A_2381 = arith.mulf %mul3A_2380, %get3A_2364 : vector<1x2048xf32>
    %div3A_2382 = arith.divf %sub3A_2378, %mul3A_2381 : vector<1x2048xf32>
    %sub3A_2383 = arith.subf %slice3A_2336, %slice3A_2334 : vector<1x2048xf32>
    %div3A_2384 = arith.divf %sub3A_2383, %get3A_2361 : vector<1x2048xf32>
    %log3A_2385 = math.log %div3A_2384 : vector<1x2048xf32>
    %div3A_2386 = arith.constant 2.000000e-01 : f32
    %div3A_2387 = vector.broadcast %div3A_2386 : f32 to vector<1x2048xf32>
    %div3A_2388 = arith.divf %log3A_2385, %div3A_2387 : vector<1x2048xf32>
    %sub3A_2389 = arith.subf %slice3A_2337, %slice3A_2335 : vector<1x2048xf32>
    %div3A_2390 = arith.divf %sub3A_2389, %get3A_2364 : vector<1x2048xf32>
    %log3A_2391 = math.log %div3A_2390 : vector<1x2048xf32>
    %div3A_2392 = arith.constant 2.000000e-01 : f32
    %div3A_2393 = vector.broadcast %div3A_2392 : f32 to vector<1x2048xf32>
    %div3A_2394 = arith.divf %log3A_2391, %div3A_2393 : vector<1x2048xf32>
    %concatenate3A_2395 = tpu.concatenate %div3A_2373, %div3A_2382, %div3A_2388, %div3A_2394 in 0 : vector<1x2048xf32>, vector<1x2048xf32>, vector<1x2048xf32>, vector<1x2048xf32> -> vector<4x2048xf32>
    %get3A_2396 = arith.constant 0 : index
    %get3A_2397 = arith.constant 0 : index
    %get3A_2398 = arith.constant 16384 : index
    %get3A_2399 = vector.load %arg4[%get3A_2396, %get3A_2397, %get3A_2398] : memref<1x4x24576xf32, #tpu.memory_space<vmem>>, vector<1x4x2048xf32>
    %get3A_2400 = vector.shape_cast %get3A_2399 : vector<1x4x2048xf32> to vector<4x2048xf32>
    %sub3A_2401 = arith.subf %get3A_2400, %concatenate3A_2395 : vector<4x2048xf32>
    %abs3A_2402 = math.absf %sub3A_2401 : vector<4x2048xf32>
    %lt3A_2403 = arith.constant 1.000000e+00 : f32
    %lt3A_2404 = vector.broadcast %lt3A_2403 : f32 to vector<4x2048xf32>
    %lt3A_2405 = arith.cmpf olt, %abs3A_2402, %lt3A_2404 : vector<4x2048xf32>
    %mul3A_2406 = arith.constant 5.000000e-01 : f32
    %mul3A_2407 = vector.broadcast %mul3A_2406 : f32 to vector<4x2048xf32>
    %mul3A_2408 = arith.mulf %mul3A_2407, %abs3A_2402 : vector<4x2048xf32>
    %mul3A_2409 = arith.mulf %mul3A_2408, %abs3A_2402 : vector<4x2048xf32>
    %sub3A_2410 = arith.constant 5.000000e-01 : f32
    %sub3A_2411 = vector.broadcast %sub3A_2410 : f32 to vector<4x2048xf32>
    %sub3A_2412 = arith.subf %abs3A_2402, %sub3A_2411 : vector<4x2048xf32>
    %select_n3A_2413 = arith.select %lt3A_2405, %mul3A_2409, %sub3A_2412 : vector<4x2048xi1>, vector<4x2048xf32>
    %mul3A_2414 = vector.broadcast %convert_element_type3A_2352 : vector<1x2048xf32> to vector<4x2048xf32>
    %mul3A_2415 = arith.mulf %select_n3A_2413, %mul3A_2414 : vector<4x2048xf32>
    %reduce_sum3A_2416 = vector.shape_cast %mul3A_2415 : vector<4x2048xf32> to vector<1x4x2048xf32>
    %reduce_sum3A_2417 = arith.constant dense<0.000000e+00> : vector<1xf32>
    %reduce_sum3A_2418 = vector.multi_reduction <add>, %reduce_sum3A_2416, %reduce_sum3A_2417 [1, 2] : vector<1x4x2048xf32> to vector<1xf32>
    %reduce_sum3A_2419 = vector.shape_cast %reduce_sum3A_2418 : vector<1xf32> to vector<1x1x1xf32>
    %reduce_sum3A_2420 = vector.extract %reduce_sum3A_2419[0, 0, 0] : f32 from vector<1x1x1xf32>
    %add3A_2421 = arith.addf %add3A_2285, %reduce_sum3A_2420 : f32
    %reduce_sum3A_2422 = vector.shape_cast %convert_element_type3A_2352 : vector<1x2048xf32> to vector<1x1x2048xf32>
    %reduce_sum3A_2423 = arith.constant dense<0.000000e+00> : vector<1xf32>
    %reduce_sum3A_2424 = vector.multi_reduction <add>, %reduce_sum3A_2422, %reduce_sum3A_2423 [1, 2] : vector<1x1x2048xf32> to vector<1xf32>
    %reduce_sum3A_2425 = vector.shape_cast %reduce_sum3A_2424 : vector<1xf32> to vector<1x1x1xf32>
    %reduce_sum3A_2426 = vector.extract %reduce_sum3A_2425[0, 0, 0] : f32 from vector<1x1x1xf32>
    %add3A_2427 = arith.addf %add3A_2291, %reduce_sum3A_2426 : f32
    %swap3A_2428 = arith.constant 0 : index
    %swap3A_2429 = arith.constant 0 : index
    %swap3A_2430 = arith.constant 16384 : index
    %swap3A_2431 = vector.load %arg5[%swap3A_2428, %swap3A_2429, %swap3A_2430] : memref<1x1x24576xf32, #tpu.memory_space<vmem>>, vector<1x1x2048xf32>
    %swap3A_2432 = vector.shape_cast %swap3A_2431 : vector<1x1x2048xf32> to vector<1x2048xf32>
    %swap3A_2433 = vector.shape_cast %select_n3A_2347 : vector<1x2048xf32> to vector<1x1x2048xf32>
    tpu.vector_store %arg5[%swap3A_2428, %swap3A_2429, %swap3A_2430], %swap3A_2433 {strides = array<i32>} : memref<1x1x24576xf32, #tpu.memory_space<vmem>>, vector<1x1x2048xf32>,
    %iota3A_2434 = tpu.iota {dimensions = array<i32: 1>} : vector<1x2048xi32>
    %convert_element_type3A_2435 = arith.sitofp %iota3A_2434 : vector<1x2048xi32> to vector<1x2048xf32>
    %add3A_2436 = arith.constant 1.843200e+04 : f32
    %add3A_2437 = vector.broadcast %add3A_2436 : f32 to vector<1x2048xf32>
    %add3A_2438 = arith.addf %convert_element_type3A_2435, %add3A_2437 : vector<1x2048xf32>
    %get3A_2439 = arith.constant 0 : index
    %get3A_2440 = arith.constant 18432 : index
    %get3A_2441 = vector.load %arg8[%get3A_2439, %get3A_2440] : memref<1x24576xf32, #tpu.memory_space<vmem>>, vector<1x2048xf32>
    %get3A_2442 = arith.constant 0 : index
    %get3A_2443 = arith.constant 18432 : index
    %get3A_2444 = vector.load %arg9[%get3A_2442, %get3A_2443] : memref<1x24576xf32, #tpu.memory_space<vmem>>, vector<1x2048xf32>
    %eq3A_2445 = vector.broadcast %add3A_2438 : vector<1x2048xf32> to vector<32x2048xf32>
    %eq3A_2446 = vector.broadcast %select_n3A_1214 : vector<32x1xf32> to vector<32x2048xf32>
    %eq3A_2447 = arith.cmpf oeq, %eq3A_2445, %eq3A_2446 : vector<32x2048xf32>
    %jit3A_2448 = arith.constant -1.000000e+00 : f32
    %broadcast_in_dim3A_2449 = vector.shape_cast %convert_element_type3A : vector<32x1xf32> to vector<32x1xf32>
    %broadcast_in_dim3A_2450 = vector.broadcast %broadcast_in_dim3A_2449 : vector<32x1xf32> to vector<32x2048xf32>
    %broadcast_in_dim3A_2451 = vector.broadcast %jit3A_2448 : f32 to vector<32x2048xf32>
    %select_n3A_2452 = arith.select %eq3A_2447, %broadcast_in_dim3A_2450, %broadcast_in_dim3A_2451 : vector<32x2048xi1>, vector<32x2048xf32>
    %reduce_max3A_2453 = arith.constant dense<0xFF800000> : vector<2048xf32>
    %reduce_max3A_2454 = vector.multi_reduction <maximumf>, %select_n3A_2452, %reduce_max3A_2453 [0] : vector<32x2048xf32> to vector<2048xf32>
    %broadcast_in_dim3A_2455 = vector.shape_cast %reduce_max3A_2454 : vector<2048xf32> to vector<1x2048xf32>
    %ge3A_2456 = arith.constant 0.000000e+00 : f32
    %ge3A_2457 = vector.broadcast %ge3A_2456 : f32 to vector<1x2048xf32>
    %ge3A_2458 = arith.cmpf oge, %broadcast_in_dim3A_2455, %ge3A_2457 : vector<1x2048xf32>
    %jit3A_2459 = arith.constant 2.000000e+00 : f32
    %broadcast_in_dim3A_2460 = vector.broadcast %jit3A_2459 : f32 to vector<1x2048xf32>
    %select_n3A_2461 = arith.select %ge3A_2458, %broadcast_in_dim3A_2460, %get3A_2441 : vector<1x2048xi1>, vector<1x2048xf32>
    %select_n3A_2462 = arith.select %ge3A_2458, %broadcast_in_dim3A_2455, %get3A_2444 : vector<1x2048xi1>, vector<1x2048xf32>
    %eq3A_2463 = vector.broadcast %select_n3A_2462 : vector<1x2048xf32> to vector<32x2048xf32>
    %eq3A_2464 = vector.broadcast %convert_element_type3A : vector<32x1xf32> to vector<32x2048xf32>
    %eq3A_2465 = arith.cmpf oeq, %eq3A_2463, %eq3A_2464 : vector<32x2048xf32>
    %convert_element_type3A_2466 = arith.extui %eq3A_2465 : vector<32x2048xi1> to vector<32x2048xi32>
    %convert_element_type3A_2467 = arith.sitofp %convert_element_type3A_2466 : vector<32x2048xi32> to vector<32x2048xf32>
    %dot_general3A_2468 = arith.constant dense<0.000000e+00> : vector<5x2048xf32>
    %dot_general3A_2469 = tpu.matmul %get3A_8, %convert_element_type3A_2467, %dot_general3A_2468 {dimension_numbers = #tpu.dot_dimension_numbers<[1], [0], [0], [1], [0, 0, 1, 1], [], []>, transpose_lhs_hint = false} : vector<5x32xf32>, vector<32x2048xf32>, vector<5x2048xf32> -> vector<5x2048xf32>
    %slice3A_2470 = vector.extract_strided_slice %dot_general3A_2469 {offsets = [0, 0], sizes = [1, 2048], strides = [1, 1]} : vector<5x2048xf32> to vector<1x2048xf32>
    %slice3A_2471 = vector.extract_strided_slice %dot_general3A_2469 {offsets = [1, 0], sizes = [1, 2048], strides = [1, 1]} : vector<5x2048xf32> to vector<1x2048xf32>
    %slice3A_2472 = vector.extract_strided_slice %dot_general3A_2469 {offsets = [2, 0], sizes = [1, 2048], strides = [1, 1]} : vector<5x2048xf32> to vector<1x2048xf32>
    %slice3A_2473 = vector.extract_strided_slice %dot_general3A_2469 {offsets = [3, 0], sizes = [1, 2048], strides = [1, 1]} : vector<5x2048xf32> to vector<1x2048xf32>
    %slice3A_2474 = vector.extract_strided_slice %dot_general3A_2469 {offsets = [4, 0], sizes = [1, 2048], strides = [1, 1]} : vector<5x2048xf32> to vector<1x2048xf32>
    %lt3A_2475 = arith.constant 5.000000e-01 : f32
    %lt3A_2476 = vector.broadcast %lt3A_2475 : f32 to vector<1x2048xf32>
    %lt3A_2477 = arith.cmpf olt, %select_n3A_2461, %lt3A_2476 : vector<1x2048xf32>
    %add3A_2478 = arith.constant 1.000000e+00 : f32
    %add3A_2479 = vector.broadcast %add3A_2478 : f32 to vector<1x2048xf32>
    %add3A_2480 = arith.addf %slice3A_2474, %add3A_2479 : vector<1x2048xf32>
    %jit3A_2481 = arith.constant 0.000000e+00 : f32
    %broadcast_in_dim3A_2482 = vector.broadcast %jit3A_2481 : f32 to vector<1x2048xf32>
    %select_n3A_2483 = arith.select %lt3A_2477, %broadcast_in_dim3A_2482, %add3A_2480 : vector<1x2048xi1>, vector<1x2048xf32>
    %gt3A_2484 = arith.constant 0.000000e+00 : f32
    %gt3A_2485 = vector.broadcast %gt3A_2484 : f32 to vector<1x2048xf32>
    %gt3A_2486 = arith.cmpf ogt, %select_n3A_2483, %gt3A_2485 : vector<1x2048xf32>
    %convert_element_type3A_2487 = arith.extui %gt3A_2486 : vector<1x2048xi1> to vector<1x2048xi32>
    %convert_element_type3A_2488 = arith.sitofp %convert_element_type3A_2487 : vector<1x2048xi32> to vector<1x2048xf32>
    %get3A_2489 = arith.constant 0 : index
    %get3A_2490 = arith.constant 18432 : index
    %get3A_2491 = vector.load %arg3[%get3A_2489, %get3A_2490] : memref<4x24576xf32, #tpu.memory_space<vmem>>, vector<1x2048xf32>
    %get3A_2492 = arith.constant 1 : index
    %get3A_2493 = arith.constant 18432 : index
    %get3A_2494 = vector.load %arg3[%get3A_2492, %get3A_2493] : memref<4x24576xf32, #tpu.memory_space<vmem>>, vector<1x2048xf32>
    %get3A_2495 = arith.constant 2 : index
    %get3A_2496 = arith.constant 18432 : index
    %get3A_2497 = vector.load %arg3[%get3A_2495, %get3A_2496] : memref<4x24576xf32, #tpu.memory_space<vmem>>, vector<1x2048xf32>
    %get3A_2498 = arith.constant 3 : index
    %get3A_2499 = arith.constant 18432 : index
    %get3A_2500 = vector.load %arg3[%get3A_2498, %get3A_2499] : memref<4x24576xf32, #tpu.memory_space<vmem>>, vector<1x2048xf32>
    %mul3A_2501 = arith.constant 5.000000e-01 : f32
    %mul3A_2502 = vector.broadcast %mul3A_2501 : f32 to vector<1x2048xf32>
    %mul3A_2503 = arith.mulf %slice3A_2472, %mul3A_2502 : vector<1x2048xf32>
    %add3A_2504 = arith.addf %slice3A_2470, %mul3A_2503 : vector<1x2048xf32>
    %sub3A_2505 = arith.subf %add3A_2504, %get3A_2491 : vector<1x2048xf32>
    %mul3A_2506 = arith.constant 1.000000e-01 : f32
    %mul3A_2507 = vector.broadcast %mul3A_2506 : f32 to vector<1x2048xf32>
    %mul3A_2508 = arith.mulf %mul3A_2507, %get3A_2497 : vector<1x2048xf32>
    %div3A_2509 = arith.divf %sub3A_2505, %mul3A_2508 : vector<1x2048xf32>
    %mul3A_2510 = arith.constant 5.000000e-01 : f32
    %mul3A_2511 = vector.broadcast %mul3A_2510 : f32 to vector<1x2048xf32>
    %mul3A_2512 = arith.mulf %slice3A_2473, %mul3A_2511 : vector<1x2048xf32>
    %add3A_2513 = arith.addf %slice3A_2471, %mul3A_2512 : vector<1x2048xf32>
    %sub3A_2514 = arith.subf %add3A_2513, %get3A_2494 : vector<1x2048xf32>
    %mul3A_2515 = arith.constant 1.000000e-01 : f32
    %mul3A_2516 = vector.broadcast %mul3A_2515 : f32 to vector<1x2048xf32>
    %mul3A_2517 = arith.mulf %mul3A_2516, %get3A_2500 : vector<1x2048xf32>
    %div3A_2518 = arith.divf %sub3A_2514, %mul3A_2517 : vector<1x2048xf32>
    %sub3A_2519 = arith.subf %slice3A_2472, %slice3A_2470 : vector<1x2048xf32>
    %div3A_2520 = arith.divf %sub3A_2519, %get3A_2497 : vector<1x2048xf32>
    %log3A_2521 = math.log %div3A_2520 : vector<1x2048xf32>
    %div3A_2522 = arith.constant 2.000000e-01 : f32
    %div3A_2523 = vector.broadcast %div3A_2522 : f32 to vector<1x2048xf32>
    %div3A_2524 = arith.divf %log3A_2521, %div3A_2523 : vector<1x2048xf32>
    %sub3A_2525 = arith.subf %slice3A_2473, %slice3A_2471 : vector<1x2048xf32>
    %div3A_2526 = arith.divf %sub3A_2525, %get3A_2500 : vector<1x2048xf32>
    %log3A_2527 = math.log %div3A_2526 : vector<1x2048xf32>
    %div3A_2528 = arith.constant 2.000000e-01 : f32
    %div3A_2529 = vector.broadcast %div3A_2528 : f32 to vector<1x2048xf32>
    %div3A_2530 = arith.divf %log3A_2527, %div3A_2529 : vector<1x2048xf32>
    %concatenate3A_2531 = tpu.concatenate %div3A_2509, %div3A_2518, %div3A_2524, %div3A_2530 in 0 : vector<1x2048xf32>, vector<1x2048xf32>, vector<1x2048xf32>, vector<1x2048xf32> -> vector<4x2048xf32>
    %get3A_2532 = arith.constant 0 : index
    %get3A_2533 = arith.constant 0 : index
    %get3A_2534 = arith.constant 18432 : index
    %get3A_2535 = vector.load %arg4[%get3A_2532, %get3A_2533, %get3A_2534] : memref<1x4x24576xf32, #tpu.memory_space<vmem>>, vector<1x4x2048xf32>
    %get3A_2536 = vector.shape_cast %get3A_2535 : vector<1x4x2048xf32> to vector<4x2048xf32>
    %sub3A_2537 = arith.subf %get3A_2536, %concatenate3A_2531 : vector<4x2048xf32>
    %abs3A_2538 = math.absf %sub3A_2537 : vector<4x2048xf32>
    %lt3A_2539 = arith.constant 1.000000e+00 : f32
    %lt3A_2540 = vector.broadcast %lt3A_2539 : f32 to vector<4x2048xf32>
    %lt3A_2541 = arith.cmpf olt, %abs3A_2538, %lt3A_2540 : vector<4x2048xf32>
    %mul3A_2542 = arith.constant 5.000000e-01 : f32
    %mul3A_2543 = vector.broadcast %mul3A_2542 : f32 to vector<4x2048xf32>
    %mul3A_2544 = arith.mulf %mul3A_2543, %abs3A_2538 : vector<4x2048xf32>
    %mul3A_2545 = arith.mulf %mul3A_2544, %abs3A_2538 : vector<4x2048xf32>
    %sub3A_2546 = arith.constant 5.000000e-01 : f32
    %sub3A_2547 = vector.broadcast %sub3A_2546 : f32 to vector<4x2048xf32>
    %sub3A_2548 = arith.subf %abs3A_2538, %sub3A_2547 : vector<4x2048xf32>
    %select_n3A_2549 = arith.select %lt3A_2541, %mul3A_2545, %sub3A_2548 : vector<4x2048xi1>, vector<4x2048xf32>
    %mul3A_2550 = vector.broadcast %convert_element_type3A_2488 : vector<1x2048xf32> to vector<4x2048xf32>
    %mul3A_2551 = arith.mulf %select_n3A_2549, %mul3A_2550 : vector<4x2048xf32>
    %reduce_sum3A_2552 = vector.shape_cast %mul3A_2551 : vector<4x2048xf32> to vector<1x4x2048xf32>
    %reduce_sum3A_2553 = arith.constant dense<0.000000e+00> : vector<1xf32>
    %reduce_sum3A_2554 = vector.multi_reduction <add>, %reduce_sum3A_2552, %reduce_sum3A_2553 [1, 2] : vector<1x4x2048xf32> to vector<1xf32>
    %reduce_sum3A_2555 = vector.shape_cast %reduce_sum3A_2554 : vector<1xf32> to vector<1x1x1xf32>
    %reduce_sum3A_2556 = vector.extract %reduce_sum3A_2555[0, 0, 0] : f32 from vector<1x1x1xf32>
    %add3A_2557 = arith.addf %add3A_2421, %reduce_sum3A_2556 : f32
    %reduce_sum3A_2558 = vector.shape_cast %convert_element_type3A_2488 : vector<1x2048xf32> to vector<1x1x2048xf32>
    %reduce_sum3A_2559 = arith.constant dense<0.000000e+00> : vector<1xf32>
    %reduce_sum3A_2560 = vector.multi_reduction <add>, %reduce_sum3A_2558, %reduce_sum3A_2559 [1, 2] : vector<1x1x2048xf32> to vector<1xf32>
    %reduce_sum3A_2561 = vector.shape_cast %reduce_sum3A_2560 : vector<1xf32> to vector<1x1x1xf32>
    %reduce_sum3A_2562 = vector.extract %reduce_sum3A_2561[0, 0, 0] : f32 from vector<1x1x1xf32>
    %add3A_2563 = arith.addf %add3A_2427, %reduce_sum3A_2562 : f32
    %swap3A_2564 = arith.constant 0 : index
    %swap3A_2565 = arith.constant 0 : index
    %swap3A_2566 = arith.constant 18432 : index
    %swap3A_2567 = vector.load %arg5[%swap3A_2564, %swap3A_2565, %swap3A_2566] : memref<1x1x24576xf32, #tpu.memory_space<vmem>>, vector<1x1x2048xf32>
    %swap3A_2568 = vector.shape_cast %swap3A_2567 : vector<1x1x2048xf32> to vector<1x2048xf32>
    %swap3A_2569 = vector.shape_cast %select_n3A_2483 : vector<1x2048xf32> to vector<1x1x2048xf32>
    tpu.vector_store %arg5[%swap3A_2564, %swap3A_2565, %swap3A_2566], %swap3A_2569 {strides = array<i32>} : memref<1x1x24576xf32, #tpu.memory_space<vmem>>, vector<1x1x2048xf32>,
    %iota3A_2570 = tpu.iota {dimensions = array<i32: 1>} : vector<1x2048xi32>
    %convert_element_type3A_2571 = arith.sitofp %iota3A_2570 : vector<1x2048xi32> to vector<1x2048xf32>
    %add3A_2572 = arith.constant 2.048000e+04 : f32
    %add3A_2573 = vector.broadcast %add3A_2572 : f32 to vector<1x2048xf32>
    %add3A_2574 = arith.addf %convert_element_type3A_2571, %add3A_2573 : vector<1x2048xf32>
    %get3A_2575 = arith.constant 0 : index
    %get3A_2576 = arith.constant 20480 : index
    %get3A_2577 = vector.load %arg8[%get3A_2575, %get3A_2576] : memref<1x24576xf32, #tpu.memory_space<vmem>>, vector<1x2048xf32>
    %get3A_2578 = arith.constant 0 : index
    %get3A_2579 = arith.constant 20480 : index
    %get3A_2580 = vector.load %arg9[%get3A_2578, %get3A_2579] : memref<1x24576xf32, #tpu.memory_space<vmem>>, vector<1x2048xf32>
    %eq3A_2581 = vector.broadcast %add3A_2574 : vector<1x2048xf32> to vector<32x2048xf32>
    %eq3A_2582 = vector.broadcast %select_n3A_1214 : vector<32x1xf32> to vector<32x2048xf32>
    %eq3A_2583 = arith.cmpf oeq, %eq3A_2581, %eq3A_2582 : vector<32x2048xf32>
    %jit3A_2584 = arith.constant -1.000000e+00 : f32
    %broadcast_in_dim3A_2585 = vector.shape_cast %convert_element_type3A : vector<32x1xf32> to vector<32x1xf32>
    %broadcast_in_dim3A_2586 = vector.broadcast %broadcast_in_dim3A_2585 : vector<32x1xf32> to vector<32x2048xf32>
    %broadcast_in_dim3A_2587 = vector.broadcast %jit3A_2584 : f32 to vector<32x2048xf32>
    %select_n3A_2588 = arith.select %eq3A_2583, %broadcast_in_dim3A_2586, %broadcast_in_dim3A_2587 : vector<32x2048xi1>, vector<32x2048xf32>
    %reduce_max3A_2589 = arith.constant dense<0xFF800000> : vector<2048xf32>
    %reduce_max3A_2590 = vector.multi_reduction <maximumf>, %select_n3A_2588, %reduce_max3A_2589 [0] : vector<32x2048xf32> to vector<2048xf32>
    %broadcast_in_dim3A_2591 = vector.shape_cast %reduce_max3A_2590 : vector<2048xf32> to vector<1x2048xf32>
    %ge3A_2592 = arith.constant 0.000000e+00 : f32
    %ge3A_2593 = vector.broadcast %ge3A_2592 : f32 to vector<1x2048xf32>
    %ge3A_2594 = arith.cmpf oge, %broadcast_in_dim3A_2591, %ge3A_2593 : vector<1x2048xf32>
    %jit3A_2595 = arith.constant 2.000000e+00 : f32
    %broadcast_in_dim3A_2596 = vector.broadcast %jit3A_2595 : f32 to vector<1x2048xf32>
    %select_n3A_2597 = arith.select %ge3A_2594, %broadcast_in_dim3A_2596, %get3A_2577 : vector<1x2048xi1>, vector<1x2048xf32>
    %select_n3A_2598 = arith.select %ge3A_2594, %broadcast_in_dim3A_2591, %get3A_2580 : vector<1x2048xi1>, vector<1x2048xf32>
    %eq3A_2599 = vector.broadcast %select_n3A_2598 : vector<1x2048xf32> to vector<32x2048xf32>
    %eq3A_2600 = vector.broadcast %convert_element_type3A : vector<32x1xf32> to vector<32x2048xf32>
    %eq3A_2601 = arith.cmpf oeq, %eq3A_2599, %eq3A_2600 : vector<32x2048xf32>
    %convert_element_type3A_2602 = arith.extui %eq3A_2601 : vector<32x2048xi1> to vector<32x2048xi32>
    %convert_element_type3A_2603 = arith.sitofp %convert_element_type3A_2602 : vector<32x2048xi32> to vector<32x2048xf32>
    %dot_general3A_2604 = arith.constant dense<0.000000e+00> : vector<5x2048xf32>
    %dot_general3A_2605 = tpu.matmul %get3A_8, %convert_element_type3A_2603, %dot_general3A_2604 {dimension_numbers = #tpu.dot_dimension_numbers<[1], [0], [0], [1], [0, 0, 1, 1], [], []>, transpose_lhs_hint = false} : vector<5x32xf32>, vector<32x2048xf32>, vector<5x2048xf32> -> vector<5x2048xf32>
    %slice3A_2606 = vector.extract_strided_slice %dot_general3A_2605 {offsets = [0, 0], sizes = [1, 2048], strides = [1, 1]} : vector<5x2048xf32> to vector<1x2048xf32>
    %slice3A_2607 = vector.extract_strided_slice %dot_general3A_2605 {offsets = [1, 0], sizes = [1, 2048], strides = [1, 1]} : vector<5x2048xf32> to vector<1x2048xf32>
    %slice3A_2608 = vector.extract_strided_slice %dot_general3A_2605 {offsets = [2, 0], sizes = [1, 2048], strides = [1, 1]} : vector<5x2048xf32> to vector<1x2048xf32>
    %slice3A_2609 = vector.extract_strided_slice %dot_general3A_2605 {offsets = [3, 0], sizes = [1, 2048], strides = [1, 1]} : vector<5x2048xf32> to vector<1x2048xf32>
    %slice3A_2610 = vector.extract_strided_slice %dot_general3A_2605 {offsets = [4, 0], sizes = [1, 2048], strides = [1, 1]} : vector<5x2048xf32> to vector<1x2048xf32>
    %lt3A_2611 = arith.constant 5.000000e-01 : f32
    %lt3A_2612 = vector.broadcast %lt3A_2611 : f32 to vector<1x2048xf32>
    %lt3A_2613 = arith.cmpf olt, %select_n3A_2597, %lt3A_2612 : vector<1x2048xf32>
    %add3A_2614 = arith.constant 1.000000e+00 : f32
    %add3A_2615 = vector.broadcast %add3A_2614 : f32 to vector<1x2048xf32>
    %add3A_2616 = arith.addf %slice3A_2610, %add3A_2615 : vector<1x2048xf32>
    %jit3A_2617 = arith.constant 0.000000e+00 : f32
    %broadcast_in_dim3A_2618 = vector.broadcast %jit3A_2617 : f32 to vector<1x2048xf32>
    %select_n3A_2619 = arith.select %lt3A_2613, %broadcast_in_dim3A_2618, %add3A_2616 : vector<1x2048xi1>, vector<1x2048xf32>
    %gt3A_2620 = arith.constant 0.000000e+00 : f32
    %gt3A_2621 = vector.broadcast %gt3A_2620 : f32 to vector<1x2048xf32>
    %gt3A_2622 = arith.cmpf ogt, %select_n3A_2619, %gt3A_2621 : vector<1x2048xf32>
    %convert_element_type3A_2623 = arith.extui %gt3A_2622 : vector<1x2048xi1> to vector<1x2048xi32>
    %convert_element_type3A_2624 = arith.sitofp %convert_element_type3A_2623 : vector<1x2048xi32> to vector<1x2048xf32>
    %get3A_2625 = arith.constant 0 : index
    %get3A_2626 = arith.constant 20480 : index
    %get3A_2627 = vector.load %arg3[%get3A_2625, %get3A_2626] : memref<4x24576xf32, #tpu.memory_space<vmem>>, vector<1x2048xf32>
    %get3A_2628 = arith.constant 1 : index
    %get3A_2629 = arith.constant 20480 : index
    %get3A_2630 = vector.load %arg3[%get3A_2628, %get3A_2629] : memref<4x24576xf32, #tpu.memory_space<vmem>>, vector<1x2048xf32>
    %get3A_2631 = arith.constant 2 : index
    %get3A_2632 = arith.constant 20480 : index
    %get3A_2633 = vector.load %arg3[%get3A_2631, %get3A_2632] : memref<4x24576xf32, #tpu.memory_space<vmem>>, vector<1x2048xf32>
    %get3A_2634 = arith.constant 3 : index
    %get3A_2635 = arith.constant 20480 : index
    %get3A_2636 = vector.load %arg3[%get3A_2634, %get3A_2635] : memref<4x24576xf32, #tpu.memory_space<vmem>>, vector<1x2048xf32>
    %mul3A_2637 = arith.constant 5.000000e-01 : f32
    %mul3A_2638 = vector.broadcast %mul3A_2637 : f32 to vector<1x2048xf32>
    %mul3A_2639 = arith.mulf %slice3A_2608, %mul3A_2638 : vector<1x2048xf32>
    %add3A_2640 = arith.addf %slice3A_2606, %mul3A_2639 : vector<1x2048xf32>
    %sub3A_2641 = arith.subf %add3A_2640, %get3A_2627 : vector<1x2048xf32>
    %mul3A_2642 = arith.constant 1.000000e-01 : f32
    %mul3A_2643 = vector.broadcast %mul3A_2642 : f32 to vector<1x2048xf32>
    %mul3A_2644 = arith.mulf %mul3A_2643, %get3A_2633 : vector<1x2048xf32>
    %div3A_2645 = arith.divf %sub3A_2641, %mul3A_2644 : vector<1x2048xf32>
    %mul3A_2646 = arith.constant 5.000000e-01 : f32
    %mul3A_2647 = vector.broadcast %mul3A_2646 : f32 to vector<1x2048xf32>
    %mul3A_2648 = arith.mulf %slice3A_2609, %mul3A_2647 : vector<1x2048xf32>
    %add3A_2649 = arith.addf %slice3A_2607, %mul3A_2648 : vector<1x2048xf32>
    %sub3A_2650 = arith.subf %add3A_2649, %get3A_2630 : vector<1x2048xf32>
    %mul3A_2651 = arith.constant 1.000000e-01 : f32
    %mul3A_2652 = vector.broadcast %mul3A_2651 : f32 to vector<1x2048xf32>
    %mul3A_2653 = arith.mulf %mul3A_2652, %get3A_2636 : vector<1x2048xf32>
    %div3A_2654 = arith.divf %sub3A_2650, %mul3A_2653 : vector<1x2048xf32>
    %sub3A_2655 = arith.subf %slice3A_2608, %slice3A_2606 : vector<1x2048xf32>
    %div3A_2656 = arith.divf %sub3A_2655, %get3A_2633 : vector<1x2048xf32>
    %log3A_2657 = math.log %div3A_2656 : vector<1x2048xf32>
    %div3A_2658 = arith.constant 2.000000e-01 : f32
    %div3A_2659 = vector.broadcast %div3A_2658 : f32 to vector<1x2048xf32>
    %div3A_2660 = arith.divf %log3A_2657, %div3A_2659 : vector<1x2048xf32>
    %sub3A_2661 = arith.subf %slice3A_2609, %slice3A_2607 : vector<1x2048xf32>
    %div3A_2662 = arith.divf %sub3A_2661, %get3A_2636 : vector<1x2048xf32>
    %log3A_2663 = math.log %div3A_2662 : vector<1x2048xf32>
    %div3A_2664 = arith.constant 2.000000e-01 : f32
    %div3A_2665 = vector.broadcast %div3A_2664 : f32 to vector<1x2048xf32>
    %div3A_2666 = arith.divf %log3A_2663, %div3A_2665 : vector<1x2048xf32>
    %concatenate3A_2667 = tpu.concatenate %div3A_2645, %div3A_2654, %div3A_2660, %div3A_2666 in 0 : vector<1x2048xf32>, vector<1x2048xf32>, vector<1x2048xf32>, vector<1x2048xf32> -> vector<4x2048xf32>
    %get3A_2668 = arith.constant 0 : index
    %get3A_2669 = arith.constant 0 : index
    %get3A_2670 = arith.constant 20480 : index
    %get3A_2671 = vector.load %arg4[%get3A_2668, %get3A_2669, %get3A_2670] : memref<1x4x24576xf32, #tpu.memory_space<vmem>>, vector<1x4x2048xf32>
    %get3A_2672 = vector.shape_cast %get3A_2671 : vector<1x4x2048xf32> to vector<4x2048xf32>
    %sub3A_2673 = arith.subf %get3A_2672, %concatenate3A_2667 : vector<4x2048xf32>
    %abs3A_2674 = math.absf %sub3A_2673 : vector<4x2048xf32>
    %lt3A_2675 = arith.constant 1.000000e+00 : f32
    %lt3A_2676 = vector.broadcast %lt3A_2675 : f32 to vector<4x2048xf32>
    %lt3A_2677 = arith.cmpf olt, %abs3A_2674, %lt3A_2676 : vector<4x2048xf32>
    %mul3A_2678 = arith.constant 5.000000e-01 : f32
    %mul3A_2679 = vector.broadcast %mul3A_2678 : f32 to vector<4x2048xf32>
    %mul3A_2680 = arith.mulf %mul3A_2679, %abs3A_2674 : vector<4x2048xf32>
    %mul3A_2681 = arith.mulf %mul3A_2680, %abs3A_2674 : vector<4x2048xf32>
    %sub3A_2682 = arith.constant 5.000000e-01 : f32
    %sub3A_2683 = vector.broadcast %sub3A_2682 : f32 to vector<4x2048xf32>
    %sub3A_2684 = arith.subf %abs3A_2674, %sub3A_2683 : vector<4x2048xf32>
    %select_n3A_2685 = arith.select %lt3A_2677, %mul3A_2681, %sub3A_2684 : vector<4x2048xi1>, vector<4x2048xf32>
    %mul3A_2686 = vector.broadcast %convert_element_type3A_2624 : vector<1x2048xf32> to vector<4x2048xf32>
    %mul3A_2687 = arith.mulf %select_n3A_2685, %mul3A_2686 : vector<4x2048xf32>
    %reduce_sum3A_2688 = vector.shape_cast %mul3A_2687 : vector<4x2048xf32> to vector<1x4x2048xf32>
    %reduce_sum3A_2689 = arith.constant dense<0.000000e+00> : vector<1xf32>
    %reduce_sum3A_2690 = vector.multi_reduction <add>, %reduce_sum3A_2688, %reduce_sum3A_2689 [1, 2] : vector<1x4x2048xf32> to vector<1xf32>
    %reduce_sum3A_2691 = vector.shape_cast %reduce_sum3A_2690 : vector<1xf32> to vector<1x1x1xf32>
    %reduce_sum3A_2692 = vector.extract %reduce_sum3A_2691[0, 0, 0] : f32 from vector<1x1x1xf32>
    %add3A_2693 = arith.addf %add3A_2557, %reduce_sum3A_2692 : f32
    %reduce_sum3A_2694 = vector.shape_cast %convert_element_type3A_2624 : vector<1x2048xf32> to vector<1x1x2048xf32>
    %reduce_sum3A_2695 = arith.constant dense<0.000000e+00> : vector<1xf32>
    %reduce_sum3A_2696 = vector.multi_reduction <add>, %reduce_sum3A_2694, %reduce_sum3A_2695 [1, 2] : vector<1x1x2048xf32> to vector<1xf32>
    %reduce_sum3A_2697 = vector.shape_cast %reduce_sum3A_2696 : vector<1xf32> to vector<1x1x1xf32>
    %reduce_sum3A_2698 = vector.extract %reduce_sum3A_2697[0, 0, 0] : f32 from vector<1x1x1xf32>
    %add3A_2699 = arith.addf %add3A_2563, %reduce_sum3A_2698 : f32
    %swap3A_2700 = arith.constant 0 : index
    %swap3A_2701 = arith.constant 0 : index
    %swap3A_2702 = arith.constant 20480 : index
    %swap3A_2703 = vector.load %arg5[%swap3A_2700, %swap3A_2701, %swap3A_2702] : memref<1x1x24576xf32, #tpu.memory_space<vmem>>, vector<1x1x2048xf32>
    %swap3A_2704 = vector.shape_cast %swap3A_2703 : vector<1x1x2048xf32> to vector<1x2048xf32>
    %swap3A_2705 = vector.shape_cast %select_n3A_2619 : vector<1x2048xf32> to vector<1x1x2048xf32>
    tpu.vector_store %arg5[%swap3A_2700, %swap3A_2701, %swap3A_2702], %swap3A_2705 {strides = array<i32>} : memref<1x1x24576xf32, #tpu.memory_space<vmem>>, vector<1x1x2048xf32>,
    %iota3A_2706 = tpu.iota {dimensions = array<i32: 1>} : vector<1x2048xi32>
    %convert_element_type3A_2707 = arith.sitofp %iota3A_2706 : vector<1x2048xi32> to vector<1x2048xf32>
    %add3A_2708 = arith.constant 2.252800e+04 : f32
    %add3A_2709 = vector.broadcast %add3A_2708 : f32 to vector<1x2048xf32>
    %add3A_2710 = arith.addf %convert_element_type3A_2707, %add3A_2709 : vector<1x2048xf32>
    %get3A_2711 = arith.constant 0 : index
    %get3A_2712 = arith.constant 22528 : index
    %get3A_2713 = vector.load %arg8[%get3A_2711, %get3A_2712] : memref<1x24576xf32, #tpu.memory_space<vmem>>, vector<1x2048xf32>
    %get3A_2714 = arith.constant 0 : index
    %get3A_2715 = arith.constant 22528 : index
    %get3A_2716 = vector.load %arg9[%get3A_2714, %get3A_2715] : memref<1x24576xf32, #tpu.memory_space<vmem>>, vector<1x2048xf32>
    %eq3A_2717 = vector.broadcast %add3A_2710 : vector<1x2048xf32> to vector<32x2048xf32>
    %eq3A_2718 = vector.broadcast %select_n3A_1214 : vector<32x1xf32> to vector<32x2048xf32>
    %eq3A_2719 = arith.cmpf oeq, %eq3A_2717, %eq3A_2718 : vector<32x2048xf32>
    %jit3A_2720 = arith.constant -1.000000e+00 : f32
    %broadcast_in_dim3A_2721 = vector.shape_cast %convert_element_type3A : vector<32x1xf32> to vector<32x1xf32>
    %broadcast_in_dim3A_2722 = vector.broadcast %broadcast_in_dim3A_2721 : vector<32x1xf32> to vector<32x2048xf32>
    %broadcast_in_dim3A_2723 = vector.broadcast %jit3A_2720 : f32 to vector<32x2048xf32>
    %select_n3A_2724 = arith.select %eq3A_2719, %broadcast_in_dim3A_2722, %broadcast_in_dim3A_2723 : vector<32x2048xi1>, vector<32x2048xf32>
    %reduce_max3A_2725 = arith.constant dense<0xFF800000> : vector<2048xf32>
    %reduce_max3A_2726 = vector.multi_reduction <maximumf>, %select_n3A_2724, %reduce_max3A_2725 [0] : vector<32x2048xf32> to vector<2048xf32>
    %broadcast_in_dim3A_2727 = vector.shape_cast %reduce_max3A_2726 : vector<2048xf32> to vector<1x2048xf32>
    %ge3A_2728 = arith.constant 0.000000e+00 : f32
    %ge3A_2729 = vector.broadcast %ge3A_2728 : f32 to vector<1x2048xf32>
    %ge3A_2730 = arith.cmpf oge, %broadcast_in_dim3A_2727, %ge3A_2729 : vector<1x2048xf32>
    %jit3A_2731 = arith.constant 2.000000e+00 : f32
    %broadcast_in_dim3A_2732 = vector.broadcast %jit3A_2731 : f32 to vector<1x2048xf32>
    %select_n3A_2733 = arith.select %ge3A_2730, %broadcast_in_dim3A_2732, %get3A_2713 : vector<1x2048xi1>, vector<1x2048xf32>
    %select_n3A_2734 = arith.select %ge3A_2730, %broadcast_in_dim3A_2727, %get3A_2716 : vector<1x2048xi1>, vector<1x2048xf32>
    %eq3A_2735 = vector.broadcast %select_n3A_2734 : vector<1x2048xf32> to vector<32x2048xf32>
    %eq3A_2736 = vector.broadcast %convert_element_type3A : vector<32x1xf32> to vector<32x2048xf32>
    %eq3A_2737 = arith.cmpf oeq, %eq3A_2735, %eq3A_2736 : vector<32x2048xf32>
    %convert_element_type3A_2738 = arith.extui %eq3A_2737 : vector<32x2048xi1> to vector<32x2048xi32>
    %convert_element_type3A_2739 = arith.sitofp %convert_element_type3A_2738 : vector<32x2048xi32> to vector<32x2048xf32>
    %dot_general3A_2740 = arith.constant dense<0.000000e+00> : vector<5x2048xf32>
    %dot_general3A_2741 = tpu.matmul %get3A_8, %convert_element_type3A_2739, %dot_general3A_2740 {dimension_numbers = #tpu.dot_dimension_numbers<[1], [0], [0], [1], [0, 0, 1, 1], [], []>, transpose_lhs_hint = false} : vector<5x32xf32>, vector<32x2048xf32>, vector<5x2048xf32> -> vector<5x2048xf32>
    %slice3A_2742 = vector.extract_strided_slice %dot_general3A_2741 {offsets = [0, 0], sizes = [1, 2048], strides = [1, 1]} : vector<5x2048xf32> to vector<1x2048xf32>
    %slice3A_2743 = vector.extract_strided_slice %dot_general3A_2741 {offsets = [1, 0], sizes = [1, 2048], strides = [1, 1]} : vector<5x2048xf32> to vector<1x2048xf32>
    %slice3A_2744 = vector.extract_strided_slice %dot_general3A_2741 {offsets = [2, 0], sizes = [1, 2048], strides = [1, 1]} : vector<5x2048xf32> to vector<1x2048xf32>
    %slice3A_2745 = vector.extract_strided_slice %dot_general3A_2741 {offsets = [3, 0], sizes = [1, 2048], strides = [1, 1]} : vector<5x2048xf32> to vector<1x2048xf32>
    %slice3A_2746 = vector.extract_strided_slice %dot_general3A_2741 {offsets = [4, 0], sizes = [1, 2048], strides = [1, 1]} : vector<5x2048xf32> to vector<1x2048xf32>
    %lt3A_2747 = arith.constant 5.000000e-01 : f32
    %lt3A_2748 = vector.broadcast %lt3A_2747 : f32 to vector<1x2048xf32>
    %lt3A_2749 = arith.cmpf olt, %select_n3A_2733, %lt3A_2748 : vector<1x2048xf32>
    %add3A_2750 = arith.constant 1.000000e+00 : f32
    %add3A_2751 = vector.broadcast %add3A_2750 : f32 to vector<1x2048xf32>
    %add3A_2752 = arith.addf %slice3A_2746, %add3A_2751 : vector<1x2048xf32>
    %jit3A_2753 = arith.constant 0.000000e+00 : f32
    %broadcast_in_dim3A_2754 = vector.broadcast %jit3A_2753 : f32 to vector<1x2048xf32>
    %select_n3A_2755 = arith.select %lt3A_2749, %broadcast_in_dim3A_2754, %add3A_2752 : vector<1x2048xi1>, vector<1x2048xf32>
    %gt3A_2756 = arith.constant 0.000000e+00 : f32
    %gt3A_2757 = vector.broadcast %gt3A_2756 : f32 to vector<1x2048xf32>
    %gt3A_2758 = arith.cmpf ogt, %select_n3A_2755, %gt3A_2757 : vector<1x2048xf32>
    %convert_element_type3A_2759 = arith.extui %gt3A_2758 : vector<1x2048xi1> to vector<1x2048xi32>
    %convert_element_type3A_2760 = arith.sitofp %convert_element_type3A_2759 : vector<1x2048xi32> to vector<1x2048xf32>
    %get3A_2761 = arith.constant 0 : index
    %get3A_2762 = arith.constant 22528 : index
    %get3A_2763 = vector.load %arg3[%get3A_2761, %get3A_2762] : memref<4x24576xf32, #tpu.memory_space<vmem>>, vector<1x2048xf32>
    %get3A_2764 = arith.constant 1 : index
    %get3A_2765 = arith.constant 22528 : index
    %get3A_2766 = vector.load %arg3[%get3A_2764, %get3A_2765] : memref<4x24576xf32, #tpu.memory_space<vmem>>, vector<1x2048xf32>
    %get3A_2767 = arith.constant 2 : index
    %get3A_2768 = arith.constant 22528 : index
    %get3A_2769 = vector.load %arg3[%get3A_2767, %get3A_2768] : memref<4x24576xf32, #tpu.memory_space<vmem>>, vector<1x2048xf32>
    %get3A_2770 = arith.constant 3 : index
    %get3A_2771 = arith.constant 22528 : index
    %get3A_2772 = vector.load %arg3[%get3A_2770, %get3A_2771] : memref<4x24576xf32, #tpu.memory_space<vmem>>, vector<1x2048xf32>
    %mul3A_2773 = arith.constant 5.000000e-01 : f32
    %mul3A_2774 = vector.broadcast %mul3A_2773 : f32 to vector<1x2048xf32>
    %mul3A_2775 = arith.mulf %slice3A_2744, %mul3A_2774 : vector<1x2048xf32>
    %add3A_2776 = arith.addf %slice3A_2742, %mul3A_2775 : vector<1x2048xf32>
    %sub3A_2777 = arith.subf %add3A_2776, %get3A_2763 : vector<1x2048xf32>
    %mul3A_2778 = arith.constant 1.000000e-01 : f32
    %mul3A_2779 = vector.broadcast %mul3A_2778 : f32 to vector<1x2048xf32>
    %mul3A_2780 = arith.mulf %mul3A_2779, %get3A_2769 : vector<1x2048xf32>
    %div3A_2781 = arith.divf %sub3A_2777, %mul3A_2780 : vector<1x2048xf32>
    %mul3A_2782 = arith.constant 5.000000e-01 : f32
    %mul3A_2783 = vector.broadcast %mul3A_2782 : f32 to vector<1x2048xf32>
    %mul3A_2784 = arith.mulf %slice3A_2745, %mul3A_2783 : vector<1x2048xf32>
    %add3A_2785 = arith.addf %slice3A_2743, %mul3A_2784 : vector<1x2048xf32>
    %sub3A_2786 = arith.subf %add3A_2785, %get3A_2766 : vector<1x2048xf32>
    %mul3A_2787 = arith.constant 1.000000e-01 : f32
    %mul3A_2788 = vector.broadcast %mul3A_2787 : f32 to vector<1x2048xf32>
    %mul3A_2789 = arith.mulf %mul3A_2788, %get3A_2772 : vector<1x2048xf32>
    %div3A_2790 = arith.divf %sub3A_2786, %mul3A_2789 : vector<1x2048xf32>
    %sub3A_2791 = arith.subf %slice3A_2744, %slice3A_2742 : vector<1x2048xf32>
    %div3A_2792 = arith.divf %sub3A_2791, %get3A_2769 : vector<1x2048xf32>
    %log3A_2793 = math.log %div3A_2792 : vector<1x2048xf32>
    %div3A_2794 = arith.constant 2.000000e-01 : f32
    %div3A_2795 = vector.broadcast %div3A_2794 : f32 to vector<1x2048xf32>
    %div3A_2796 = arith.divf %log3A_2793, %div3A_2795 : vector<1x2048xf32>
    %sub3A_2797 = arith.subf %slice3A_2745, %slice3A_2743 : vector<1x2048xf32>
    %div3A_2798 = arith.divf %sub3A_2797, %get3A_2772 : vector<1x2048xf32>
    %log3A_2799 = math.log %div3A_2798 : vector<1x2048xf32>
    %div3A_2800 = arith.constant 2.000000e-01 : f32
    %div3A_2801 = vector.broadcast %div3A_2800 : f32 to vector<1x2048xf32>
    %div3A_2802 = arith.divf %log3A_2799, %div3A_2801 : vector<1x2048xf32>
    %concatenate3A_2803 = tpu.concatenate %div3A_2781, %div3A_2790, %div3A_2796, %div3A_2802 in 0 : vector<1x2048xf32>, vector<1x2048xf32>, vector<1x2048xf32>, vector<1x2048xf32> -> vector<4x2048xf32>
    %get3A_2804 = arith.constant 0 : index
    %get3A_2805 = arith.constant 0 : index
    %get3A_2806 = arith.constant 22528 : index
    %get3A_2807 = vector.load %arg4[%get3A_2804, %get3A_2805, %get3A_2806] : memref<1x4x24576xf32, #tpu.memory_space<vmem>>, vector<1x4x2048xf32>
    %get3A_2808 = vector.shape_cast %get3A_2807 : vector<1x4x2048xf32> to vector<4x2048xf32>
    %sub3A_2809 = arith.subf %get3A_2808, %concatenate3A_2803 : vector<4x2048xf32>
    %abs3A_2810 = math.absf %sub3A_2809 : vector<4x2048xf32>
    %lt3A_2811 = arith.constant 1.000000e+00 : f32
    %lt3A_2812 = vector.broadcast %lt3A_2811 : f32 to vector<4x2048xf32>
    %lt3A_2813 = arith.cmpf olt, %abs3A_2810, %lt3A_2812 : vector<4x2048xf32>
    %mul3A_2814 = arith.constant 5.000000e-01 : f32
    %mul3A_2815 = vector.broadcast %mul3A_2814 : f32 to vector<4x2048xf32>
    %mul3A_2816 = arith.mulf %mul3A_2815, %abs3A_2810 : vector<4x2048xf32>
    %mul3A_2817 = arith.mulf %mul3A_2816, %abs3A_2810 : vector<4x2048xf32>
    %sub3A_2818 = arith.constant 5.000000e-01 : f32
    %sub3A_2819 = vector.broadcast %sub3A_2818 : f32 to vector<4x2048xf32>
    %sub3A_2820 = arith.subf %abs3A_2810, %sub3A_2819 : vector<4x2048xf32>
    %select_n3A_2821 = arith.select %lt3A_2813, %mul3A_2817, %sub3A_2820 : vector<4x2048xi1>, vector<4x2048xf32>
    %mul3A_2822 = vector.broadcast %convert_element_type3A_2760 : vector<1x2048xf32> to vector<4x2048xf32>
    %mul3A_2823 = arith.mulf %select_n3A_2821, %mul3A_2822 : vector<4x2048xf32>
    %reduce_sum3A_2824 = vector.shape_cast %mul3A_2823 : vector<4x2048xf32> to vector<1x4x2048xf32>
    %reduce_sum3A_2825 = arith.constant dense<0.000000e+00> : vector<1xf32>
    %reduce_sum3A_2826 = vector.multi_reduction <add>, %reduce_sum3A_2824, %reduce_sum3A_2825 [1, 2] : vector<1x4x2048xf32> to vector<1xf32>
    %reduce_sum3A_2827 = vector.shape_cast %reduce_sum3A_2826 : vector<1xf32> to vector<1x1x1xf32>
    %reduce_sum3A_2828 = vector.extract %reduce_sum3A_2827[0, 0, 0] : f32 from vector<1x1x1xf32>
    %add3A_2829 = arith.addf %add3A_2693, %reduce_sum3A_2828 : f32
    %reduce_sum3A_2830 = vector.shape_cast %convert_element_type3A_2760 : vector<1x2048xf32> to vector<1x1x2048xf32>
    %reduce_sum3A_2831 = arith.constant dense<0.000000e+00> : vector<1xf32>
    %reduce_sum3A_2832 = vector.multi_reduction <add>, %reduce_sum3A_2830, %reduce_sum3A_2831 [1, 2] : vector<1x1x2048xf32> to vector<1xf32>
    %reduce_sum3A_2833 = vector.shape_cast %reduce_sum3A_2832 : vector<1xf32> to vector<1x1x1xf32>
    %reduce_sum3A_2834 = vector.extract %reduce_sum3A_2833[0, 0, 0] : f32 from vector<1x1x1xf32>
    %add3A_2835 = arith.addf %add3A_2699, %reduce_sum3A_2834 : f32
    %swap3A_2836 = arith.constant 0 : index
    %swap3A_2837 = arith.constant 0 : index
    %swap3A_2838 = arith.constant 22528 : index
    %swap3A_2839 = vector.load %arg5[%swap3A_2836, %swap3A_2837, %swap3A_2838] : memref<1x1x24576xf32, #tpu.memory_space<vmem>>, vector<1x1x2048xf32>
    %swap3A_2840 = vector.shape_cast %swap3A_2839 : vector<1x1x2048xf32> to vector<1x2048xf32>
    %swap3A_2841 = vector.shape_cast %select_n3A_2755 : vector<1x2048xf32> to vector<1x1x2048xf32>
    tpu.vector_store %arg5[%swap3A_2836, %swap3A_2837, %swap3A_2838], %swap3A_2841 {strides = array<i32>} : memref<1x1x24576xf32, #tpu.memory_space<vmem>>, vector<1x1x2048xf32>,
    %reshape3A = vector.broadcast %add3A_2829 : f32 to vector<1x1x1xf32>
    %swap3A_2842 = arith.constant 0 : index
    %swap3A_2843 = arith.constant 0 : index
    %swap3A_2844 = arith.constant 0 : index
    %swap3A_2845 = vector.load %arg6[%swap3A_2842, %swap3A_2843, %swap3A_2844] : memref<1x1x1xf32, #tpu.memory_space<vmem>>, vector<1x1x1xf32>
    tpu.vector_store %arg6[%swap3A_2842, %swap3A_2843, %swap3A_2844], %reshape3A {strides = array<i32>} : memref<1x1x1xf32, #tpu.memory_space<vmem>>, vector<1x1x1xf32>,
    %reshape3A_2846 = vector.broadcast %add3A_2835 : f32 to vector<1x1x1xf32>
    %swap3A_2847 = arith.constant 0 : index
    %swap3A_2848 = arith.constant 0 : index
    %swap3A_2849 = arith.constant 0 : index
    %swap3A_2850 = vector.load %arg7[%swap3A_2847, %swap3A_2848, %swap3A_2849] : memref<1x1x1xf32, #tpu.memory_space<vmem>>, vector<1x1x1xf32>
    tpu.vector_store %arg7[%swap3A_2847, %swap3A_2848, %swap3A_2849], %reshape3A_2846 {strides = array<i32>} : memref<1x1x1xf32, #tpu.memory_space<vmem>>, vector<1x1x1xf32>,
    return
  }
  func.func @transform_0(%arg0: i32) -> (i32, i32, i32) {
    %c0_i32 = arith.constant 0 : i32
    %c0_i32_0 = arith.constant 0 : i32
    %c0_i32_1 = arith.constant 0 : i32
    return %arg0, %c0_i32, %c0_i32_0 : i32, i32, i32
  }
  func.func @transform_1(%arg0: i32) -> (i32, i32, i32) {
    %c0_i32 = arith.constant 0 : i32
    %c0_i32_0 = arith.constant 0 : i32
    %c0_i32_1 = arith.constant 0 : i32
    return %arg0, %c0_i32, %c0_i32_0 : i32, i32, i32
  }
  func.func @transform_2(%arg0: i32) -> (i32, i32) {
    %c0_i32 = arith.constant 0 : i32
    %c0_i32_0 = arith.constant 0 : i32
    %c0_i32_1 = arith.constant 0 : i32
    return %c0_i32, %c0_i32_0 : i32, i32
  }
  func.func @transform_3(%arg0: i32) -> (i32, i32, i32) {
    %c0_i32 = arith.constant 0 : i32
    %c0_i32_0 = arith.constant 0 : i32
    %c0_i32_1 = arith.constant 0 : i32
    return %arg0, %c0_i32, %c0_i32_0 : i32, i32, i32
  }
  func.func @transform_4(%arg0: i32) -> (i32, i32, i32) {
    %c0_i32 = arith.constant 0 : i32
    %c0_i32_0 = arith.constant 0 : i32
    %c0_i32_1 = arith.constant 0 : i32
    return %arg0, %c0_i32, %c0_i32_0 : i32, i32, i32
  }
  func.func @transform_5(%arg0: i32) -> (i32, i32, i32) {
    %c0_i32 = arith.constant 0 : i32
    %c0_i32_0 = arith.constant 0 : i32
    %c0_i32_1 = arith.constant 0 : i32
    return %arg0, %c0_i32, %c0_i32_0 : i32, i32, i32
  }
  func.func @transform_6(%arg0: i32) -> (i32, i32, i32) {
    %c0_i32 = arith.constant 0 : i32
    %c0_i32_0 = arith.constant 0 : i32
    %c0_i32_1 = arith.constant 0 : i32
    return %arg0, %c0_i32, %c0_i32_0 : i32, i32, i32
  }
}

module attributes {stable_mosaic.version = 14 : i64} {
  func.func @_stage1b_body(%arg0: i32, %arg1: memref<1x21x24576xf32, #tpu.memory_space<vmem>>, %arg2: memref<1x1x24576xf32, #tpu.memory_space<vmem>>, %arg3: memref<1x1x24576xf32, #tpu.memory_space<vmem>>, %arg4: memref<1x1x1xf32, #tpu.memory_space<vmem>>) attributes {dimension_semantics = [#tpu.dimension_semantics<arbitrary>], iteration_bounds = array<i64: 32>, scalar_prefetch = 0 : i64, scratch_operands = 0 : i64, tpu.core_type = #tpu.core_type<tc>, window_params = [{transform_indices = @transform_0, window_bounds = array<i64: 1, 21, 24576>}, {transform_indices = @transform_1, window_bounds = array<i64: 1, 1, 24576>}, {transform_indices = @transform_2, window_bounds = array<i64: 1, 1, 24576>}, {transform_indices = @transform_3, window_bounds = array<i64: 1, 1, 1>}]} {
    %iota3A = tpu.iota {dimensions = array<i32: 0>} : vector<21x1xi32>
    %convert_element_type3A = arith.sitofp %iota3A : vector<21x1xi32> to vector<21x1xf32>
    %iota3A_0 = tpu.iota {dimensions = array<i32: 1>} : vector<1x2048xi32>
    %convert_element_type3A_1 = arith.sitofp %iota3A_0 : vector<1x2048xi32> to vector<1x2048xf32>
    %add3A = arith.constant 0.000000e+00 : f32
    %add3A_2 = vector.broadcast %add3A : f32 to vector<1x2048xf32>
    %add3A_3 = arith.addf %convert_element_type3A_1, %add3A_2 : vector<1x2048xf32>
    %get3A = arith.constant 0 : index
    %get3A_4 = arith.constant 0 : index
    %get3A_5 = arith.constant 0 : index
    %get3A_6 = vector.load %arg2[%get3A, %get3A_4, %get3A_5] : memref<1x1x24576xf32, #tpu.memory_space<vmem>>, vector<1x1x2048xf32>
    %get3A_7 = vector.shape_cast %get3A_6 : vector<1x1x2048xf32> to vector<1x2048xf32>
    %gt3A = arith.constant 0.000000e+00 : f32
    %gt3A_8 = vector.broadcast %gt3A : f32 to vector<1x2048xf32>
    %gt3A_9 = arith.cmpf ogt, %get3A_7, %gt3A_8 : vector<1x2048xf32>
    %get3A_10 = arith.constant 0 : index
    %get3A_11 = arith.constant 0 : index
    %get3A_12 = arith.constant 0 : index
    %get3A_13 = vector.load %arg1[%get3A_10, %get3A_11, %get3A_12] : memref<1x21x24576xf32, #tpu.memory_space<vmem>>, vector<1x21x2048xf32>
    %get3A_14 = vector.shape_cast %get3A_13 : vector<1x21x2048xf32> to vector<21x2048xf32>
    %reduce_max3A = arith.constant dense<0xFF800000> : vector<2048xf32>
    %reduce_max3A_15 = vector.multi_reduction <maximumf>, %get3A_14, %reduce_max3A [0] : vector<21x2048xf32> to vector<2048xf32>
    %broadcast_in_dim3A = vector.shape_cast %reduce_max3A_15 : vector<2048xf32> to vector<1x2048xf32>
    %sub3A = vector.broadcast %broadcast_in_dim3A : vector<1x2048xf32> to vector<21x2048xf32>
    %sub3A_16 = arith.subf %get3A_14, %sub3A : vector<21x2048xf32>
    %exp3A = math.exp %sub3A_16 : vector<21x2048xf32>
    %reduce_sum3A = arith.constant dense<0.000000e+00> : vector<2048xf32>
    %reduce_sum3A_17 = vector.multi_reduction <add>, %exp3A, %reduce_sum3A [0] : vector<21x2048xf32> to vector<2048xf32>
    %broadcast_in_dim3A_18 = vector.shape_cast %reduce_sum3A_17 : vector<2048xf32> to vector<1x2048xf32>
    %log3A = math.log %broadcast_in_dim3A_18 : vector<1x2048xf32>
    %add3A_19 = arith.addf %log3A, %broadcast_in_dim3A : vector<1x2048xf32>
    %eq3A = vector.broadcast %convert_element_type3A : vector<21x1xf32> to vector<21x2048xf32>
    %eq3A_20 = vector.broadcast %get3A_7 : vector<1x2048xf32> to vector<21x2048xf32>
    %eq3A_21 = arith.cmpf oeq, %eq3A, %eq3A_20 : vector<21x2048xf32>
    %jit3A = arith.constant 0.000000e+00 : f32
    %broadcast_in_dim3A_22 = vector.broadcast %jit3A : f32 to vector<21x2048xf32>
    %select_n3A = arith.select %eq3A_21, %get3A_14, %broadcast_in_dim3A_22 : vector<21x2048xi1>, vector<21x2048xf32>
    %reduce_sum3A_23 = arith.constant dense<0.000000e+00> : vector<2048xf32>
    %reduce_sum3A_24 = vector.multi_reduction <add>, %select_n3A, %reduce_sum3A_23 [0] : vector<21x2048xf32> to vector<2048xf32>
    %broadcast_in_dim3A_25 = vector.shape_cast %reduce_sum3A_24 : vector<2048xf32> to vector<1x2048xf32>
    %sub3A_26 = arith.subf %add3A_19, %broadcast_in_dim3A_25 : vector<1x2048xf32>
    %jit3A_27 = arith.constant 0.000000e+00 : f32
    %broadcast_in_dim3A_28 = vector.broadcast %jit3A_27 : f32 to vector<1x2048xf32>
    %select_n3A_29 = arith.select %gt3A_9, %broadcast_in_dim3A_28, %sub3A_26 : vector<1x2048xi1>, vector<1x2048xf32>
    %lt3A = arith.constant 2.453200e+04 : f32
    %lt3A_30 = vector.broadcast %lt3A : f32 to vector<1x2048xf32>
    %lt3A_31 = arith.cmpf olt, %add3A_3, %lt3A_30 : vector<1x2048xf32>
    %jit3A_32 = arith.constant 0.000000e+00 : f32
    %broadcast_in_dim3A_33 = vector.broadcast %jit3A_32 : f32 to vector<1x2048xf32>
    %select_n3A_34 = arith.select %lt3A_31, %select_n3A_29, %broadcast_in_dim3A_33 : vector<1x2048xi1>, vector<1x2048xf32>
    %swap3A = arith.constant 0 : index
    %swap3A_35 = arith.constant 0 : index
    %swap3A_36 = arith.constant 0 : index
    %swap3A_37 = vector.load %arg3[%swap3A, %swap3A_35, %swap3A_36] : memref<1x1x24576xf32, #tpu.memory_space<vmem>>, vector<1x1x2048xf32>
    %swap3A_38 = vector.shape_cast %swap3A_37 : vector<1x1x2048xf32> to vector<1x2048xf32>
    %swap3A_39 = vector.shape_cast %select_n3A_34 : vector<1x2048xf32> to vector<1x1x2048xf32>
    tpu.vector_store %arg3[%swap3A, %swap3A_35, %swap3A_36], %swap3A_39 {strides = array<i32>} : memref<1x1x24576xf32, #tpu.memory_space<vmem>>, vector<1x1x2048xf32>,
    %jit3A_40 = arith.constant 0.000000e+00 : f32
    %broadcast_in_dim3A_41 = vector.broadcast %jit3A_40 : f32 to vector<1x2048xf32>
    %select_n3A_42 = arith.select %gt3A_9, %sub3A_26, %broadcast_in_dim3A_41 : vector<1x2048xi1>, vector<1x2048xf32>
    %reduce_sum3A_43 = vector.shape_cast %select_n3A_42 : vector<1x2048xf32> to vector<1x1x2048xf32>
    %reduce_sum3A_44 = arith.constant dense<0.000000e+00> : vector<1xf32>
    %reduce_sum3A_45 = vector.multi_reduction <add>, %reduce_sum3A_43, %reduce_sum3A_44 [1, 2] : vector<1x1x2048xf32> to vector<1xf32>
    %reduce_sum3A_46 = vector.shape_cast %reduce_sum3A_45 : vector<1xf32> to vector<1x1x1xf32>
    %reduce_sum3A_47 = vector.extract %reduce_sum3A_46[0, 0, 0] : f32 from vector<1x1x1xf32>
    %add3A_48 = arith.constant 0.000000e+00 : f32
    %add3A_49 = arith.addf %add3A_48, %reduce_sum3A_47 : f32
    %iota3A_50 = tpu.iota {dimensions = array<i32: 1>} : vector<1x2048xi32>
    %convert_element_type3A_51 = arith.sitofp %iota3A_50 : vector<1x2048xi32> to vector<1x2048xf32>
    %add3A_52 = arith.constant 2.048000e+03 : f32
    %add3A_53 = vector.broadcast %add3A_52 : f32 to vector<1x2048xf32>
    %add3A_54 = arith.addf %convert_element_type3A_51, %add3A_53 : vector<1x2048xf32>
    %get3A_55 = arith.constant 0 : index
    %get3A_56 = arith.constant 0 : index
    %get3A_57 = arith.constant 2048 : index
    %get3A_58 = vector.load %arg2[%get3A_55, %get3A_56, %get3A_57] : memref<1x1x24576xf32, #tpu.memory_space<vmem>>, vector<1x1x2048xf32>
    %get3A_59 = vector.shape_cast %get3A_58 : vector<1x1x2048xf32> to vector<1x2048xf32>
    %gt3A_60 = arith.constant 0.000000e+00 : f32
    %gt3A_61 = vector.broadcast %gt3A_60 : f32 to vector<1x2048xf32>
    %gt3A_62 = arith.cmpf ogt, %get3A_59, %gt3A_61 : vector<1x2048xf32>
    %get3A_63 = arith.constant 0 : index
    %get3A_64 = arith.constant 0 : index
    %get3A_65 = arith.constant 2048 : index
    %get3A_66 = vector.load %arg1[%get3A_63, %get3A_64, %get3A_65] : memref<1x21x24576xf32, #tpu.memory_space<vmem>>, vector<1x21x2048xf32>
    %get3A_67 = vector.shape_cast %get3A_66 : vector<1x21x2048xf32> to vector<21x2048xf32>
    %reduce_max3A_68 = arith.constant dense<0xFF800000> : vector<2048xf32>
    %reduce_max3A_69 = vector.multi_reduction <maximumf>, %get3A_67, %reduce_max3A_68 [0] : vector<21x2048xf32> to vector<2048xf32>
    %broadcast_in_dim3A_70 = vector.shape_cast %reduce_max3A_69 : vector<2048xf32> to vector<1x2048xf32>
    %sub3A_71 = vector.broadcast %broadcast_in_dim3A_70 : vector<1x2048xf32> to vector<21x2048xf32>
    %sub3A_72 = arith.subf %get3A_67, %sub3A_71 : vector<21x2048xf32>
    %exp3A_73 = math.exp %sub3A_72 : vector<21x2048xf32>
    %reduce_sum3A_74 = arith.constant dense<0.000000e+00> : vector<2048xf32>
    %reduce_sum3A_75 = vector.multi_reduction <add>, %exp3A_73, %reduce_sum3A_74 [0] : vector<21x2048xf32> to vector<2048xf32>
    %broadcast_in_dim3A_76 = vector.shape_cast %reduce_sum3A_75 : vector<2048xf32> to vector<1x2048xf32>
    %log3A_77 = math.log %broadcast_in_dim3A_76 : vector<1x2048xf32>
    %add3A_78 = arith.addf %log3A_77, %broadcast_in_dim3A_70 : vector<1x2048xf32>
    %eq3A_79 = vector.broadcast %convert_element_type3A : vector<21x1xf32> to vector<21x2048xf32>
    %eq3A_80 = vector.broadcast %get3A_59 : vector<1x2048xf32> to vector<21x2048xf32>
    %eq3A_81 = arith.cmpf oeq, %eq3A_79, %eq3A_80 : vector<21x2048xf32>
    %jit3A_82 = arith.constant 0.000000e+00 : f32
    %broadcast_in_dim3A_83 = vector.broadcast %jit3A_82 : f32 to vector<21x2048xf32>
    %select_n3A_84 = arith.select %eq3A_81, %get3A_67, %broadcast_in_dim3A_83 : vector<21x2048xi1>, vector<21x2048xf32>
    %reduce_sum3A_85 = arith.constant dense<0.000000e+00> : vector<2048xf32>
    %reduce_sum3A_86 = vector.multi_reduction <add>, %select_n3A_84, %reduce_sum3A_85 [0] : vector<21x2048xf32> to vector<2048xf32>
    %broadcast_in_dim3A_87 = vector.shape_cast %reduce_sum3A_86 : vector<2048xf32> to vector<1x2048xf32>
    %sub3A_88 = arith.subf %add3A_78, %broadcast_in_dim3A_87 : vector<1x2048xf32>
    %jit3A_89 = arith.constant 0.000000e+00 : f32
    %broadcast_in_dim3A_90 = vector.broadcast %jit3A_89 : f32 to vector<1x2048xf32>
    %select_n3A_91 = arith.select %gt3A_62, %broadcast_in_dim3A_90, %sub3A_88 : vector<1x2048xi1>, vector<1x2048xf32>
    %lt3A_92 = arith.constant 2.453200e+04 : f32
    %lt3A_93 = vector.broadcast %lt3A_92 : f32 to vector<1x2048xf32>
    %lt3A_94 = arith.cmpf olt, %add3A_54, %lt3A_93 : vector<1x2048xf32>
    %jit3A_95 = arith.constant 0.000000e+00 : f32
    %broadcast_in_dim3A_96 = vector.broadcast %jit3A_95 : f32 to vector<1x2048xf32>
    %select_n3A_97 = arith.select %lt3A_94, %select_n3A_91, %broadcast_in_dim3A_96 : vector<1x2048xi1>, vector<1x2048xf32>
    %swap3A_98 = arith.constant 0 : index
    %swap3A_99 = arith.constant 0 : index
    %swap3A_100 = arith.constant 2048 : index
    %swap3A_101 = vector.load %arg3[%swap3A_98, %swap3A_99, %swap3A_100] : memref<1x1x24576xf32, #tpu.memory_space<vmem>>, vector<1x1x2048xf32>
    %swap3A_102 = vector.shape_cast %swap3A_101 : vector<1x1x2048xf32> to vector<1x2048xf32>
    %swap3A_103 = vector.shape_cast %select_n3A_97 : vector<1x2048xf32> to vector<1x1x2048xf32>
    tpu.vector_store %arg3[%swap3A_98, %swap3A_99, %swap3A_100], %swap3A_103 {strides = array<i32>} : memref<1x1x24576xf32, #tpu.memory_space<vmem>>, vector<1x1x2048xf32>,
    %jit3A_104 = arith.constant 0.000000e+00 : f32
    %broadcast_in_dim3A_105 = vector.broadcast %jit3A_104 : f32 to vector<1x2048xf32>
    %select_n3A_106 = arith.select %gt3A_62, %sub3A_88, %broadcast_in_dim3A_105 : vector<1x2048xi1>, vector<1x2048xf32>
    %reduce_sum3A_107 = vector.shape_cast %select_n3A_106 : vector<1x2048xf32> to vector<1x1x2048xf32>
    %reduce_sum3A_108 = arith.constant dense<0.000000e+00> : vector<1xf32>
    %reduce_sum3A_109 = vector.multi_reduction <add>, %reduce_sum3A_107, %reduce_sum3A_108 [1, 2] : vector<1x1x2048xf32> to vector<1xf32>
    %reduce_sum3A_110 = vector.shape_cast %reduce_sum3A_109 : vector<1xf32> to vector<1x1x1xf32>
    %reduce_sum3A_111 = vector.extract %reduce_sum3A_110[0, 0, 0] : f32 from vector<1x1x1xf32>
    %add3A_112 = arith.addf %add3A_49, %reduce_sum3A_111 : f32
    %iota3A_113 = tpu.iota {dimensions = array<i32: 1>} : vector<1x2048xi32>
    %convert_element_type3A_114 = arith.sitofp %iota3A_113 : vector<1x2048xi32> to vector<1x2048xf32>
    %add3A_115 = arith.constant 4.096000e+03 : f32
    %add3A_116 = vector.broadcast %add3A_115 : f32 to vector<1x2048xf32>
    %add3A_117 = arith.addf %convert_element_type3A_114, %add3A_116 : vector<1x2048xf32>
    %get3A_118 = arith.constant 0 : index
    %get3A_119 = arith.constant 0 : index
    %get3A_120 = arith.constant 4096 : index
    %get3A_121 = vector.load %arg2[%get3A_118, %get3A_119, %get3A_120] : memref<1x1x24576xf32, #tpu.memory_space<vmem>>, vector<1x1x2048xf32>
    %get3A_122 = vector.shape_cast %get3A_121 : vector<1x1x2048xf32> to vector<1x2048xf32>
    %gt3A_123 = arith.constant 0.000000e+00 : f32
    %gt3A_124 = vector.broadcast %gt3A_123 : f32 to vector<1x2048xf32>
    %gt3A_125 = arith.cmpf ogt, %get3A_122, %gt3A_124 : vector<1x2048xf32>
    %get3A_126 = arith.constant 0 : index
    %get3A_127 = arith.constant 0 : index
    %get3A_128 = arith.constant 4096 : index
    %get3A_129 = vector.load %arg1[%get3A_126, %get3A_127, %get3A_128] : memref<1x21x24576xf32, #tpu.memory_space<vmem>>, vector<1x21x2048xf32>
    %get3A_130 = vector.shape_cast %get3A_129 : vector<1x21x2048xf32> to vector<21x2048xf32>
    %reduce_max3A_131 = arith.constant dense<0xFF800000> : vector<2048xf32>
    %reduce_max3A_132 = vector.multi_reduction <maximumf>, %get3A_130, %reduce_max3A_131 [0] : vector<21x2048xf32> to vector<2048xf32>
    %broadcast_in_dim3A_133 = vector.shape_cast %reduce_max3A_132 : vector<2048xf32> to vector<1x2048xf32>
    %sub3A_134 = vector.broadcast %broadcast_in_dim3A_133 : vector<1x2048xf32> to vector<21x2048xf32>
    %sub3A_135 = arith.subf %get3A_130, %sub3A_134 : vector<21x2048xf32>
    %exp3A_136 = math.exp %sub3A_135 : vector<21x2048xf32>
    %reduce_sum3A_137 = arith.constant dense<0.000000e+00> : vector<2048xf32>
    %reduce_sum3A_138 = vector.multi_reduction <add>, %exp3A_136, %reduce_sum3A_137 [0] : vector<21x2048xf32> to vector<2048xf32>
    %broadcast_in_dim3A_139 = vector.shape_cast %reduce_sum3A_138 : vector<2048xf32> to vector<1x2048xf32>
    %log3A_140 = math.log %broadcast_in_dim3A_139 : vector<1x2048xf32>
    %add3A_141 = arith.addf %log3A_140, %broadcast_in_dim3A_133 : vector<1x2048xf32>
    %eq3A_142 = vector.broadcast %convert_element_type3A : vector<21x1xf32> to vector<21x2048xf32>
    %eq3A_143 = vector.broadcast %get3A_122 : vector<1x2048xf32> to vector<21x2048xf32>
    %eq3A_144 = arith.cmpf oeq, %eq3A_142, %eq3A_143 : vector<21x2048xf32>
    %jit3A_145 = arith.constant 0.000000e+00 : f32
    %broadcast_in_dim3A_146 = vector.broadcast %jit3A_145 : f32 to vector<21x2048xf32>
    %select_n3A_147 = arith.select %eq3A_144, %get3A_130, %broadcast_in_dim3A_146 : vector<21x2048xi1>, vector<21x2048xf32>
    %reduce_sum3A_148 = arith.constant dense<0.000000e+00> : vector<2048xf32>
    %reduce_sum3A_149 = vector.multi_reduction <add>, %select_n3A_147, %reduce_sum3A_148 [0] : vector<21x2048xf32> to vector<2048xf32>
    %broadcast_in_dim3A_150 = vector.shape_cast %reduce_sum3A_149 : vector<2048xf32> to vector<1x2048xf32>
    %sub3A_151 = arith.subf %add3A_141, %broadcast_in_dim3A_150 : vector<1x2048xf32>
    %jit3A_152 = arith.constant 0.000000e+00 : f32
    %broadcast_in_dim3A_153 = vector.broadcast %jit3A_152 : f32 to vector<1x2048xf32>
    %select_n3A_154 = arith.select %gt3A_125, %broadcast_in_dim3A_153, %sub3A_151 : vector<1x2048xi1>, vector<1x2048xf32>
    %lt3A_155 = arith.constant 2.453200e+04 : f32
    %lt3A_156 = vector.broadcast %lt3A_155 : f32 to vector<1x2048xf32>
    %lt3A_157 = arith.cmpf olt, %add3A_117, %lt3A_156 : vector<1x2048xf32>
    %jit3A_158 = arith.constant 0.000000e+00 : f32
    %broadcast_in_dim3A_159 = vector.broadcast %jit3A_158 : f32 to vector<1x2048xf32>
    %select_n3A_160 = arith.select %lt3A_157, %select_n3A_154, %broadcast_in_dim3A_159 : vector<1x2048xi1>, vector<1x2048xf32>
    %swap3A_161 = arith.constant 0 : index
    %swap3A_162 = arith.constant 0 : index
    %swap3A_163 = arith.constant 4096 : index
    %swap3A_164 = vector.load %arg3[%swap3A_161, %swap3A_162, %swap3A_163] : memref<1x1x24576xf32, #tpu.memory_space<vmem>>, vector<1x1x2048xf32>
    %swap3A_165 = vector.shape_cast %swap3A_164 : vector<1x1x2048xf32> to vector<1x2048xf32>
    %swap3A_166 = vector.shape_cast %select_n3A_160 : vector<1x2048xf32> to vector<1x1x2048xf32>
    tpu.vector_store %arg3[%swap3A_161, %swap3A_162, %swap3A_163], %swap3A_166 {strides = array<i32>} : memref<1x1x24576xf32, #tpu.memory_space<vmem>>, vector<1x1x2048xf32>,
    %jit3A_167 = arith.constant 0.000000e+00 : f32
    %broadcast_in_dim3A_168 = vector.broadcast %jit3A_167 : f32 to vector<1x2048xf32>
    %select_n3A_169 = arith.select %gt3A_125, %sub3A_151, %broadcast_in_dim3A_168 : vector<1x2048xi1>, vector<1x2048xf32>
    %reduce_sum3A_170 = vector.shape_cast %select_n3A_169 : vector<1x2048xf32> to vector<1x1x2048xf32>
    %reduce_sum3A_171 = arith.constant dense<0.000000e+00> : vector<1xf32>
    %reduce_sum3A_172 = vector.multi_reduction <add>, %reduce_sum3A_170, %reduce_sum3A_171 [1, 2] : vector<1x1x2048xf32> to vector<1xf32>
    %reduce_sum3A_173 = vector.shape_cast %reduce_sum3A_172 : vector<1xf32> to vector<1x1x1xf32>
    %reduce_sum3A_174 = vector.extract %reduce_sum3A_173[0, 0, 0] : f32 from vector<1x1x1xf32>
    %add3A_175 = arith.addf %add3A_112, %reduce_sum3A_174 : f32
    %iota3A_176 = tpu.iota {dimensions = array<i32: 1>} : vector<1x2048xi32>
    %convert_element_type3A_177 = arith.sitofp %iota3A_176 : vector<1x2048xi32> to vector<1x2048xf32>
    %add3A_178 = arith.constant 6.144000e+03 : f32
    %add3A_179 = vector.broadcast %add3A_178 : f32 to vector<1x2048xf32>
    %add3A_180 = arith.addf %convert_element_type3A_177, %add3A_179 : vector<1x2048xf32>
    %get3A_181 = arith.constant 0 : index
    %get3A_182 = arith.constant 0 : index
    %get3A_183 = arith.constant 6144 : index
    %get3A_184 = vector.load %arg2[%get3A_181, %get3A_182, %get3A_183] : memref<1x1x24576xf32, #tpu.memory_space<vmem>>, vector<1x1x2048xf32>
    %get3A_185 = vector.shape_cast %get3A_184 : vector<1x1x2048xf32> to vector<1x2048xf32>
    %gt3A_186 = arith.constant 0.000000e+00 : f32
    %gt3A_187 = vector.broadcast %gt3A_186 : f32 to vector<1x2048xf32>
    %gt3A_188 = arith.cmpf ogt, %get3A_185, %gt3A_187 : vector<1x2048xf32>
    %get3A_189 = arith.constant 0 : index
    %get3A_190 = arith.constant 0 : index
    %get3A_191 = arith.constant 6144 : index
    %get3A_192 = vector.load %arg1[%get3A_189, %get3A_190, %get3A_191] : memref<1x21x24576xf32, #tpu.memory_space<vmem>>, vector<1x21x2048xf32>
    %get3A_193 = vector.shape_cast %get3A_192 : vector<1x21x2048xf32> to vector<21x2048xf32>
    %reduce_max3A_194 = arith.constant dense<0xFF800000> : vector<2048xf32>
    %reduce_max3A_195 = vector.multi_reduction <maximumf>, %get3A_193, %reduce_max3A_194 [0] : vector<21x2048xf32> to vector<2048xf32>
    %broadcast_in_dim3A_196 = vector.shape_cast %reduce_max3A_195 : vector<2048xf32> to vector<1x2048xf32>
    %sub3A_197 = vector.broadcast %broadcast_in_dim3A_196 : vector<1x2048xf32> to vector<21x2048xf32>
    %sub3A_198 = arith.subf %get3A_193, %sub3A_197 : vector<21x2048xf32>
    %exp3A_199 = math.exp %sub3A_198 : vector<21x2048xf32>
    %reduce_sum3A_200 = arith.constant dense<0.000000e+00> : vector<2048xf32>
    %reduce_sum3A_201 = vector.multi_reduction <add>, %exp3A_199, %reduce_sum3A_200 [0] : vector<21x2048xf32> to vector<2048xf32>
    %broadcast_in_dim3A_202 = vector.shape_cast %reduce_sum3A_201 : vector<2048xf32> to vector<1x2048xf32>
    %log3A_203 = math.log %broadcast_in_dim3A_202 : vector<1x2048xf32>
    %add3A_204 = arith.addf %log3A_203, %broadcast_in_dim3A_196 : vector<1x2048xf32>
    %eq3A_205 = vector.broadcast %convert_element_type3A : vector<21x1xf32> to vector<21x2048xf32>
    %eq3A_206 = vector.broadcast %get3A_185 : vector<1x2048xf32> to vector<21x2048xf32>
    %eq3A_207 = arith.cmpf oeq, %eq3A_205, %eq3A_206 : vector<21x2048xf32>
    %jit3A_208 = arith.constant 0.000000e+00 : f32
    %broadcast_in_dim3A_209 = vector.broadcast %jit3A_208 : f32 to vector<21x2048xf32>
    %select_n3A_210 = arith.select %eq3A_207, %get3A_193, %broadcast_in_dim3A_209 : vector<21x2048xi1>, vector<21x2048xf32>
    %reduce_sum3A_211 = arith.constant dense<0.000000e+00> : vector<2048xf32>
    %reduce_sum3A_212 = vector.multi_reduction <add>, %select_n3A_210, %reduce_sum3A_211 [0] : vector<21x2048xf32> to vector<2048xf32>
    %broadcast_in_dim3A_213 = vector.shape_cast %reduce_sum3A_212 : vector<2048xf32> to vector<1x2048xf32>
    %sub3A_214 = arith.subf %add3A_204, %broadcast_in_dim3A_213 : vector<1x2048xf32>
    %jit3A_215 = arith.constant 0.000000e+00 : f32
    %broadcast_in_dim3A_216 = vector.broadcast %jit3A_215 : f32 to vector<1x2048xf32>
    %select_n3A_217 = arith.select %gt3A_188, %broadcast_in_dim3A_216, %sub3A_214 : vector<1x2048xi1>, vector<1x2048xf32>
    %lt3A_218 = arith.constant 2.453200e+04 : f32
    %lt3A_219 = vector.broadcast %lt3A_218 : f32 to vector<1x2048xf32>
    %lt3A_220 = arith.cmpf olt, %add3A_180, %lt3A_219 : vector<1x2048xf32>
    %jit3A_221 = arith.constant 0.000000e+00 : f32
    %broadcast_in_dim3A_222 = vector.broadcast %jit3A_221 : f32 to vector<1x2048xf32>
    %select_n3A_223 = arith.select %lt3A_220, %select_n3A_217, %broadcast_in_dim3A_222 : vector<1x2048xi1>, vector<1x2048xf32>
    %swap3A_224 = arith.constant 0 : index
    %swap3A_225 = arith.constant 0 : index
    %swap3A_226 = arith.constant 6144 : index
    %swap3A_227 = vector.load %arg3[%swap3A_224, %swap3A_225, %swap3A_226] : memref<1x1x24576xf32, #tpu.memory_space<vmem>>, vector<1x1x2048xf32>
    %swap3A_228 = vector.shape_cast %swap3A_227 : vector<1x1x2048xf32> to vector<1x2048xf32>
    %swap3A_229 = vector.shape_cast %select_n3A_223 : vector<1x2048xf32> to vector<1x1x2048xf32>
    tpu.vector_store %arg3[%swap3A_224, %swap3A_225, %swap3A_226], %swap3A_229 {strides = array<i32>} : memref<1x1x24576xf32, #tpu.memory_space<vmem>>, vector<1x1x2048xf32>,
    %jit3A_230 = arith.constant 0.000000e+00 : f32
    %broadcast_in_dim3A_231 = vector.broadcast %jit3A_230 : f32 to vector<1x2048xf32>
    %select_n3A_232 = arith.select %gt3A_188, %sub3A_214, %broadcast_in_dim3A_231 : vector<1x2048xi1>, vector<1x2048xf32>
    %reduce_sum3A_233 = vector.shape_cast %select_n3A_232 : vector<1x2048xf32> to vector<1x1x2048xf32>
    %reduce_sum3A_234 = arith.constant dense<0.000000e+00> : vector<1xf32>
    %reduce_sum3A_235 = vector.multi_reduction <add>, %reduce_sum3A_233, %reduce_sum3A_234 [1, 2] : vector<1x1x2048xf32> to vector<1xf32>
    %reduce_sum3A_236 = vector.shape_cast %reduce_sum3A_235 : vector<1xf32> to vector<1x1x1xf32>
    %reduce_sum3A_237 = vector.extract %reduce_sum3A_236[0, 0, 0] : f32 from vector<1x1x1xf32>
    %add3A_238 = arith.addf %add3A_175, %reduce_sum3A_237 : f32
    %iota3A_239 = tpu.iota {dimensions = array<i32: 1>} : vector<1x2048xi32>
    %convert_element_type3A_240 = arith.sitofp %iota3A_239 : vector<1x2048xi32> to vector<1x2048xf32>
    %add3A_241 = arith.constant 8.192000e+03 : f32
    %add3A_242 = vector.broadcast %add3A_241 : f32 to vector<1x2048xf32>
    %add3A_243 = arith.addf %convert_element_type3A_240, %add3A_242 : vector<1x2048xf32>
    %get3A_244 = arith.constant 0 : index
    %get3A_245 = arith.constant 0 : index
    %get3A_246 = arith.constant 8192 : index
    %get3A_247 = vector.load %arg2[%get3A_244, %get3A_245, %get3A_246] : memref<1x1x24576xf32, #tpu.memory_space<vmem>>, vector<1x1x2048xf32>
    %get3A_248 = vector.shape_cast %get3A_247 : vector<1x1x2048xf32> to vector<1x2048xf32>
    %gt3A_249 = arith.constant 0.000000e+00 : f32
    %gt3A_250 = vector.broadcast %gt3A_249 : f32 to vector<1x2048xf32>
    %gt3A_251 = arith.cmpf ogt, %get3A_248, %gt3A_250 : vector<1x2048xf32>
    %get3A_252 = arith.constant 0 : index
    %get3A_253 = arith.constant 0 : index
    %get3A_254 = arith.constant 8192 : index
    %get3A_255 = vector.load %arg1[%get3A_252, %get3A_253, %get3A_254] : memref<1x21x24576xf32, #tpu.memory_space<vmem>>, vector<1x21x2048xf32>
    %get3A_256 = vector.shape_cast %get3A_255 : vector<1x21x2048xf32> to vector<21x2048xf32>
    %reduce_max3A_257 = arith.constant dense<0xFF800000> : vector<2048xf32>
    %reduce_max3A_258 = vector.multi_reduction <maximumf>, %get3A_256, %reduce_max3A_257 [0] : vector<21x2048xf32> to vector<2048xf32>
    %broadcast_in_dim3A_259 = vector.shape_cast %reduce_max3A_258 : vector<2048xf32> to vector<1x2048xf32>
    %sub3A_260 = vector.broadcast %broadcast_in_dim3A_259 : vector<1x2048xf32> to vector<21x2048xf32>
    %sub3A_261 = arith.subf %get3A_256, %sub3A_260 : vector<21x2048xf32>
    %exp3A_262 = math.exp %sub3A_261 : vector<21x2048xf32>
    %reduce_sum3A_263 = arith.constant dense<0.000000e+00> : vector<2048xf32>
    %reduce_sum3A_264 = vector.multi_reduction <add>, %exp3A_262, %reduce_sum3A_263 [0] : vector<21x2048xf32> to vector<2048xf32>
    %broadcast_in_dim3A_265 = vector.shape_cast %reduce_sum3A_264 : vector<2048xf32> to vector<1x2048xf32>
    %log3A_266 = math.log %broadcast_in_dim3A_265 : vector<1x2048xf32>
    %add3A_267 = arith.addf %log3A_266, %broadcast_in_dim3A_259 : vector<1x2048xf32>
    %eq3A_268 = vector.broadcast %convert_element_type3A : vector<21x1xf32> to vector<21x2048xf32>
    %eq3A_269 = vector.broadcast %get3A_248 : vector<1x2048xf32> to vector<21x2048xf32>
    %eq3A_270 = arith.cmpf oeq, %eq3A_268, %eq3A_269 : vector<21x2048xf32>
    %jit3A_271 = arith.constant 0.000000e+00 : f32
    %broadcast_in_dim3A_272 = vector.broadcast %jit3A_271 : f32 to vector<21x2048xf32>
    %select_n3A_273 = arith.select %eq3A_270, %get3A_256, %broadcast_in_dim3A_272 : vector<21x2048xi1>, vector<21x2048xf32>
    %reduce_sum3A_274 = arith.constant dense<0.000000e+00> : vector<2048xf32>
    %reduce_sum3A_275 = vector.multi_reduction <add>, %select_n3A_273, %reduce_sum3A_274 [0] : vector<21x2048xf32> to vector<2048xf32>
    %broadcast_in_dim3A_276 = vector.shape_cast %reduce_sum3A_275 : vector<2048xf32> to vector<1x2048xf32>
    %sub3A_277 = arith.subf %add3A_267, %broadcast_in_dim3A_276 : vector<1x2048xf32>
    %jit3A_278 = arith.constant 0.000000e+00 : f32
    %broadcast_in_dim3A_279 = vector.broadcast %jit3A_278 : f32 to vector<1x2048xf32>
    %select_n3A_280 = arith.select %gt3A_251, %broadcast_in_dim3A_279, %sub3A_277 : vector<1x2048xi1>, vector<1x2048xf32>
    %lt3A_281 = arith.constant 2.453200e+04 : f32
    %lt3A_282 = vector.broadcast %lt3A_281 : f32 to vector<1x2048xf32>
    %lt3A_283 = arith.cmpf olt, %add3A_243, %lt3A_282 : vector<1x2048xf32>
    %jit3A_284 = arith.constant 0.000000e+00 : f32
    %broadcast_in_dim3A_285 = vector.broadcast %jit3A_284 : f32 to vector<1x2048xf32>
    %select_n3A_286 = arith.select %lt3A_283, %select_n3A_280, %broadcast_in_dim3A_285 : vector<1x2048xi1>, vector<1x2048xf32>
    %swap3A_287 = arith.constant 0 : index
    %swap3A_288 = arith.constant 0 : index
    %swap3A_289 = arith.constant 8192 : index
    %swap3A_290 = vector.load %arg3[%swap3A_287, %swap3A_288, %swap3A_289] : memref<1x1x24576xf32, #tpu.memory_space<vmem>>, vector<1x1x2048xf32>
    %swap3A_291 = vector.shape_cast %swap3A_290 : vector<1x1x2048xf32> to vector<1x2048xf32>
    %swap3A_292 = vector.shape_cast %select_n3A_286 : vector<1x2048xf32> to vector<1x1x2048xf32>
    tpu.vector_store %arg3[%swap3A_287, %swap3A_288, %swap3A_289], %swap3A_292 {strides = array<i32>} : memref<1x1x24576xf32, #tpu.memory_space<vmem>>, vector<1x1x2048xf32>,
    %jit3A_293 = arith.constant 0.000000e+00 : f32
    %broadcast_in_dim3A_294 = vector.broadcast %jit3A_293 : f32 to vector<1x2048xf32>
    %select_n3A_295 = arith.select %gt3A_251, %sub3A_277, %broadcast_in_dim3A_294 : vector<1x2048xi1>, vector<1x2048xf32>
    %reduce_sum3A_296 = vector.shape_cast %select_n3A_295 : vector<1x2048xf32> to vector<1x1x2048xf32>
    %reduce_sum3A_297 = arith.constant dense<0.000000e+00> : vector<1xf32>
    %reduce_sum3A_298 = vector.multi_reduction <add>, %reduce_sum3A_296, %reduce_sum3A_297 [1, 2] : vector<1x1x2048xf32> to vector<1xf32>
    %reduce_sum3A_299 = vector.shape_cast %reduce_sum3A_298 : vector<1xf32> to vector<1x1x1xf32>
    %reduce_sum3A_300 = vector.extract %reduce_sum3A_299[0, 0, 0] : f32 from vector<1x1x1xf32>
    %add3A_301 = arith.addf %add3A_238, %reduce_sum3A_300 : f32
    %iota3A_302 = tpu.iota {dimensions = array<i32: 1>} : vector<1x2048xi32>
    %convert_element_type3A_303 = arith.sitofp %iota3A_302 : vector<1x2048xi32> to vector<1x2048xf32>
    %add3A_304 = arith.constant 1.024000e+04 : f32
    %add3A_305 = vector.broadcast %add3A_304 : f32 to vector<1x2048xf32>
    %add3A_306 = arith.addf %convert_element_type3A_303, %add3A_305 : vector<1x2048xf32>
    %get3A_307 = arith.constant 0 : index
    %get3A_308 = arith.constant 0 : index
    %get3A_309 = arith.constant 10240 : index
    %get3A_310 = vector.load %arg2[%get3A_307, %get3A_308, %get3A_309] : memref<1x1x24576xf32, #tpu.memory_space<vmem>>, vector<1x1x2048xf32>
    %get3A_311 = vector.shape_cast %get3A_310 : vector<1x1x2048xf32> to vector<1x2048xf32>
    %gt3A_312 = arith.constant 0.000000e+00 : f32
    %gt3A_313 = vector.broadcast %gt3A_312 : f32 to vector<1x2048xf32>
    %gt3A_314 = arith.cmpf ogt, %get3A_311, %gt3A_313 : vector<1x2048xf32>
    %get3A_315 = arith.constant 0 : index
    %get3A_316 = arith.constant 0 : index
    %get3A_317 = arith.constant 10240 : index
    %get3A_318 = vector.load %arg1[%get3A_315, %get3A_316, %get3A_317] : memref<1x21x24576xf32, #tpu.memory_space<vmem>>, vector<1x21x2048xf32>
    %get3A_319 = vector.shape_cast %get3A_318 : vector<1x21x2048xf32> to vector<21x2048xf32>
    %reduce_max3A_320 = arith.constant dense<0xFF800000> : vector<2048xf32>
    %reduce_max3A_321 = vector.multi_reduction <maximumf>, %get3A_319, %reduce_max3A_320 [0] : vector<21x2048xf32> to vector<2048xf32>
    %broadcast_in_dim3A_322 = vector.shape_cast %reduce_max3A_321 : vector<2048xf32> to vector<1x2048xf32>
    %sub3A_323 = vector.broadcast %broadcast_in_dim3A_322 : vector<1x2048xf32> to vector<21x2048xf32>
    %sub3A_324 = arith.subf %get3A_319, %sub3A_323 : vector<21x2048xf32>
    %exp3A_325 = math.exp %sub3A_324 : vector<21x2048xf32>
    %reduce_sum3A_326 = arith.constant dense<0.000000e+00> : vector<2048xf32>
    %reduce_sum3A_327 = vector.multi_reduction <add>, %exp3A_325, %reduce_sum3A_326 [0] : vector<21x2048xf32> to vector<2048xf32>
    %broadcast_in_dim3A_328 = vector.shape_cast %reduce_sum3A_327 : vector<2048xf32> to vector<1x2048xf32>
    %log3A_329 = math.log %broadcast_in_dim3A_328 : vector<1x2048xf32>
    %add3A_330 = arith.addf %log3A_329, %broadcast_in_dim3A_322 : vector<1x2048xf32>
    %eq3A_331 = vector.broadcast %convert_element_type3A : vector<21x1xf32> to vector<21x2048xf32>
    %eq3A_332 = vector.broadcast %get3A_311 : vector<1x2048xf32> to vector<21x2048xf32>
    %eq3A_333 = arith.cmpf oeq, %eq3A_331, %eq3A_332 : vector<21x2048xf32>
    %jit3A_334 = arith.constant 0.000000e+00 : f32
    %broadcast_in_dim3A_335 = vector.broadcast %jit3A_334 : f32 to vector<21x2048xf32>
    %select_n3A_336 = arith.select %eq3A_333, %get3A_319, %broadcast_in_dim3A_335 : vector<21x2048xi1>, vector<21x2048xf32>
    %reduce_sum3A_337 = arith.constant dense<0.000000e+00> : vector<2048xf32>
    %reduce_sum3A_338 = vector.multi_reduction <add>, %select_n3A_336, %reduce_sum3A_337 [0] : vector<21x2048xf32> to vector<2048xf32>
    %broadcast_in_dim3A_339 = vector.shape_cast %reduce_sum3A_338 : vector<2048xf32> to vector<1x2048xf32>
    %sub3A_340 = arith.subf %add3A_330, %broadcast_in_dim3A_339 : vector<1x2048xf32>
    %jit3A_341 = arith.constant 0.000000e+00 : f32
    %broadcast_in_dim3A_342 = vector.broadcast %jit3A_341 : f32 to vector<1x2048xf32>
    %select_n3A_343 = arith.select %gt3A_314, %broadcast_in_dim3A_342, %sub3A_340 : vector<1x2048xi1>, vector<1x2048xf32>
    %lt3A_344 = arith.constant 2.453200e+04 : f32
    %lt3A_345 = vector.broadcast %lt3A_344 : f32 to vector<1x2048xf32>
    %lt3A_346 = arith.cmpf olt, %add3A_306, %lt3A_345 : vector<1x2048xf32>
    %jit3A_347 = arith.constant 0.000000e+00 : f32
    %broadcast_in_dim3A_348 = vector.broadcast %jit3A_347 : f32 to vector<1x2048xf32>
    %select_n3A_349 = arith.select %lt3A_346, %select_n3A_343, %broadcast_in_dim3A_348 : vector<1x2048xi1>, vector<1x2048xf32>
    %swap3A_350 = arith.constant 0 : index
    %swap3A_351 = arith.constant 0 : index
    %swap3A_352 = arith.constant 10240 : index
    %swap3A_353 = vector.load %arg3[%swap3A_350, %swap3A_351, %swap3A_352] : memref<1x1x24576xf32, #tpu.memory_space<vmem>>, vector<1x1x2048xf32>
    %swap3A_354 = vector.shape_cast %swap3A_353 : vector<1x1x2048xf32> to vector<1x2048xf32>
    %swap3A_355 = vector.shape_cast %select_n3A_349 : vector<1x2048xf32> to vector<1x1x2048xf32>
    tpu.vector_store %arg3[%swap3A_350, %swap3A_351, %swap3A_352], %swap3A_355 {strides = array<i32>} : memref<1x1x24576xf32, #tpu.memory_space<vmem>>, vector<1x1x2048xf32>,
    %jit3A_356 = arith.constant 0.000000e+00 : f32
    %broadcast_in_dim3A_357 = vector.broadcast %jit3A_356 : f32 to vector<1x2048xf32>
    %select_n3A_358 = arith.select %gt3A_314, %sub3A_340, %broadcast_in_dim3A_357 : vector<1x2048xi1>, vector<1x2048xf32>
    %reduce_sum3A_359 = vector.shape_cast %select_n3A_358 : vector<1x2048xf32> to vector<1x1x2048xf32>
    %reduce_sum3A_360 = arith.constant dense<0.000000e+00> : vector<1xf32>
    %reduce_sum3A_361 = vector.multi_reduction <add>, %reduce_sum3A_359, %reduce_sum3A_360 [1, 2] : vector<1x1x2048xf32> to vector<1xf32>
    %reduce_sum3A_362 = vector.shape_cast %reduce_sum3A_361 : vector<1xf32> to vector<1x1x1xf32>
    %reduce_sum3A_363 = vector.extract %reduce_sum3A_362[0, 0, 0] : f32 from vector<1x1x1xf32>
    %add3A_364 = arith.addf %add3A_301, %reduce_sum3A_363 : f32
    %iota3A_365 = tpu.iota {dimensions = array<i32: 1>} : vector<1x2048xi32>
    %convert_element_type3A_366 = arith.sitofp %iota3A_365 : vector<1x2048xi32> to vector<1x2048xf32>
    %add3A_367 = arith.constant 1.228800e+04 : f32
    %add3A_368 = vector.broadcast %add3A_367 : f32 to vector<1x2048xf32>
    %add3A_369 = arith.addf %convert_element_type3A_366, %add3A_368 : vector<1x2048xf32>
    %get3A_370 = arith.constant 0 : index
    %get3A_371 = arith.constant 0 : index
    %get3A_372 = arith.constant 12288 : index
    %get3A_373 = vector.load %arg2[%get3A_370, %get3A_371, %get3A_372] : memref<1x1x24576xf32, #tpu.memory_space<vmem>>, vector<1x1x2048xf32>
    %get3A_374 = vector.shape_cast %get3A_373 : vector<1x1x2048xf32> to vector<1x2048xf32>
    %gt3A_375 = arith.constant 0.000000e+00 : f32
    %gt3A_376 = vector.broadcast %gt3A_375 : f32 to vector<1x2048xf32>
    %gt3A_377 = arith.cmpf ogt, %get3A_374, %gt3A_376 : vector<1x2048xf32>
    %get3A_378 = arith.constant 0 : index
    %get3A_379 = arith.constant 0 : index
    %get3A_380 = arith.constant 12288 : index
    %get3A_381 = vector.load %arg1[%get3A_378, %get3A_379, %get3A_380] : memref<1x21x24576xf32, #tpu.memory_space<vmem>>, vector<1x21x2048xf32>
    %get3A_382 = vector.shape_cast %get3A_381 : vector<1x21x2048xf32> to vector<21x2048xf32>
    %reduce_max3A_383 = arith.constant dense<0xFF800000> : vector<2048xf32>
    %reduce_max3A_384 = vector.multi_reduction <maximumf>, %get3A_382, %reduce_max3A_383 [0] : vector<21x2048xf32> to vector<2048xf32>
    %broadcast_in_dim3A_385 = vector.shape_cast %reduce_max3A_384 : vector<2048xf32> to vector<1x2048xf32>
    %sub3A_386 = vector.broadcast %broadcast_in_dim3A_385 : vector<1x2048xf32> to vector<21x2048xf32>
    %sub3A_387 = arith.subf %get3A_382, %sub3A_386 : vector<21x2048xf32>
    %exp3A_388 = math.exp %sub3A_387 : vector<21x2048xf32>
    %reduce_sum3A_389 = arith.constant dense<0.000000e+00> : vector<2048xf32>
    %reduce_sum3A_390 = vector.multi_reduction <add>, %exp3A_388, %reduce_sum3A_389 [0] : vector<21x2048xf32> to vector<2048xf32>
    %broadcast_in_dim3A_391 = vector.shape_cast %reduce_sum3A_390 : vector<2048xf32> to vector<1x2048xf32>
    %log3A_392 = math.log %broadcast_in_dim3A_391 : vector<1x2048xf32>
    %add3A_393 = arith.addf %log3A_392, %broadcast_in_dim3A_385 : vector<1x2048xf32>
    %eq3A_394 = vector.broadcast %convert_element_type3A : vector<21x1xf32> to vector<21x2048xf32>
    %eq3A_395 = vector.broadcast %get3A_374 : vector<1x2048xf32> to vector<21x2048xf32>
    %eq3A_396 = arith.cmpf oeq, %eq3A_394, %eq3A_395 : vector<21x2048xf32>
    %jit3A_397 = arith.constant 0.000000e+00 : f32
    %broadcast_in_dim3A_398 = vector.broadcast %jit3A_397 : f32 to vector<21x2048xf32>
    %select_n3A_399 = arith.select %eq3A_396, %get3A_382, %broadcast_in_dim3A_398 : vector<21x2048xi1>, vector<21x2048xf32>
    %reduce_sum3A_400 = arith.constant dense<0.000000e+00> : vector<2048xf32>
    %reduce_sum3A_401 = vector.multi_reduction <add>, %select_n3A_399, %reduce_sum3A_400 [0] : vector<21x2048xf32> to vector<2048xf32>
    %broadcast_in_dim3A_402 = vector.shape_cast %reduce_sum3A_401 : vector<2048xf32> to vector<1x2048xf32>
    %sub3A_403 = arith.subf %add3A_393, %broadcast_in_dim3A_402 : vector<1x2048xf32>
    %jit3A_404 = arith.constant 0.000000e+00 : f32
    %broadcast_in_dim3A_405 = vector.broadcast %jit3A_404 : f32 to vector<1x2048xf32>
    %select_n3A_406 = arith.select %gt3A_377, %broadcast_in_dim3A_405, %sub3A_403 : vector<1x2048xi1>, vector<1x2048xf32>
    %lt3A_407 = arith.constant 2.453200e+04 : f32
    %lt3A_408 = vector.broadcast %lt3A_407 : f32 to vector<1x2048xf32>
    %lt3A_409 = arith.cmpf olt, %add3A_369, %lt3A_408 : vector<1x2048xf32>
    %jit3A_410 = arith.constant 0.000000e+00 : f32
    %broadcast_in_dim3A_411 = vector.broadcast %jit3A_410 : f32 to vector<1x2048xf32>
    %select_n3A_412 = arith.select %lt3A_409, %select_n3A_406, %broadcast_in_dim3A_411 : vector<1x2048xi1>, vector<1x2048xf32>
    %swap3A_413 = arith.constant 0 : index
    %swap3A_414 = arith.constant 0 : index
    %swap3A_415 = arith.constant 12288 : index
    %swap3A_416 = vector.load %arg3[%swap3A_413, %swap3A_414, %swap3A_415] : memref<1x1x24576xf32, #tpu.memory_space<vmem>>, vector<1x1x2048xf32>
    %swap3A_417 = vector.shape_cast %swap3A_416 : vector<1x1x2048xf32> to vector<1x2048xf32>
    %swap3A_418 = vector.shape_cast %select_n3A_412 : vector<1x2048xf32> to vector<1x1x2048xf32>
    tpu.vector_store %arg3[%swap3A_413, %swap3A_414, %swap3A_415], %swap3A_418 {strides = array<i32>} : memref<1x1x24576xf32, #tpu.memory_space<vmem>>, vector<1x1x2048xf32>,
    %jit3A_419 = arith.constant 0.000000e+00 : f32
    %broadcast_in_dim3A_420 = vector.broadcast %jit3A_419 : f32 to vector<1x2048xf32>
    %select_n3A_421 = arith.select %gt3A_377, %sub3A_403, %broadcast_in_dim3A_420 : vector<1x2048xi1>, vector<1x2048xf32>
    %reduce_sum3A_422 = vector.shape_cast %select_n3A_421 : vector<1x2048xf32> to vector<1x1x2048xf32>
    %reduce_sum3A_423 = arith.constant dense<0.000000e+00> : vector<1xf32>
    %reduce_sum3A_424 = vector.multi_reduction <add>, %reduce_sum3A_422, %reduce_sum3A_423 [1, 2] : vector<1x1x2048xf32> to vector<1xf32>
    %reduce_sum3A_425 = vector.shape_cast %reduce_sum3A_424 : vector<1xf32> to vector<1x1x1xf32>
    %reduce_sum3A_426 = vector.extract %reduce_sum3A_425[0, 0, 0] : f32 from vector<1x1x1xf32>
    %add3A_427 = arith.addf %add3A_364, %reduce_sum3A_426 : f32
    %iota3A_428 = tpu.iota {dimensions = array<i32: 1>} : vector<1x2048xi32>
    %convert_element_type3A_429 = arith.sitofp %iota3A_428 : vector<1x2048xi32> to vector<1x2048xf32>
    %add3A_430 = arith.constant 1.433600e+04 : f32
    %add3A_431 = vector.broadcast %add3A_430 : f32 to vector<1x2048xf32>
    %add3A_432 = arith.addf %convert_element_type3A_429, %add3A_431 : vector<1x2048xf32>
    %get3A_433 = arith.constant 0 : index
    %get3A_434 = arith.constant 0 : index
    %get3A_435 = arith.constant 14336 : index
    %get3A_436 = vector.load %arg2[%get3A_433, %get3A_434, %get3A_435] : memref<1x1x24576xf32, #tpu.memory_space<vmem>>, vector<1x1x2048xf32>
    %get3A_437 = vector.shape_cast %get3A_436 : vector<1x1x2048xf32> to vector<1x2048xf32>
    %gt3A_438 = arith.constant 0.000000e+00 : f32
    %gt3A_439 = vector.broadcast %gt3A_438 : f32 to vector<1x2048xf32>
    %gt3A_440 = arith.cmpf ogt, %get3A_437, %gt3A_439 : vector<1x2048xf32>
    %get3A_441 = arith.constant 0 : index
    %get3A_442 = arith.constant 0 : index
    %get3A_443 = arith.constant 14336 : index
    %get3A_444 = vector.load %arg1[%get3A_441, %get3A_442, %get3A_443] : memref<1x21x24576xf32, #tpu.memory_space<vmem>>, vector<1x21x2048xf32>
    %get3A_445 = vector.shape_cast %get3A_444 : vector<1x21x2048xf32> to vector<21x2048xf32>
    %reduce_max3A_446 = arith.constant dense<0xFF800000> : vector<2048xf32>
    %reduce_max3A_447 = vector.multi_reduction <maximumf>, %get3A_445, %reduce_max3A_446 [0] : vector<21x2048xf32> to vector<2048xf32>
    %broadcast_in_dim3A_448 = vector.shape_cast %reduce_max3A_447 : vector<2048xf32> to vector<1x2048xf32>
    %sub3A_449 = vector.broadcast %broadcast_in_dim3A_448 : vector<1x2048xf32> to vector<21x2048xf32>
    %sub3A_450 = arith.subf %get3A_445, %sub3A_449 : vector<21x2048xf32>
    %exp3A_451 = math.exp %sub3A_450 : vector<21x2048xf32>
    %reduce_sum3A_452 = arith.constant dense<0.000000e+00> : vector<2048xf32>
    %reduce_sum3A_453 = vector.multi_reduction <add>, %exp3A_451, %reduce_sum3A_452 [0] : vector<21x2048xf32> to vector<2048xf32>
    %broadcast_in_dim3A_454 = vector.shape_cast %reduce_sum3A_453 : vector<2048xf32> to vector<1x2048xf32>
    %log3A_455 = math.log %broadcast_in_dim3A_454 : vector<1x2048xf32>
    %add3A_456 = arith.addf %log3A_455, %broadcast_in_dim3A_448 : vector<1x2048xf32>
    %eq3A_457 = vector.broadcast %convert_element_type3A : vector<21x1xf32> to vector<21x2048xf32>
    %eq3A_458 = vector.broadcast %get3A_437 : vector<1x2048xf32> to vector<21x2048xf32>
    %eq3A_459 = arith.cmpf oeq, %eq3A_457, %eq3A_458 : vector<21x2048xf32>
    %jit3A_460 = arith.constant 0.000000e+00 : f32
    %broadcast_in_dim3A_461 = vector.broadcast %jit3A_460 : f32 to vector<21x2048xf32>
    %select_n3A_462 = arith.select %eq3A_459, %get3A_445, %broadcast_in_dim3A_461 : vector<21x2048xi1>, vector<21x2048xf32>
    %reduce_sum3A_463 = arith.constant dense<0.000000e+00> : vector<2048xf32>
    %reduce_sum3A_464 = vector.multi_reduction <add>, %select_n3A_462, %reduce_sum3A_463 [0] : vector<21x2048xf32> to vector<2048xf32>
    %broadcast_in_dim3A_465 = vector.shape_cast %reduce_sum3A_464 : vector<2048xf32> to vector<1x2048xf32>
    %sub3A_466 = arith.subf %add3A_456, %broadcast_in_dim3A_465 : vector<1x2048xf32>
    %jit3A_467 = arith.constant 0.000000e+00 : f32
    %broadcast_in_dim3A_468 = vector.broadcast %jit3A_467 : f32 to vector<1x2048xf32>
    %select_n3A_469 = arith.select %gt3A_440, %broadcast_in_dim3A_468, %sub3A_466 : vector<1x2048xi1>, vector<1x2048xf32>
    %lt3A_470 = arith.constant 2.453200e+04 : f32
    %lt3A_471 = vector.broadcast %lt3A_470 : f32 to vector<1x2048xf32>
    %lt3A_472 = arith.cmpf olt, %add3A_432, %lt3A_471 : vector<1x2048xf32>
    %jit3A_473 = arith.constant 0.000000e+00 : f32
    %broadcast_in_dim3A_474 = vector.broadcast %jit3A_473 : f32 to vector<1x2048xf32>
    %select_n3A_475 = arith.select %lt3A_472, %select_n3A_469, %broadcast_in_dim3A_474 : vector<1x2048xi1>, vector<1x2048xf32>
    %swap3A_476 = arith.constant 0 : index
    %swap3A_477 = arith.constant 0 : index
    %swap3A_478 = arith.constant 14336 : index
    %swap3A_479 = vector.load %arg3[%swap3A_476, %swap3A_477, %swap3A_478] : memref<1x1x24576xf32, #tpu.memory_space<vmem>>, vector<1x1x2048xf32>
    %swap3A_480 = vector.shape_cast %swap3A_479 : vector<1x1x2048xf32> to vector<1x2048xf32>
    %swap3A_481 = vector.shape_cast %select_n3A_475 : vector<1x2048xf32> to vector<1x1x2048xf32>
    tpu.vector_store %arg3[%swap3A_476, %swap3A_477, %swap3A_478], %swap3A_481 {strides = array<i32>} : memref<1x1x24576xf32, #tpu.memory_space<vmem>>, vector<1x1x2048xf32>,
    %jit3A_482 = arith.constant 0.000000e+00 : f32
    %broadcast_in_dim3A_483 = vector.broadcast %jit3A_482 : f32 to vector<1x2048xf32>
    %select_n3A_484 = arith.select %gt3A_440, %sub3A_466, %broadcast_in_dim3A_483 : vector<1x2048xi1>, vector<1x2048xf32>
    %reduce_sum3A_485 = vector.shape_cast %select_n3A_484 : vector<1x2048xf32> to vector<1x1x2048xf32>
    %reduce_sum3A_486 = arith.constant dense<0.000000e+00> : vector<1xf32>
    %reduce_sum3A_487 = vector.multi_reduction <add>, %reduce_sum3A_485, %reduce_sum3A_486 [1, 2] : vector<1x1x2048xf32> to vector<1xf32>
    %reduce_sum3A_488 = vector.shape_cast %reduce_sum3A_487 : vector<1xf32> to vector<1x1x1xf32>
    %reduce_sum3A_489 = vector.extract %reduce_sum3A_488[0, 0, 0] : f32 from vector<1x1x1xf32>
    %add3A_490 = arith.addf %add3A_427, %reduce_sum3A_489 : f32
    %iota3A_491 = tpu.iota {dimensions = array<i32: 1>} : vector<1x2048xi32>
    %convert_element_type3A_492 = arith.sitofp %iota3A_491 : vector<1x2048xi32> to vector<1x2048xf32>
    %add3A_493 = arith.constant 1.638400e+04 : f32
    %add3A_494 = vector.broadcast %add3A_493 : f32 to vector<1x2048xf32>
    %add3A_495 = arith.addf %convert_element_type3A_492, %add3A_494 : vector<1x2048xf32>
    %get3A_496 = arith.constant 0 : index
    %get3A_497 = arith.constant 0 : index
    %get3A_498 = arith.constant 16384 : index
    %get3A_499 = vector.load %arg2[%get3A_496, %get3A_497, %get3A_498] : memref<1x1x24576xf32, #tpu.memory_space<vmem>>, vector<1x1x2048xf32>
    %get3A_500 = vector.shape_cast %get3A_499 : vector<1x1x2048xf32> to vector<1x2048xf32>
    %gt3A_501 = arith.constant 0.000000e+00 : f32
    %gt3A_502 = vector.broadcast %gt3A_501 : f32 to vector<1x2048xf32>
    %gt3A_503 = arith.cmpf ogt, %get3A_500, %gt3A_502 : vector<1x2048xf32>
    %get3A_504 = arith.constant 0 : index
    %get3A_505 = arith.constant 0 : index
    %get3A_506 = arith.constant 16384 : index
    %get3A_507 = vector.load %arg1[%get3A_504, %get3A_505, %get3A_506] : memref<1x21x24576xf32, #tpu.memory_space<vmem>>, vector<1x21x2048xf32>
    %get3A_508 = vector.shape_cast %get3A_507 : vector<1x21x2048xf32> to vector<21x2048xf32>
    %reduce_max3A_509 = arith.constant dense<0xFF800000> : vector<2048xf32>
    %reduce_max3A_510 = vector.multi_reduction <maximumf>, %get3A_508, %reduce_max3A_509 [0] : vector<21x2048xf32> to vector<2048xf32>
    %broadcast_in_dim3A_511 = vector.shape_cast %reduce_max3A_510 : vector<2048xf32> to vector<1x2048xf32>
    %sub3A_512 = vector.broadcast %broadcast_in_dim3A_511 : vector<1x2048xf32> to vector<21x2048xf32>
    %sub3A_513 = arith.subf %get3A_508, %sub3A_512 : vector<21x2048xf32>
    %exp3A_514 = math.exp %sub3A_513 : vector<21x2048xf32>
    %reduce_sum3A_515 = arith.constant dense<0.000000e+00> : vector<2048xf32>
    %reduce_sum3A_516 = vector.multi_reduction <add>, %exp3A_514, %reduce_sum3A_515 [0] : vector<21x2048xf32> to vector<2048xf32>
    %broadcast_in_dim3A_517 = vector.shape_cast %reduce_sum3A_516 : vector<2048xf32> to vector<1x2048xf32>
    %log3A_518 = math.log %broadcast_in_dim3A_517 : vector<1x2048xf32>
    %add3A_519 = arith.addf %log3A_518, %broadcast_in_dim3A_511 : vector<1x2048xf32>
    %eq3A_520 = vector.broadcast %convert_element_type3A : vector<21x1xf32> to vector<21x2048xf32>
    %eq3A_521 = vector.broadcast %get3A_500 : vector<1x2048xf32> to vector<21x2048xf32>
    %eq3A_522 = arith.cmpf oeq, %eq3A_520, %eq3A_521 : vector<21x2048xf32>
    %jit3A_523 = arith.constant 0.000000e+00 : f32
    %broadcast_in_dim3A_524 = vector.broadcast %jit3A_523 : f32 to vector<21x2048xf32>
    %select_n3A_525 = arith.select %eq3A_522, %get3A_508, %broadcast_in_dim3A_524 : vector<21x2048xi1>, vector<21x2048xf32>
    %reduce_sum3A_526 = arith.constant dense<0.000000e+00> : vector<2048xf32>
    %reduce_sum3A_527 = vector.multi_reduction <add>, %select_n3A_525, %reduce_sum3A_526 [0] : vector<21x2048xf32> to vector<2048xf32>
    %broadcast_in_dim3A_528 = vector.shape_cast %reduce_sum3A_527 : vector<2048xf32> to vector<1x2048xf32>
    %sub3A_529 = arith.subf %add3A_519, %broadcast_in_dim3A_528 : vector<1x2048xf32>
    %jit3A_530 = arith.constant 0.000000e+00 : f32
    %broadcast_in_dim3A_531 = vector.broadcast %jit3A_530 : f32 to vector<1x2048xf32>
    %select_n3A_532 = arith.select %gt3A_503, %broadcast_in_dim3A_531, %sub3A_529 : vector<1x2048xi1>, vector<1x2048xf32>
    %lt3A_533 = arith.constant 2.453200e+04 : f32
    %lt3A_534 = vector.broadcast %lt3A_533 : f32 to vector<1x2048xf32>
    %lt3A_535 = arith.cmpf olt, %add3A_495, %lt3A_534 : vector<1x2048xf32>
    %jit3A_536 = arith.constant 0.000000e+00 : f32
    %broadcast_in_dim3A_537 = vector.broadcast %jit3A_536 : f32 to vector<1x2048xf32>
    %select_n3A_538 = arith.select %lt3A_535, %select_n3A_532, %broadcast_in_dim3A_537 : vector<1x2048xi1>, vector<1x2048xf32>
    %swap3A_539 = arith.constant 0 : index
    %swap3A_540 = arith.constant 0 : index
    %swap3A_541 = arith.constant 16384 : index
    %swap3A_542 = vector.load %arg3[%swap3A_539, %swap3A_540, %swap3A_541] : memref<1x1x24576xf32, #tpu.memory_space<vmem>>, vector<1x1x2048xf32>
    %swap3A_543 = vector.shape_cast %swap3A_542 : vector<1x1x2048xf32> to vector<1x2048xf32>
    %swap3A_544 = vector.shape_cast %select_n3A_538 : vector<1x2048xf32> to vector<1x1x2048xf32>
    tpu.vector_store %arg3[%swap3A_539, %swap3A_540, %swap3A_541], %swap3A_544 {strides = array<i32>} : memref<1x1x24576xf32, #tpu.memory_space<vmem>>, vector<1x1x2048xf32>,
    %jit3A_545 = arith.constant 0.000000e+00 : f32
    %broadcast_in_dim3A_546 = vector.broadcast %jit3A_545 : f32 to vector<1x2048xf32>
    %select_n3A_547 = arith.select %gt3A_503, %sub3A_529, %broadcast_in_dim3A_546 : vector<1x2048xi1>, vector<1x2048xf32>
    %reduce_sum3A_548 = vector.shape_cast %select_n3A_547 : vector<1x2048xf32> to vector<1x1x2048xf32>
    %reduce_sum3A_549 = arith.constant dense<0.000000e+00> : vector<1xf32>
    %reduce_sum3A_550 = vector.multi_reduction <add>, %reduce_sum3A_548, %reduce_sum3A_549 [1, 2] : vector<1x1x2048xf32> to vector<1xf32>
    %reduce_sum3A_551 = vector.shape_cast %reduce_sum3A_550 : vector<1xf32> to vector<1x1x1xf32>
    %reduce_sum3A_552 = vector.extract %reduce_sum3A_551[0, 0, 0] : f32 from vector<1x1x1xf32>
    %add3A_553 = arith.addf %add3A_490, %reduce_sum3A_552 : f32
    %iota3A_554 = tpu.iota {dimensions = array<i32: 1>} : vector<1x2048xi32>
    %convert_element_type3A_555 = arith.sitofp %iota3A_554 : vector<1x2048xi32> to vector<1x2048xf32>
    %add3A_556 = arith.constant 1.843200e+04 : f32
    %add3A_557 = vector.broadcast %add3A_556 : f32 to vector<1x2048xf32>
    %add3A_558 = arith.addf %convert_element_type3A_555, %add3A_557 : vector<1x2048xf32>
    %get3A_559 = arith.constant 0 : index
    %get3A_560 = arith.constant 0 : index
    %get3A_561 = arith.constant 18432 : index
    %get3A_562 = vector.load %arg2[%get3A_559, %get3A_560, %get3A_561] : memref<1x1x24576xf32, #tpu.memory_space<vmem>>, vector<1x1x2048xf32>
    %get3A_563 = vector.shape_cast %get3A_562 : vector<1x1x2048xf32> to vector<1x2048xf32>
    %gt3A_564 = arith.constant 0.000000e+00 : f32
    %gt3A_565 = vector.broadcast %gt3A_564 : f32 to vector<1x2048xf32>
    %gt3A_566 = arith.cmpf ogt, %get3A_563, %gt3A_565 : vector<1x2048xf32>
    %get3A_567 = arith.constant 0 : index
    %get3A_568 = arith.constant 0 : index
    %get3A_569 = arith.constant 18432 : index
    %get3A_570 = vector.load %arg1[%get3A_567, %get3A_568, %get3A_569] : memref<1x21x24576xf32, #tpu.memory_space<vmem>>, vector<1x21x2048xf32>
    %get3A_571 = vector.shape_cast %get3A_570 : vector<1x21x2048xf32> to vector<21x2048xf32>
    %reduce_max3A_572 = arith.constant dense<0xFF800000> : vector<2048xf32>
    %reduce_max3A_573 = vector.multi_reduction <maximumf>, %get3A_571, %reduce_max3A_572 [0] : vector<21x2048xf32> to vector<2048xf32>
    %broadcast_in_dim3A_574 = vector.shape_cast %reduce_max3A_573 : vector<2048xf32> to vector<1x2048xf32>
    %sub3A_575 = vector.broadcast %broadcast_in_dim3A_574 : vector<1x2048xf32> to vector<21x2048xf32>
    %sub3A_576 = arith.subf %get3A_571, %sub3A_575 : vector<21x2048xf32>
    %exp3A_577 = math.exp %sub3A_576 : vector<21x2048xf32>
    %reduce_sum3A_578 = arith.constant dense<0.000000e+00> : vector<2048xf32>
    %reduce_sum3A_579 = vector.multi_reduction <add>, %exp3A_577, %reduce_sum3A_578 [0] : vector<21x2048xf32> to vector<2048xf32>
    %broadcast_in_dim3A_580 = vector.shape_cast %reduce_sum3A_579 : vector<2048xf32> to vector<1x2048xf32>
    %log3A_581 = math.log %broadcast_in_dim3A_580 : vector<1x2048xf32>
    %add3A_582 = arith.addf %log3A_581, %broadcast_in_dim3A_574 : vector<1x2048xf32>
    %eq3A_583 = vector.broadcast %convert_element_type3A : vector<21x1xf32> to vector<21x2048xf32>
    %eq3A_584 = vector.broadcast %get3A_563 : vector<1x2048xf32> to vector<21x2048xf32>
    %eq3A_585 = arith.cmpf oeq, %eq3A_583, %eq3A_584 : vector<21x2048xf32>
    %jit3A_586 = arith.constant 0.000000e+00 : f32
    %broadcast_in_dim3A_587 = vector.broadcast %jit3A_586 : f32 to vector<21x2048xf32>
    %select_n3A_588 = arith.select %eq3A_585, %get3A_571, %broadcast_in_dim3A_587 : vector<21x2048xi1>, vector<21x2048xf32>
    %reduce_sum3A_589 = arith.constant dense<0.000000e+00> : vector<2048xf32>
    %reduce_sum3A_590 = vector.multi_reduction <add>, %select_n3A_588, %reduce_sum3A_589 [0] : vector<21x2048xf32> to vector<2048xf32>
    %broadcast_in_dim3A_591 = vector.shape_cast %reduce_sum3A_590 : vector<2048xf32> to vector<1x2048xf32>
    %sub3A_592 = arith.subf %add3A_582, %broadcast_in_dim3A_591 : vector<1x2048xf32>
    %jit3A_593 = arith.constant 0.000000e+00 : f32
    %broadcast_in_dim3A_594 = vector.broadcast %jit3A_593 : f32 to vector<1x2048xf32>
    %select_n3A_595 = arith.select %gt3A_566, %broadcast_in_dim3A_594, %sub3A_592 : vector<1x2048xi1>, vector<1x2048xf32>
    %lt3A_596 = arith.constant 2.453200e+04 : f32
    %lt3A_597 = vector.broadcast %lt3A_596 : f32 to vector<1x2048xf32>
    %lt3A_598 = arith.cmpf olt, %add3A_558, %lt3A_597 : vector<1x2048xf32>
    %jit3A_599 = arith.constant 0.000000e+00 : f32
    %broadcast_in_dim3A_600 = vector.broadcast %jit3A_599 : f32 to vector<1x2048xf32>
    %select_n3A_601 = arith.select %lt3A_598, %select_n3A_595, %broadcast_in_dim3A_600 : vector<1x2048xi1>, vector<1x2048xf32>
    %swap3A_602 = arith.constant 0 : index
    %swap3A_603 = arith.constant 0 : index
    %swap3A_604 = arith.constant 18432 : index
    %swap3A_605 = vector.load %arg3[%swap3A_602, %swap3A_603, %swap3A_604] : memref<1x1x24576xf32, #tpu.memory_space<vmem>>, vector<1x1x2048xf32>
    %swap3A_606 = vector.shape_cast %swap3A_605 : vector<1x1x2048xf32> to vector<1x2048xf32>
    %swap3A_607 = vector.shape_cast %select_n3A_601 : vector<1x2048xf32> to vector<1x1x2048xf32>
    tpu.vector_store %arg3[%swap3A_602, %swap3A_603, %swap3A_604], %swap3A_607 {strides = array<i32>} : memref<1x1x24576xf32, #tpu.memory_space<vmem>>, vector<1x1x2048xf32>,
    %jit3A_608 = arith.constant 0.000000e+00 : f32
    %broadcast_in_dim3A_609 = vector.broadcast %jit3A_608 : f32 to vector<1x2048xf32>
    %select_n3A_610 = arith.select %gt3A_566, %sub3A_592, %broadcast_in_dim3A_609 : vector<1x2048xi1>, vector<1x2048xf32>
    %reduce_sum3A_611 = vector.shape_cast %select_n3A_610 : vector<1x2048xf32> to vector<1x1x2048xf32>
    %reduce_sum3A_612 = arith.constant dense<0.000000e+00> : vector<1xf32>
    %reduce_sum3A_613 = vector.multi_reduction <add>, %reduce_sum3A_611, %reduce_sum3A_612 [1, 2] : vector<1x1x2048xf32> to vector<1xf32>
    %reduce_sum3A_614 = vector.shape_cast %reduce_sum3A_613 : vector<1xf32> to vector<1x1x1xf32>
    %reduce_sum3A_615 = vector.extract %reduce_sum3A_614[0, 0, 0] : f32 from vector<1x1x1xf32>
    %add3A_616 = arith.addf %add3A_553, %reduce_sum3A_615 : f32
    %iota3A_617 = tpu.iota {dimensions = array<i32: 1>} : vector<1x2048xi32>
    %convert_element_type3A_618 = arith.sitofp %iota3A_617 : vector<1x2048xi32> to vector<1x2048xf32>
    %add3A_619 = arith.constant 2.048000e+04 : f32
    %add3A_620 = vector.broadcast %add3A_619 : f32 to vector<1x2048xf32>
    %add3A_621 = arith.addf %convert_element_type3A_618, %add3A_620 : vector<1x2048xf32>
    %get3A_622 = arith.constant 0 : index
    %get3A_623 = arith.constant 0 : index
    %get3A_624 = arith.constant 20480 : index
    %get3A_625 = vector.load %arg2[%get3A_622, %get3A_623, %get3A_624] : memref<1x1x24576xf32, #tpu.memory_space<vmem>>, vector<1x1x2048xf32>
    %get3A_626 = vector.shape_cast %get3A_625 : vector<1x1x2048xf32> to vector<1x2048xf32>
    %gt3A_627 = arith.constant 0.000000e+00 : f32
    %gt3A_628 = vector.broadcast %gt3A_627 : f32 to vector<1x2048xf32>
    %gt3A_629 = arith.cmpf ogt, %get3A_626, %gt3A_628 : vector<1x2048xf32>
    %get3A_630 = arith.constant 0 : index
    %get3A_631 = arith.constant 0 : index
    %get3A_632 = arith.constant 20480 : index
    %get3A_633 = vector.load %arg1[%get3A_630, %get3A_631, %get3A_632] : memref<1x21x24576xf32, #tpu.memory_space<vmem>>, vector<1x21x2048xf32>
    %get3A_634 = vector.shape_cast %get3A_633 : vector<1x21x2048xf32> to vector<21x2048xf32>
    %reduce_max3A_635 = arith.constant dense<0xFF800000> : vector<2048xf32>
    %reduce_max3A_636 = vector.multi_reduction <maximumf>, %get3A_634, %reduce_max3A_635 [0] : vector<21x2048xf32> to vector<2048xf32>
    %broadcast_in_dim3A_637 = vector.shape_cast %reduce_max3A_636 : vector<2048xf32> to vector<1x2048xf32>
    %sub3A_638 = vector.broadcast %broadcast_in_dim3A_637 : vector<1x2048xf32> to vector<21x2048xf32>
    %sub3A_639 = arith.subf %get3A_634, %sub3A_638 : vector<21x2048xf32>
    %exp3A_640 = math.exp %sub3A_639 : vector<21x2048xf32>
    %reduce_sum3A_641 = arith.constant dense<0.000000e+00> : vector<2048xf32>
    %reduce_sum3A_642 = vector.multi_reduction <add>, %exp3A_640, %reduce_sum3A_641 [0] : vector<21x2048xf32> to vector<2048xf32>
    %broadcast_in_dim3A_643 = vector.shape_cast %reduce_sum3A_642 : vector<2048xf32> to vector<1x2048xf32>
    %log3A_644 = math.log %broadcast_in_dim3A_643 : vector<1x2048xf32>
    %add3A_645 = arith.addf %log3A_644, %broadcast_in_dim3A_637 : vector<1x2048xf32>
    %eq3A_646 = vector.broadcast %convert_element_type3A : vector<21x1xf32> to vector<21x2048xf32>
    %eq3A_647 = vector.broadcast %get3A_626 : vector<1x2048xf32> to vector<21x2048xf32>
    %eq3A_648 = arith.cmpf oeq, %eq3A_646, %eq3A_647 : vector<21x2048xf32>
    %jit3A_649 = arith.constant 0.000000e+00 : f32
    %broadcast_in_dim3A_650 = vector.broadcast %jit3A_649 : f32 to vector<21x2048xf32>
    %select_n3A_651 = arith.select %eq3A_648, %get3A_634, %broadcast_in_dim3A_650 : vector<21x2048xi1>, vector<21x2048xf32>
    %reduce_sum3A_652 = arith.constant dense<0.000000e+00> : vector<2048xf32>
    %reduce_sum3A_653 = vector.multi_reduction <add>, %select_n3A_651, %reduce_sum3A_652 [0] : vector<21x2048xf32> to vector<2048xf32>
    %broadcast_in_dim3A_654 = vector.shape_cast %reduce_sum3A_653 : vector<2048xf32> to vector<1x2048xf32>
    %sub3A_655 = arith.subf %add3A_645, %broadcast_in_dim3A_654 : vector<1x2048xf32>
    %jit3A_656 = arith.constant 0.000000e+00 : f32
    %broadcast_in_dim3A_657 = vector.broadcast %jit3A_656 : f32 to vector<1x2048xf32>
    %select_n3A_658 = arith.select %gt3A_629, %broadcast_in_dim3A_657, %sub3A_655 : vector<1x2048xi1>, vector<1x2048xf32>
    %lt3A_659 = arith.constant 2.453200e+04 : f32
    %lt3A_660 = vector.broadcast %lt3A_659 : f32 to vector<1x2048xf32>
    %lt3A_661 = arith.cmpf olt, %add3A_621, %lt3A_660 : vector<1x2048xf32>
    %jit3A_662 = arith.constant 0.000000e+00 : f32
    %broadcast_in_dim3A_663 = vector.broadcast %jit3A_662 : f32 to vector<1x2048xf32>
    %select_n3A_664 = arith.select %lt3A_661, %select_n3A_658, %broadcast_in_dim3A_663 : vector<1x2048xi1>, vector<1x2048xf32>
    %swap3A_665 = arith.constant 0 : index
    %swap3A_666 = arith.constant 0 : index
    %swap3A_667 = arith.constant 20480 : index
    %swap3A_668 = vector.load %arg3[%swap3A_665, %swap3A_666, %swap3A_667] : memref<1x1x24576xf32, #tpu.memory_space<vmem>>, vector<1x1x2048xf32>
    %swap3A_669 = vector.shape_cast %swap3A_668 : vector<1x1x2048xf32> to vector<1x2048xf32>
    %swap3A_670 = vector.shape_cast %select_n3A_664 : vector<1x2048xf32> to vector<1x1x2048xf32>
    tpu.vector_store %arg3[%swap3A_665, %swap3A_666, %swap3A_667], %swap3A_670 {strides = array<i32>} : memref<1x1x24576xf32, #tpu.memory_space<vmem>>, vector<1x1x2048xf32>,
    %jit3A_671 = arith.constant 0.000000e+00 : f32
    %broadcast_in_dim3A_672 = vector.broadcast %jit3A_671 : f32 to vector<1x2048xf32>
    %select_n3A_673 = arith.select %gt3A_629, %sub3A_655, %broadcast_in_dim3A_672 : vector<1x2048xi1>, vector<1x2048xf32>
    %reduce_sum3A_674 = vector.shape_cast %select_n3A_673 : vector<1x2048xf32> to vector<1x1x2048xf32>
    %reduce_sum3A_675 = arith.constant dense<0.000000e+00> : vector<1xf32>
    %reduce_sum3A_676 = vector.multi_reduction <add>, %reduce_sum3A_674, %reduce_sum3A_675 [1, 2] : vector<1x1x2048xf32> to vector<1xf32>
    %reduce_sum3A_677 = vector.shape_cast %reduce_sum3A_676 : vector<1xf32> to vector<1x1x1xf32>
    %reduce_sum3A_678 = vector.extract %reduce_sum3A_677[0, 0, 0] : f32 from vector<1x1x1xf32>
    %add3A_679 = arith.addf %add3A_616, %reduce_sum3A_678 : f32
    %iota3A_680 = tpu.iota {dimensions = array<i32: 1>} : vector<1x2048xi32>
    %convert_element_type3A_681 = arith.sitofp %iota3A_680 : vector<1x2048xi32> to vector<1x2048xf32>
    %add3A_682 = arith.constant 2.252800e+04 : f32
    %add3A_683 = vector.broadcast %add3A_682 : f32 to vector<1x2048xf32>
    %add3A_684 = arith.addf %convert_element_type3A_681, %add3A_683 : vector<1x2048xf32>
    %get3A_685 = arith.constant 0 : index
    %get3A_686 = arith.constant 0 : index
    %get3A_687 = arith.constant 22528 : index
    %get3A_688 = vector.load %arg2[%get3A_685, %get3A_686, %get3A_687] : memref<1x1x24576xf32, #tpu.memory_space<vmem>>, vector<1x1x2048xf32>
    %get3A_689 = vector.shape_cast %get3A_688 : vector<1x1x2048xf32> to vector<1x2048xf32>
    %gt3A_690 = arith.constant 0.000000e+00 : f32
    %gt3A_691 = vector.broadcast %gt3A_690 : f32 to vector<1x2048xf32>
    %gt3A_692 = arith.cmpf ogt, %get3A_689, %gt3A_691 : vector<1x2048xf32>
    %get3A_693 = arith.constant 0 : index
    %get3A_694 = arith.constant 0 : index
    %get3A_695 = arith.constant 22528 : index
    %get3A_696 = vector.load %arg1[%get3A_693, %get3A_694, %get3A_695] : memref<1x21x24576xf32, #tpu.memory_space<vmem>>, vector<1x21x2048xf32>
    %get3A_697 = vector.shape_cast %get3A_696 : vector<1x21x2048xf32> to vector<21x2048xf32>
    %reduce_max3A_698 = arith.constant dense<0xFF800000> : vector<2048xf32>
    %reduce_max3A_699 = vector.multi_reduction <maximumf>, %get3A_697, %reduce_max3A_698 [0] : vector<21x2048xf32> to vector<2048xf32>
    %broadcast_in_dim3A_700 = vector.shape_cast %reduce_max3A_699 : vector<2048xf32> to vector<1x2048xf32>
    %sub3A_701 = vector.broadcast %broadcast_in_dim3A_700 : vector<1x2048xf32> to vector<21x2048xf32>
    %sub3A_702 = arith.subf %get3A_697, %sub3A_701 : vector<21x2048xf32>
    %exp3A_703 = math.exp %sub3A_702 : vector<21x2048xf32>
    %reduce_sum3A_704 = arith.constant dense<0.000000e+00> : vector<2048xf32>
    %reduce_sum3A_705 = vector.multi_reduction <add>, %exp3A_703, %reduce_sum3A_704 [0] : vector<21x2048xf32> to vector<2048xf32>
    %broadcast_in_dim3A_706 = vector.shape_cast %reduce_sum3A_705 : vector<2048xf32> to vector<1x2048xf32>
    %log3A_707 = math.log %broadcast_in_dim3A_706 : vector<1x2048xf32>
    %add3A_708 = arith.addf %log3A_707, %broadcast_in_dim3A_700 : vector<1x2048xf32>
    %eq3A_709 = vector.broadcast %convert_element_type3A : vector<21x1xf32> to vector<21x2048xf32>
    %eq3A_710 = vector.broadcast %get3A_689 : vector<1x2048xf32> to vector<21x2048xf32>
    %eq3A_711 = arith.cmpf oeq, %eq3A_709, %eq3A_710 : vector<21x2048xf32>
    %jit3A_712 = arith.constant 0.000000e+00 : f32
    %broadcast_in_dim3A_713 = vector.broadcast %jit3A_712 : f32 to vector<21x2048xf32>
    %select_n3A_714 = arith.select %eq3A_711, %get3A_697, %broadcast_in_dim3A_713 : vector<21x2048xi1>, vector<21x2048xf32>
    %reduce_sum3A_715 = arith.constant dense<0.000000e+00> : vector<2048xf32>
    %reduce_sum3A_716 = vector.multi_reduction <add>, %select_n3A_714, %reduce_sum3A_715 [0] : vector<21x2048xf32> to vector<2048xf32>
    %broadcast_in_dim3A_717 = vector.shape_cast %reduce_sum3A_716 : vector<2048xf32> to vector<1x2048xf32>
    %sub3A_718 = arith.subf %add3A_708, %broadcast_in_dim3A_717 : vector<1x2048xf32>
    %jit3A_719 = arith.constant 0.000000e+00 : f32
    %broadcast_in_dim3A_720 = vector.broadcast %jit3A_719 : f32 to vector<1x2048xf32>
    %select_n3A_721 = arith.select %gt3A_692, %broadcast_in_dim3A_720, %sub3A_718 : vector<1x2048xi1>, vector<1x2048xf32>
    %lt3A_722 = arith.constant 2.453200e+04 : f32
    %lt3A_723 = vector.broadcast %lt3A_722 : f32 to vector<1x2048xf32>
    %lt3A_724 = arith.cmpf olt, %add3A_684, %lt3A_723 : vector<1x2048xf32>
    %jit3A_725 = arith.constant 0.000000e+00 : f32
    %broadcast_in_dim3A_726 = vector.broadcast %jit3A_725 : f32 to vector<1x2048xf32>
    %select_n3A_727 = arith.select %lt3A_724, %select_n3A_721, %broadcast_in_dim3A_726 : vector<1x2048xi1>, vector<1x2048xf32>
    %swap3A_728 = arith.constant 0 : index
    %swap3A_729 = arith.constant 0 : index
    %swap3A_730 = arith.constant 22528 : index
    %swap3A_731 = vector.load %arg3[%swap3A_728, %swap3A_729, %swap3A_730] : memref<1x1x24576xf32, #tpu.memory_space<vmem>>, vector<1x1x2048xf32>
    %swap3A_732 = vector.shape_cast %swap3A_731 : vector<1x1x2048xf32> to vector<1x2048xf32>
    %swap3A_733 = vector.shape_cast %select_n3A_727 : vector<1x2048xf32> to vector<1x1x2048xf32>
    tpu.vector_store %arg3[%swap3A_728, %swap3A_729, %swap3A_730], %swap3A_733 {strides = array<i32>} : memref<1x1x24576xf32, #tpu.memory_space<vmem>>, vector<1x1x2048xf32>,
    %jit3A_734 = arith.constant 0.000000e+00 : f32
    %broadcast_in_dim3A_735 = vector.broadcast %jit3A_734 : f32 to vector<1x2048xf32>
    %select_n3A_736 = arith.select %gt3A_692, %sub3A_718, %broadcast_in_dim3A_735 : vector<1x2048xi1>, vector<1x2048xf32>
    %reduce_sum3A_737 = vector.shape_cast %select_n3A_736 : vector<1x2048xf32> to vector<1x1x2048xf32>
    %reduce_sum3A_738 = arith.constant dense<0.000000e+00> : vector<1xf32>
    %reduce_sum3A_739 = vector.multi_reduction <add>, %reduce_sum3A_737, %reduce_sum3A_738 [1, 2] : vector<1x1x2048xf32> to vector<1xf32>
    %reduce_sum3A_740 = vector.shape_cast %reduce_sum3A_739 : vector<1xf32> to vector<1x1x1xf32>
    %reduce_sum3A_741 = vector.extract %reduce_sum3A_740[0, 0, 0] : f32 from vector<1x1x1xf32>
    %add3A_742 = arith.addf %add3A_679, %reduce_sum3A_741 : f32
    %reshape3A = vector.broadcast %add3A_742 : f32 to vector<1x1x1xf32>
    %swap3A_743 = arith.constant 0 : index
    %swap3A_744 = arith.constant 0 : index
    %swap3A_745 = arith.constant 0 : index
    %swap3A_746 = vector.load %arg4[%swap3A_743, %swap3A_744, %swap3A_745] : memref<1x1x1xf32, #tpu.memory_space<vmem>>, vector<1x1x1xf32>
    tpu.vector_store %arg4[%swap3A_743, %swap3A_744, %swap3A_745], %reshape3A {strides = array<i32>} : memref<1x1x1xf32, #tpu.memory_space<vmem>>, vector<1x1x1xf32>,
    return
  }
  func.func @transform_0(%arg0: i32) -> (i32, i32, i32) {
    %c0_i32 = arith.constant 0 : i32
    %c0_i32_0 = arith.constant 0 : i32
    %c0_i32_1 = arith.constant 0 : i32
    return %arg0, %c0_i32, %c0_i32_0 : i32, i32, i32
  }
  func.func @transform_1(%arg0: i32) -> (i32, i32, i32) {
    %c0_i32 = arith.constant 0 : i32
    %c0_i32_0 = arith.constant 0 : i32
    %c0_i32_1 = arith.constant 0 : i32
    return %arg0, %c0_i32, %c0_i32_0 : i32, i32, i32
  }
  func.func @transform_2(%arg0: i32) -> (i32, i32, i32) {
    %c0_i32 = arith.constant 0 : i32
    %c0_i32_0 = arith.constant 0 : i32
    %c0_i32_1 = arith.constant 0 : i32
    return %arg0, %c0_i32, %c0_i32_0 : i32, i32, i32
  }
  func.func @transform_3(%arg0: i32) -> (i32, i32, i32) {
    %c0_i32 = arith.constant 0 : i32
    %c0_i32_0 = arith.constant 0 : i32
    %c0_i32_1 = arith.constant 0 : i32
    return %arg0, %c0_i32, %c0_i32_0 : i32, i32, i32
  }
}

module attributes {stable_mosaic.version = 14 : i64} {
  func.func @_stage3_body(%arg0: memref<32x1x1xf32, #tpu.memory_space<vmem>>, %arg1: memref<32x1x1xf32, #tpu.memory_space<vmem>>, %arg2: memref<32x1x1xf32, #tpu.memory_space<vmem>>, %arg3: memref<32x16xf32, #tpu.memory_space<vmem>>, %arg4: memref<1x1xf32, #tpu.memory_space<vmem>>, %arg5: memref<1x1xf32, #tpu.memory_space<vmem>>) attributes {dimension_semantics = [], scalar_prefetch = 0 : i64, scratch_operands = 0 : i64, tpu.core_type = #tpu.core_type<tc>} {
    %get3A = arith.constant 0 : index
    %get3A_0 = arith.constant 0 : index
    %get3A_1 = arith.constant 0 : index
    %get3A_2 = vector.load %arg1[%get3A, %get3A_0, %get3A_1] : memref<32x1x1xf32, #tpu.memory_space<vmem>>, vector<32x1x1xf32>
    %reduce_sum3A = vector.shape_cast %get3A_2 : vector<32x1x1xf32> to vector<1x32x1x1xf32>
    %reduce_sum3A_3 = arith.constant dense<0.000000e+00> : vector<1xf32>
    %reduce_sum3A_4 = vector.multi_reduction <add>, %reduce_sum3A, %reduce_sum3A_3 [1, 2, 3] : vector<1x32x1x1xf32> to vector<1xf32>
    %reduce_sum3A_5 = vector.shape_cast %reduce_sum3A_4 : vector<1xf32> to vector<1x1x1x1xf32>
    %reduce_sum3A_6 = vector.extract %reduce_sum3A_5[0, 0, 0, 0] : f32 from vector<1x1x1x1xf32>
    %get3A_7 = arith.constant 0 : index
    %get3A_8 = arith.constant 0 : index
    %get3A_9 = vector.load %arg3[%get3A_7, %get3A_8] : memref<32x16xf32, #tpu.memory_space<vmem>>, vector<32x16xf32>
    %slice3A = vector.extract_strided_slice %get3A_9 {offsets = [0, 0], sizes = [32, 1], strides = [1, 1]} : vector<32x16xf32> to vector<32x1xf32>
    %get3A_10 = arith.constant 0 : index
    %get3A_11 = arith.constant 0 : index
    %get3A_12 = arith.constant 0 : index
    %get3A_13 = vector.load %arg0[%get3A_10, %get3A_11, %get3A_12] : memref<32x1x1xf32, #tpu.memory_space<vmem>>, vector<32x1x1xf32>
    %reduce_sum3A_14 = vector.shape_cast %get3A_13 : vector<32x1x1xf32> to vector<1x32x1x1xf32>
    %reduce_sum3A_15 = arith.constant dense<0.000000e+00> : vector<1xf32>
    %reduce_sum3A_16 = vector.multi_reduction <add>, %reduce_sum3A_14, %reduce_sum3A_15 [1, 2, 3] : vector<1x32x1x1xf32> to vector<1xf32>
    %reduce_sum3A_17 = vector.shape_cast %reduce_sum3A_16 : vector<1xf32> to vector<1x1x1x1xf32>
    %reduce_sum3A_18 = vector.extract %reduce_sum3A_17[0, 0, 0, 0] : f32 from vector<1x1x1x1xf32>
    %div3A = arith.divf %reduce_sum3A_18, %reduce_sum3A_6 : f32
    %reshape3A = vector.broadcast %div3A : f32 to vector<1x1xf32>
    %swap3A = arith.constant 0 : index
    %swap3A_19 = arith.constant 0 : index
    %swap3A_20 = vector.load %arg4[%swap3A, %swap3A_19] : memref<1x1xf32, #tpu.memory_space<vmem>>, vector<1x1xf32>
    tpu.vector_store %arg4[%swap3A, %swap3A_19], %reshape3A {strides = array<i32>} : memref<1x1xf32, #tpu.memory_space<vmem>>, vector<1x1xf32>,
    %get3A_21 = arith.constant 0 : index
    %get3A_22 = arith.constant 0 : index
    %get3A_23 = arith.constant 0 : index
    %get3A_24 = vector.load %arg2[%get3A_21, %get3A_22, %get3A_23] : memref<32x1x1xf32, #tpu.memory_space<vmem>>, vector<32x1x1xf32>
    %reduce_sum3A_25 = vector.shape_cast %get3A_24 : vector<32x1x1xf32> to vector<1x32x1x1xf32>
    %reduce_sum3A_26 = arith.constant dense<0.000000e+00> : vector<1xf32>
    %reduce_sum3A_27 = vector.multi_reduction <add>, %reduce_sum3A_25, %reduce_sum3A_26 [1, 2, 3] : vector<1x32x1x1xf32> to vector<1xf32>
    %reduce_sum3A_28 = vector.shape_cast %reduce_sum3A_27 : vector<1xf32> to vector<1x1x1x1xf32>
    %reduce_sum3A_29 = vector.extract %reduce_sum3A_28[0, 0, 0, 0] : f32 from vector<1x1x1x1xf32>
    %reduce_sum3A_30 = vector.shape_cast %slice3A : vector<32x1xf32> to vector<1x32x1xf32>
    %reduce_sum3A_31 = arith.constant dense<0.000000e+00> : vector<1xf32>
    %reduce_sum3A_32 = vector.multi_reduction <add>, %reduce_sum3A_30, %reduce_sum3A_31 [1, 2] : vector<1x32x1xf32> to vector<1xf32>
    %reduce_sum3A_33 = vector.shape_cast %reduce_sum3A_32 : vector<1xf32> to vector<1x1x1xf32>
    %reduce_sum3A_34 = vector.extract %reduce_sum3A_33[0, 0, 0] : f32 from vector<1x1x1xf32>
    %add3A = arith.addf %reduce_sum3A_29, %reduce_sum3A_34 : f32
    %div3A_35 = arith.divf %add3A, %reduce_sum3A_6 : f32
    %reshape3A_36 = vector.broadcast %div3A_35 : f32 to vector<1x1xf32>
    %swap3A_37 = arith.constant 0 : index
    %swap3A_38 = arith.constant 0 : index
    %swap3A_39 = vector.load %arg5[%swap3A_37, %swap3A_38] : memref<1x1xf32, #tpu.memory_space<vmem>>, vector<1x1xf32>
    tpu.vector_store %arg5[%swap3A_37, %swap3A_38], %reshape3A_36 {strides = array<i32>} : memref<1x1xf32, #tpu.memory_space<vmem>>, vector<1x1xf32>,
    return
  }
}

</mosaic_0001>

<sc_bundles>
// kernel: kernel.6.cloned.1.call-start
scs
__scs_entry_jumppad:
0x0: {  	(pc) =	sbr.rel $0x88, $3  }
0x1: {  	(tag) =	ssettag $0x0;
	lr =	simm.s32 $0x1  }
0x2: {  	[smem:$0x3F9D] =	sst lr;
	_ =	strace $0xD0000000  }
0x3: {  	_ = 	snop  }
0x4: {  	_ = 	snop  }
0x5: {  	_ = 	snop  }
0x6: {  	_ = 	snop  }
0x7: {  	_ = 	snop  }
__scs_overlays_trampoline_lowered:
0x8: {  	[smem:$0x3FAC] =	sst s0  }
0x9: {  	[smem:$0x3FAD] =	sst s1  }
0xa: {  	[smem:$0x3FAE] =	sst s2  }
0xb: {  	[smem:$0x3FAF] =	sst s3  }
0xc: {  	[smem:$0x3FB0] =	sst s4  }
0xd: {  	[smem:$0x3FB1] =	sst s5  }
0xe: {  	[smem:$0x3FB2] =	sst s6  }
0xf: {  	[smem:$0x3FB3] =	sst s7  }
0x10: {  	[smem:$0x3FB4] =	sst s8  }
0x11: {  	[smem:$0x3FB5] =	sst s9;
	s0 =	simm.s32 @!p0 $0x0  }
0x12: {  	s1 =	sld [smem:$0x3F9B];
	s0 =	simm.s32 @p0 $0x1  }
0x13: {  	[smem:$0x3FB6] =	sst s0;
	s0 =	simm.s32 @!p1 $0x0  }
0x14: {  	s2 =	sld [smem:$0x3F9A];
	s0 =	simm.s32 @p1 $0x1  }
0x15: {  	[smem:$0x3FB7] =	sst s0;
	s0 =	simm.s32 @!p2 $0x0  }
0x16: {  	s3 =	sld [smem:$0x3FDB];
	s0 =	simm.s32 @p2 $0x1  }
0x17: {  	s4 =	simm.s32 $0x1BF5;
	[smem:$0x3FB9] =	sst s0  }
0x18: {  	s0 =	sld [smem:$0x3F9C];
	_ =	swait.ge [sflag:s4], $0x0  }
0x19: {  	s7 =	sld [smem:$0x3F9D]  }
0x1a: {  	s8 =	sadd.s32 $0xFFFFE003, lr  }
0x1b: {  	s9 =	sadd.s32 $0xFFFFFEF7, lr;
	s5 =	simm.s32 $0xFFFFFFFF;
	p2 =	slt.u32 s8, $0xFFFFF086  }
0x1c: {  	p1 =	slt.u32 s9, $0xF7A;
	s5 =	simm.s32 @!p2 $0x0  }
0x1d: {  	s5 =	simm.s32 @p1 $0x1;
	p0 =	seq.s32 s7, s2  }
0x1e: {  	s7 =	smul.u32 @!p0 $0xF7A, s2;
	p2 =	seq.s32 @!p0 s5, $0x0  }
0x1f: {  	s9 =	smul.u32 $0xF7A, s1;
	s8 =	simm.s32 @!p0 $0x1BF5;
	p2 =	por !p2, p0  }
0x20: {  	[sflag:s8] =	ssyncset.s32 @!p0 $0xFFFFF086;
	s6 =	sadd.s32 @!p0 s3, s7;
	s7 =	simm.s32 @!p0 $0x108  }
0x21: {  	s3 =	sadd.s32 s3, s9;
	s6 =	sadd.s32 @!p0 $0x88, s6;
	s7 =	simm.s32 @p2 $0x1082  }
0x22: {  	[simem:s7], [sflag:s8] =	dma.local @!p0 [hbm:s6], $0xF7A  }
0x23: {  	s9 =	sor.u32 $0xD0000000, s2;
	s6 =	simm.s32 $0x108;
	_ =	swait.ge @!p0 [sflag:s8], $0x0  }
0x24: {  	s3 =	sadd.s32 $0x88, s3;
	s6 =	simm.s32 @!p1 $0x1082;
	[sflag:s4] =	ssyncset.s32 $0xFFFFF086  }
0x25: {  	[simem:s6], [sflag:s4] =	dma.local [hbm:s3], $0xF7A  }
0x26: {  	[smem:$0x3F9D] =	sst s1;
	(tag) =	ssettag s2;
	_ =	strace s9  }
0x27: {  	s1 =	sld [smem:$0x3FAD]  }
0x28: {  	s2 =	sld [smem:$0x3FAE]  }
0x29: {  	s4 =	sld [smem:$0x3FB0]  }
0x2a: {  	p0 =	seq.s32 s5, $0x0;
	s5 =	sld [smem:$0x3FB1]  }
0x2b: {  	s6 =	sld [smem:$0x3FB2]  }
0x2c: {  	s7 =	sld [smem:$0x3FB3]  }
0x2d: {  	s3 =	simm.s32 $0x108;
	s8 =	sld [smem:$0x3FB4]  }
0x2e: {  	s3 =	simm.s32 @!p0 $0x1082;
	s9 =	sld [smem:$0x3FB5]  }
0x2f: {  	lr =	sadd.s32 s0, s3;
	s0 =	sld [smem:$0x3FAC]  }
0x30: {  	s3 =	sld [smem:$0x3FAF]  }
0x31: {  	[smem:$0x3FB8] =	sst s10  }
0x32: {  	s10 =	sld [smem:$0x3FB6];
	_ =	sdelay $0x3  }
0x33: {  	p0 =	seq.s32 s10, $0x1;
	s10 =	sld [smem:$0x3FB8];
	_ =	sdelay $0x3  }
0x34: {  	[smem:$0x3FB8] =	sst s10  }
0x35: {  	s10 =	sld [smem:$0x3FB7];
	_ =	sdelay $0x3  }
0x36: {  	p1 =	seq.s32 s10, $0x1;
	s10 =	sld [smem:$0x3FB8];
	_ =	sdelay $0x3  }
0x37: {  	[smem:$0x3FB8] =	sst s10  }
0x38: {  	s10 =	sld [smem:$0x3FB9]  }
0x39: {  	_ = 	snop;
	(pc) =	sbr.ind lr, $3  }
0x3a: {  	_ = 	snop  }
0x3b: {  	_ = 	snop  }
0x3c: {  	p2 =	seq.s32 s10, $0x1;
	s10 =	sld [smem:$0x3FB8]  }
0x3d: {  	_ =	shalt  }
0x3e: {  	_ =	shalt  }
0x3f: {  	_ =	shalt  }
0x40: {  	_ =	shalt  }
0x41: {  	_ =	shalt  }
0x42: {  	_ =	shalt  }
0x43: {  	_ =	shalt  }
0x44: {  	_ =	shalt  }
0x45: {  	_ =	shalt  }
0x46: {  	_ =	shalt  }
0x47: {  	_ =	shalt  }
0x48: {  	_ =	shalt  }
0x49: {  	_ =	shalt  }
0x4a: {  	_ =	shalt  }
0x4b: {  	_ =	shalt  }
0x4c: {  	_ =	shalt  }
0x4d: {  	_ =	shalt  }
0x4e: {  	_ =	shalt  }
0x4f: {  	_ =	shalt  }
0x50: {  	_ =	shalt  }
0x51: {  	_ =	shalt  }
0x52: {  	_ =	shalt  }
0x53: {  	_ =	shalt  }
0x54: {  	_ =	shalt  }
0x55: {  	_ =	shalt  }
0x56: {  	_ =	shalt  }
0x57: {  	_ =	shalt  }
0x58: {  	_ =	shalt  }
0x59: {  	_ =	shalt  }
0x5a: {  	_ =	shalt  }
0x5b: {  	_ =	shalt  }
0x5c: {  	_ =	shalt  }
0x5d: {  	_ =	shalt  }
0x5e: {  	_ =	shalt  }
0x5f: {  	_ =	shalt  }
0x60: {  	_ =	shalt  }
0x61: {  	_ =	shalt  }
0x62: {  	_ =	shalt  }
0x63: {  	_ =	shalt  }
0x64: {  	_ =	shalt  }
0x65: {  	_ =	shalt  }
0x66: {  	_ =	shalt  }
0x67: {  	_ =	shalt  }
0x68: {  	_ =	shalt  }
0x69: {  	_ =	shalt  }
0x6a: {  	_ =	shalt  }
0x6b: {  	_ =	shalt  }
0x6c: {  	_ =	shalt  }
0x6d: {  	_ =	shalt  }
0x6e: {  	_ =	shalt  }
0x6f: {  	_ =	shalt  }
0x70: {  	_ =	shalt  }
0x71: {  	_ =	shalt  }
0x72: {  	_ =	shalt  }
0x73: {  	_ =	shalt  }
0x74: {  	_ =	shalt  }
0x75: {  	_ =	shalt  }
0x76: {  	_ =	shalt  }
0x77: {  	_ =	shalt  }
0x78: {  	_ =	shalt  }
0x79: {  	_ =	shalt  }
0x7a: {  	_ =	shalt  }
0x7b: {  	_ =	shalt  }
0x7c: {  	_ =	shalt  }
0x7d: {  	_ =	shalt  }
0x7e: {  	_ =	shalt  }
0x7f: {  	_ =	shalt  }
0x80: {  	_ =	shalt  }
0x81: {  	_ =	shalt  }
0x82: {  	_ =	shalt  }
0x83: {  	_ =	shalt  }
0x84: {  	_ =	shalt  }
0x85: {  	_ =	shalt  }
0x86: {  	_ =	shalt  }
0x87: {  	_ =	shalt  }
.Lfunc_end0:
.L_simem_size_0:
called_computation_lowered:
.L_overlay_start_0:
0x88: {  	s2 =	sld [smem:$0x3FD9]  }
0x89: {  	s3 =	sld [smem:$0x3FFE];
	_ =	sdelay $0x1  }
0x8a: {  	s1 =	srdreg.scid  }
0x8b: {  	s0 =	sand.u32 $0x1, s1  }
0x8c: {  	s14 =	sshll.u32 s0, $0xA;
	s2 =	sadd.s32 s3, s2  }
0x8d: {  	s2 =	sadd.s32 s2, s14  }
0x8e: {  	[smem:$0x3FC4] =	sst s2  }
0x8f: {  	_ = 	snop  }
0x90: {  	s2 =	sld [smem:$0x3FD0];
	_ =	sdelay $0x2  }
0x91: {  	s15 =	simm.s32 $0xA;
	s4 =	simm.s32 $0x10  }
0x92: {  	[smem:s4], [sflag:s15] =	dma.local [hbm:s2], $0x1  }
0x93: {  	_ =	swait.eq [sflag:s15], $0x1  }
0x94: {  	[sflag:s15] =	ssyncset.done $0x0  }
0x95: {  	[sflag:s15] =	ssyncadd.s32 $0xFFFFFFFF  }
0x96: {  	s16 =	sld [smem:$0x11];
	(tm) =	ssettm $0x1  }
0x97: {  	s17 =	sld [smem:$0x3FFB];
	_ =	sdelay $0x3  }
0x98: {  	_ =	strace s17  }
0x99: {  	s3 =	sld [smem:$0x3FFC];
	_ =	sdelay $0x3  }
0x9a: {  	_ =	strace s3  }
0x9b: {  	s3 =	sld [smem:$0x3FFD];
	_ =	sdelay $0x3  }
0x9c: {  	_ =	strace s3  }
0x9d: {  	_ =	strace $0x8FFFFFFF  }
0x9e: {  	s18 =	sld [smem:$0x3FDB];
	_ =	sdelay $0x1  }
0x9f: {  	s19 =	simm.s32 $_scs_section_size  }
0xa0: {  	s5 =	simm.s32 $_size__tile_overlayer_lowered;
	s6 =	simm.s32 $_tile_overlayer_lowered  }
0xa1: {  	s22 =	simm.s32 $0x1BFF;
	s21 =	sshll.u32 s6, $0x1;
	s3 =	sadd.s32 s19, s18  }
0xa2: {  	s7 =	simm.s32 $0x0;
	s20 =	sshll.u32 s5, $0x1;
	s5 =	sadd.s32 s21, s3  }
0xa3: {  	[timem:s7], [sflag:s22] =	dma.local [hbm:s5], s20  }
0xa4: {  	_ =	swait.ge [sflag:s22], s20  }
0xa5: {  	s4 =	ssub.s32 $0x0, s20;
	[sflag:s22] =	ssyncset.done $0x0  }
0xa6: {  	[sflag:s22] =	ssyncadd.s32 s4;
	_ =	sdelay $0x1  }
0xa7: {  	s23 =	simm.s32 $0x1B8B  }
0xa8: {  	_ =	swait.ge [sflag:s23], $0x1  }
0xa9: {  	[sflag:s23] =	ssyncset.done $0x0  }
0xaa: {  	s25 =	simm.s32 $0x1B8E;
	s24 =	sld [smem:$0x3FFE];
	[sflag:s23] =	ssyncadd.s32 $0xFFFFFFFF  }
0xab: {  	s26 =	simm.s32 $execute0_lowered;
	[smem:$0x3FD2] =	sst s25  }
0xac: {  	s5 =	sshll.u32 s26, $0x1;
	_ =	strace $0x80000046;
	[dreg:$0x1] =	wrdreg $0xFFFFFFFF  }
0xad: {  	s28 =	simm.s32 $_size_execute0_lowered;
	s3 =	sadd.s32 s3, s5;
	[dreg:$0x0] =	wrdreg $0x0  }
0xae: {  	s5 =	sshll.u32 s28, $0x1;
	[dreg:$0x2] =	wrdreg s3  }
0xaf: {  	[dreg:$0x3] =	wrdreg s5  }
0xb0: {  	[dreg:$0x4] =	wrdreg $0xC0  }
0xb1: {  	_ =	task [dreg:s7], $0x5FFFF  }
0xb2: {  	[dreg:$0x1] =	wrdreg $0xFFFFFFFF  }
0xb3: {  	[dreg:$0x0] =	wrdreg $0x60  }
0xb4: {  	[dreg:$0x2] =	wrdreg s24  }
0xb5: {  	[dreg:$0x3] =	wrdreg s16  }
0xb6: {  	[dreg:$0x4] =	wrdreg $0x9  }
0xb7: {  	_ =	task.clear_ibuf [dreg:s7], $0x5FFFF;
	_ =	strace $0x90000046  }
0xb8: {  	s29 =	simm.s32 $0x9;
	_ =	strace $0x80000048  }
0xb9: {  	_ =	swait.ge [sflag:s29], $0x1  }
0xba: {  	[sflag:s29] =	ssyncadd.s32 $0xFFFFFFFF  }
0xbb: {  	_ =	strace $0x90000048  }
0xbc: {  	_ =	sfence  }
0xbd: {  	s30 =	sld [smem:$0x0];
	_ =	sdelay $0x2  }
0xbe: {  	s31 =	sshll.u32 s1, $0xD;
	s1 =	sshrl.u32 s1, $0x2  }
0xbf: {  	s3 =	sand.u32 $0x4000, s31;
	s1 =	sadd.s32 s1, s30  }
0xc0: {  	s0 =	sor.u32 s3, s0;
	s1 =	sshll.u32 s1, $0x11  }
0xc1: {  	s0 =	sor.u32 s1, s0  }
0xc2: {  	s0 =	sadd.s32 $0x8F2B, s0  }
0xc3: {  	[sflag:s0] =	ssyncadd.remote.s32 $0x1  }
0xc4: {  	_ =	sfence.sel $0xFFFF  }
0xc5: {  	[dreg:$0x0] =	wrdreg $0xFFFFFFFF;
	(pc) =	sbr.abs _section_cstart, $3  }
0xc6: {  	[dreg:$0x1] =	wrdreg $0xFFFFFFFF  }
0xc7: {  	_ =	task.clear_ibuf [dreg:s7], $0x2FFFF;
	_ =	strace $0x9FFFFFFF  }
0xc8: {  	(tm) =	ssettm $0x7FFFFFFF  }
0xc9: {  	_ =	shalt  }
tec
execute0_lowered:
.L_overlay_start_1:
0x0: {  	(tag) =	ssettag $0x1  }
0x1: {  	s0 =	rddreg [dreg:$0x0];
	s1 =	srdreg.scid  }
0x2: {  	s6 =	stileid.u32;
	s7 =	simm.s32 $0x0;
	s11 =	simm.s32 $0x6080  }
0x3: {  	s1 =	sand.u32 $0x1, s1;
	s2 =	sshll.u32 s6, $0x1;
	s3 =	sshrl.u32 s6, $0x2  }
0x4: {  	[smem:$0x7FF] =	sst s7;
	s30 =	sshrl.u32 s6, $0x3;
	s2 =	sor.u32 s1, s2  }
0x5: {  	s5 =	smul.u32 $0x30000, s3;
	_ =	strace $0x80000047;
	s4 =	sshll.u32 s2, $0x7  }
0x6: {  	s3 =	sshll.u32 s3, $0xA;
	s1 =	ssub.s32 $0x2, s1;
	s4 =	sand.u32 $0x380, s4  }
0x7: {  	s29 =	sshrl.u32 s1, $0x1;
	s2 =	sand.u32 $0xF, s2;
	s5 =	sor.u32 s5, s4  }
0x8: {  	s1 =	ssub.s32 s1, s29;
	s3 =	sor.u32 s3, s4;
	s5 =	sshrl.u32 s5, $0x3  }
0x9: {  	v0 =	vlaneseq.u32;
	s31 =	smax.u32 s1, $0x1;
	s3 =	sshrl.u32 s3, $0x3;
	s28 =	sadd.s32 s5, s0  }
0xa: {  	v3 =	vmul.u32 $0xFFFFFFFF, v0;
	[dreg:$0x5] =	wrdreg s31;
	s0 =	sadd.s32 s3, s0;
	s4 =	sadd.s32 $0xC00, s28  }
0xb: {  	v1 =	vimm.s32 $0x0;
	p0 =	seq.s32 s30, $0x0;
	v2 =	vmov s2;
	s0 =	sadd.s32 $0x18C00, s0;
	[dreg:$0x3] =	wrdreg s4  }
0xc: {  	v3 =	vadd.s32 $0xF, v3;
	vm0 =	veq.s32 v2, v0;
	v2 =	vimm.s32 $0x1;
	s1 =	simm.s32 $0x0;
	s3 =	simm.s32 $0x1;
	[dreg:$0x4] =	wrdreg s0  }
.LBB2_1:
0xd: {  	[dreg:$0x6] =	wrdreg s1  }
0xe: {  	s0 =	rddreg [dreg:$0x3];
	s29 =	simm.s32 $0x80;
	s2 =	simm.s32 $0x400  }
0xf: {  	[tilespmem:s7], [sflag:$0x1] =	stream.strided.gather [hbm4b:s0+s29], $0x6000, s2, s29, $0x38;
	[tilespmem:$0x7300] =	vst v63  }
0x10: {  	_ =	swait.ge [sflag:s3], $0x6000  }
0x11: {  	[sflag:s3] =	ssyncset.done $0x0  }
0x12: {  	[sflag:s3] =	ssyncadd.s32 $0xFFFFA000  }
0x13: {  	s31 =	simm.s32 $0x6000;
	s30 =	rddreg [dreg:$0x1]  }
0x14: {  	[tilespmem:s31], [sflag:$0x1] =	stream.linear.gather [hbm4b:s30+s7], $0x80, $0x38;
	[tilespmem:$0x7300] =	vst v63  }
0x15: {  	_ =	swait.ge [sflag:s3], $0x80  }
0x16: {  	[sflag:s3] =	ssyncset.done $0x0  }
0x17: {  	[sflag:s3] =	ssyncadd.s32 $0xFFFFFF80  }
0x18: {  	v4 =	vld [tilespmem:$0x6000]  }
0x19: {  	s0 =	simm.s32 $0x0;
	v5 =	vld [tilespmem:$0x6010]  }
.LBB2_2:
0x1a: {  	p1 =	seq.s32 s0, $0x47C0  }
.Ltmp0:
0x1b: {  	_ = 	snop;
	(pc) =	sbr.rel @!p1 .LBB2_2-.Ltmp0, $3  }
0x1c: {  	_ =	sdelay $0x1  }
0x1d: {  	s1 =	sshra.s32 s0, $0x2  }
0x1e: {  	s0 =	sadd.s32 $0x40, s0;
	[tilespmem:s1+$0x6080] =	vst v1  }
0x1f: {  	s1 =	simm.s32 $0x0;
	s0 =	simm.s32 $0x40  }
.LBB2_4:
0x20: {  	p1 =	seq.s32 s0, $0x17FC0;
	v6 =	vld [tilespmem:s1+$0x0];
	_ =	sdelay $0x4  }
0x21: {  	v6 =	vshrl.u32 v6, $0x14  }
.Ltmp1:
0x22: {  	(pc) =	sbr.rel @!p1 .LBB2_4-.Ltmp1, $2  }
0x23: {  	_ =	sdelay $0x2  }
0x24: {  	s1 =	sshra.s32 s0, $0x2;
	s0 =	sadd.s32 $0x40, s0;
	[tilespmem:v6+s11+$0x0] =	vst.idx.add.s32.msk $0xffff, v2  }
0x25: {  	v4 =	vpsel p0, v4, v5  }
0x26: {  	v4 =	vnsel vm0, $0x0, v4  }
0x27: {  	(xrf2) =	vadd.scan.msk.f32 $0xffff, v4;
	_ =	sdelay $0x4  }
0x28: {  	v6 =	vld [tilespmem:s1+$0x0];
	_ =	sdelay $0x4  }
0x29: {  	v6 =	vshrl.u32 v6, $0x14;
	v4, _, _ =	vpop (xrf2)  }
0x2a: {  	(v2sf) =	vpush v4, $0xF;
	_ =	sdelay $0x3  }
0x2b: {  	s10 =	simm.s32 $0x6870;
	[tilespmem:v6+s11+$0x0] =	vst.idx.add.s32.msk $0xffff, v2  }
0x2c: {  	v8 =	vld [tilespmem:s10+$0x0];
	_ =	sdelay $0x4  }
0x2d: {  	(xrf0) =	vadd.scan.msk.s32 $0xffff, v8  }
0x2e: {  	v5 =	vperm.xlane v8, v3;
	_ =	sdelay $0x1  }
0x2f: {  	(xrf0) =	vadd.scan.msk.s32 $0xffff, v5;
	_ =	sdelay $0x1  }
0x30: {  	s0 =	spop (v2sf)  }
0x31: {  	s12 =	simm.s32 $0x6860;
	v5, _, _ =	vpop (xrf0);
	s0 =	scvt.f32.s32 s0  }
0x32: {  	v12 =	vld [tilespmem:s12+$0x0];
	(v2sf) =	vpush v5, $0xF  }
0x33: {  	s14 =	smul.u32 $0x3, s0  }
0x34: {  	v5, _, _ =	vpop (xrf0)  }
0x35: {  	v9 =	vperm.xlane v5, v3;
	p1 =	slt.s32 s14, $0x5FD3  }
0x36: {  	s16 =	simm.s32 $0x0;
	s14 =	simm.s32 @!p1 $0x5FD3  }
0x37: {  	v5 =	vperm.xlane v12, v3;
	v6 =	vadd.s32 s16, v9;
	v4 =	vmov s14  }
0x38: {  	(xrf0) =	vadd.scan.msk.s32 $0xffff, v12;
	vm1 =	vge.s32 v6, v4  }
0x39: {  	(xrf0) =	vadd.scan.msk.s32 $0xffff, v5;
	v5 =	vsel vm1, $0x1, v1  }
0x3a: {  	(xrf0) =	vadd.scan.msk.s32 $0xffff, v5;
	_ =	sdelay $0x1  }
0x3b: {  	s13 =	simm.s32 $0x6850  }
0x3c: {  	v7 =	vld [tilespmem:s13+$0x0]  }
0x3d: {  	v5, _, _ =	vpop (xrf0)  }
0x3e: {  	v6, _, _ =	vpop (xrf0)  }
0x3f: {  	(v2sf) =	vpush v5, $0xF;
	v5, _, _ =	vpop (xrf0)  }
0x40: {  	s15 =	spop (v2sf);
	v11 =	vperm.xlane v6, v3;
	(v2sf) =	vpush v5, $0xF  }
0x41: {  	(xrf0) =	vadd.scan.msk.s32 $0xffff, v7;
	s23 =	sadd.s32 $0x0, s15  }
0x42: {  	v6 =	vadd.s32 s23, v11;
	v5 =	vperm.xlane v7, v3  }
0x43: {  	s17 =	simm.s32 $0x6840;
	vm1 =	vge.s32 v6, v4  }
0x44: {  	v6 =	vsel vm1, $0x1, v1;
	(xrf0) =	vadd.scan.msk.s32 $0xffff, v5;
	v5 =	vld [tilespmem:s17+$0x0];
	_ =	sdelay $0x2  }
0x45: {  	(xrf0) =	vadd.scan.msk.s32 $0xffff, v6;
	v6, _, _ =	vpop (xrf0)  }
0x46: {  	(v2sf) =	vpush v6, $0xF  }
0x47: {  	(xrf0) =	vadd.scan.msk.s32 $0xffff, v5;
	_ =	sdelay $0x2  }
0x48: {  	v13 =	vperm.xlane v5, v3;
	v6, _, _ =	vpop (xrf0)  }
0x49: {  	v10, _, _ =	vpop (xrf0)  }
0x4a: {  	(xrf0) =	vadd.scan.msk.s32 $0xffff, v13;
	(v2sf) =	vpush v10, $0xF;
	v10 =	vperm.xlane v6, v3;
	s18 =	spop (v2sf)  }
0x4b: {  	s19 =	simm.s32 $0x6830;
	s21 =	sadd.s32 s23, s18;
	v6, _, _ =	vpop (xrf0);
	s20 =	spop (v2sf)  }
0x4c: {  	v13 =	vadd.s32 s21, v10;
	(v2sf) =	vpush v6, $0xF;
	v6 =	vld [tilespmem:s19+$0x0];
	s25 =	sadd.s32 $0xFFFFFFFF, s20  }
0x4d: {  	vm1 =	vge.s32 v13, v4;
	v13 =	vmov s25  }
0x4e: {  	v14 =	vsel vm1, $0x1, v1  }
0x4f: {  	(xrf0) =	vadd.scan.msk.s32 $0xffff, v14;
	vm1 =	veq.s32 v13, v0  }
0x50: {  	v9 =	vnsel vm1, $0x0, v9;
	v13, _, _ =	vpop (xrf0)  }
0x51: {  	(xrf0) =	vadd.scan.msk.s32 $0xffff, v9;
	v9 =	vperm.xlane v13, v3;
	v13 =	vperm.xlane v6, v3;
	_ =	sdelay $0x1  }
0x52: {  	v8 =	vnsel vm1, $0x0, v8;
	s26 =	spop (v2sf);
	(xrf0) =	vadd.scan.msk.s32 $0xffff, v6  }
0x53: {  	s22 =	sadd.s32 s21, s26;
	(xrf0) =	vadd.scan.msk.s32 $0xffff, v8  }
0x54: {  	v8 =	vadd.s32 s22, v9;
	(xrf0) =	vadd.scan.msk.s32 $0xffff, v13;
	v13, _, _ =	vpop (xrf0)  }
0x55: {  	vm1 =	vge.s32 v8, v4;
	(v2sf) =	vpush v13, $0xF  }
0x56: {  	s29 =	simm.s32 $0x7CF;
	v8 =	vsel vm1, $0x1, v1  }
0x57: {  	s28 =	simm.s32 $0x7BF;
	s24 =	simm.s32 $0x79F;
	p5 =	por $0x1, $0x1;
	(xrf0) =	vadd.scan.msk.s32 $0xffff, v8  }
0x58: {  	s30 =	simm.s32 $0x0;
	s0 =	simm.s32 $0x6820;
	s15 =	simm.s32 $0x0  }
0x59: {  	s17 =	simm.s32 $0x0;
	p2 =	sgt.s32 s20, $0x0;
	s2 =	spop (v2sf);
	v14, _, _ =	vpop (xrf0)  }
0x5a: {  	s18 =	simm.s32 $0x77F;
	p1 =	por !p5, !p2;
	v8 =	vld [tilespmem:s0+$0x0];
	s3 =	sadd.s32 $0xFFFFFFFF, s2;
	v15, _, _ =	vpop (xrf0);
	(v2sf) =	vpush v14, $0xF  }
0x5b: {  	s19 =	simm.s32 $0x78F;
	s1 =	sadd.s32 $0x7EF, s20;
	p2 =	por !p1, !p1;
	v16 =	vmov s3;
	v17, _, _ =	vpop (xrf0);
	(v2sf) =	vpush v15, $0xF  }
0x5c: {  	s20 =	simm.s32 $0x76F;
	s17 =	simm.s32 @p2 $0x1;
	s15 =	smov.u32 @p2 s1;
	vm1 =	veq.s32 v16, v0;
	v13, _, _ =	vpop (xrf0);
	(v2sf) =	vpush v17, $0xF  }
0x5d: {  	p6 =	seq.s32 s17, $0x0;
	p3 =	sgt.s32 s2, $0x0;
	v14 =	vnsel vm1, $0x0, v11;
	v11 =	vperm.xlane v13, v3;
	s31 =	spop (v2sf);
	v13, _, _ =	vpop (xrf0)  }
0x5e: {  	p2 =	por p2, p2;
	p1 =	por !p6, !p3;
	(xrf0) =	vadd.scan.msk.s32 $0xffff, v14;
	s25 =	sadd.s32 s22, s31;
	(v2sf) =	vpush v13, $0xF  }
0x5f: {  	s26 =	simm.s32 $0x7AF;
	s1 =	sadd.s32 $0x7DF, s2;
	p1 =	por !p1, !p1;
	v12 =	vnsel vm1, $0x0, v12;
	(xrf0) =	vadd.scan.msk.s32 $0xffff, v8;
	v14 =	vadd.s32 s25, v11  }
0x60: {  	s17 =	simm.s32 @p1 $0x1;
	s15 =	smov.u32 @p1 s1;
	s1 =	simm.s32 $0x75F;
	(xrf0) =	vadd.scan.msk.s32 $0xffff, v12;
	v12 =	vperm.xlane v8, v3;
	vm1 =	vge.s32 v14, v4  }
.LBB2_6:
0x61: {  	p3 =	seq.s32 s1, $0xFFFFFFFF  }
0x62: {  	s2 =	smov.u32 s25;
	s3 =	smov.u32 s18;
	s18 =	smov.u32 s20  }
0x63: {  	(xrf0) =	vadd.scan.msk.s32 $0xffff, v12;
	v13 =	vsel vm1, $0x1, v1;
	s20 =	smov.u32 s1;
	p4 =	por p2, p2;
	p2 =	por p1, p1  }
0x64: {  	s0 =	sadd.s32 $0xFFFFFFF0, s0;
	(xrf0) =	vadd.scan.msk.s32 $0xffff, v13;
	s4 =	spop (v2sf);
	v12, _, _ =	vpop (xrf0)  }
0x65: {  	p1 =	seq.s32 s17, $0x0;
	v13 =	vld [tilespmem:s0+$0x0];
	v14, _, _ =	vpop (xrf0);
	p5 =	sgt.s32 s4, $0x0;
	s5 =	sadd.s32 $0xFFFFFFFF, s4;
	(v2sf) =	vpush v12, $0xF  }
0x66: {  	s4 =	sadd.s32 s29, s4;
	s29 =	smov.u32 s28;
	(v2sf) =	vpush v14, $0xF;
	p1 =	por !p1, !p5;
	v12 =	vmov s5;
	v14, _, _ =	vpop (xrf0)  }
0x67: {  	s28 =	smov.u32 s26;
	s26 =	smov.u32 s24;
	p1 =	por !p1, !p1;
	vm1 =	veq.s32 v12, v0;
	(v2sf) =	vpush v14, $0xF  }
0x68: {  	s24 =	smov.u32 s19;
	v15 =	vnsel vm1, $0x0, v10;
	v12 =	vnsel vm1, $0x0, v7;
	s17 =	simm.s32 @p1 $0x1;
	s15 =	smov.u32 @p1 s4;
	v7 =	vmovc v5;
	v5 =	vmovc v6;
	v6 =	vmov v8  }
.Ltmp2:
0x69: {  	s19 =	smov.u32 s3;
	v10 =	vmov v9;
	v9 =	vmov v11;
	v8, _, _ =	vpop (xrf0);
	(xrf0) =	vadd.scan.msk.s32 $0xffff, v15;
	s4 =	spop (v2sf);
	(pc) =	sbr.rel @!p3 .LBB2_6-.Ltmp2, $4  }
0x6a: {  	(xrf0) =	vadd.scan.msk.s32 $0xffff, v13;
	v11 =	vperm.xlane v8, v3;
	v14, _, _ =	vpop (xrf0);
	s3 =	spop (v2sf);
	s4 =	sadd.s32 s4, s30;
	v8 =	vmov v13;
	s30 =	smov.u32 s23  }
0x6b: {  	s25 =	sadd.s32 s25, s3;
	(v2sf) =	vpush v14, $0xF;
	(xrf0) =	vadd.scan.msk.s32 $0xffff, v12;
	s3 =	ssub.s32 s14, s4;
	s4 =	spop (v2sf)  }
0x6c: {  	s23 =	smov.u32 s21;
	s21 =	smov.u32 s22;
	v12 =	vperm.xlane v8, v3;
	v13 =	vadd.s32 s25, v11;
	s3 =	sadd.s32 s4, s3  }
0x6d: {  	s1 =	sadd.s32 $0xFFFFFFF0, s1;
	s22 =	smov.u32 s2;
	vm1 =	vge.s32 v13, v4;
	s16 =	smov.u32 @p4 s3  }
0x6e: {  	_ =	sdelay $0x1  }
0x6f: {  	(xrf0) =	vadd.scan.msk.s32 $0xffff, v12;
	v38 =	vsel vm1, $0x1, v1  }
0x70: {  	(xrf0) =	vadd.scan.msk.s32 $0xffff, v38;
	_ =	sdelay $0x1  }
0x71: {  	v39, _, _ =	vpop (xrf0)  }
0x72: {  	v13, _, _ =	vpop (xrf0)  }
0x73: {  	s0 =	sadd.s32 $0xFFFFFFF0, s0;
	s8 =	spop (v2sf);
	(v2sf) =	vpush v39, $0xF;
	v14, _, _ =	vpop (xrf0)  }
0x74: {  	v40 =	vld [tilespmem:s0+$0x0];
	s1 =	sadd.s32 $0xFFFFFFFF, s8;
	(v2sf) =	vpush v13, $0xF;
	v41, _, _ =	vpop (xrf0)  }
0x75: {  	v15 =	vmov s1;
	(v2sf) =	vpush v14, $0xF;
	s3 =	spop (v2sf);
	v42, _, _ =	vpop (xrf0)  }
0x76: {  	vm1 =	veq.s32 v15, v0;
	s4 =	spop (v2sf);
	(v2sf) =	vpush v42, $0xF  }
0x77: {  	v10 =	vnsel vm1, $0x0, v10;
	v13 =	vperm.xlane v41, v3;
	s12 =	spop (v2sf)  }
0x78: {  	s0 =	sadd.s32 $0xFFFFFFF0, s0;
	(xrf0) =	vadd.scan.msk.s32 $0xffff, v10;
	s7 =	sadd.s32 s25, s4;
	s31 =	spop (v2sf)  }
0x79: {  	v43 =	vnsel vm1, $0x0, v7;
	v7 =	vld [tilespmem:s0+$0x0];
	(xrf0) =	vadd.scan.msk.s32 $0xffff, v40;
	v44 =	vperm.xlane v40, v3;
	v45 =	vadd.s32 s7, v13;
	s5 =	sadd.s32 $0xFFFFFFFF, s31  }
0x7a: {  	(xrf0) =	vadd.scan.msk.s32 $0xffff, v43;
	vm1 =	vge.s32 v45, v4;
	v46 =	vmov s5  }
0x7b: {  	(xrf0) =	vadd.scan.msk.s32 $0xffff, v44;
	v47 =	vsel vm1, $0x1, v1;
	vm1 =	veq.s32 v46, v0  }
0x7c: {  	(xrf0) =	vadd.scan.msk.s32 $0xffff, v47;
	v9 =	vnsel vm1, $0x0, v9  }
0x7d: {  	(xrf0) =	vadd.scan.msk.s32 $0xffff, v9  }
0x7e: {  	v48, _, _ =	vpop (xrf0);
	(xrf0) =	vadd.scan.msk.s32 $0xffff, v7  }
0x7f: {  	v49, _, _ =	vpop (xrf0)  }
0x80: {  	(v2sf) =	vpush v48, $0xF;
	v50, _, _ =	vpop (xrf0)  }
0x81: {  	(v2sf) =	vpush v49, $0xF;
	v51, _, _ =	vpop (xrf0)  }
0x82: {  	(v2sf) =	vpush v50, $0xF;
	s4 =	spop (v2sf);
	v52, _, _ =	vpop (xrf0)  }
0x83: {  	s6 =	spop (v2sf);
	(v2sf) =	vpush v52, $0xF;
	v53, _, _ =	vpop (xrf0)  }
0x84: {  	s0 =	sadd.s32 $0xFFFFFFF0, s0;
	v10 =	vperm.xlane v51, v3;
	s2 =	spop (v2sf);
	v54, _, _ =	vpop (xrf0);
	(v2sf) =	vpush v53, $0xF  }
0x85: {  	v57 =	vld [tilespmem:s0+$0x0];
	s5 =	sadd.s32 s7, s6;
	s10 =	spop (v2sf);
	(v2sf) =	vpush v54, $0xF  }
0x86: {  	v55 =	vperm.xlane v7, v3;
	v5 =	vnsel vm1, $0x0, v5;
	v56 =	vadd.s32 s5, v10;
	s9 =	sadd.s32 $0xFFFFFFFF, s10  }
0x87: {  	vm1 =	vge.s32 v56, v4;
	(xrf0) =	vadd.scan.msk.s32 $0xffff, v5;
	v5 =	vmov s9  }
0x88: {  	v58 =	vsel vm1, $0x1, v1;
	(xrf0) =	vadd.scan.msk.s32 $0xffff, v55;
	vm1 =	veq.s32 v5, v0  }
0x89: {  	(xrf0) =	vadd.scan.msk.s32 $0xffff, v58;
	v5 =	vnsel vm1, $0x0, v11  }
0x8a: {  	(xrf0) =	vadd.scan.msk.s32 $0xffff, v5;
	v5 =	vnsel vm1, $0x0, v6;
	v6 =	vperm.xlane v57, v3  }
0x8b: {  	(xrf0) =	vadd.scan.msk.s32 $0xffff, v57  }
0x8c: {  	(xrf0) =	vadd.scan.msk.s32 $0xffff, v5  }
0x8d: {  	v5, _, _ =	vpop (xrf0);
	(xrf0) =	vadd.scan.msk.s32 $0xffff, v6  }
0x8e: {  	v6, _, _ =	vpop (xrf0)  }
0x8f: {  	s9 =	spop (v2sf);
	v9, _, _ =	vpop (xrf0)  }
0x90: {  	s13 =	spop (v2sf);
	v59, _, _ =	vpop (xrf0)  }
0x91: {  	[dreg:$0x9] =	wrdreg s2;
	s2 =	spop (v2sf);
	v6 =	vperm.xlane v6, v3;
	v60, _, _ =	vpop (xrf0)  }
0x92: {  	[dreg:$0xe] =	wrdreg s2;
	s2 =	sadd.s32 s5, s13;
	s6 =	spop (v2sf);
	v16, _, _ =	vpop (xrf0)  }
0x93: {  	[dreg:$0x8] =	wrdreg s3;
	v17 =	vadd.s32 s2, v6;
	s3 =	sadd.s32 $0xFFFFFFFF, s6;
	v18, _, _ =	vpop (xrf0);
	s13 =	spop (v2sf)  }
0x94: {  	v19 =	vmov s3;
	vm1 =	vge.s32 v17, v4;
	v61 =	vperm.xlane v18, v3;
	s3 =	spop (v2sf)  }
0x95: {  	v62 =	vsel vm1, $0x1, v1;
	vm1 =	veq.s32 v19, v0;
	s0 =	sadd.s32 s2, s3  }
0x96: {  	(xrf0) =	vadd.scan.msk.s32 $0xffff, v62;
	v13 =	vnsel vm1, $0x0, v13;
	v63 =	vadd.s32 s0, v61  }
0x97: {  	v8 =	vnsel vm1, $0x0, v8;
	(xrf0) =	vadd.scan.msk.s32 $0xffff, v13;
	vm1 =	vge.s32 v63, v4  }
0x98: {  	(v2sf) =	vpush v5, $0xF;
	(xrf0) =	vadd.scan.msk.s32 $0xffff, v8;
	v4 =	vsel vm1, $0x1, v1  }
0x99: {  	(v2sf) =	vpush v9, $0xF;
	(xrf0) =	vadd.scan.msk.s32 $0xffff, v4  }
0x9a: {  	(v2sf) =	vpush v59, $0xF  }
0x9b: {  	(v2sf) =	vpush v60, $0xF  }
0x9c: {  	(v2sf) =	vpush v16, $0xF;
	v4, _, _ =	vpop (xrf0)  }
0x9d: {  	(v2sf) =	vpush v4, $0xF;
	v4, _, _ =	vpop (xrf0)  }
0x9e: {  	(v2sf) =	vpush v4, $0xF;
	v4, _, _ =	vpop (xrf0)  }
0x9f: {  	(v2sf) =	vpush v4, $0xF;
	v4, _, _ =	vpop (xrf0)  }
0xa0: {  	(v2sf) =	vpush v4, $0xF;
	_ =	sdelay $0x3  }
0xa1: {  	p4 =	seq.s32 s17, $0x0;
	p2 =	por p2, p2  }
0xa2: {  	p1 =	por p1, p1;
	p3 =	sgt.s32 s8, $0x0;
	s29 =	sadd.s32 s29, s8  }
0xa3: {  	p1 =	por p1, p1;
	p3 =	por !p4, !p3;
	[dreg:$0xb] =	wrdreg s13  }
0xa4: {  	p3 =	por !p3, !p3;
	s13 =	rddreg [dreg:$0x8];
	s3 =	spop (v2sf)  }
0xa5: {  	s15 =	smov.u32 @p3 s29;
	s30 =	sadd.s32 s13, s30;
	s8 =	spop (v2sf)  }
0xa6: {  	[dreg:$0xa] =	wrdreg s0;
	s0 =	ssub.s32 s14, s30;
	s30 =	spop (v2sf)  }
0xa7: {  	s17 =	simm.s32 @p3 $0x1;
	p3 =	por p3, p3;
	s1 =	spop (v2sf)  }
0xa8: {  	s0 =	sadd.s32 s12, s0;
	s12 =	sadd.s32 $0xFFFFFFFF, s8;
	s29 =	spop (v2sf)  }
0xa9: {  	p5 =	seq.s32 s17, $0x0;
	p4 =	sgt.s32 s31, $0x0;
	v4 =	vmov s12;
	s12 =	spop (v2sf)  }
0xaa: {  	s16 =	smov.u32 @p2 s0;
	s1 =	sadd.s32 s28, s31;
	s31 =	spop (v2sf)  }
0xab: {  	p2 =	por !p5, !p4;
	vm1 =	veq.s32 v4, v0;
	s13 =	sadd.s32 $0xFFFFFFFF, s12;
	s28 =	spop (v2sf)  }
0xac: {  	s23 =	sadd.s32 s4, s23;
	p2 =	por !p2, !p2;
	v4 =	vnsel vm1, $0x0, v10;
	v5 =	vmov s13;
	s4 =	spop (v2sf)  }
0xad: {  	s0 =	ssub.s32 s14, s23;
	s17 =	simm.s32 @p2 $0x1;
	(xrf0) =	vadd.scan.msk.s32 $0xffff, v4;
	v4 =	vnsel vm1, $0x0, v40;
	vm1 =	veq.s32 v5, v0;
	s23 =	sadd.s32 $0xFFFFFFFF, s4  }
0xae: {  	p3 =	por p3, p3;
	p5 =	sgt.s32 s10, $0x0;
	p6 =	seq.s32 s17, $0x0;
	(xrf0) =	vadd.scan.msk.s32 $0xffff, v4;
	v4 =	vnsel vm1, $0x0, v6;
	v5 =	vmov s23  }
0xaf: {  	p6 =	por !p6, !p5;
	p5 =	sgt.s32 s6, $0x0;
	s13 =	rddreg [dreg:$0x9];
	v6 =	vnsel vm1, $0x0, v7;
	(xrf0) =	vadd.scan.msk.s32 $0xffff, v4;
	vm1 =	veq.s32 v5, v0  }
0xb0: {  	s15 =	smov.u32 @p2 s1;
	s0 =	sadd.s32 s13, s0;
	s13 =	rddreg [dreg:$0xb];
	(xrf0) =	vadd.scan.msk.s32 $0xffff, v6;
	v4 =	vnsel vm1, $0x0, v61  }
0xb1: {  	s16 =	smov.u32 @p1 s0;
	s0 =	sadd.s32 s26, s10;
	s26 =	sadd.s32 s9, s21;
	(xrf0) =	vadd.scan.msk.s32 $0xffff, v4  }
0xb2: {  	p1 =	por !p6, !p6;
	s10 =	rddreg [dreg:$0xe];
	s1 =	sadd.s32 s13, s22;
	v5 =	vnsel vm1, $0x0, v57  }
0xb3: {  	p6 =	por p2, p2;
	s21 =	sadd.s32 s30, s25;
	s22 =	sadd.s32 s31, s7;
	v4, _, _ =	vpop (xrf0);
	(xrf0) =	vadd.scan.msk.s32 $0xffff, v5  }
0xb4: {  	s15 =	smov.u32 @p1 s0;
	s9 =	ssub.s32 s14, s26;
	s17 =	simm.s32 @p1 $0x1;
	(v2sf) =	vpush v4, $0xF;
	v4, _, _ =	vpop (xrf0)  }
0xb5: {  	s1 =	ssub.s32 s14, s1;
	s0 =	sadd.s32 s10, s9;
	p4 =	seq.s32 s17, $0x0;
	(v2sf) =	vpush v4, $0xF;
	v4, _, _ =	vpop (xrf0)  }
0xb6: {  	p1 =	por p1, p1;
	s16 =	smov.u32 @p3 s0;
	p3 =	por !p4, !p5;
	(v2sf) =	vpush v4, $0xF;
	v4, _, _ =	vpop (xrf0)  }
0xb7: {  	s0 =	sadd.s32 s24, s6;
	p5 =	por p1, p1;
	p2 =	por !p3, !p3;
	(v2sf) =	vpush v4, $0xF;
	v4, _, _ =	vpop (xrf0)  }
0xb8: {  	p3 =	por p6, p6;
	p6 =	sgt.s32 s8, $0x0;
	s15 =	smov.u32 @p2 s0;
	(v2sf) =	vpush v4, $0xF  }
0xb9: {  	s0 =	sadd.s32 s3, s1;
	s17 =	simm.s32 @p2 $0x1;
	p2 =	por p2, p2;
	v4, _, _ =	vpop (xrf0)  }
0xba: {  	s1 =	sadd.s32 s19, s8;
	s3 =	sadd.s32 s20, s4;
	p4 =	seq.s32 s17, $0x0;
	(v2sf) =	vpush v4, $0xF  }
0xbb: {  	s16 =	smov.u32 @p3 s0;
	s0 =	ssub.s32 s14, s21;
	p4 =	por !p4, !p6  }
0xbc: {  	p2 =	por p2, p2;
	s0 =	sadd.s32 s29, s0;
	p1 =	por !p4, !p4  }
0xbd: {  	p6 =	sgt.s32 s12, $0x0;
	s29 =	rddreg [dreg:$0xa];
	s17 =	simm.s32 @p1 $0x1  }
0xbe: {  	s16 =	smov.u32 @p5 s0;
	s0 =	ssub.s32 s14, s22;
	p5 =	seq.s32 s17, $0x0  }
0xbf: {  	s15 =	smov.u32 @p1 s1;
	s1 =	sadd.s32 s18, s12;
	p3 =	por !p5, !p6  }
0xc0: {  	s0 =	sadd.s32 s28, s0;
	p1 =	por p1, p1;
	p3 =	por !p3, !p3  }
0xc1: {  	s16 =	smov.u32 @p2 s0;
	p2 =	por p1, p1;
	s17 =	simm.s32 @p3 $0x1  }
0xc2: {  	p5 =	sgt.s32 s4, $0x0;
	s15 =	smov.u32 @p3 s1;
	p4 =	seq.s32 s17, $0x0  }
0xc3: {  	p3 =	por p3, p3;
	p1 =	por !p4, !p5;
	s23 =	spop (v2sf)  }
0xc4: {  	p1 =	por !p1, !p1;
	s0 =	sadd.s32 s23, s5;
	s24 =	spop (v2sf)  }
0xc5: {  	p6 =	por p1, p1;
	s0 =	ssub.s32 s14, s0;
	s25 =	spop (v2sf)  }
0xc6: {  	s15 =	smov.u32 @p1 s3;
	s0 =	sadd.s32 s24, s0;
	s26 =	spop (v2sf)  }
0xc7: {  	s1 =	sadd.s32 s25, s2;
	s16 =	smov.u32 @p2 s0;
	s28 =	spop (v2sf)  }
0xc8: {  	p2 =	por p3, p3;
	s1 =	ssub.s32 s14, s1;
	s2 =	sadd.s32 s28, s29  }
0xc9: {  	s0 =	sadd.s32 s26, s1;
	s30 =	ssub.s32 s14, s2;
	s31 =	spop (v2sf)  }
0xca: {  	s16 =	smov.u32 @p2 s0;
	p2 =	por p6, p6;
	s0 =	sadd.s32 s31, s30  }
0xcb: {  	v4 =	vmov s15;
	s1 =	simm.s32 $0x0;
	s16 =	smov.u32 @p2 s0;
	s0 =	simm.s32 $0x40  }
.LBB2_8:
0xcc: {  	p1 =	seq.s32 s0, $0x17FC0;
	v5 =	vld [tilespmem:s1+$0x0];
	_ =	sdelay $0x4  }
0xcd: {  	v6 =	vshrl.u32 v5, $0x14;
	v5 =	vshrl.u32 v5, $0x9  }
0xce: {  	vm1 =	veq.s32 v6, v4;
	v5 =	vand.u32 $0x7FF, v5  }
0xcf: {  	v5 =	vor.u32 $0x800, v5  }
.Ltmp3:
0xd0: {  	(pc) =	sbr.rel @!p1 .LBB2_8-.Ltmp3, $2  }
0xd1: {  	_ =	sdelay $0x2  }
0xd2: {  	s1 =	sshra.s32 s0, $0x2;
	s0 =	sadd.s32 $0x40, s0;
	[tilespmem:v5+s11+$0x0] =	vst.idx.add.s32.msk vm1, v2  }
0xd3: {  	v5 =	vld [tilespmem:s1+$0x0];
	_ =	sdelay $0x4  }
0xd4: {  	v6 =	vshrl.u32 v5, $0x14;
	v5 =	vshrl.u32 v5, $0x9  }
0xd5: {  	vm1 =	veq.s32 v6, v4;
	v4 =	vand.u32 $0x7FF, v5  }
0xd6: {  	v4 =	vor.u32 $0x800, v4;
	_ =	sdelay $0x4  }
0xd7: {  	s0 =	simm.s32 $0x7070;
	[tilespmem:v4+s11+$0x0] =	vst.idx.add.s32.msk vm1, v2  }
0xd8: {  	v8 =	vld [tilespmem:s0+$0x0];
	_ =	sdelay $0x4  }
0xd9: {  	(xrf0) =	vadd.scan.msk.s32 $0xffff, v8  }
0xda: {  	v5 =	vperm.xlane v8, v3;
	_ =	sdelay $0x1  }
0xdb: {  	(xrf0) =	vadd.scan.msk.s32 $0xffff, v5;
	_ =	sdelay $0x2  }
0xdc: {  	s12 =	simm.s32 $0x7060;
	v5, _, _ =	vpop (xrf0)  }
0xdd: {  	v12 =	vld [tilespmem:s12+$0x0];
	(v2sf) =	vpush v5, $0xF;
	_ =	sdelay $0x1  }
0xde: {  	v5, _, _ =	vpop (xrf0)  }
0xdf: {  	v9 =	vperm.xlane v5, v3  }
0xe0: {  	s18 =	simm.s32 $0x0  }
0xe1: {  	v4 =	vmov s16;
	v5 =	vperm.xlane v12, v3;
	v6 =	vadd.s32 s18, v9  }
0xe2: {  	(xrf0) =	vadd.scan.msk.s32 $0xffff, v12;
	vm1 =	vge.s32 v6, v4  }
0xe3: {  	(xrf0) =	vadd.scan.msk.s32 $0xffff, v5;
	v5 =	vsel vm1, $0x1, v1  }
0xe4: {  	(xrf0) =	vadd.scan.msk.s32 $0xffff, v5;
	_ =	sdelay $0x1  }
0xe5: {  	s13 =	simm.s32 $0x7050  }
0xe6: {  	v7 =	vld [tilespmem:s13+$0x0]  }
0xe7: {  	v5, _, _ =	vpop (xrf0)  }
0xe8: {  	v6, _, _ =	vpop (xrf0)  }
0xe9: {  	(v2sf) =	vpush v5, $0xF;
	v5, _, _ =	vpop (xrf0)  }
0xea: {  	v11 =	vperm.xlane v6, v3;
	(v2sf) =	vpush v5, $0xF;
	s17 =	spop (v2sf)  }
0xeb: {  	(xrf0) =	vadd.scan.msk.s32 $0xffff, v7;
	s28 =	sadd.s32 $0x0, s17  }
0xec: {  	v5 =	vperm.xlane v7, v3;
	v6 =	vadd.s32 s28, v11  }
0xed: {  	s19 =	simm.s32 $0x7040;
	vm1 =	vge.s32 v6, v4  }
0xee: {  	(xrf0) =	vadd.scan.msk.s32 $0xffff, v5;
	v5 =	vld [tilespmem:s19+$0x0];
	v6 =	vsel vm1, $0x1, v1;
	_ =	sdelay $0x2  }
0xef: {  	(xrf0) =	vadd.scan.msk.s32 $0xffff, v6;
	v6, _, _ =	vpop (xrf0)  }
0xf0: {  	(v2sf) =	vpush v6, $0xF  }
0xf1: {  	(xrf0) =	vadd.scan.msk.s32 $0xffff, v5;
	_ =	sdelay $0x2  }
0xf2: {  	v13 =	vperm.xlane v5, v3;
	v6, _, _ =	vpop (xrf0)  }
0xf3: {  	v10, _, _ =	vpop (xrf0)  }
0xf4: {  	(xrf0) =	vadd.scan.msk.s32 $0xffff, v13;
	s20 =	spop (v2sf);
	(v2sf) =	vpush v10, $0xF;
	v10 =	vperm.xlane v6, v3  }
0xf5: {  	s21 =	simm.s32 $0x7030;
	s23 =	sadd.s32 s28, s20;
	v6, _, _ =	vpop (xrf0);
	s22 =	spop (v2sf)  }
0xf6: {  	(v2sf) =	vpush v6, $0xF;
	v13 =	vadd.s32 s23, v10;
	v6 =	vld [tilespmem:s21+$0x0];
	s24 =	sadd.s32 $0xFFFFFFFF, s22  }
0xf7: {  	vm1 =	vge.s32 v13, v4;
	v13 =	vmov s24  }
0xf8: {  	v14 =	vsel vm1, $0x1, v1  }
0xf9: {  	vm1 =	veq.s32 v13, v0;
	(xrf0) =	vadd.scan.msk.s32 $0xffff, v14  }
0xfa: {  	v9 =	vnsel vm1, $0x0, v9;
	v13, _, _ =	vpop (xrf0)  }
0xfb: {  	(xrf0) =	vadd.scan.msk.s32 $0xffff, v9;
	v9 =	vperm.xlane v13, v3;
	v13 =	vperm.xlane v6, v3;
	_ =	sdelay $0x1  }
0xfc: {  	v8 =	vnsel vm1, $0x0, v8;
	(xrf0) =	vadd.scan.msk.s32 $0xffff, v6;
	s25 =	spop (v2sf)  }
0xfd: {  	(xrf0) =	vadd.scan.msk.s32 $0xffff, v8;
	s24 =	sadd.s32 s23, s25  }
0xfe: {  	(xrf0) =	vadd.scan.msk.s32 $0xffff, v13;
	v13, _, _ =	vpop (xrf0);
	v8 =	vadd.s32 s24, v9  }
0xff: {  	(v2sf) =	vpush v13, $0xF;
	vm1 =	vge.s32 v8, v4  }
0x100: {  	s31 =	simm.s32 $0x7CF;
	v8 =	vsel vm1, $0x1, v1  }
0x101: {  	s30 =	simm.s32 $0x7BF;
	s29 =	simm.s32 $0x7AF;
	p1 =	por $0x1, $0x1;
	(xrf0) =	vadd.scan.msk.s32 $0xffff, v8  }
0x102: {  	s0 =	simm.s32 $0x7020;
	s19 =	simm.s32 $0x0;
	s17 =	simm.s32 $0x0  }
0x103: {  	s20 =	simm.s32 $0x77F;
	p2 =	sgt.s32 s22, $0x0;
	v14, _, _ =	vpop (xrf0);
	s2 =	spop (v2sf)  }
0x104: {  	s21 =	simm.s32 $0x78F;
	p1 =	por !p1, !p2;
	v15, _, _ =	vpop (xrf0);
	(v2sf) =	vpush v14, $0xF;
	v8 =	vld [tilespmem:s0+$0x0];
	s3 =	sadd.s32 $0xFFFFFFFF, s2  }
0x105: {  	s1 =	sadd.s32 $0x7EF, s22;
	s22 =	simm.s32 $0x76F;
	p2 =	por !p1, !p1;
	v17, _, _ =	vpop (xrf0);
	(v2sf) =	vpush v15, $0xF;
	v16 =	vmov s3  }
0x106: {  	s19 =	simm.s32 @p2 $0x1;
	s17 =	smov.u32 @p2 s1;
	p2 =	por p2, p2;
	v13, _, _ =	vpop (xrf0);
	(v2sf) =	vpush v17, $0xF;
	vm1 =	veq.s32 v16, v0  }
0x107: {  	p6 =	seq.s32 s19, $0x0;
	p3 =	sgt.s32 s2, $0x0;
	s26 =	spop (v2sf);
	v14 =	vnsel vm1, $0x0, v11;
	v11 =	vperm.xlane v13, v3;
	v13, _, _ =	vpop (xrf0)  }
0x108: {  	s25 =	simm.s32 $0x79F;
	p1 =	por !p6, !p3;
	s26 =	sadd.s32 s24, s26;
	(xrf0) =	vadd.scan.msk.s32 $0xffff, v14;
	(v2sf) =	vpush v13, $0xF  }
0x109: {  	s1 =	sadd.s32 $0x7DF, s2;
	s2 =	simm.s32 $0x75F;
	p1 =	por !p1, !p1;
	v12 =	vnsel vm1, $0x0, v12;
	(xrf0) =	vadd.scan.msk.s32 $0xffff, v8;
	v14 =	vadd.s32 s26, v11  }
0x10a: {  	s19 =	simm.s32 @p1 $0x1;
	s17 =	smov.u32 @p1 s1;
	s1 =	simm.s32 $0x0;
	(xrf0) =	vadd.scan.msk.s32 $0xffff, v12;
	v12 =	vperm.xlane v8, v3;
	vm1 =	vge.s32 v14, v4  }
.LBB2_10:
0x10b: {  	p3 =	sne.s32 s2, $0xFFFFFFFF  }
0x10c: {  	s3 =	smov.u32 s26;
	s4 =	smov.u32 s20;
	s20 =	smov.u32 s22  }
0x10d: {  	(xrf0) =	vadd.scan.msk.s32 $0xffff, v12;
	v13 =	vsel vm1, $0x1, v1;
	s22 =	smov.u32 s2;
	p4 =	por p2, p2;
	p2 =	por p1, p1  }
0x10e: {  	s0 =	sadd.s32 $0xFFFFFFF0, s0;
	(xrf0) =	vadd.scan.msk.s32 $0xffff, v13;
	s5 =	spop (v2sf);
	v12, _, _ =	vpop (xrf0)  }
0x10f: {  	p1 =	seq.s32 s19, $0x0;
	v13 =	vld [tilespmem:s0+$0x0];
	v14, _, _ =	vpop (xrf0);
	p5 =	sgt.s32 s5, $0x0;
	s6 =	sadd.s32 $0xFFFFFFFF, s5;
	(v2sf) =	vpush v12, $0xF  }
0x110: {  	s5 =	sadd.s32 s31, s5;
	s31 =	smov.u32 s30;
	(v2sf) =	vpush v14, $0xF;
	p1 =	por !p1, !p5;
	v12 =	vmov s6;
	v14, _, _ =	vpop (xrf0)  }
0x111: {  	s30 =	smov.u32 s29;
	s29 =	smov.u32 s25;
	p1 =	por !p1, !p1;
	vm1 =	veq.s32 v12, v0;
	(v2sf) =	vpush v14, $0xF  }
0x112: {  	s25 =	smov.u32 s21;
	v15 =	vnsel vm1, $0x0, v10;
	v12 =	vnsel vm1, $0x0, v7;
	s19 =	simm.s32 @p1 $0x1;
	s17 =	smov.u32 @p1 s5;
	v7 =	vmovc v5;
	v5 =	vmovc v6;
	v6 =	vmov v8  }
.Ltmp4:
0x113: {  	s21 =	smov.u32 s4;
	v10 =	vmov v9;
	v9 =	vmov v11;
	v8, _, _ =	vpop (xrf0);
	(xrf0) =	vadd.scan.msk.s32 $0xffff, v15;
	s5 =	spop (v2sf);
	(pc) =	sbr.rel @p3 .LBB2_10-.Ltmp4, $4  }
0x114: {  	(xrf0) =	vadd.scan.msk.s32 $0xffff, v13;
	v11 =	vperm.xlane v8, v3;
	v14, _, _ =	vpop (xrf0);
	s4 =	spop (v2sf);
	s5 =	sadd.s32 s5, s1;
	v8 =	vmov v13;
	s1 =	smov.u32 s28  }
0x115: {  	s26 =	sadd.s32 s26, s4;
	(v2sf) =	vpush v14, $0xF;
	(xrf0) =	vadd.scan.msk.s32 $0xffff, v12;
	s4 =	ssub.s32 s16, s5;
	s5 =	spop (v2sf)  }
0x116: {  	s28 =	smov.u32 s23;
	s23 =	smov.u32 s24;
	v12 =	vperm.xlane v8, v3;
	v13 =	vadd.s32 s26, v11;
	s4 =	sadd.s32 s5, s4  }
0x117: {  	s2 =	sadd.s32 $0xFFFFFFF0, s2;
	s24 =	smov.u32 s3;
	vm1 =	vge.s32 v13, v4;
	s18 =	smov.u32 @p4 s4  }
0x118: {  	_ =	sdelay $0x1  }
0x119: {  	(xrf0) =	vadd.scan.msk.s32 $0xffff, v12;
	v37 =	vsel vm1, $0x1, v1  }
0x11a: {  	(xrf0) =	vadd.scan.msk.s32 $0xffff, v37;
	_ =	sdelay $0x1  }
0x11b: {  	v38, _, _ =	vpop (xrf0)  }
0x11c: {  	v13, _, _ =	vpop (xrf0)  }
0x11d: {  	s0 =	sadd.s32 $0xFFFFFFF0, s0;
	s10 =	spop (v2sf);
	(v2sf) =	vpush v38, $0xF;
	v14, _, _ =	vpop (xrf0)  }
0x11e: {  	v39 =	vld [tilespmem:s0+$0x0];
	s2 =	sadd.s32 $0xFFFFFFFF, s10;
	(v2sf) =	vpush v13, $0xF;
	v40, _, _ =	vpop (xrf0)  }
0x11f: {  	v15 =	vmov s2;
	(v2sf) =	vpush v14, $0xF;
	s6 =	spop (v2sf);
	v41, _, _ =	vpop (xrf0)  }
0x120: {  	vm1 =	veq.s32 v15, v0;
	s7 =	spop (v2sf);
	(v2sf) =	vpush v41, $0xF  }
0x121: {  	v10 =	vnsel vm1, $0x0, v10;
	v13 =	vperm.xlane v40, v3;
	s13 =	spop (v2sf)  }
0x122: {  	s0 =	sadd.s32 $0xFFFFFFF0, s0;
	(xrf0) =	vadd.scan.msk.s32 $0xffff, v10;
	s9 =	sadd.s32 s26, s7;
	s4 =	spop (v2sf)  }
0x123: {  	v42 =	vnsel vm1, $0x0, v7;
	v7 =	vld [tilespmem:s0+$0x0];
	(xrf0) =	vadd.scan.msk.s32 $0xffff, v39;
	v43 =	vperm.xlane v39, v3;
	v44 =	vadd.s32 s9, v13;
	s8 =	sadd.s32 $0xFFFFFFFF, s4  }
0x124: {  	(xrf0) =	vadd.scan.msk.s32 $0xffff, v42;
	vm1 =	vge.s32 v44, v4;
	v45 =	vmov s8  }
0x125: {  	(xrf0) =	vadd.scan.msk.s32 $0xffff, v43;
	v46 =	vsel vm1, $0x1, v1;
	vm1 =	veq.s32 v45, v0  }
0x126: {  	(xrf0) =	vadd.scan.msk.s32 $0xffff, v46;
	v9 =	vnsel vm1, $0x0, v9  }
0x127: {  	(xrf0) =	vadd.scan.msk.s32 $0xffff, v9  }
0x128: {  	v47, _, _ =	vpop (xrf0);
	(xrf0) =	vadd.scan.msk.s32 $0xffff, v7  }
0x129: {  	v48, _, _ =	vpop (xrf0)  }
0x12a: {  	(v2sf) =	vpush v47, $0xF;
	v49, _, _ =	vpop (xrf0)  }
0x12b: {  	(v2sf) =	vpush v48, $0xF;
	v50, _, _ =	vpop (xrf0)  }
0x12c: {  	(v2sf) =	vpush v49, $0xF;
	s5 =	spop (v2sf);
	v51, _, _ =	vpop (xrf0)  }
0x12d: {  	s12 =	spop (v2sf);
	(v2sf) =	vpush v51, $0xF;
	v52, _, _ =	vpop (xrf0)  }
0x12e: {  	s0 =	sadd.s32 $0xFFFFFFF0, s0;
	v10 =	vperm.xlane v50, v3;
	s3 =	spop (v2sf);
	v53, _, _ =	vpop (xrf0);
	(v2sf) =	vpush v52, $0xF  }
0x12f: {  	v56 =	vld [tilespmem:s0+$0x0];
	s8 =	sadd.s32 s9, s12;
	s12 =	spop (v2sf);
	(v2sf) =	vpush v53, $0xF  }
0x130: {  	v54 =	vperm.xlane v7, v3;
	v5 =	vnsel vm1, $0x0, v5;
	v55 =	vadd.s32 s8, v10;
	s7 =	sadd.s32 $0xFFFFFFFF, s12  }
0x131: {  	vm1 =	vge.s32 v55, v4;
	(xrf0) =	vadd.scan.msk.s32 $0xffff, v5;
	v5 =	vmov s7  }
0x132: {  	v57 =	vsel vm1, $0x1, v1;
	(xrf0) =	vadd.scan.msk.s32 $0xffff, v54;
	vm1 =	veq.s32 v5, v0  }
0x133: {  	(xrf0) =	vadd.scan.msk.s32 $0xffff, v57;
	v5 =	vnsel vm1, $0x0, v11  }
0x134: {  	(xrf0) =	vadd.scan.msk.s32 $0xffff, v5;
	v5 =	vnsel vm1, $0x0, v6;
	v6 =	vperm.xlane v56, v3  }
0x135: {  	(xrf0) =	vadd.scan.msk.s32 $0xffff, v56  }
0x136: {  	(xrf0) =	vadd.scan.msk.s32 $0xffff, v5  }
0x137: {  	v5, _, _ =	vpop (xrf0);
	(xrf0) =	vadd.scan.msk.s32 $0xffff, v6  }
0x138: {  	v6, _, _ =	vpop (xrf0)  }
0x139: {  	s2 =	spop (v2sf);
	v9, _, _ =	vpop (xrf0)  }
0x13a: {  	[dreg:$0xd] =	wrdreg s3;
	s3 =	spop (v2sf);
	v58, _, _ =	vpop (xrf0)  }
0x13b: {  	s7 =	spop (v2sf);
	v6 =	vperm.xlane v6, v3;
	v59, _, _ =	vpop (xrf0)  }
0x13c: {  	[dreg:$0xf] =	wrdreg s7;
	s7 =	sadd.s32 s8, s3;
	s3 =	spop (v2sf);
	v16, _, _ =	vpop (xrf0)  }
0x13d: {  	[dreg:$0x10] =	wrdreg s2;
	v17 =	vadd.s32 s7, v6;
	s0 =	sadd.s32 $0xFFFFFFFF, s3;
	v18, _, _ =	vpop (xrf0);
	s2 =	spop (v2sf)  }
0x13e: {  	v19 =	vmov s0;
	vm1 =	vge.s32 v17, v4;
	v60 =	vperm.xlane v18, v3;
	[dreg:$0xc] =	wrdreg s2;
	s2 =	spop (v2sf)  }
0x13f: {  	v61 =	vsel vm1, $0x1, v1;
	vm1 =	veq.s32 v19, v0;
	s0 =	sadd.s32 s7, s2  }
0x140: {  	(xrf0) =	vadd.scan.msk.s32 $0xffff, v61;
	v13 =	vnsel vm1, $0x0, v13;
	v62 =	vadd.s32 s0, v60  }
0x141: {  	v8 =	vnsel vm1, $0x0, v8;
	(xrf0) =	vadd.scan.msk.s32 $0xffff, v13;
	vm1 =	vge.s32 v62, v4  }
0x142: {  	(v2sf) =	vpush v5, $0xF;
	(xrf0) =	vadd.scan.msk.s32 $0xffff, v8;
	v4 =	vsel vm1, $0x1, v1  }
0x143: {  	(v2sf) =	vpush v9, $0xF;
	(xrf0) =	vadd.scan.msk.s32 $0xffff, v4  }
0x144: {  	(v2sf) =	vpush v58, $0xF  }
0x145: {  	(v2sf) =	vpush v59, $0xF  }
0x146: {  	(v2sf) =	vpush v16, $0xF;
	v4, _, _ =	vpop (xrf0)  }
0x147: {  	(v2sf) =	vpush v4, $0xF;
	v4, _, _ =	vpop (xrf0)  }
0x148: {  	(v2sf) =	vpush v4, $0xF;
	v4, _, _ =	vpop (xrf0)  }
0x149: {  	(v2sf) =	vpush v4, $0xF;
	v4, _, _ =	vpop (xrf0)  }
0x14a: {  	(v2sf) =	vpush v4, $0xF;
	_ =	sdelay $0x4  }
0x14b: {  	p3 =	seq.s32 s19, $0x0;
	p2 =	por p2, p2;
	p4 =	sgt.s32 s10, $0x0  }
0x14c: {  	p1 =	por p1, p1;
	s10 =	sadd.s32 s31, s10;
	p3 =	por !p3, !p4  }
0x14d: {  	p3 =	por !p3, !p3;
	s1 =	sadd.s32 s6, s1;
	s6 =	spop (v2sf)  }
0x14e: {  	s17 =	smov.u32 @p3 s10;
	s1 =	ssub.s32 s16, s1;
	s2 =	spop (v2sf)  }
0x14f: {  	s19 =	simm.s32 @p3 $0x1;
	s10 =	sadd.s32 s13, s1;
	s31 =	spop (v2sf)  }
0x150: {  	p5 =	seq.s32 s19, $0x0;
	s18 =	smov.u32 @p2 s10;
	s13 =	spop (v2sf)  }
0x151: {  	p4 =	sgt.s32 s4, $0x0;
	s1 =	sadd.s32 s30, s4;
	s10 =	spop (v2sf)  }
0x152: {  	s5 =	sadd.s32 s5, s28;
	s30 =	sadd.s32 $0xFFFFFFFF, s2;
	s4 =	spop (v2sf)  }
0x153: {  	s5 =	ssub.s32 s16, s5;
	[dreg:$0x7] =	wrdreg s0;
	v4 =	vmov s30;
	s30 =	spop (v2sf)  }
0x154: {  	s13 =	rddreg [dreg:$0xd];
	vm1 =	veq.s32 v4, v0;
	s0 =	sadd.s32 $0xFFFFFFFF, s4;
	s28 =	spop (v2sf)  }
0x155: {  	p2 =	por !p5, !p4;
	v5 =	vnsel vm1, $0x0, v10;
	v4 =	vmov s0;
	s0 =	sadd.s32 s13, s5;
	s5 =	spop (v2sf)  }
0x156: {  	p3 =	por p3, p3;
	p2 =	por !p2, !p2;
	v63 =	vnsel vm1, $0x0, v39;
	(xrf0) =	vadd.scan.msk.s32 $0xffff, v5;
	vm1 =	veq.s32 v4, v0;
	s13 =	sadd.s32 $0xFFFFFFFF, s5  }
0x157: {  	p1 =	por p1, p1;
	p3 =	por p3, p3;
	s19 =	simm.s32 @p2 $0x1;
	(xrf0) =	vadd.scan.msk.s32 $0xffff, v63;
	v4 =	vnsel vm1, $0x0, v6;
	v5 =	vmov s13  }
0x158: {  	s17 =	smov.u32 @p2 s1;
	p6 =	seq.s32 s19, $0x0;
	p5 =	sgt.s32 s12, $0x0;
	(xrf0) =	vadd.scan.msk.s32 $0xffff, v4;
	v4 =	vnsel vm1, $0x0, v7;
	vm1 =	veq.s32 v5, v0  }
0x159: {  	p6 =	por !p6, !p5;
	p5 =	sgt.s32 s3, $0x0;
	s18 =	smov.u32 @p1 s0;
	(xrf0) =	vadd.scan.msk.s32 $0xffff, v4;
	v4 =	vnsel vm1, $0x0, v60  }
0x15a: {  	s0 =	sadd.s32 s29, s12;
	p1 =	por !p6, !p6;
	s29 =	rddreg [dreg:$0xf]  }
0x15b: {  	p6 =	por p2, p2;
	s12 =	sadd.s32 s31, s26;
	s13 =	rddreg [dreg:$0x10];
	(xrf0) =	vadd.scan.msk.s32 $0xffff, v4  }
0x15c: {  	s17 =	smov.u32 @p1 s0;
	s19 =	simm.s32 @p1 $0x1;
	s1 =	sadd.s32 s13, s23;
	v5 =	vnsel vm1, $0x0, v56;
	v4, _, _ =	vpop (xrf0)  }
0x15d: {  	p1 =	por p1, p1;
	p4 =	seq.s32 s19, $0x0;
	s23 =	ssub.s32 s16, s1;
	(xrf0) =	vadd.scan.msk.s32 $0xffff, v5;
	(v2sf) =	vpush v4, $0xF;
	v4, _, _ =	vpop (xrf0)  }
0x15e: {  	s13 =	sadd.s32 s30, s9;
	s30 =	sshll.u32 s15, $0xB;
	s0 =	sadd.s32 s29, s23;
	(v2sf) =	vpush v4, $0xF;
	v4, _, _ =	vpop (xrf0)  }
0x15f: {  	s18 =	smov.u32 @p3 s0;
	s0 =	sadd.s32 s25, s3;
	s3 =	rddreg [dreg:$0xc];
	(v2sf) =	vpush v4, $0xF  }
0x160: {  	p3 =	por !p4, !p5;
	p5 =	por p1, p1;
	s1 =	sadd.s32 s3, s24;
	v4, _, _ =	vpop (xrf0)  }
0x161: {  	p2 =	por !p3, !p3;
	p3 =	por p6, p6;
	p6 =	sgt.s32 s2, $0x0;
	(v2sf) =	vpush v4, $0xF;
	v4, _, _ =	vpop (xrf0)  }
0x162: {  	s1 =	ssub.s32 s16, s1;
	s17 =	smov.u32 @p2 s0;
	s19 =	simm.s32 @p2 $0x1;
	(v2sf) =	vpush v4, $0xF  }
0x163: {  	p2 =	por p2, p2;
	s0 =	sadd.s32 s6, s1;
	p4 =	seq.s32 s19, $0x0;
	v4, _, _ =	vpop (xrf0)  }
0x164: {  	s1 =	sadd.s32 s21, s2;
	p2 =	por p2, p2;
	p4 =	por !p4, !p6;
	(v2sf) =	vpush v4, $0xF  }
0x165: {  	s18 =	smov.u32 @p3 s0;
	s0 =	ssub.s32 s16, s12;
	p1 =	por !p4, !p4  }
0x166: {  	p6 =	sgt.s32 s4, $0x0;
	s0 =	sadd.s32 s10, s0;
	s19 =	simm.s32 @p1 $0x1  }
0x167: {  	s18 =	smov.u32 @p5 s0;
	s17 =	smov.u32 @p1 s1;
	s0 =	ssub.s32 s16, s13  }
0x168: {  	s1 =	sadd.s32 s20, s4;
	p1 =	por p1, p1;
	p5 =	seq.s32 s19, $0x0  }
0x169: {  	s0 =	sadd.s32 s28, s0;
	p1 =	por p1, p1;
	p3 =	por !p5, !p6  }
0x16a: {  	s28 =	rddreg [dreg:$0x7];
	s18 =	smov.u32 @p2 s0;
	p3 =	por !p3, !p3  }
0x16b: {  	p2 =	sgt.s32 s5, $0x0;
	s19 =	simm.s32 @p3 $0x1;
	s17 =	smov.u32 @p3 s1  }
0x16c: {  	p6 =	por p3, p3;
	s1 =	sadd.s32 s22, s5;
	s20 =	spop (v2sf)  }
0x16d: {  	p5 =	seq.s32 s19, $0x0;
	s0 =	sadd.s32 s20, s8;
	s21 =	spop (v2sf)  }
0x16e: {  	p5 =	por !p5, !p2;
	s0 =	ssub.s32 s16, s0;
	s22 =	spop (v2sf)  }
0x16f: {  	p3 =	por !p5, !p5;
	s0 =	sadd.s32 s21, s0;
	s23 =	sadd.s32 s22, s7  }
0x170: {  	s25 =	spop (v2sf);
	s18 =	smov.u32 @p1 s0;
	s24 =	ssub.s32 s16, s23  }
0x171: {  	p1 =	por p6, p6;
	s26 =	spop (v2sf);
	s0 =	sadd.s32 s25, s24  }
0x172: {  	s17 =	smov.u32 @p3 s1;
	s18 =	smov.u32 @p1 s0;
	s0 =	sadd.s32 s26, s28  }
0x173: {  	p6 =	por p3, p3;
	s29 =	spop (v2sf);
	s0 =	ssub.s32 s16, s0  }
0x174: {  	s31 =	sor.u32 s30, s17;
	p1 =	por p6, p6;
	s0 =	sadd.s32 s29, s0  }
0x175: {  	s1 =	simm.s32 $0x0;
	v4 =	vmov s31;
	s18 =	smov.u32 @p1 s0;
	s0 =	simm.s32 $0x40  }
.LBB2_12:
0x176: {  	p1 =	seq.s32 s0, $0x17FC0;
	v5 =	vld [tilespmem:s1+$0x0];
	_ =	sdelay $0x4  }
0x177: {  	v6 =	vshrl.u32 v5, $0x9  }
0x178: {  	v5 =	vand.u32 $0x1FF, v5;
	vm1 =	veq.s32 v6, v4  }
0x179: {  	v5 =	vor.u32 $0x1000, v5  }
.Ltmp5:
0x17a: {  	(pc) =	sbr.rel @!p1 .LBB2_12-.Ltmp5, $2  }
0x17b: {  	_ =	sdelay $0x2  }
0x17c: {  	s1 =	sshra.s32 s0, $0x2;
	s0 =	sadd.s32 $0x40, s0;
	[tilespmem:v5+s11+$0x0] =	vst.idx.add.s32.msk vm1, v2  }
0x17d: {  	v5 =	vld [tilespmem:s1+$0x0];
	_ =	sdelay $0x4  }
0x17e: {  	v6 =	vshrl.u32 v5, $0x9  }
0x17f: {  	vm1 =	veq.s32 v6, v4;
	v4 =	vand.u32 $0x1FF, v5  }
0x180: {  	v4 =	vor.u32 $0x1000, v4;
	_ =	sdelay $0x4  }
0x181: {  	s2 =	simm.s32 $0x7270;
	[tilespmem:v4+s11+$0x0] =	vst.idx.add.s32.msk vm1, v2  }
0x182: {  	v5 =	vld [tilespmem:s2+$0x0];
	_ =	sdelay $0x4  }
0x183: {  	(xrf0) =	vadd.scan.msk.s32 $0xffff, v5;
	_ =	sdelay $0x1  }
0x184: {  	s26 =	simm.s32 $0x7260  }
0x185: {  	v6 =	vld [tilespmem:s26+$0x0];
	_ =	sdelay $0x1  }
0x186: {  	v5 =	vperm.xlane v5, v3  }
0x187: {  	v7, _, _ =	vpop (xrf0)  }
0x188: {  	(xrf0) =	vadd.scan.msk.s32 $0xffff, v5;
	(v2sf) =	vpush v7, $0xF  }
0x189: {  	(xrf0) =	vadd.scan.msk.s32 $0xffff, v6  }
0x18a: {  	s28 =	simm.s32 $0x7250;
	v6 =	vperm.xlane v6, v3  }
0x18b: {  	v5 =	vld [tilespmem:s28+$0x0];
	_ =	sdelay $0x2  }
0x18c: {  	(xrf0) =	vadd.scan.msk.s32 $0xffff, v6;
	v6, _, _ =	vpop (xrf0)  }
0x18d: {  	v7, _, _ =	vpop (xrf0)  }
0x18e: {  	(xrf0) =	vadd.scan.msk.s32 $0xffff, v5;
	(v2sf) =	vpush v7, $0xF;
	_ =	sdelay $0x1  }
0x18f: {  	v6 =	vperm.xlane v6, v3  }
0x190: {  	s0 =	simm.s32 $0x0  }
0x191: {  	v4 =	vmov s18;
	v6 =	vadd.s32 s0, v6  }
0x192: {  	v7, _, _ =	vpop (xrf0);
	vm1 =	vge.s32 v6, v4  }
0x193: {  	v5 =	vperm.xlane v5, v3;
	v6 =	vsel vm1, $0x1, v1;
	v8, _, _ =	vpop (xrf0)  }
0x194: {  	s29 =	simm.s32 $0x7240;
	(xrf0) =	vadd.scan.msk.s32 $0xffff, v6;
	v6 =	vperm.xlane v7, v3;
	(v2sf) =	vpush v8, $0xF;
	s30 =	spop (v2sf)  }
0x195: {  	v8 =	vld [tilespmem:s29+$0x0];
	(xrf0) =	vadd.scan.msk.s32 $0xffff, v5;
	s2 =	sadd.s32 $0x0, s30  }
0x196: {  	v5 =	vadd.s32 s2, v6  }
0x197: {  	s3 =	simm.s32 $0x7230;
	vm1 =	vge.s32 v5, v4  }
0x198: {  	v6 =	vld [tilespmem:s3+$0x0];
	v5 =	vsel vm1, $0x1, v1;
	_ =	sdelay $0x1  }
0x199: {  	(xrf0) =	vadd.scan.msk.s32 $0xffff, v8;
	v7 =	vperm.xlane v8, v3;
	v8, _, _ =	vpop (xrf0)  }
0x19a: {  	(xrf0) =	vadd.scan.msk.s32 $0xffff, v5;
	v5, _, _ =	vpop (xrf0)  }
0x19b: {  	s31 =	spop (v2sf);
	(xrf0) =	vadd.scan.msk.s32 $0xffff, v7;
	v5 =	vperm.xlane v5, v3  }
0x19c: {  	(v2sf) =	vpush v8, $0xF;
	s2 =	sadd.s32 s2, s31;
	(xrf0) =	vadd.scan.msk.s32 $0xffff, v6  }
0x19d: {  	v9 =	vadd.s32 s2, v5  }
0x19e: {  	vm1 =	vge.s32 v9, v4  }
0x19f: {  	v7, _, _ =	vpop (xrf0);
	v8 =	vsel vm1, $0x1, v1  }
0x1a0: {  	v63, _, _ =	vpop (xrf0)  }
0x1a1: {  	(v2sf) =	vpush v7, $0xF;
	v10, _, _ =	vpop (xrf0)  }
0x1a2: {  	s4 =	spop (v2sf);
	(v2sf) =	vpush v63, $0xF;
	(xrf0) =	vadd.scan.msk.s32 $0xffff, v8;
	v8, _, _ =	vpop (xrf0)  }
0x1a3: {  	(v2sf) =	vpush v8, $0xF  }
0x1a4: {  	s3 =	simm.s32 $0x7220  }
0x1a5: {  	v5 =	vld [tilespmem:s3+$0x0];
	_ =	sdelay $0x1  }
0x1a6: {  	v6 =	vperm.xlane v6, v3  }
0x1a7: {  	s1 =	simm.s32 $0x1EF;
	s12 =	simm.s32 $0x1DF;
	s16 =	simm.s32 $0x1CF;
	v7 =	vperm.xlane v10, v3  }
0x1a8: {  	s10 =	simm.s32 $0x1BF;
	s7 =	simm.s32 $0x1AF;
	s4 =	sadd.s32 s2, s4;
	(xrf0) =	vadd.scan.msk.s32 $0xffff, v6  }
0x1a9: {  	s8 =	simm.s32 $0x19F;
	s5 =	simm.s32 $0x18F;
	s2 =	simm.s32 $0x0;
	v6 =	vadd.s32 s4, v7;
	(xrf0) =	vadd.scan.msk.s32 $0xffff, v5  }
.LBB2_14:
0x1aa: {  	p1 =	sne.s32 s5, $0xFFFFFFFF;
	vm1 =	vge.s32 v6, v4;
	v6, _, _ =	vpop (xrf0);
	s6 =	spop (v2sf)  }
0x1ab: {  	s3 =	sadd.s32 $0xFFFFFFF0, s3;
	p2 =	seq.s32 s0, $0x0;
	v7 =	vsel vm1, $0x1, v1;
	(v2sf) =	vpush v6, $0xF;
	p3 =	sgt.s32 s6, $0x0  }
0x1ac: {  	s6 =	sadd.s32 s1, s6;
	s1 =	smov.u32 s12;
	v8 =	vld [tilespmem:s3+$0x0];
	(xrf0) =	vadd.scan.msk.s32 $0xffff, v7;
	p2 =	por !p2, !p3  }
.Ltmp6:
0x1ad: {  	s12 =	smov.u32 s16;
	p2 =	por !p2, !p2;
	(pc) =	sbr.rel @p1 .LBB2_14-.Ltmp6, $4  }
0x1ae: {  	v9 =	vperm.xlane v5, v3;
	s16 =	smov.u32 s10;
	v6, _, _ =	vpop (xrf0);
	s0 =	simm.s32 @p2 $0x1;
	s2 =	smov.u32 @p2 s6  }
0x1af: {  	s10 =	smov.u32 s7;
	s7 =	smov.u32 s8;
	v7, _, _ =	vpop (xrf0);
	v6 =	vperm.xlane v6, v3;
	s6 =	spop (v2sf)  }
0x1b0: {  	s8 =	smov.u32 s5;
	(xrf0) =	vadd.scan.msk.s32 $0xffff, v9;
	(v2sf) =	vpush v7, $0xF;
	s4 =	sadd.s32 s4, s6  }
0x1b1: {  	s5 =	sadd.s32 $0xFFFFFFF0, s5;
	(xrf0) =	vadd.scan.msk.s32 $0xffff, v8;
	v6 =	vadd.s32 s4, v6;
	v5 =	vmov v8  }
0x1b2: {  	_ = 	snop  }
0x1b3: {  	v5 =	vperm.xlane v5, v3  }
0x1b4: {  	vm1 =	vge.s32 v6, v4  }
0x1b5: {  	v6 =	vsel vm1, $0x1, v1  }
0x1b6: {  	(xrf0) =	vadd.scan.msk.s32 $0xffff, v6  }
0x1b7: {  	(xrf0) =	vadd.scan.msk.s32 $0xffff, v5;
	v5, _, _ =	vpop (xrf0)  }
0x1b8: {  	s3 =	spop (v2sf);
	v6, _, _ =	vpop (xrf0)  }
0x1b9: {  	s5 =	spop (v2sf);
	v6 =	vperm.xlane v6, v3  }
0x1ba: {  	s4 =	sadd.s32 s4, s5  }
0x1bb: {  	v6 =	vadd.s32 s4, v6  }
0x1bc: {  	v7, _, _ =	vpop (xrf0)  }
0x1bd: {  	v8, _, _ =	vpop (xrf0)  }
0x1be: {  	s22 =	spop (v2sf);
	vm1 =	vge.s32 v6, v4;
	v6, _, _ =	vpop (xrf0)  }
0x1bf: {  	(v2sf) =	vpush v5, $0xF;
	v5 =	vsel vm1, $0x1, v1;
	v6 =	vperm.xlane v6, v3;
	s6 =	spop (v2sf)  }
0x1c0: {  	(xrf0) =	vadd.scan.msk.s32 $0xffff, v5;
	s4 =	sadd.s32 s4, s6  }
0x1c1: {  	v5 =	vadd.s32 s4, v6  }
0x1c2: {  	(v2sf) =	vpush v7, $0xF;
	vm1 =	vge.s32 v5, v4  }
0x1c3: {  	(v2sf) =	vpush v8, $0xF;
	v4 =	vsel vm1, $0x1, v1  }
0x1c4: {  	(xrf0) =	vadd.scan.msk.s32 $0xffff, v4;
	_ =	sdelay $0x1  }
0x1c5: {  	v4, _, _ =	vpop (xrf0)  }
0x1c6: {  	p1 =	seq.s32 s0, $0x0;
	p2 =	sgt.s32 s3, $0x0;
	(v2sf) =	vpush v4, $0xF  }
0x1c7: {  	p1 =	por !p1, !p2  }
0x1c8: {  	p1 =	por !p1, !p1  }
0x1c9: {  	s0 =	simm.s32 @p1 $0x1;
	v4, _, _ =	vpop (xrf0)  }
0x1ca: {  	p4 =	seq.s32 s0, $0x0;
	p3 =	sgt.s32 s22, $0x0;
	(v2sf) =	vpush v4, $0xF  }
0x1cb: {  	p2 =	por !p4, !p3  }
0x1cc: {  	p3 =	por !p2, !p2  }
0x1cd: {  	s0 =	simm.s32 @p3 $0x1;
	s23 =	spop (v2sf)  }
0x1ce: {  	p5 =	seq.s32 s0, $0x0;
	p4 =	sgt.s32 s23, $0x0  }
0x1cf: {  	p2 =	por !p5, !p4  }
0x1d0: {  	s24 =	spop (v2sf);
	p2 =	por !p2, !p2  }
0x1d1: {  	s0 =	simm.s32 @p2 $0x1;
	s6 =	spop (v2sf)  }
0x1d2: {  	p6 =	seq.s32 s0, $0x0;
	p5 =	sgt.s32 s6, $0x0  }
0x1d3: {  	s1 =	sadd.s32 s1, s3;
	p4 =	por !p6, !p5  }
0x1d4: {  	s2 =	smov.u32 @p1 s1;
	s1 =	sadd.s32 s12, s22;
	p1 =	por !p4, !p4  }
0x1d5: {  	s2 =	smov.u32 @p3 s1;
	s0 =	simm.s32 @p1 $0x1;
	s25 =	spop (v2sf)  }
0x1d6: {  	s3 =	sadd.s32 s16, s23;
	p5 =	seq.s32 s0, $0x0;
	p6 =	sgt.s32 s25, $0x0  }
0x1d7: {  	s2 =	smov.u32 @p2 s3;
	s3 =	sadd.s32 s10, s6;
	p3 =	por !p5, !p6  }
0x1d8: {  	s2 =	smov.u32 @p1 s3;
	p1 =	por !p3, !p3  }
0x1d9: {  	s0 =	simm.s32 @p1 $0x1;
	s26 =	spop (v2sf)  }
0x1da: {  	s28 =	sshll.u32 s15, $0x14;
	p4 =	seq.s32 s0, $0x0;
	p5 =	sgt.s32 s26, $0x0  }
0x1db: {  	s29 =	sshll.u32 s17, $0x9;
	s1 =	sadd.s32 s7, s25;
	p6 =	por !p4, !p5  }
0x1dc: {  	s2 =	smov.u32 @p1 s1;
	s0 =	sadd.s32 s8, s26;
	p1 =	por !p6, !p6  }
0x1dd: {  	s31 =	simm.s32 $0x0;
	s30 =	sor.u32 s28, s29;
	s2 =	smov.u32 @p1 s0  }
0x1de: {  	v6 =	vld [tilespmem:s31+$0x0];
	s0 =	sor.u32 s2, s30  }
0x1df: {  	v7 =	vimm.s32 $0x0;
	v5 =	vimm.f32 $0.0e+00;
	v4 =	vmov s0;
	s0 =	simm.s32 $0x40  }
.LBB2_16:
0x1e0: {  	p1 =	sne.s32 s0, $0x17FC0  }
.Ltmp7:
0x1e1: {  	_ = 	snop;
	(pc) =	sbr.rel @p1 .LBB2_16-.Ltmp7, $4  }
0x1e2: {  	_ = 	snop  }
0x1e3: {  	s1 =	sshra.s32 s0, $0x2;
	s0 =	sadd.s32 $0x40, s0;
	vm1 =	vlt.s32 v4, v6  }
0x1e4: {  	v8 =	vsel vm1, $0x1, v1;
	v9 =	vnsel vm1, $0x0, v6;
	v6 =	vld [tilespmem:s1+$0x0]  }
0x1e5: {  	v7 =	vadd.s32 v8, v7;
	v5 =	vadd.f32 v9, v5  }
0x1e6: {  	_ =	sdelay $0x2  }
0x1e7: {  	vm1 =	vlt.s32 v4, v6  }
0x1e8: {  	v8 =	vsel vm1, $0x1, v1  }
0x1e9: {  	v7 =	vadd.s32 v8, v7  }
0x1ea: {  	(xrf0) =	vadd.scan.msk.s32 $0xffff, v7;
	_ =	sdelay $0x5  }
0x1eb: {  	v7, _, _ =	vpop (xrf0)  }
0x1ec: {  	(v2sf) =	vpush v7, $0xF;
	_ =	sdelay $0x6  }
0x1ed: {  	v6 =	vnsel vm1, $0x0, v6  }
0x1ee: {  	v5 =	vadd.f32 v6, v5;
	_ =	sdelay $0x1  }
0x1ef: {  	(xrf2) =	vadd.scan.msk.f32 $0xffff, v5;
	_ =	sdelay $0x4  }
0x1f0: {  	s0 =	spop (v2sf)  }
0x1f1: {  	s0 =	ssub.s32 s14, s0  }
0x1f2: {  	s0 =	scvt.s32.f32 s0;
	_ =	sdelay $0x1  }
0x1f3: {  	v4 =	vmul.f32 s0, v4  }
0x1f4: {  	v5, _, _ =	vpop (xrf2)  }
0x1f5: {  	v5 =	vbroadcast v5, $0xF;
	v4 =	vbroadcast v4, $0x0;
	_ =	sdelay $0x1  }
0x1f6: {  	v4 =	vadd.f32 v4, v5  }
0x1f7: {  	s7 =	simm.s32 $0x0  }
0x1f8: {  	s29 =	rddreg [dreg:$0x4];
	s1 =	simm.s32 $0x7280;
	s3 =	simm.s32 $0x1;
	[tilespmem:$0x7280] =	vst v4  }
0x1f9: {  	[hbm4b:s29+s7] =	stream.linear.scatter [tilespmem:s1], [sflag:$0x1], $0x80, $0x38;
	[tilespmem:$0x7300] =	vst v63  }
0x1fa: {  	_ =	swait.ge [sflag:s3], $0x80  }
0x1fb: {  	s30 =	rddreg [dreg:$0x6]  }
0x1fc: {  	s31 =	rddreg [dreg:$0x5];
	s1 =	sadd.s32 $0x1, s30  }
0x1fd: {  	p1 =	sne.s32 s1, s31  }
.Ltmp8:
0x1fe: {  	_ = 	snop;
	(pc) =	sbr.rel @p1 .LBB2_1-.Ltmp8, $3  }
0x1ff: {  	_ =	sdelay $0x1  }
0x200: {  	[sflag:s3] =	ssyncset.done $0x0  }
0x201: {  	[sflag:s3] =	ssyncadd.s32 $0xFFFFFF80  }
0x202: {  	_ =	sfence.sel $0x180000  }
0x203: {  	[bflag:$0x0] =	sbarrier.arrive $0xFFFF  }
0x204: {  	_ =	strace $0x90000047  }
0x205: {  	s0 =	stileid.u32;
	[bflag:$0x2] =	sbarrier.arrive $0xFFFF  }
0x206: {  	p0 =	sne.s32 s0, $0x0;
	s0 =	rddreg [dreg:$0x2]  }
0x207: {  	s0 =	sadd.s32 @!p0 $0x100000, s0  }
0x208: {  	[sflag:s0] =	ssyncadd.tile.s32 @!p0 $0x1;
	_ =	shalt  }
.Lfunc_end2:
_tile_overlayer_lowered:
.L_overlay_start_2:
0x209: {  	(tag) =	ssettag $0x2  }
0x20a: {  	s0 =	rddreg [dreg:$0x0];
	s2 =	stileid.u32  }
0x20b: {  	s1 =	rddreg [dreg:$0x1];
	p0 =	sne.s32 s2, $0x0  }
0x20c: {  	s3 =	rddreg [dreg:$0x2];
	[bflag:$0x3] =	sbarrier.arrive $0xFFFF;
	s2 =	simm.s32 @!p0 $0x1C01  }
0x20d: {  	[timem:s3], [sflag:s2] =	dma.local @!p0 [hbm:s0], s1  }
0x20e: {  	s0 =	simm.s32 @!p0 $0x1  }
0x20f: {  	_ =	swait.ge @!p0 [sflag:s0], s1  }
0x210: {  	s1 =	ssub.s32 @!p0 $0x0, s1;
	[sflag:s0] =	ssyncset.done @!p0 $0x0  }
0x211: {  	[sflag:s0] =	ssyncadd.s32 @!p0 s1  }
0x212: {  	[bflag:$0x3] =	sbarrier.arrive $0xFFFF  }
0x213: {  	_ =	shalt  }

</sc_bundles>
